<compile_context>
chip_gen: v7x
topology: tpu7x:2x2x1
jax: 0.10.2.dev20260603
libtpu: 0.0.44.dev20260713+nightly
codegen_flags: <defaults>
</compile_context>

<pallas_src>
import functools

import jax
import jax.numpy as jnp
from jax import lax
from jax.experimental import pallas as pl
from jax.experimental.pallas import tpu as pltpu
from jax.experimental.pallas import tpu_sc as plsc

HC = 64
NNODE = 100000
E = 1200000
NC, NS = 2, 16
BLK = 384
NSLOT = 4
EPAD = 1228800
NBT = EPAD // BLK
EDGES_PER_TILE = EPAD // NS
NB = EDGES_PER_TILE // BLK
ACC_ROWS = 100096
ROWS_PER_TILE = ACC_ROWS // NS
DUMMY = NNODE


def _sc_body(do_cnt, *refs):
    if do_cnt:
        (yf_u, yf_i, cq_u, cq_i, zeros_h, ones_h,
         sums_item, sums_user, cnt_item, cnt_user,
         acc, *rest) = refs
    else:
        (yf_u, yf_i, cq_u, cq_i, zeros_h, ones_h,
         sums_item, sums_user,
         acc, *rest) = refs
    cidx = tuple(rest[0:NSLOT])
    rows = tuple(rest[NSLOT:2 * NSLOT])
    ga = tuple(rest[2 * NSLOT:3 * NSLOT])
    sb = tuple(rest[3 * NSLOT:4 * NSLOT])

    c = lax.axis_index("c")
    s = lax.axis_index("s")
    my_rows = pl.ds(s * ROWS_PER_TILE, ROWS_PER_TILE)
    blk0 = s * NB

    def seg_pass(cq, yf, out3, q):
        pltpu.sync_copy(zeros_h, acc.at[my_rows])
        plsc.subcore_barrier()

        def istart(b, k):
            pltpu.async_copy(cq.at[q, blk0 + b], cidx[k], ga[k])

        def gstart(k):
            pltpu.async_copy(yf.at[cidx[k].at[0]], rows[k], ga[k])

        def sstart(k):
            pltpu.async_copy(rows[k], acc.at[cidx[k].at[1]], sb[k], add=True)

        def iwait(k):
            pltpu.make_async_copy(cq.at[q, 0], cidx[k], ga[k]).wait()

        def gwait(k):
            pltpu.make_async_copy(yf.at[cidx[k].at[0]], rows[k], ga[k]).wait()

        def swait(k):
            pltpu.make_async_copy(rows[k], acc.at[cidx[k].at[1]],
                                  sb[k]).wait()

        istart(0, 0)

        GLAG = 2

        def body(it, carry):
            for u in range(NSLOT):
                b = it * NSLOT + u
                k = u
                kp = (u + 1) % NSLOT
                kg = (u + NSLOT - GLAG) % NSLOT
                iwait(k)
                gstart(k)

                @pl.when(b >= GLAG)
                def _():
                    gwait(kg)
                    sstart(kg)

                @pl.when(b >= NSLOT - 1)
                def _():
                    swait(kp)

                @pl.when(b + 1 < NB)
                def _():
                    istart(b + 1, kp)
            return carry

        lax.fori_loop(0, NB // NSLOT, body, 0)
        for b in range(NB - GLAG, NB):
            gwait(b % NSLOT)
            sstart(b % NSLOT)
        for b in range(NB - NSLOT + 1, NB):
            swait(b % NSLOT)
        plsc.subcore_barrier()
        pltpu.sync_copy(acc.at[my_rows], out3.at[q, my_rows])

    for p in range(2):
        q = c * 2 + p
        seg_pass(cq_u, yf_u, sums_item, q)
        seg_pass(cq_i, yf_i, sums_user, q)

    if do_cnt:
        def cnt_pass(cq, out2):
            pltpu.sync_copy(ones_h, rows[0])
            pltpu.sync_copy(zeros_h, acc.at[my_rows])
            plsc.subcore_barrier()

            def sstart(k):
                pltpu.async_copy(rows[0], acc.at[cidx[k].at[1]],
                                 sb[k], add=True)

            def swait(k):
                pltpu.make_async_copy(rows[0], acc.at[cidx[k].at[1]],
                                      sb[k]).wait()

            def body(it, carry):
                for u in range(NSLOT):
                    b = it * NSLOT + u
                    k = u

                    @pl.when(b >= NSLOT)
                    def _():
                        swait(k)

                    pltpu.sync_copy(cq.at[0, blk0 + b], cidx[k])
                    sstart(k)
                return carry

            lax.fori_loop(0, NB // NSLOT, body, 0)
            for k in range(NSLOT):
                swait(k)
            plsc.subcore_barrier()
            pltpu.sync_copy(acc.at[my_rows], out2.at[my_rows])

        @pl.when(c == 0)
        def _():
            cnt_pass(cq_u, cnt_item)

        @pl.when(c == 1)
        def _():
            cnt_pass(cq_i, cnt_user)


def _make_sc(do_cnt):
    outs = [jax.ShapeDtypeStruct((4, ACC_ROWS, 16), jnp.float32)] * 2
    if do_cnt:
        outs += [jax.ShapeDtypeStruct((ACC_ROWS, 16), jnp.float32)] * 2
    mesh = plsc.VectorSubcoreMesh(
        core_axis_name="c", subcore_axis_name="s",
        num_cores=NC, num_subcores=NS)
    return pl.kernel(
        functools.partial(_sc_body, do_cnt),
        out_type=tuple(outs),
        mesh=mesh,
        scratch_types=[
            pltpu.VMEM_SHARED((ACC_ROWS, 16), jnp.float32),
            *[pltpu.VMEM((2, BLK), jnp.int32) for _ in range(NSLOT)],
            *[pltpu.VMEM((BLK, 16), jnp.float32) for _ in range(NSLOT)],
            *[pltpu.SemaphoreType.DMA for _ in range(2 * NSLOT)]
        ],
        compiler_params=pltpu.CompilerParams(use_tc_tiling_on_sc=False),
    )


_sc_l0 = _make_sc(True)
_sc_l1 = _make_sc(False)


def _mm_body(x_ref, w_ref, o_ref):
    o_ref[...] = jnp.dot(x_ref[...], w_ref[...],
                         preferred_element_type=jnp.float32)


def _mm(x, w):
    R = 2000
    return pl.pallas_call(
        _mm_body,
        grid=(NNODE // R,),
        in_specs=[pl.BlockSpec((R, HC), lambda i: (i, 0)),
                  pl.BlockSpec((HC, HC), lambda i: (0, 0))],
        out_specs=pl.BlockSpec((R, HC), lambda i: (i, 0)),
        out_shape=jax.ShapeDtypeStruct((NNODE, HC), jnp.float32),
    )(x, w)


def _post_body(relu, s_ref, c_ref, x_ref, wr_ref, b_ref, o_ref):
    sm = s_ref[...]
    m = jnp.concatenate([sm[0], sm[1], sm[2], sm[3]], axis=1)
    cnt = c_ref[...][:, 0:1]
    mean = m / jnp.maximum(cnt, 1.0)
    o = mean + b_ref[...] + jnp.dot(x_ref[...], wr_ref[...],
                                    preferred_element_type=jnp.float32)
    if relu:
        o = jnp.maximum(o, 0.0)
    o_ref[...] = o


def _post(sums, cnt, x, wr, b, relu):
    R = 2000
    return pl.pallas_call(
        functools.partial(_post_body, relu),
        grid=(NNODE // R,),
        in_specs=[pl.BlockSpec((4, R, 16), lambda i: (0, i, 0)),
                  pl.BlockSpec((R, 16), lambda i: (i, 0)),
                  pl.BlockSpec((R, HC), lambda i: (i, 0)),
                  pl.BlockSpec((HC, HC), lambda i: (0, 0)),
                  pl.BlockSpec((1, HC), lambda i: (0, 0))],
        out_specs=pl.BlockSpec((R, HC), lambda i: (i, 0)),
        out_shape=jax.ShapeDtypeStruct((NNODE, HC), jnp.float32),
    )(sums, cnt, x, wr, b)


def _prep(ei):
    src, dst = ei[0], ei[1]
    srcp = jnp.concatenate([src, jnp.zeros((EPAD - E,), jnp.int32)])
    dstp = jnp.concatenate([dst, jnp.full((EPAD - E,), DUMMY, jnp.int32)])
    srcq = (srcp * 4)[None, :] + jnp.arange(4, dtype=jnp.int32)[:, None]
    a = srcq.reshape(4, NBT, 1, BLK)
    b = jnp.broadcast_to(dstp.reshape(1, NBT, 1, BLK), (4, NBT, 1, BLK))
    return jnp.concatenate([a, b], axis=2)


def kernel(emb_user, emb_item, params, edge_index_user_rates_item,
           edge_index_item_rated_by_user):
    cq_u = _prep(edge_index_user_rates_item)
    cq_i = _prep(edge_index_item_rated_by_user)
    zeros_h = jnp.zeros((ROWS_PER_TILE, 16), jnp.float32)
    ones_h = jnp.ones((BLK, 16), jnp.float32)

    xu, xi = emb_user, emb_item
    cnt_item = cnt_user = None
    for l in range(2):
        pu = params["l%d_rates" % l]
        pi = params["l%d_rated_by" % l]
        y_u = _mm(xu, pu["W_l"]).reshape(4 * NNODE, 16)
        y_i = _mm(xi, pi["W_l"]).reshape(4 * NNODE, 16)
        if l == 0:
            sums_item, sums_user, cnt_item, cnt_user = _sc_l0(
                y_u, y_i, cq_u, cq_i, zeros_h, ones_h)
        else:
            sums_item, sums_user = _sc_l1(
                y_u, y_i, cq_u, cq_i, zeros_h, ones_h)
        new_xi = _post(sums_item, cnt_item, xi, pu["W_r"],
                       pu["b_l"].reshape(1, HC), relu=(l == 0))
        new_xu = _post(sums_user, cnt_user, xu, pi["W_r"],
                       pi["b_l"].reshape(1, HC), relu=(l == 0))
        xu, xi = new_xu, new_xi
    return (xu, xi)

# --- scband reference (transcript-rebuilt; emitter-appended) ---
"""Pipeline reference for scband-hetero-gcn-32014686224885 (READ-ONLY COPY).

The authoritative reference and input builder live on the scoring server;
editing this copy changes nothing except your own understanding.
"""

import jax, jax.numpy as jnp
import numpy as np

HC = 64
N = {"user": 100000, "item": 100000}
E = 1200000
NUM_LAYERS = 2
EDGE_TYPES = [("user", "rates", "item"), ("item", "rated_by", "user")]


def _xavier(key, fan_in, fan_out):
    limit = float(np.sqrt(6.0 / (fan_in + fan_out)))
    return jax.random.uniform(key, (fan_in, fan_out), minval=-limit, maxval=limit, dtype=jnp.float32)


def setup_inputs(seed: int = 0):
    key = jax.random.key(seed)
    ks = iter(jax.random.split(key, 64))
    emb_user = _xavier(next(ks), N["user"], HC)
    emb_item = _xavier(next(ks), N["item"], HC)
    params = {}
    for l in range(NUM_LAYERS):
        for (_, rel, _) in EDGE_TYPES:
            params["l%d_%s" % (l, rel)] = {
                "W_l": _xavier(next(ks), HC, HC),
                "b_l": jnp.zeros((HC,), dtype=jnp.float32),
                "W_r": _xavier(next(ks), HC, HC),
            }
    ei_uri = jax.random.randint(next(ks), (2, E), 0, 100000, dtype=jnp.int32)
    ei_iru = jax.random.randint(next(ks), (2, E), 0, 100000, dtype=jnp.int32)
    return {
        "emb_user": emb_user,
        "emb_item": emb_item,
        "params": params,
        "edge_index_user_rates_item": ei_uri,
        "edge_index_item_rated_by_user": ei_iru,
    }


def _hetero_gcn(emb_user, emb_item, params, ei_dict):
    x = {"user": emb_user, "item": emb_item}
    for l in range(NUM_LAYERS):
        out = {k: jnp.zeros((N[k], HC), dtype=jnp.float32) for k in x}
        for (src, rel, dst) in EDGE_TYPES:
            e = ei_dict[(src, rel, dst)]
            src_idx, dst_idx = e[0], e[1]
            msg = x[src][src_idx]  # gather: [E, HC]
            summed = jax.ops.segment_sum(msg, dst_idx, num_segments=N[dst])
            cnt = jax.ops.segment_sum(jnp.ones((e.shape[1],), dtype=jnp.float32), dst_idx, num_segments=N[dst])
            mean = summed / jnp.maximum(cnt, 1.0)[:, None]
            p = params["l%d_%s" % (l, rel)]
            o = mean @ p["W_l"] + p["b_l"] + x[dst] @ p["W_r"]
            out[dst] = out[dst] + o  # HeteroConv aggr='sum'
        x = out
        if l < NUM_LAYERS - 1:
            x = {k: jax.nn.relu(v) for k, v in x.items()}
            # dropout p=0.2 is identity in eval mode
    return (x["user"], x["item"])


def reference(emb_user, emb_item, params, edge_index_user_rates_item, edge_index_item_rated_by_user):
    ei_dict = {
        ("user", "rates", "item"): edge_index_user_rates_item,
        ("item", "rated_by", "user"): edge_index_item_rated_by_user,
    }
    return _hetero_gcn(emb_user, emb_item, params, ei_dict)

if __name__ == "__main__":
    import jax
    _d = setup_inputs()
    print(jax.jit(kernel)(*tuple(_d.values())))

</pallas_src>

<mosaic_0001>
#map = affine_map<(d0, d1) -> (0, 0)>
#map1 = affine_map<(d0, d1) -> (0, 0, 0, 0)>
#map2 = affine_map<(d0, d1) -> (0, 0, 0)>
module attributes {stable_mosaic.version = 14 : i64} {
  func.func @_sc_body(%arg0: i32, %arg1: i32, %arg2: memref<400000x16xf32, #tpu.memory_space<hbm>>, %arg3: memref<400000x16xf32, #tpu.memory_space<hbm>>, %arg4: memref<4x3200x2x384xi32, #tpu.memory_space<hbm>>, %arg5: memref<4x3200x2x384xi32, #tpu.memory_space<hbm>>, %arg6: memref<6256x16xf32, #tpu.memory_space<hbm>>, %arg7: memref<384x16xf32, #tpu.memory_space<hbm>>, %arg8: memref<4x100096x16xf32, #tpu.memory_space<hbm>>, %arg9: memref<4x100096x16xf32, #tpu.memory_space<hbm>>, %arg10: memref<100096x16xf32, #tpu.memory_space<vmem_shared>>, %arg11: memref<2x384xi32, #tpu.memory_space<vmem>>, %arg12: memref<2x384xi32, #tpu.memory_space<vmem>>, %arg13: memref<2x384xi32, #tpu.memory_space<vmem>>, %arg14: memref<2x384xi32, #tpu.memory_space<vmem>>, %arg15: memref<384x16xf32, #tpu.memory_space<vmem>>, %arg16: memref<384x16xf32, #tpu.memory_space<vmem>>, %arg17: memref<384x16xf32, #tpu.memory_space<vmem>>, %arg18: memref<384x16xf32, #tpu.memory_space<vmem>>, %arg19: memref<!tpu.dma_semaphore, #tpu.memory_space<semaphore_mem>>, %arg20: memref<!tpu.dma_semaphore, #tpu.memory_space<semaphore_mem>>, %arg21: memref<!tpu.dma_semaphore, #tpu.memory_space<semaphore_mem>>, %arg22: memref<!tpu.dma_semaphore, #tpu.memory_space<semaphore_mem>>, %arg23: memref<!tpu.dma_semaphore, #tpu.memory_space<semaphore_mem>>, %arg24: memref<!tpu.dma_semaphore, #tpu.memory_space<semaphore_mem>>, %arg25: memref<!tpu.dma_semaphore, #tpu.memory_space<semaphore_mem>>, %arg26: memref<!tpu.dma_semaphore, #tpu.memory_space<semaphore_mem>>) attributes {dimension_semantics = [#tpu.dimension_semantics<core_parallel>, #tpu.dimension_semantics<subcore_parallel>], iteration_bounds = array<i64: 2, 16>, scalar_prefetch = 0 : i64, scratch_operands = 17 : i64, tpu.core_type = #tpu.core_type<sc_vector_subcore>, window_params = [{transform_indices = #map}, {transform_indices = #map}, {transform_indices = #map1}, {transform_indices = #map1}, {transform_indices = #map}, {transform_indices = #map}, {transform_indices = #map2}, {transform_indices = #map2}]} {
    %mul3A = arith.constant 6256 : i32
    %mul3A_0 = arith.muli %arg1, %mul3A : i32
    %mul3A_1 = arith.constant 200 : i32
    %mul3A_2 = arith.muli %arg1, %mul3A_1 : i32
    %mul3A_3 = arith.constant 2 : i32
    %mul3A_4 = arith.muli %arg0, %mul3A_3 : i32
    %add3A = arith.constant 0 : i32
    %add3A_5 = arith.addi %mul3A_4, %add3A : i32
    "tpu.region"() ({
      %run_scoped3A = tpu.sem_alloc : memref<!tpu.dma_semaphore, #tpu.memory_space<semaphore_mem>>
      %dma_start3A_274 = arith.constant 0 : i32
      %dma_start3A_275 = tpu.memref_slice %arg10[%mul3A_0, %dma_start3A_274] : memref<100096x16xf32, #tpu.memory_space<vmem_shared>> -> memref<6256x16xf32, #tpu.memory_space<vmem_shared>>
      tpu.enqueue_dma source(%arg6 : memref<6256x16xf32, #tpu.memory_space<hbm>>) target(%dma_start3A_275 : memref<6256x16xf32, #tpu.memory_space<vmem_shared>>) target_semaphore(%run_scoped3A : memref<!tpu.dma_semaphore, #tpu.memory_space<semaphore_mem>>)
      %dma_wait3A_276 = arith.constant 0 : i32
      %dma_wait3A_277 = tpu.memref_slice %arg10[%mul3A_0, %dma_wait3A_276] : memref<100096x16xf32, #tpu.memory_space<vmem_shared>> -> memref<6256x16xf32, #tpu.memory_space<vmem_shared>>
      tpu.wait_dma2 semaphore(%run_scoped3A : memref<!tpu.dma_semaphore, #tpu.memory_space<semaphore_mem>>) src(%arg6 : memref<6256x16xf32, #tpu.memory_space<hbm>>) dst(%dma_wait3A_277 : memref<6256x16xf32, #tpu.memory_space<vmem_shared>>)
      tpu.yield
    }) : () -> ()
    %barrier3A = arith.constant 0 : index
    tpu.barrier barrier_id(%barrier3A)
    %add3A_6 = arith.constant 0 : i32
    %add3A_7 = arith.addi %mul3A_2, %add3A_6 : i32
    %dma_start3A = arith.constant 0 : i32
    %dma_start3A_8 = arith.constant 0 : i32
    %dma_start3A_9 = tpu.memref_slice %arg4[%add3A_5, %add3A_7, %dma_start3A, %dma_start3A_8] : memref<4x3200x2x384xi32, #tpu.memory_space<hbm>> -> memref<1x1x2x384xi32, #tpu.memory_space<hbm>>
    %dma_start3A_10 = tpu.memref_squeeze %dma_start3A_9 : memref<1x1x2x384xi32, #tpu.memory_space<hbm>> -> memref<2x384xi32, #tpu.memory_space<hbm>>
    %dma_start3A_11 = arith.constant 0 : i32
    %dma_start3A_12 = arith.constant 0 : i32
    %dma_start3A_13 = tpu.memref_slice %arg4[%add3A_5, %add3A_7, %dma_start3A_11, %dma_start3A_12] : memref<4x3200x2x384xi32, #tpu.memory_space<hbm>> -> memref<1x1x2x384xi32, #tpu.memory_space<hbm>>
    %dma_start3A_14 = tpu.memref_squeeze %dma_start3A_13 : memref<1x1x2x384xi32, #tpu.memory_space<hbm>> -> memref<2x384xi32, #tpu.memory_space<hbm>>
    tpu.enqueue_dma source(%dma_start3A_14 : memref<2x384xi32, #tpu.memory_space<hbm>>) target(%arg11 : memref<2x384xi32, #tpu.memory_space<vmem>>) target_semaphore(%arg19 : memref<!tpu.dma_semaphore, #tpu.memory_space<semaphore_mem>>)
    %scan3A = arith.constant 0 : i32
    %scan3A_15 = arith.constant 0 : i32
    %scan3A_16 = arith.constant 50 : i32
    %scan3A_17 = arith.addi %scan3A_15, %scan3A_16 : i32
    %scan3A_18 = arith.constant 1 : i32
    scf.for %scan3A_274 = %scan3A_15 to %scan3A_17 step %scan3A_18  : i32 {
      %mul3A_275 = arith.constant 4 : i32
      %mul3A_276 = arith.muli %scan3A_274, %mul3A_275 : i32
      %add3A_277 = arith.constant 0 : i32
      %add3A_278 = arith.addi %mul3A_276, %add3A_277 : i32
      %dma_wait3A_279 = arith.constant 0 : i32
      %dma_wait3A_280 = arith.constant 0 : i32
      %dma_wait3A_281 = arith.constant 0 : i32
      %dma_wait3A_282 = tpu.memref_slice %arg4[%add3A_5, %dma_wait3A_279, %dma_wait3A_280, %dma_wait3A_281] : memref<4x3200x2x384xi32, #tpu.memory_space<hbm>> -> memref<1x1x2x384xi32, #tpu.memory_space<hbm>>
      %dma_wait3A_283 = tpu.memref_squeeze %dma_wait3A_282 : memref<1x1x2x384xi32, #tpu.memory_space<hbm>> -> memref<2x384xi32, #tpu.memory_space<hbm>>
      %dma_wait3A_284 = arith.constant 0 : i32
      %dma_wait3A_285 = arith.constant 0 : i32
      %dma_wait3A_286 = tpu.memref_slice %arg4[%add3A_5, %dma_wait3A_279, %dma_wait3A_284, %dma_wait3A_285] : memref<4x3200x2x384xi32, #tpu.memory_space<hbm>> -> memref<1x1x2x384xi32, #tpu.memory_space<hbm>>
      %dma_wait3A_287 = tpu.memref_squeeze %dma_wait3A_286 : memref<1x1x2x384xi32, #tpu.memory_space<hbm>> -> memref<2x384xi32, #tpu.memory_space<hbm>>
      tpu.wait_dma2 semaphore(%arg19 : memref<!tpu.dma_semaphore, #tpu.memory_space<semaphore_mem>>) src(%dma_wait3A_287 : memref<2x384xi32, #tpu.memory_space<hbm>>) dst(%arg11 : memref<2x384xi32, #tpu.memory_space<vmem>>)
      %dma_start3A_288 = arith.constant 0 : i32
      %dma_start3A_289 = arith.constant 0 : i32
      %dma_start3A_290 = tpu.memref_slice %arg11[%dma_start3A_288, %dma_start3A_289] : memref<2x384xi32, #tpu.memory_space<vmem>> -> memref<1x384xi32, #tpu.memory_space<vmem>>
      %dma_start3A_291 = tpu.memref_squeeze %dma_start3A_290 : memref<1x384xi32, #tpu.memory_space<vmem>> -> memref<384xi32, #tpu.memory_space<vmem>>
      %dma_start3A_292 = arith.constant 0 : i32
      %dma_start3A_293 = arith.constant 0 : i32
      %dma_start3A_294 = tpu.memref_slice %arg2[%dma_start3A_292, %dma_start3A_293] : memref<400000x16xf32, #tpu.memory_space<hbm>> -> memref<400000x16xf32, #tpu.memory_space<hbm>>
      tpu.enqueue_indirect_dma source(%dma_start3A_294 : memref<400000x16xf32, #tpu.memory_space<hbm>>) target(%arg15 : memref<384x16xf32, #tpu.memory_space<vmem>>) offsets(%dma_start3A_291 : memref<384xi32, #tpu.memory_space<vmem>>) semaphore(%arg19 : memref<!tpu.dma_semaphore, #tpu.memory_space<semaphore_mem>>)
      %ge3A = arith.constant 2 : i32
      %ge3A_295 = arith.cmpi sge, %add3A_278, %ge3A : i32
      %convert_element_type3A = arith.extui %ge3A_295 : i1 to i32
      %cond3A = arith.constant 0 : i32
      %cond3A_296 = arith.cmpi ne, %convert_element_type3A, %cond3A : i32
      scf.if %cond3A_296 {
        %dma_wait3A_419 = arith.constant 0 : i32
        %dma_wait3A_420 = arith.constant 0 : i32
        %dma_wait3A_421 = tpu.memref_slice %arg13[%dma_wait3A_419, %dma_wait3A_420] : memref<2x384xi32, #tpu.memory_space<vmem>> -> memref<1x384xi32, #tpu.memory_space<vmem>>
        %dma_wait3A_422 = tpu.memref_squeeze %dma_wait3A_421 : memref<1x384xi32, #tpu.memory_space<vmem>> -> memref<384xi32, #tpu.memory_space<vmem>>
        %dma_wait3A_423 = arith.constant 0 : i32
        %dma_wait3A_424 = arith.constant 0 : i32
        %dma_wait3A_425 = tpu.memref_slice %arg2[%dma_wait3A_423, %dma_wait3A_424] : memref<400000x16xf32, #tpu.memory_space<hbm>> -> memref<400000x16xf32, #tpu.memory_space<hbm>>
        tpu.wait_indirect_dma semaphore(%arg21 : memref<!tpu.dma_semaphore, #tpu.memory_space<semaphore_mem>>) src(%dma_wait3A_425 : memref<400000x16xf32, #tpu.memory_space<hbm>>) dst(%arg17 : memref<384x16xf32, #tpu.memory_space<vmem>>)
        %dma_start3A_426 = arith.constant 1 : i32
        %dma_start3A_427 = arith.constant 0 : i32
        %dma_start3A_428 = tpu.memref_slice %arg13[%dma_start3A_426, %dma_start3A_427] : memref<2x384xi32, #tpu.memory_space<vmem>> -> memref<1x384xi32, #tpu.memory_space<vmem>>
        %dma_start3A_429 = tpu.memref_squeeze %dma_start3A_428 : memref<1x384xi32, #tpu.memory_space<vmem>> -> memref<384xi32, #tpu.memory_space<vmem>>
        %dma_start3A_430 = arith.constant 0 : i32
        %dma_start3A_431 = arith.constant 0 : i32
        %dma_start3A_432 = tpu.memref_slice %arg10[%dma_start3A_430, %dma_start3A_431] : memref<100096x16xf32, #tpu.memory_space<vmem_shared>> -> memref<100096x16xf32, #tpu.memory_space<vmem_shared>>
        tpu.enqueue_indirect_dma source(%arg17 : memref<384x16xf32, #tpu.memory_space<vmem>>) target(%dma_start3A_432 : memref<100096x16xf32, #tpu.memory_space<vmem_shared>>) offsets(%dma_start3A_429 : memref<384xi32, #tpu.memory_space<vmem>>) semaphore(%arg25 : memref<!tpu.dma_semaphore, #tpu.memory_space<semaphore_mem>>) {add = true}
      } else {
      }
      %ge3A_297 = arith.constant 3 : i32
      %ge3A_298 = arith.cmpi sge, %add3A_278, %ge3A_297 : i32
      %convert_element_type3A_299 = arith.extui %ge3A_298 : i1 to i32
      %cond3A_300 = arith.constant 0 : i32
      %cond3A_301 = arith.cmpi ne, %convert_element_type3A_299, %cond3A_300 : i32
      scf.if %cond3A_301 {
        %dma_wait3A_419 = arith.constant 1 : i32
        %dma_wait3A_420 = arith.constant 0 : i32
        %dma_wait3A_421 = tpu.memref_slice %arg12[%dma_wait3A_419, %dma_wait3A_420] : memref<2x384xi32, #tpu.memory_space<vmem>> -> memref<1x384xi32, #tpu.memory_space<vmem>>
        %dma_wait3A_422 = tpu.memref_squeeze %dma_wait3A_421 : memref<1x384xi32, #tpu.memory_space<vmem>> -> memref<384xi32, #tpu.memory_space<vmem>>
        %dma_wait3A_423 = arith.constant 0 : i32
        %dma_wait3A_424 = arith.constant 0 : i32
        %dma_wait3A_425 = tpu.memref_slice %arg10[%dma_wait3A_423, %dma_wait3A_424] : memref<100096x16xf32, #tpu.memory_space<vmem_shared>> -> memref<100096x16xf32, #tpu.memory_space<vmem_shared>>
        tpu.wait_indirect_dma semaphore(%arg24 : memref<!tpu.dma_semaphore, #tpu.memory_space<semaphore_mem>>) src(%arg16 : memref<384x16xf32, #tpu.memory_space<vmem>>) dst(%dma_wait3A_425 : memref<100096x16xf32, #tpu.memory_space<vmem_shared>>)
      } else {
      }
      %add3A_302 = arith.constant 1 : i32
      %add3A_303 = arith.addi %add3A_278, %add3A_302 : i32
      %lt3A = arith.constant 200 : i32
      %lt3A_304 = arith.cmpi slt, %add3A_303, %lt3A : i32
      %convert_element_type3A_305 = arith.extui %lt3A_304 : i1 to i32
      %cond3A_306 = arith.constant 0 : i32
      %cond3A_307 = arith.cmpi ne, %convert_element_type3A_305, %cond3A_306 : i32
      scf.if %cond3A_307 {
        %add3A_419 = arith.constant 1 : i32
        %add3A_420 = arith.addi %add3A_278, %add3A_419 : i32
        %add3A_421 = arith.addi %mul3A_2, %add3A_420 : i32
        %dma_start3A_422 = arith.constant 0 : i32
        %dma_start3A_423 = arith.constant 0 : i32
        %dma_start3A_424 = tpu.memref_slice %arg4[%add3A_5, %add3A_421, %dma_start3A_422, %dma_start3A_423] : memref<4x3200x2x384xi32, #tpu.memory_space<hbm>> -> memref<1x1x2x384xi32, #tpu.memory_space<hbm>>
        %dma_start3A_425 = tpu.memref_squeeze %dma_start3A_424 : memref<1x1x2x384xi32, #tpu.memory_space<hbm>> -> memref<2x384xi32, #tpu.memory_space<hbm>>
        %dma_start3A_426 = arith.constant 0 : i32
        %dma_start3A_427 = arith.constant 0 : i32
        %dma_start3A_428 = tpu.memref_slice %arg4[%add3A_5, %add3A_421, %dma_start3A_426, %dma_start3A_427] : memref<4x3200x2x384xi32, #tpu.memory_space<hbm>> -> memref<1x1x2x384xi32, #tpu.memory_space<hbm>>
        %dma_start3A_429 = tpu.memref_squeeze %dma_start3A_428 : memref<1x1x2x384xi32, #tpu.memory_space<hbm>> -> memref<2x384xi32, #tpu.memory_space<hbm>>
        tpu.enqueue_dma source(%dma_start3A_429 : memref<2x384xi32, #tpu.memory_space<hbm>>) target(%arg12 : memref<2x384xi32, #tpu.memory_space<vmem>>) target_semaphore(%arg20 : memref<!tpu.dma_semaphore, #tpu.memory_space<semaphore_mem>>)
      } else {
      }
      %mul3A_308 = arith.constant 4 : i32
      %mul3A_309 = arith.muli %scan3A_274, %mul3A_308 : i32
      %add3A_310 = arith.constant 1 : i32
      %add3A_311 = arith.addi %mul3A_309, %add3A_310 : i32
      %dma_wait3A_312 = arith.constant 0 : i32
      %dma_wait3A_313 = arith.constant 0 : i32
      %dma_wait3A_314 = arith.constant 0 : i32
      %dma_wait3A_315 = tpu.memref_slice %arg4[%add3A_5, %dma_wait3A_312, %dma_wait3A_313, %dma_wait3A_314] : memref<4x3200x2x384xi32, #tpu.memory_space<hbm>> -> memref<1x1x2x384xi32, #tpu.memory_space<hbm>>
      %dma_wait3A_316 = tpu.memref_squeeze %dma_wait3A_315 : memref<1x1x2x384xi32, #tpu.memory_space<hbm>> -> memref<2x384xi32, #tpu.memory_space<hbm>>
      %dma_wait3A_317 = arith.constant 0 : i32
      %dma_wait3A_318 = arith.constant 0 : i32
      %dma_wait3A_319 = tpu.memref_slice %arg4[%add3A_5, %dma_wait3A_312, %dma_wait3A_317, %dma_wait3A_318] : memref<4x3200x2x384xi32, #tpu.memory_space<hbm>> -> memref<1x1x2x384xi32, #tpu.memory_space<hbm>>
      %dma_wait3A_320 = tpu.memref_squeeze %dma_wait3A_319 : memref<1x1x2x384xi32, #tpu.memory_space<hbm>> -> memref<2x384xi32, #tpu.memory_space<hbm>>
      tpu.wait_dma2 semaphore(%arg20 : memref<!tpu.dma_semaphore, #tpu.memory_space<semaphore_mem>>) src(%dma_wait3A_320 : memref<2x384xi32, #tpu.memory_space<hbm>>) dst(%arg12 : memref<2x384xi32, #tpu.memory_space<vmem>>)
      %dma_start3A_321 = arith.constant 0 : i32
      %dma_start3A_322 = arith.constant 0 : i32
      %dma_start3A_323 = tpu.memref_slice %arg12[%dma_start3A_321, %dma_start3A_322] : memref<2x384xi32, #tpu.memory_space<vmem>> -> memref<1x384xi32, #tpu.memory_space<vmem>>
      %dma_start3A_324 = tpu.memref_squeeze %dma_start3A_323 : memref<1x384xi32, #tpu.memory_space<vmem>> -> memref<384xi32, #tpu.memory_space<vmem>>
      %dma_start3A_325 = arith.constant 0 : i32
      %dma_start3A_326 = arith.constant 0 : i32
      %dma_start3A_327 = tpu.memref_slice %arg2[%dma_start3A_325, %dma_start3A_326] : memref<400000x16xf32, #tpu.memory_space<hbm>> -> memref<400000x16xf32, #tpu.memory_space<hbm>>
      tpu.enqueue_indirect_dma source(%dma_start3A_327 : memref<400000x16xf32, #tpu.memory_space<hbm>>) target(%arg16 : memref<384x16xf32, #tpu.memory_space<vmem>>) offsets(%dma_start3A_324 : memref<384xi32, #tpu.memory_space<vmem>>) semaphore(%arg20 : memref<!tpu.dma_semaphore, #tpu.memory_space<semaphore_mem>>)
      %ge3A_328 = arith.constant 2 : i32
      %ge3A_329 = arith.cmpi sge, %add3A_311, %ge3A_328 : i32
      %convert_element_type3A_330 = arith.extui %ge3A_329 : i1 to i32
      %cond3A_331 = arith.constant 0 : i32
      %cond3A_332 = arith.cmpi ne, %convert_element_type3A_330, %cond3A_331 : i32
      scf.if %cond3A_332 {
        %dma_wait3A_419 = arith.constant 0 : i32
        %dma_wait3A_420 = arith.constant 0 : i32
        %dma_wait3A_421 = tpu.memref_slice %arg14[%dma_wait3A_419, %dma_wait3A_420] : memref<2x384xi32, #tpu.memory_space<vmem>> -> memref<1x384xi32, #tpu.memory_space<vmem>>
        %dma_wait3A_422 = tpu.memref_squeeze %dma_wait3A_421 : memref<1x384xi32, #tpu.memory_space<vmem>> -> memref<384xi32, #tpu.memory_space<vmem>>
        %dma_wait3A_423 = arith.constant 0 : i32
        %dma_wait3A_424 = arith.constant 0 : i32
        %dma_wait3A_425 = tpu.memref_slice %arg2[%dma_wait3A_423, %dma_wait3A_424] : memref<400000x16xf32, #tpu.memory_space<hbm>> -> memref<400000x16xf32, #tpu.memory_space<hbm>>
        tpu.wait_indirect_dma semaphore(%arg22 : memref<!tpu.dma_semaphore, #tpu.memory_space<semaphore_mem>>) src(%dma_wait3A_425 : memref<400000x16xf32, #tpu.memory_space<hbm>>) dst(%arg18 : memref<384x16xf32, #tpu.memory_space<vmem>>)
        %dma_start3A_426 = arith.constant 1 : i32
        %dma_start3A_427 = arith.constant 0 : i32
        %dma_start3A_428 = tpu.memref_slice %arg14[%dma_start3A_426, %dma_start3A_427] : memref<2x384xi32, #tpu.memory_space<vmem>> -> memref<1x384xi32, #tpu.memory_space<vmem>>
        %dma_start3A_429 = tpu.memref_squeeze %dma_start3A_428 : memref<1x384xi32, #tpu.memory_space<vmem>> -> memref<384xi32, #tpu.memory_space<vmem>>
        %dma_start3A_430 = arith.constant 0 : i32
        %dma_start3A_431 = arith.constant 0 : i32
        %dma_start3A_432 = tpu.memref_slice %arg10[%dma_start3A_430, %dma_start3A_431] : memref<100096x16xf32, #tpu.memory_space<vmem_shared>> -> memref<100096x16xf32, #tpu.memory_space<vmem_shared>>
        tpu.enqueue_indirect_dma source(%arg18 : memref<384x16xf32, #tpu.memory_space<vmem>>) target(%dma_start3A_432 : memref<100096x16xf32, #tpu.memory_space<vmem_shared>>) offsets(%dma_start3A_429 : memref<384xi32, #tpu.memory_space<vmem>>) semaphore(%arg26 : memref<!tpu.dma_semaphore, #tpu.memory_space<semaphore_mem>>) {add = true}
      } else {
      }
      %ge3A_333 = arith.constant 3 : i32
      %ge3A_334 = arith.cmpi sge, %add3A_311, %ge3A_333 : i32
      %convert_element_type3A_335 = arith.extui %ge3A_334 : i1 to i32
      %cond3A_336 = arith.constant 0 : i32
      %cond3A_337 = arith.cmpi ne, %convert_element_type3A_335, %cond3A_336 : i32
      scf.if %cond3A_337 {
        %dma_wait3A_419 = arith.constant 1 : i32
        %dma_wait3A_420 = arith.constant 0 : i32
        %dma_wait3A_421 = tpu.memref_slice %arg13[%dma_wait3A_419, %dma_wait3A_420] : memref<2x384xi32, #tpu.memory_space<vmem>> -> memref<1x384xi32, #tpu.memory_space<vmem>>
        %dma_wait3A_422 = tpu.memref_squeeze %dma_wait3A_421 : memref<1x384xi32, #tpu.memory_space<vmem>> -> memref<384xi32, #tpu.memory_space<vmem>>
        %dma_wait3A_423 = arith.constant 0 : i32
        %dma_wait3A_424 = arith.constant 0 : i32
        %dma_wait3A_425 = tpu.memref_slice %arg10[%dma_wait3A_423, %dma_wait3A_424] : memref<100096x16xf32, #tpu.memory_space<vmem_shared>> -> memref<100096x16xf32, #tpu.memory_space<vmem_shared>>
        tpu.wait_indirect_dma semaphore(%arg25 : memref<!tpu.dma_semaphore, #tpu.memory_space<semaphore_mem>>) src(%arg17 : memref<384x16xf32, #tpu.memory_space<vmem>>) dst(%dma_wait3A_425 : memref<100096x16xf32, #tpu.memory_space<vmem_shared>>)
      } else {
      }
      %add3A_338 = arith.constant 1 : i32
      %add3A_339 = arith.addi %add3A_311, %add3A_338 : i32
      %lt3A_340 = arith.constant 200 : i32
      %lt3A_341 = arith.cmpi slt, %add3A_339, %lt3A_340 : i32
      %convert_element_type3A_342 = arith.extui %lt3A_341 : i1 to i32
      %cond3A_343 = arith.constant 0 : i32
      %cond3A_344 = arith.cmpi ne, %convert_element_type3A_342, %cond3A_343 : i32
      scf.if %cond3A_344 {
        %add3A_419 = arith.constant 1 : i32
        %add3A_420 = arith.addi %add3A_311, %add3A_419 : i32
        %add3A_421 = arith.addi %mul3A_2, %add3A_420 : i32
        %dma_start3A_422 = arith.constant 0 : i32
        %dma_start3A_423 = arith.constant 0 : i32
        %dma_start3A_424 = tpu.memref_slice %arg4[%add3A_5, %add3A_421, %dma_start3A_422, %dma_start3A_423] : memref<4x3200x2x384xi32, #tpu.memory_space<hbm>> -> memref<1x1x2x384xi32, #tpu.memory_space<hbm>>
        %dma_start3A_425 = tpu.memref_squeeze %dma_start3A_424 : memref<1x1x2x384xi32, #tpu.memory_space<hbm>> -> memref<2x384xi32, #tpu.memory_space<hbm>>
        %dma_start3A_426 = arith.constant 0 : i32
        %dma_start3A_427 = arith.constant 0 : i32
        %dma_start3A_428 = tpu.memref_slice %arg4[%add3A_5, %add3A_421, %dma_start3A_426, %dma_start3A_427] : memref<4x3200x2x384xi32, #tpu.memory_space<hbm>> -> memref<1x1x2x384xi32, #tpu.memory_space<hbm>>
        %dma_start3A_429 = tpu.memref_squeeze %dma_start3A_428 : memref<1x1x2x384xi32, #tpu.memory_space<hbm>> -> memref<2x384xi32, #tpu.memory_space<hbm>>
        tpu.enqueue_dma source(%dma_start3A_429 : memref<2x384xi32, #tpu.memory_space<hbm>>) target(%arg13 : memref<2x384xi32, #tpu.memory_space<vmem>>) target_semaphore(%arg21 : memref<!tpu.dma_semaphore, #tpu.memory_space<semaphore_mem>>)
      } else {
      }
      %mul3A_345 = arith.constant 4 : i32
      %mul3A_346 = arith.muli %scan3A_274, %mul3A_345 : i32
      %add3A_347 = arith.constant 2 : i32
      %add3A_348 = arith.addi %mul3A_346, %add3A_347 : i32
      %dma_wait3A_349 = arith.constant 0 : i32
      %dma_wait3A_350 = arith.constant 0 : i32
      %dma_wait3A_351 = arith.constant 0 : i32
      %dma_wait3A_352 = tpu.memref_slice %arg4[%add3A_5, %dma_wait3A_349, %dma_wait3A_350, %dma_wait3A_351] : memref<4x3200x2x384xi32, #tpu.memory_space<hbm>> -> memref<1x1x2x384xi32, #tpu.memory_space<hbm>>
      %dma_wait3A_353 = tpu.memref_squeeze %dma_wait3A_352 : memref<1x1x2x384xi32, #tpu.memory_space<hbm>> -> memref<2x384xi32, #tpu.memory_space<hbm>>
      %dma_wait3A_354 = arith.constant 0 : i32
      %dma_wait3A_355 = arith.constant 0 : i32
      %dma_wait3A_356 = tpu.memref_slice %arg4[%add3A_5, %dma_wait3A_349, %dma_wait3A_354, %dma_wait3A_355] : memref<4x3200x2x384xi32, #tpu.memory_space<hbm>> -> memref<1x1x2x384xi32, #tpu.memory_space<hbm>>
      %dma_wait3A_357 = tpu.memref_squeeze %dma_wait3A_356 : memref<1x1x2x384xi32, #tpu.memory_space<hbm>> -> memref<2x384xi32, #tpu.memory_space<hbm>>
      tpu.wait_dma2 semaphore(%arg21 : memref<!tpu.dma_semaphore, #tpu.memory_space<semaphore_mem>>) src(%dma_wait3A_357 : memref<2x384xi32, #tpu.memory_space<hbm>>) dst(%arg13 : memref<2x384xi32, #tpu.memory_space<vmem>>)
      %dma_start3A_358 = arith.constant 0 : i32
      %dma_start3A_359 = arith.constant 0 : i32
      %dma_start3A_360 = tpu.memref_slice %arg13[%dma_start3A_358, %dma_start3A_359] : memref<2x384xi32, #tpu.memory_space<vmem>> -> memref<1x384xi32, #tpu.memory_space<vmem>>
      %dma_start3A_361 = tpu.memref_squeeze %dma_start3A_360 : memref<1x384xi32, #tpu.memory_space<vmem>> -> memref<384xi32, #tpu.memory_space<vmem>>
      %dma_start3A_362 = arith.constant 0 : i32
      %dma_start3A_363 = arith.constant 0 : i32
      %dma_start3A_364 = tpu.memref_slice %arg2[%dma_start3A_362, %dma_start3A_363] : memref<400000x16xf32, #tpu.memory_space<hbm>> -> memref<400000x16xf32, #tpu.memory_space<hbm>>
      tpu.enqueue_indirect_dma source(%dma_start3A_364 : memref<400000x16xf32, #tpu.memory_space<hbm>>) target(%arg17 : memref<384x16xf32, #tpu.memory_space<vmem>>) offsets(%dma_start3A_361 : memref<384xi32, #tpu.memory_space<vmem>>) semaphore(%arg21 : memref<!tpu.dma_semaphore, #tpu.memory_space<semaphore_mem>>)
      %ge3A_365 = arith.constant 2 : i32
      %ge3A_366 = arith.cmpi sge, %add3A_348, %ge3A_365 : i32
      %convert_element_type3A_367 = arith.extui %ge3A_366 : i1 to i32
      %cond3A_368 = arith.constant 0 : i32
      %cond3A_369 = arith.cmpi ne, %convert_element_type3A_367, %cond3A_368 : i32
      scf.if %cond3A_369 {
        %dma_wait3A_419 = arith.constant 0 : i32
        %dma_wait3A_420 = arith.constant 0 : i32
        %dma_wait3A_421 = tpu.memref_slice %arg11[%dma_wait3A_419, %dma_wait3A_420] : memref<2x384xi32, #tpu.memory_space<vmem>> -> memref<1x384xi32, #tpu.memory_space<vmem>>
        %dma_wait3A_422 = tpu.memref_squeeze %dma_wait3A_421 : memref<1x384xi32, #tpu.memory_space<vmem>> -> memref<384xi32, #tpu.memory_space<vmem>>
        %dma_wait3A_423 = arith.constant 0 : i32
        %dma_wait3A_424 = arith.constant 0 : i32
        %dma_wait3A_425 = tpu.memref_slice %arg2[%dma_wait3A_423, %dma_wait3A_424] : memref<400000x16xf32, #tpu.memory_space<hbm>> -> memref<400000x16xf32, #tpu.memory_space<hbm>>
        tpu.wait_indirect_dma semaphore(%arg19 : memref<!tpu.dma_semaphore, #tpu.memory_space<semaphore_mem>>) src(%dma_wait3A_425 : memref<400000x16xf32, #tpu.memory_space<hbm>>) dst(%arg15 : memref<384x16xf32, #tpu.memory_space<vmem>>)
        %dma_start3A_426 = arith.constant 1 : i32
        %dma_start3A_427 = arith.constant 0 : i32
        %dma_start3A_428 = tpu.memref_slice %arg11[%dma_start3A_426, %dma_start3A_427] : memref<2x384xi32, #tpu.memory_space<vmem>> -> memref<1x384xi32, #tpu.memory_space<vmem>>
        %dma_start3A_429 = tpu.memref_squeeze %dma_start3A_428 : memref<1x384xi32, #tpu.memory_space<vmem>> -> memref<384xi32, #tpu.memory_space<vmem>>
        %dma_start3A_430 = arith.constant 0 : i32
        %dma_start3A_431 = arith.constant 0 : i32
        %dma_start3A_432 = tpu.memref_slice %arg10[%dma_start3A_430, %dma_start3A_431] : memref<100096x16xf32, #tpu.memory_space<vmem_shared>> -> memref<100096x16xf32, #tpu.memory_space<vmem_shared>>
        tpu.enqueue_indirect_dma source(%arg15 : memref<384x16xf32, #tpu.memory_space<vmem>>) target(%dma_start3A_432 : memref<100096x16xf32, #tpu.memory_space<vmem_shared>>) offsets(%dma_start3A_429 : memref<384xi32, #tpu.memory_space<vmem>>) semaphore(%arg23 : memref<!tpu.dma_semaphore, #tpu.memory_space<semaphore_mem>>) {add = true}
      } else {
      }
      %ge3A_370 = arith.constant 3 : i32
      %ge3A_371 = arith.cmpi sge, %add3A_348, %ge3A_370 : i32
      %convert_element_type3A_372 = arith.extui %ge3A_371 : i1 to i32
      %cond3A_373 = arith.constant 0 : i32
      %cond3A_374 = arith.cmpi ne, %convert_element_type3A_372, %cond3A_373 : i32
      scf.if %cond3A_374 {
        %dma_wait3A_419 = arith.constant 1 : i32
        %dma_wait3A_420 = arith.constant 0 : i32
        %dma_wait3A_421 = tpu.memref_slice %arg14[%dma_wait3A_419, %dma_wait3A_420] : memref<2x384xi32, #tpu.memory_space<vmem>> -> memref<1x384xi32, #tpu.memory_space<vmem>>
        %dma_wait3A_422 = tpu.memref_squeeze %dma_wait3A_421 : memref<1x384xi32, #tpu.memory_space<vmem>> -> memref<384xi32, #tpu.memory_space<vmem>>
        %dma_wait3A_423 = arith.constant 0 : i32
        %dma_wait3A_424 = arith.constant 0 : i32
        %dma_wait3A_425 = tpu.memref_slice %arg10[%dma_wait3A_423, %dma_wait3A_424] : memref<100096x16xf32, #tpu.memory_space<vmem_shared>> -> memref<100096x16xf32, #tpu.memory_space<vmem_shared>>
        tpu.wait_indirect_dma semaphore(%arg26 : memref<!tpu.dma_semaphore, #tpu.memory_space<semaphore_mem>>) src(%arg18 : memref<384x16xf32, #tpu.memory_space<vmem>>) dst(%dma_wait3A_425 : memref<100096x16xf32, #tpu.memory_space<vmem_shared>>)
      } else {
      }
      %add3A_375 = arith.constant 1 : i32
      %add3A_376 = arith.addi %add3A_348, %add3A_375 : i32
      %lt3A_377 = arith.constant 200 : i32
      %lt3A_378 = arith.cmpi slt, %add3A_376, %lt3A_377 : i32
      %convert_element_type3A_379 = arith.extui %lt3A_378 : i1 to i32
      %cond3A_380 = arith.constant 0 : i32
      %cond3A_381 = arith.cmpi ne, %convert_element_type3A_379, %cond3A_380 : i32
      scf.if %cond3A_381 {
        %add3A_419 = arith.constant 1 : i32
        %add3A_420 = arith.addi %add3A_348, %add3A_419 : i32
        %add3A_421 = arith.addi %mul3A_2, %add3A_420 : i32
        %dma_start3A_422 = arith.constant 0 : i32
        %dma_start3A_423 = arith.constant 0 : i32
        %dma_start3A_424 = tpu.memref_slice %arg4[%add3A_5, %add3A_421, %dma_start3A_422, %dma_start3A_423] : memref<4x3200x2x384xi32, #tpu.memory_space<hbm>> -> memref<1x1x2x384xi32, #tpu.memory_space<hbm>>
        %dma_start3A_425 = tpu.memref_squeeze %dma_start3A_424 : memref<1x1x2x384xi32, #tpu.memory_space<hbm>> -> memref<2x384xi32, #tpu.memory_space<hbm>>
        %dma_start3A_426 = arith.constant 0 : i32
        %dma_start3A_427 = arith.constant 0 : i32
        %dma_start3A_428 = tpu.memref_slice %arg4[%add3A_5, %add3A_421, %dma_start3A_426, %dma_start3A_427] : memref<4x3200x2x384xi32, #tpu.memory_space<hbm>> -> memref<1x1x2x384xi32, #tpu.memory_space<hbm>>
        %dma_start3A_429 = tpu.memref_squeeze %dma_start3A_428 : memref<1x1x2x384xi32, #tpu.memory_space<hbm>> -> memref<2x384xi32, #tpu.memory_space<hbm>>
        tpu.enqueue_dma source(%dma_start3A_429 : memref<2x384xi32, #tpu.memory_space<hbm>>) target(%arg14 : memref<2x384xi32, #tpu.memory_space<vmem>>) target_semaphore(%arg22 : memref<!tpu.dma_semaphore, #tpu.memory_space<semaphore_mem>>)
      } else {
      }
      %mul3A_382 = arith.constant 4 : i32
      %mul3A_383 = arith.muli %scan3A_274, %mul3A_382 : i32
      %add3A_384 = arith.constant 3 : i32
      %add3A_385 = arith.addi %mul3A_383, %add3A_384 : i32
      %dma_wait3A_386 = arith.constant 0 : i32
      %dma_wait3A_387 = arith.constant 0 : i32
      %dma_wait3A_388 = arith.constant 0 : i32
      %dma_wait3A_389 = tpu.memref_slice %arg4[%add3A_5, %dma_wait3A_386, %dma_wait3A_387, %dma_wait3A_388] : memref<4x3200x2x384xi32, #tpu.memory_space<hbm>> -> memref<1x1x2x384xi32, #tpu.memory_space<hbm>>
      %dma_wait3A_390 = tpu.memref_squeeze %dma_wait3A_389 : memref<1x1x2x384xi32, #tpu.memory_space<hbm>> -> memref<2x384xi32, #tpu.memory_space<hbm>>
      %dma_wait3A_391 = arith.constant 0 : i32
      %dma_wait3A_392 = arith.constant 0 : i32
      %dma_wait3A_393 = tpu.memref_slice %arg4[%add3A_5, %dma_wait3A_386, %dma_wait3A_391, %dma_wait3A_392] : memref<4x3200x2x384xi32, #tpu.memory_space<hbm>> -> memref<1x1x2x384xi32, #tpu.memory_space<hbm>>
      %dma_wait3A_394 = tpu.memref_squeeze %dma_wait3A_393 : memref<1x1x2x384xi32, #tpu.memory_space<hbm>> -> memref<2x384xi32, #tpu.memory_space<hbm>>
      tpu.wait_dma2 semaphore(%arg22 : memref<!tpu.dma_semaphore, #tpu.memory_space<semaphore_mem>>) src(%dma_wait3A_394 : memref<2x384xi32, #tpu.memory_space<hbm>>) dst(%arg14 : memref<2x384xi32, #tpu.memory_space<vmem>>)
      %dma_start3A_395 = arith.constant 0 : i32
      %dma_start3A_396 = arith.constant 0 : i32
      %dma_start3A_397 = tpu.memref_slice %arg14[%dma_start3A_395, %dma_start3A_396] : memref<2x384xi32, #tpu.memory_space<vmem>> -> memref<1x384xi32, #tpu.memory_space<vmem>>
      %dma_start3A_398 = tpu.memref_squeeze %dma_start3A_397 : memref<1x384xi32, #tpu.memory_space<vmem>> -> memref<384xi32, #tpu.memory_space<vmem>>
      %dma_start3A_399 = arith.constant 0 : i32
      %dma_start3A_400 = arith.constant 0 : i32
      %dma_start3A_401 = tpu.memref_slice %arg2[%dma_start3A_399, %dma_start3A_400] : memref<400000x16xf32, #tpu.memory_space<hbm>> -> memref<400000x16xf32, #tpu.memory_space<hbm>>
      tpu.enqueue_indirect_dma source(%dma_start3A_401 : memref<400000x16xf32, #tpu.memory_space<hbm>>) target(%arg18 : memref<384x16xf32, #tpu.memory_space<vmem>>) offsets(%dma_start3A_398 : memref<384xi32, #tpu.memory_space<vmem>>) semaphore(%arg22 : memref<!tpu.dma_semaphore, #tpu.memory_space<semaphore_mem>>)
      %ge3A_402 = arith.constant 2 : i32
      %ge3A_403 = arith.cmpi sge, %add3A_385, %ge3A_402 : i32
      %convert_element_type3A_404 = arith.extui %ge3A_403 : i1 to i32
      %cond3A_405 = arith.constant 0 : i32
      %cond3A_406 = arith.cmpi ne, %convert_element_type3A_404, %cond3A_405 : i32
      scf.if %cond3A_406 {
        %dma_wait3A_419 = arith.constant 0 : i32
        %dma_wait3A_420 = arith.constant 0 : i32
        %dma_wait3A_421 = tpu.memref_slice %arg12[%dma_wait3A_419, %dma_wait3A_420] : memref<2x384xi32, #tpu.memory_space<vmem>> -> memref<1x384xi32, #tpu.memory_space<vmem>>
        %dma_wait3A_422 = tpu.memref_squeeze %dma_wait3A_421 : memref<1x384xi32, #tpu.memory_space<vmem>> -> memref<384xi32, #tpu.memory_space<vmem>>
        %dma_wait3A_423 = arith.constant 0 : i32
        %dma_wait3A_424 = arith.constant 0 : i32
        %dma_wait3A_425 = tpu.memref_slice %arg2[%dma_wait3A_423, %dma_wait3A_424] : memref<400000x16xf32, #tpu.memory_space<hbm>> -> memref<400000x16xf32, #tpu.memory_space<hbm>>
        tpu.wait_indirect_dma semaphore(%arg20 : memref<!tpu.dma_semaphore, #tpu.memory_space<semaphore_mem>>) src(%dma_wait3A_425 : memref<400000x16xf32, #tpu.memory_space<hbm>>) dst(%arg16 : memref<384x16xf32, #tpu.memory_space<vmem>>)
        %dma_start3A_426 = arith.constant 1 : i32
        %dma_start3A_427 = arith.constant 0 : i32
        %dma_start3A_428 = tpu.memref_slice %arg12[%dma_start3A_426, %dma_start3A_427] : memref<2x384xi32, #tpu.memory_space<vmem>> -> memref<1x384xi32, #tpu.memory_space<vmem>>
        %dma_start3A_429 = tpu.memref_squeeze %dma_start3A_428 : memref<1x384xi32, #tpu.memory_space<vmem>> -> memref<384xi32, #tpu.memory_space<vmem>>
        %dma_start3A_430 = arith.constant 0 : i32
        %dma_start3A_431 = arith.constant 0 : i32
        %dma_start3A_432 = tpu.memref_slice %arg10[%dma_start3A_430, %dma_start3A_431] : memref<100096x16xf32, #tpu.memory_space<vmem_shared>> -> memref<100096x16xf32, #tpu.memory_space<vmem_shared>>
        tpu.enqueue_indirect_dma source(%arg16 : memref<384x16xf32, #tpu.memory_space<vmem>>) target(%dma_start3A_432 : memref<100096x16xf32, #tpu.memory_space<vmem_shared>>) offsets(%dma_start3A_429 : memref<384xi32, #tpu.memory_space<vmem>>) semaphore(%arg24 : memref<!tpu.dma_semaphore, #tpu.memory_space<semaphore_mem>>) {add = true}
      } else {
      }
      %ge3A_407 = arith.constant 3 : i32
      %ge3A_408 = arith.cmpi sge, %add3A_385, %ge3A_407 : i32
      %convert_element_type3A_409 = arith.extui %ge3A_408 : i1 to i32
      %cond3A_410 = arith.constant 0 : i32
      %cond3A_411 = arith.cmpi ne, %convert_element_type3A_409, %cond3A_410 : i32
      scf.if %cond3A_411 {
        %dma_wait3A_419 = arith.constant 1 : i32
        %dma_wait3A_420 = arith.constant 0 : i32
        %dma_wait3A_421 = tpu.memref_slice %arg11[%dma_wait3A_419, %dma_wait3A_420] : memref<2x384xi32, #tpu.memory_space<vmem>> -> memref<1x384xi32, #tpu.memory_space<vmem>>
        %dma_wait3A_422 = tpu.memref_squeeze %dma_wait3A_421 : memref<1x384xi32, #tpu.memory_space<vmem>> -> memref<384xi32, #tpu.memory_space<vmem>>
        %dma_wait3A_423 = arith.constant 0 : i32
        %dma_wait3A_424 = arith.constant 0 : i32
        %dma_wait3A_425 = tpu.memref_slice %arg10[%dma_wait3A_423, %dma_wait3A_424] : memref<100096x16xf32, #tpu.memory_space<vmem_shared>> -> memref<100096x16xf32, #tpu.memory_space<vmem_shared>>
        tpu.wait_indirect_dma semaphore(%arg23 : memref<!tpu.dma_semaphore, #tpu.memory_space<semaphore_mem>>) src(%arg15 : memref<384x16xf32, #tpu.memory_space<vmem>>) dst(%dma_wait3A_425 : memref<100096x16xf32, #tpu.memory_space<vmem_shared>>)
      } else {
      }
      %add3A_412 = arith.constant 1 : i32
      %add3A_413 = arith.addi %add3A_385, %add3A_412 : i32
      %lt3A_414 = arith.constant 200 : i32
      %lt3A_415 = arith.cmpi slt, %add3A_413, %lt3A_414 : i32
      %convert_element_type3A_416 = arith.extui %lt3A_415 : i1 to i32
      %cond3A_417 = arith.constant 0 : i32
      %cond3A_418 = arith.cmpi ne, %convert_element_type3A_416, %cond3A_417 : i32
      scf.if %cond3A_418 {
        %add3A_419 = arith.constant 1 : i32
        %add3A_420 = arith.addi %add3A_385, %add3A_419 : i32
        %add3A_421 = arith.addi %mul3A_2, %add3A_420 : i32
        %dma_start3A_422 = arith.constant 0 : i32
        %dma_start3A_423 = arith.constant 0 : i32
        %dma_start3A_424 = tpu.memref_slice %arg4[%add3A_5, %add3A_421, %dma_start3A_422, %dma_start3A_423] : memref<4x3200x2x384xi32, #tpu.memory_space<hbm>> -> memref<1x1x2x384xi32, #tpu.memory_space<hbm>>
        %dma_start3A_425 = tpu.memref_squeeze %dma_start3A_424 : memref<1x1x2x384xi32, #tpu.memory_space<hbm>> -> memref<2x384xi32, #tpu.memory_space<hbm>>
        %dma_start3A_426 = arith.constant 0 : i32
        %dma_start3A_427 = arith.constant 0 : i32
        %dma_start3A_428 = tpu.memref_slice %arg4[%add3A_5, %add3A_421, %dma_start3A_426, %dma_start3A_427] : memref<4x3200x2x384xi32, #tpu.memory_space<hbm>> -> memref<1x1x2x384xi32, #tpu.memory_space<hbm>>
        %dma_start3A_429 = tpu.memref_squeeze %dma_start3A_428 : memref<1x1x2x384xi32, #tpu.memory_space<hbm>> -> memref<2x384xi32, #tpu.memory_space<hbm>>
        tpu.enqueue_dma source(%dma_start3A_429 : memref<2x384xi32, #tpu.memory_space<hbm>>) target(%arg11 : memref<2x384xi32, #tpu.memory_space<vmem>>) target_semaphore(%arg19 : memref<!tpu.dma_semaphore, #tpu.memory_space<semaphore_mem>>)
      } else {
      }
    }
    %scan3A_19 = arith.constant 50 : i32
    %dma_wait3A = arith.constant 0 : i32
    %dma_wait3A_20 = arith.constant 0 : i32
    %dma_wait3A_21 = tpu.memref_slice %arg13[%dma_wait3A, %dma_wait3A_20] : memref<2x384xi32, #tpu.memory_space<vmem>> -> memref<1x384xi32, #tpu.memory_space<vmem>>
    %dma_wait3A_22 = tpu.memref_squeeze %dma_wait3A_21 : memref<1x384xi32, #tpu.memory_space<vmem>> -> memref<384xi32, #tpu.memory_space<vmem>>
    %dma_wait3A_23 = arith.constant 0 : i32
    %dma_wait3A_24 = arith.constant 0 : i32
    %dma_wait3A_25 = tpu.memref_slice %arg2[%dma_wait3A_23, %dma_wait3A_24] : memref<400000x16xf32, #tpu.memory_space<hbm>> -> memref<400000x16xf32, #tpu.memory_space<hbm>>
    tpu.wait_indirect_dma semaphore(%arg21 : memref<!tpu.dma_semaphore, #tpu.memory_space<semaphore_mem>>) src(%dma_wait3A_25 : memref<400000x16xf32, #tpu.memory_space<hbm>>) dst(%arg17 : memref<384x16xf32, #tpu.memory_space<vmem>>)
    %dma_start3A_26 = arith.constant 1 : i32
    %dma_start3A_27 = arith.constant 0 : i32
    %dma_start3A_28 = tpu.memref_slice %arg13[%dma_start3A_26, %dma_start3A_27] : memref<2x384xi32, #tpu.memory_space<vmem>> -> memref<1x384xi32, #tpu.memory_space<vmem>>
    %dma_start3A_29 = tpu.memref_squeeze %dma_start3A_28 : memref<1x384xi32, #tpu.memory_space<vmem>> -> memref<384xi32, #tpu.memory_space<vmem>>
    %dma_start3A_30 = arith.constant 0 : i32
    %dma_start3A_31 = arith.constant 0 : i32
    %dma_start3A_32 = tpu.memref_slice %arg10[%dma_start3A_30, %dma_start3A_31] : memref<100096x16xf32, #tpu.memory_space<vmem_shared>> -> memref<100096x16xf32, #tpu.memory_space<vmem_shared>>
    tpu.enqueue_indirect_dma source(%arg17 : memref<384x16xf32, #tpu.memory_space<vmem>>) target(%dma_start3A_32 : memref<100096x16xf32, #tpu.memory_space<vmem_shared>>) offsets(%dma_start3A_29 : memref<384xi32, #tpu.memory_space<vmem>>) semaphore(%arg25 : memref<!tpu.dma_semaphore, #tpu.memory_space<semaphore_mem>>) {add = true}
    %dma_wait3A_33 = arith.constant 0 : i32
    %dma_wait3A_34 = arith.constant 0 : i32
    %dma_wait3A_35 = tpu.memref_slice %arg14[%dma_wait3A_33, %dma_wait3A_34] : memref<2x384xi32, #tpu.memory_space<vmem>> -> memref<1x384xi32, #tpu.memory_space<vmem>>
    %dma_wait3A_36 = tpu.memref_squeeze %dma_wait3A_35 : memref<1x384xi32, #tpu.memory_space<vmem>> -> memref<384xi32, #tpu.memory_space<vmem>>
    %dma_wait3A_37 = arith.constant 0 : i32
    %dma_wait3A_38 = arith.constant 0 : i32
    %dma_wait3A_39 = tpu.memref_slice %arg2[%dma_wait3A_37, %dma_wait3A_38] : memref<400000x16xf32, #tpu.memory_space<hbm>> -> memref<400000x16xf32, #tpu.memory_space<hbm>>
    tpu.wait_indirect_dma semaphore(%arg22 : memref<!tpu.dma_semaphore, #tpu.memory_space<semaphore_mem>>) src(%dma_wait3A_39 : memref<400000x16xf32, #tpu.memory_space<hbm>>) dst(%arg18 : memref<384x16xf32, #tpu.memory_space<vmem>>)
    %dma_start3A_40 = arith.constant 1 : i32
    %dma_start3A_41 = arith.constant 0 : i32
    %dma_start3A_42 = tpu.memref_slice %arg14[%dma_start3A_40, %dma_start3A_41] : memref<2x384xi32, #tpu.memory_space<vmem>> -> memref<1x384xi32, #tpu.memory_space<vmem>>
    %dma_start3A_43 = tpu.memref_squeeze %dma_start3A_42 : memref<1x384xi32, #tpu.memory_space<vmem>> -> memref<384xi32, #tpu.memory_space<vmem>>
    %dma_start3A_44 = arith.constant 0 : i32
    %dma_start3A_45 = arith.constant 0 : i32
    %dma_start3A_46 = tpu.memref_slice %arg10[%dma_start3A_44, %dma_start3A_45] : memref<100096x16xf32, #tpu.memory_space<vmem_shared>> -> memref<100096x16xf32, #tpu.memory_space<vmem_shared>>
    tpu.enqueue_indirect_dma source(%arg18 : memref<384x16xf32, #tpu.memory_space<vmem>>) target(%dma_start3A_46 : memref<100096x16xf32, #tpu.memory_space<vmem_shared>>) offsets(%dma_start3A_43 : memref<384xi32, #tpu.memory_space<vmem>>) semaphore(%arg26 : memref<!tpu.dma_semaphore, #tpu.memory_space<semaphore_mem>>) {add = true}
    %dma_wait3A_47 = arith.constant 1 : i32
    %dma_wait3A_48 = arith.constant 0 : i32
    %dma_wait3A_49 = tpu.memref_slice %arg12[%dma_wait3A_47, %dma_wait3A_48] : memref<2x384xi32, #tpu.memory_space<vmem>> -> memref<1x384xi32, #tpu.memory_space<vmem>>
    %dma_wait3A_50 = tpu.memref_squeeze %dma_wait3A_49 : memref<1x384xi32, #tpu.memory_space<vmem>> -> memref<384xi32, #tpu.memory_space<vmem>>
    %dma_wait3A_51 = arith.constant 0 : i32
    %dma_wait3A_52 = arith.constant 0 : i32
    %dma_wait3A_53 = tpu.memref_slice %arg10[%dma_wait3A_51, %dma_wait3A_52] : memref<100096x16xf32, #tpu.memory_space<vmem_shared>> -> memref<100096x16xf32, #tpu.memory_space<vmem_shared>>
    tpu.wait_indirect_dma semaphore(%arg24 : memref<!tpu.dma_semaphore, #tpu.memory_space<semaphore_mem>>) src(%arg16 : memref<384x16xf32, #tpu.memory_space<vmem>>) dst(%dma_wait3A_53 : memref<100096x16xf32, #tpu.memory_space<vmem_shared>>)
    %dma_wait3A_54 = arith.constant 1 : i32
    %dma_wait3A_55 = arith.constant 0 : i32
    %dma_wait3A_56 = tpu.memref_slice %arg13[%dma_wait3A_54, %dma_wait3A_55] : memref<2x384xi32, #tpu.memory_space<vmem>> -> memref<1x384xi32, #tpu.memory_space<vmem>>
    %dma_wait3A_57 = tpu.memref_squeeze %dma_wait3A_56 : memref<1x384xi32, #tpu.memory_space<vmem>> -> memref<384xi32, #tpu.memory_space<vmem>>
    %dma_wait3A_58 = arith.constant 0 : i32
    %dma_wait3A_59 = arith.constant 0 : i32
    %dma_wait3A_60 = tpu.memref_slice %arg10[%dma_wait3A_58, %dma_wait3A_59] : memref<100096x16xf32, #tpu.memory_space<vmem_shared>> -> memref<100096x16xf32, #tpu.memory_space<vmem_shared>>
    tpu.wait_indirect_dma semaphore(%arg25 : memref<!tpu.dma_semaphore, #tpu.memory_space<semaphore_mem>>) src(%arg17 : memref<384x16xf32, #tpu.memory_space<vmem>>) dst(%dma_wait3A_60 : memref<100096x16xf32, #tpu.memory_space<vmem_shared>>)
    %dma_wait3A_61 = arith.constant 1 : i32
    %dma_wait3A_62 = arith.constant 0 : i32
    %dma_wait3A_63 = tpu.memref_slice %arg14[%dma_wait3A_61, %dma_wait3A_62] : memref<2x384xi32, #tpu.memory_space<vmem>> -> memref<1x384xi32, #tpu.memory_space<vmem>>
    %dma_wait3A_64 = tpu.memref_squeeze %dma_wait3A_63 : memref<1x384xi32, #tpu.memory_space<vmem>> -> memref<384xi32, #tpu.memory_space<vmem>>
    %dma_wait3A_65 = arith.constant 0 : i32
    %dma_wait3A_66 = arith.constant 0 : i32
    %dma_wait3A_67 = tpu.memref_slice %arg10[%dma_wait3A_65, %dma_wait3A_66] : memref<100096x16xf32, #tpu.memory_space<vmem_shared>> -> memref<100096x16xf32, #tpu.memory_space<vmem_shared>>
    tpu.wait_indirect_dma semaphore(%arg26 : memref<!tpu.dma_semaphore, #tpu.memory_space<semaphore_mem>>) src(%arg18 : memref<384x16xf32, #tpu.memory_space<vmem>>) dst(%dma_wait3A_67 : memref<100096x16xf32, #tpu.memory_space<vmem_shared>>)
    %barrier3A_68 = arith.constant 0 : index
    tpu.barrier barrier_id(%barrier3A_68)
    "tpu.region"() ({
      %run_scoped3A = tpu.sem_alloc : memref<!tpu.dma_semaphore, #tpu.memory_space<semaphore_mem>>
      %dma_start3A_274 = arith.constant 0 : i32
      %dma_start3A_275 = tpu.memref_slice %arg8[%add3A_5, %mul3A_0, %dma_start3A_274] : memref<4x100096x16xf32, #tpu.memory_space<hbm>> -> memref<1x6256x16xf32, #tpu.memory_space<hbm>>
      %dma_start3A_276 = tpu.memref_squeeze %dma_start3A_275 : memref<1x6256x16xf32, #tpu.memory_space<hbm>> -> memref<6256x16xf32, #tpu.memory_space<hbm>>
      %dma_start3A_277 = arith.constant 0 : i32
      %dma_start3A_278 = tpu.memref_slice %arg10[%mul3A_0, %dma_start3A_277] : memref<100096x16xf32, #tpu.memory_space<vmem_shared>> -> memref<6256x16xf32, #tpu.memory_space<vmem_shared>>
      tpu.enqueue_dma source(%dma_start3A_278 : memref<6256x16xf32, #tpu.memory_space<vmem_shared>>) target(%dma_start3A_276 : memref<6256x16xf32, #tpu.memory_space<hbm>>) target_semaphore(%run_scoped3A : memref<!tpu.dma_semaphore, #tpu.memory_space<semaphore_mem>>)
      %dma_wait3A_279 = arith.constant 0 : i32
      %dma_wait3A_280 = tpu.memref_slice %arg8[%add3A_5, %mul3A_0, %dma_wait3A_279] : memref<4x100096x16xf32, #tpu.memory_space<hbm>> -> memref<1x6256x16xf32, #tpu.memory_space<hbm>>
      %dma_wait3A_281 = tpu.memref_squeeze %dma_wait3A_280 : memref<1x6256x16xf32, #tpu.memory_space<hbm>> -> memref<6256x16xf32, #tpu.memory_space<hbm>>
      %dma_wait3A_282 = arith.constant 0 : i32
      %dma_wait3A_283 = tpu.memref_slice %arg10[%mul3A_0, %dma_wait3A_282] : memref<100096x16xf32, #tpu.memory_space<vmem_shared>> -> memref<6256x16xf32, #tpu.memory_space<vmem_shared>>
      tpu.wait_dma2 semaphore(%run_scoped3A : memref<!tpu.dma_semaphore, #tpu.memory_space<semaphore_mem>>) src(%dma_wait3A_283 : memref<6256x16xf32, #tpu.memory_space<vmem_shared>>) dst(%dma_wait3A_281 : memref<6256x16xf32, #tpu.memory_space<hbm>>)
      tpu.yield
    }) : () -> ()
    "tpu.region"() ({
      %run_scoped3A = tpu.sem_alloc : memref<!tpu.dma_semaphore, #tpu.memory_space<semaphore_mem>>
      %dma_start3A_274 = arith.constant 0 : i32
      %dma_start3A_275 = tpu.memref_slice %arg10[%mul3A_0, %dma_start3A_274] : memref<100096x16xf32, #tpu.memory_space<vmem_shared>> -> memref<6256x16xf32, #tpu.memory_space<vmem_shared>>
      tpu.enqueue_dma source(%arg6 : memref<6256x16xf32, #tpu.memory_space<hbm>>) target(%dma_start3A_275 : memref<6256x16xf32, #tpu.memory_space<vmem_shared>>) target_semaphore(%run_scoped3A : memref<!tpu.dma_semaphore, #tpu.memory_space<semaphore_mem>>)
      %dma_wait3A_276 = arith.constant 0 : i32
      %dma_wait3A_277 = tpu.memref_slice %arg10[%mul3A_0, %dma_wait3A_276] : memref<100096x16xf32, #tpu.memory_space<vmem_shared>> -> memref<6256x16xf32, #tpu.memory_space<vmem_shared>>
      tpu.wait_dma2 semaphore(%run_scoped3A : memref<!tpu.dma_semaphore, #tpu.memory_space<semaphore_mem>>) src(%arg6 : memref<6256x16xf32, #tpu.memory_space<hbm>>) dst(%dma_wait3A_277 : memref<6256x16xf32, #tpu.memory_space<vmem_shared>>)
      tpu.yield
    }) : () -> ()
    %barrier3A_69 = arith.constant 0 : index
    tpu.barrier barrier_id(%barrier3A_69)
    %add3A_70 = arith.constant 0 : i32
    %add3A_71 = arith.addi %mul3A_2, %add3A_70 : i32
    %dma_start3A_72 = arith.constant 0 : i32
    %dma_start3A_73 = arith.constant 0 : i32
    %dma_start3A_74 = tpu.memref_slice %arg5[%add3A_5, %add3A_71, %dma_start3A_72, %dma_start3A_73] : memref<4x3200x2x384xi32, #tpu.memory_space<hbm>> -> memref<1x1x2x384xi32, #tpu.memory_space<hbm>>
    %dma_start3A_75 = tpu.memref_squeeze %dma_start3A_74 : memref<1x1x2x384xi32, #tpu.memory_space<hbm>> -> memref<2x384xi32, #tpu.memory_space<hbm>>
    %dma_start3A_76 = arith.constant 0 : i32
    %dma_start3A_77 = arith.constant 0 : i32
    %dma_start3A_78 = tpu.memref_slice %arg5[%add3A_5, %add3A_71, %dma_start3A_76, %dma_start3A_77] : memref<4x3200x2x384xi32, #tpu.memory_space<hbm>> -> memref<1x1x2x384xi32, #tpu.memory_space<hbm>>
    %dma_start3A_79 = tpu.memref_squeeze %dma_start3A_78 : memref<1x1x2x384xi32, #tpu.memory_space<hbm>> -> memref<2x384xi32, #tpu.memory_space<hbm>>
    tpu.enqueue_dma source(%dma_start3A_79 : memref<2x384xi32, #tpu.memory_space<hbm>>) target(%arg11 : memref<2x384xi32, #tpu.memory_space<vmem>>) target_semaphore(%arg19 : memref<!tpu.dma_semaphore, #tpu.memory_space<semaphore_mem>>)
    %scan3A_80 = arith.constant 0 : i32
    %scan3A_81 = arith.constant 0 : i32
    %scan3A_82 = arith.constant 50 : i32
    %scan3A_83 = arith.addi %scan3A_81, %scan3A_82 : i32
    %scan3A_84 = arith.constant 1 : i32
    scf.for %scan3A_274 = %scan3A_81 to %scan3A_83 step %scan3A_84  : i32 {
      %mul3A_275 = arith.constant 4 : i32
      %mul3A_276 = arith.muli %scan3A_274, %mul3A_275 : i32
      %add3A_277 = arith.constant 0 : i32
      %add3A_278 = arith.addi %mul3A_276, %add3A_277 : i32
      %dma_wait3A_279 = arith.constant 0 : i32
      %dma_wait3A_280 = arith.constant 0 : i32
      %dma_wait3A_281 = arith.constant 0 : i32
      %dma_wait3A_282 = tpu.memref_slice %arg5[%add3A_5, %dma_wait3A_279, %dma_wait3A_280, %dma_wait3A_281] : memref<4x3200x2x384xi32, #tpu.memory_space<hbm>> -> memref<1x1x2x384xi32, #tpu.memory_space<hbm>>
      %dma_wait3A_283 = tpu.memref_squeeze %dma_wait3A_282 : memref<1x1x2x384xi32, #tpu.memory_space<hbm>> -> memref<2x384xi32, #tpu.memory_space<hbm>>
      %dma_wait3A_284 = arith.constant 0 : i32
      %dma_wait3A_285 = arith.constant 0 : i32
      %dma_wait3A_286 = tpu.memref_slice %arg5[%add3A_5, %dma_wait3A_279, %dma_wait3A_284, %dma_wait3A_285] : memref<4x3200x2x384xi32, #tpu.memory_space<hbm>> -> memref<1x1x2x384xi32, #tpu.memory_space<hbm>>
      %dma_wait3A_287 = tpu.memref_squeeze %dma_wait3A_286 : memref<1x1x2x384xi32, #tpu.memory_space<hbm>> -> memref<2x384xi32, #tpu.memory_space<hbm>>
      tpu.wait_dma2 semaphore(%arg19 : memref<!tpu.dma_semaphore, #tpu.memory_space<semaphore_mem>>) src(%dma_wait3A_287 : memref<2x384xi32, #tpu.memory_space<hbm>>) dst(%arg11 : memref<2x384xi32, #tpu.memory_space<vmem>>)
      %dma_start3A_288 = arith.constant 0 : i32
      %dma_start3A_289 = arith.constant 0 : i32
      %dma_start3A_290 = tpu.memref_slice %arg11[%dma_start3A_288, %dma_start3A_289] : memref<2x384xi32, #tpu.memory_space<vmem>> -> memref<1x384xi32, #tpu.memory_space<vmem>>
      %dma_start3A_291 = tpu.memref_squeeze %dma_start3A_290 : memref<1x384xi32, #tpu.memory_space<vmem>> -> memref<384xi32, #tpu.memory_space<vmem>>
      %dma_start3A_292 = arith.constant 0 : i32
      %dma_start3A_293 = arith.constant 0 : i32
      %dma_start3A_294 = tpu.memref_slice %arg3[%dma_start3A_292, %dma_start3A_293] : memref<400000x16xf32, #tpu.memory_space<hbm>> -> memref<400000x16xf32, #tpu.memory_space<hbm>>
      tpu.enqueue_indirect_dma source(%dma_start3A_294 : memref<400000x16xf32, #tpu.memory_space<hbm>>) target(%arg15 : memref<384x16xf32, #tpu.memory_space<vmem>>) offsets(%dma_start3A_291 : memref<384xi32, #tpu.memory_space<vmem>>) semaphore(%arg19 : memref<!tpu.dma_semaphore, #tpu.memory_space<semaphore_mem>>)
      %ge3A = arith.constant 2 : i32
      %ge3A_295 = arith.cmpi sge, %add3A_278, %ge3A : i32
      %convert_element_type3A = arith.extui %ge3A_295 : i1 to i32
      %cond3A = arith.constant 0 : i32
      %cond3A_296 = arith.cmpi ne, %convert_element_type3A, %cond3A : i32
      scf.if %cond3A_296 {
        %dma_wait3A_419 = arith.constant 0 : i32
        %dma_wait3A_420 = arith.constant 0 : i32
        %dma_wait3A_421 = tpu.memref_slice %arg13[%dma_wait3A_419, %dma_wait3A_420] : memref<2x384xi32, #tpu.memory_space<vmem>> -> memref<1x384xi32, #tpu.memory_space<vmem>>
        %dma_wait3A_422 = tpu.memref_squeeze %dma_wait3A_421 : memref<1x384xi32, #tpu.memory_space<vmem>> -> memref<384xi32, #tpu.memory_space<vmem>>
        %dma_wait3A_423 = arith.constant 0 : i32
        %dma_wait3A_424 = arith.constant 0 : i32
        %dma_wait3A_425 = tpu.memref_slice %arg3[%dma_wait3A_423, %dma_wait3A_424] : memref<400000x16xf32, #tpu.memory_space<hbm>> -> memref<400000x16xf32, #tpu.memory_space<hbm>>
        tpu.wait_indirect_dma semaphore(%arg21 : memref<!tpu.dma_semaphore, #tpu.memory_space<semaphore_mem>>) src(%dma_wait3A_425 : memref<400000x16xf32, #tpu.memory_space<hbm>>) dst(%arg17 : memref<384x16xf32, #tpu.memory_space<vmem>>)
        %dma_start3A_426 = arith.constant 1 : i32
        %dma_start3A_427 = arith.constant 0 : i32
        %dma_start3A_428 = tpu.memref_slice %arg13[%dma_start3A_426, %dma_start3A_427] : memref<2x384xi32, #tpu.memory_space<vmem>> -> memref<1x384xi32, #tpu.memory_space<vmem>>
        %dma_start3A_429 = tpu.memref_squeeze %dma_start3A_428 : memref<1x384xi32, #tpu.memory_space<vmem>> -> memref<384xi32, #tpu.memory_space<vmem>>
        %dma_start3A_430 = arith.constant 0 : i32
        %dma_start3A_431 = arith.constant 0 : i32
        %dma_start3A_432 = tpu.memref_slice %arg10[%dma_start3A_430, %dma_start3A_431] : memref<100096x16xf32, #tpu.memory_space<vmem_shared>> -> memref<100096x16xf32, #tpu.memory_space<vmem_shared>>
        tpu.enqueue_indirect_dma source(%arg17 : memref<384x16xf32, #tpu.memory_space<vmem>>) target(%dma_start3A_432 : memref<100096x16xf32, #tpu.memory_space<vmem_shared>>) offsets(%dma_start3A_429 : memref<384xi32, #tpu.memory_space<vmem>>) semaphore(%arg25 : memref<!tpu.dma_semaphore, #tpu.memory_space<semaphore_mem>>) {add = true}
      } else {
      }
      %ge3A_297 = arith.constant 3 : i32
      %ge3A_298 = arith.cmpi sge, %add3A_278, %ge3A_297 : i32
      %convert_element_type3A_299 = arith.extui %ge3A_298 : i1 to i32
      %cond3A_300 = arith.constant 0 : i32
      %cond3A_301 = arith.cmpi ne, %convert_element_type3A_299, %cond3A_300 : i32
      scf.if %cond3A_301 {
        %dma_wait3A_419 = arith.constant 1 : i32
        %dma_wait3A_420 = arith.constant 0 : i32
        %dma_wait3A_421 = tpu.memref_slice %arg12[%dma_wait3A_419, %dma_wait3A_420] : memref<2x384xi32, #tpu.memory_space<vmem>> -> memref<1x384xi32, #tpu.memory_space<vmem>>
        %dma_wait3A_422 = tpu.memref_squeeze %dma_wait3A_421 : memref<1x384xi32, #tpu.memory_space<vmem>> -> memref<384xi32, #tpu.memory_space<vmem>>
        %dma_wait3A_423 = arith.constant 0 : i32
        %dma_wait3A_424 = arith.constant 0 : i32
        %dma_wait3A_425 = tpu.memref_slice %arg10[%dma_wait3A_423, %dma_wait3A_424] : memref<100096x16xf32, #tpu.memory_space<vmem_shared>> -> memref<100096x16xf32, #tpu.memory_space<vmem_shared>>
        tpu.wait_indirect_dma semaphore(%arg24 : memref<!tpu.dma_semaphore, #tpu.memory_space<semaphore_mem>>) src(%arg16 : memref<384x16xf32, #tpu.memory_space<vmem>>) dst(%dma_wait3A_425 : memref<100096x16xf32, #tpu.memory_space<vmem_shared>>)
      } else {
      }
      %add3A_302 = arith.constant 1 : i32
      %add3A_303 = arith.addi %add3A_278, %add3A_302 : i32
      %lt3A = arith.constant 200 : i32
      %lt3A_304 = arith.cmpi slt, %add3A_303, %lt3A : i32
      %convert_element_type3A_305 = arith.extui %lt3A_304 : i1 to i32
      %cond3A_306 = arith.constant 0 : i32
      %cond3A_307 = arith.cmpi ne, %convert_element_type3A_305, %cond3A_306 : i32
      scf.if %cond3A_307 {
        %add3A_419 = arith.constant 1 : i32
        %add3A_420 = arith.addi %add3A_278, %add3A_419 : i32
        %add3A_421 = arith.addi %mul3A_2, %add3A_420 : i32
        %dma_start3A_422 = arith.constant 0 : i32
        %dma_start3A_423 = arith.constant 0 : i32
        %dma_start3A_424 = tpu.memref_slice %arg5[%add3A_5, %add3A_421, %dma_start3A_422, %dma_start3A_423] : memref<4x3200x2x384xi32, #tpu.memory_space<hbm>> -> memref<1x1x2x384xi32, #tpu.memory_space<hbm>>
        %dma_start3A_425 = tpu.memref_squeeze %dma_start3A_424 : memref<1x1x2x384xi32, #tpu.memory_space<hbm>> -> memref<2x384xi32, #tpu.memory_space<hbm>>
        %dma_start3A_426 = arith.constant 0 : i32
        %dma_start3A_427 = arith.constant 0 : i32
        %dma_start3A_428 = tpu.memref_slice %arg5[%add3A_5, %add3A_421, %dma_start3A_426, %dma_start3A_427] : memref<4x3200x2x384xi32, #tpu.memory_space<hbm>> -> memref<1x1x2x384xi32, #tpu.memory_space<hbm>>
        %dma_start3A_429 = tpu.memref_squeeze %dma_start3A_428 : memref<1x1x2x384xi32, #tpu.memory_space<hbm>> -> memref<2x384xi32, #tpu.memory_space<hbm>>
        tpu.enqueue_dma source(%dma_start3A_429 : memref<2x384xi32, #tpu.memory_space<hbm>>) target(%arg12 : memref<2x384xi32, #tpu.memory_space<vmem>>) target_semaphore(%arg20 : memref<!tpu.dma_semaphore, #tpu.memory_space<semaphore_mem>>)
      } else {
      }
      %mul3A_308 = arith.constant 4 : i32
      %mul3A_309 = arith.muli %scan3A_274, %mul3A_308 : i32
      %add3A_310 = arith.constant 1 : i32
      %add3A_311 = arith.addi %mul3A_309, %add3A_310 : i32
      %dma_wait3A_312 = arith.constant 0 : i32
      %dma_wait3A_313 = arith.constant 0 : i32
      %dma_wait3A_314 = arith.constant 0 : i32
      %dma_wait3A_315 = tpu.memref_slice %arg5[%add3A_5, %dma_wait3A_312, %dma_wait3A_313, %dma_wait3A_314] : memref<4x3200x2x384xi32, #tpu.memory_space<hbm>> -> memref<1x1x2x384xi32, #tpu.memory_space<hbm>>
      %dma_wait3A_316 = tpu.memref_squeeze %dma_wait3A_315 : memref<1x1x2x384xi32, #tpu.memory_space<hbm>> -> memref<2x384xi32, #tpu.memory_space<hbm>>
      %dma_wait3A_317 = arith.constant 0 : i32
      %dma_wait3A_318 = arith.constant 0 : i32
      %dma_wait3A_319 = tpu.memref_slice %arg5[%add3A_5, %dma_wait3A_312, %dma_wait3A_317, %dma_wait3A_318] : memref<4x3200x2x384xi32, #tpu.memory_space<hbm>> -> memref<1x1x2x384xi32, #tpu.memory_space<hbm>>
      %dma_wait3A_320 = tpu.memref_squeeze %dma_wait3A_319 : memref<1x1x2x384xi32, #tpu.memory_space<hbm>> -> memref<2x384xi32, #tpu.memory_space<hbm>>
      tpu.wait_dma2 semaphore(%arg20 : memref<!tpu.dma_semaphore, #tpu.memory_space<semaphore_mem>>) src(%dma_wait3A_320 : memref<2x384xi32, #tpu.memory_space<hbm>>) dst(%arg12 : memref<2x384xi32, #tpu.memory_space<vmem>>)
      %dma_start3A_321 = arith.constant 0 : i32
      %dma_start3A_322 = arith.constant 0 : i32
      %dma_start3A_323 = tpu.memref_slice %arg12[%dma_start3A_321, %dma_start3A_322] : memref<2x384xi32, #tpu.memory_space<vmem>> -> memref<1x384xi32, #tpu.memory_space<vmem>>
      %dma_start3A_324 = tpu.memref_squeeze %dma_start3A_323 : memref<1x384xi32, #tpu.memory_space<vmem>> -> memref<384xi32, #tpu.memory_space<vmem>>
      %dma_start3A_325 = arith.constant 0 : i32
      %dma_start3A_326 = arith.constant 0 : i32
      %dma_start3A_327 = tpu.memref_slice %arg3[%dma_start3A_325, %dma_start3A_326] : memref<400000x16xf32, #tpu.memory_space<hbm>> -> memref<400000x16xf32, #tpu.memory_space<hbm>>
      tpu.enqueue_indirect_dma source(%dma_start3A_327 : memref<400000x16xf32, #tpu.memory_space<hbm>>) target(%arg16 : memref<384x16xf32, #tpu.memory_space<vmem>>) offsets(%dma_start3A_324 : memref<384xi32, #tpu.memory_space<vmem>>) semaphore(%arg20 : memref<!tpu.dma_semaphore, #tpu.memory_space<semaphore_mem>>)
      %ge3A_328 = arith.constant 2 : i32
      %ge3A_329 = arith.cmpi sge, %add3A_311, %ge3A_328 : i32
      %convert_element_type3A_330 = arith.extui %ge3A_329 : i1 to i32
      %cond3A_331 = arith.constant 0 : i32
      %cond3A_332 = arith.cmpi ne, %convert_element_type3A_330, %cond3A_331 : i32
      scf.if %cond3A_332 {
        %dma_wait3A_419 = arith.constant 0 : i32
        %dma_wait3A_420 = arith.constant 0 : i32
        %dma_wait3A_421 = tpu.memref_slice %arg14[%dma_wait3A_419, %dma_wait3A_420] : memref<2x384xi32, #tpu.memory_space<vmem>> -> memref<1x384xi32, #tpu.memory_space<vmem>>
        %dma_wait3A_422 = tpu.memref_squeeze %dma_wait3A_421 : memref<1x384xi32, #tpu.memory_space<vmem>> -> memref<384xi32, #tpu.memory_space<vmem>>
        %dma_wait3A_423 = arith.constant 0 : i32
        %dma_wait3A_424 = arith.constant 0 : i32
        %dma_wait3A_425 = tpu.memref_slice %arg3[%dma_wait3A_423, %dma_wait3A_424] : memref<400000x16xf32, #tpu.memory_space<hbm>> -> memref<400000x16xf32, #tpu.memory_space<hbm>>
        tpu.wait_indirect_dma semaphore(%arg22 : memref<!tpu.dma_semaphore, #tpu.memory_space<semaphore_mem>>) src(%dma_wait3A_425 : memref<400000x16xf32, #tpu.memory_space<hbm>>) dst(%arg18 : memref<384x16xf32, #tpu.memory_space<vmem>>)
        %dma_start3A_426 = arith.constant 1 : i32
        %dma_start3A_427 = arith.constant 0 : i32
        %dma_start3A_428 = tpu.memref_slice %arg14[%dma_start3A_426, %dma_start3A_427] : memref<2x384xi32, #tpu.memory_space<vmem>> -> memref<1x384xi32, #tpu.memory_space<vmem>>
        %dma_start3A_429 = tpu.memref_squeeze %dma_start3A_428 : memref<1x384xi32, #tpu.memory_space<vmem>> -> memref<384xi32, #tpu.memory_space<vmem>>
        %dma_start3A_430 = arith.constant 0 : i32
        %dma_start3A_431 = arith.constant 0 : i32
        %dma_start3A_432 = tpu.memref_slice %arg10[%dma_start3A_430, %dma_start3A_431] : memref<100096x16xf32, #tpu.memory_space<vmem_shared>> -> memref<100096x16xf32, #tpu.memory_space<vmem_shared>>
        tpu.enqueue_indirect_dma source(%arg18 : memref<384x16xf32, #tpu.memory_space<vmem>>) target(%dma_start3A_432 : memref<100096x16xf32, #tpu.memory_space<vmem_shared>>) offsets(%dma_start3A_429 : memref<384xi32, #tpu.memory_space<vmem>>) semaphore(%arg26 : memref<!tpu.dma_semaphore, #tpu.memory_space<semaphore_mem>>) {add = true}
      } else {
      }
      %ge3A_333 = arith.constant 3 : i32
      %ge3A_334 = arith.cmpi sge, %add3A_311, %ge3A_333 : i32
      %convert_element_type3A_335 = arith.extui %ge3A_334 : i1 to i32
      %cond3A_336 = arith.constant 0 : i32
      %cond3A_337 = arith.cmpi ne, %convert_element_type3A_335, %cond3A_336 : i32
      scf.if %cond3A_337 {
        %dma_wait3A_419 = arith.constant 1 : i32
        %dma_wait3A_420 = arith.constant 0 : i32
        %dma_wait3A_421 = tpu.memref_slice %arg13[%dma_wait3A_419, %dma_wait3A_420] : memref<2x384xi32, #tpu.memory_space<vmem>> -> memref<1x384xi32, #tpu.memory_space<vmem>>
        %dma_wait3A_422 = tpu.memref_squeeze %dma_wait3A_421 : memref<1x384xi32, #tpu.memory_space<vmem>> -> memref<384xi32, #tpu.memory_space<vmem>>
        %dma_wait3A_423 = arith.constant 0 : i32
        %dma_wait3A_424 = arith.constant 0 : i32
        %dma_wait3A_425 = tpu.memref_slice %arg10[%dma_wait3A_423, %dma_wait3A_424] : memref<100096x16xf32, #tpu.memory_space<vmem_shared>> -> memref<100096x16xf32, #tpu.memory_space<vmem_shared>>
        tpu.wait_indirect_dma semaphore(%arg25 : memref<!tpu.dma_semaphore, #tpu.memory_space<semaphore_mem>>) src(%arg17 : memref<384x16xf32, #tpu.memory_space<vmem>>) dst(%dma_wait3A_425 : memref<100096x16xf32, #tpu.memory_space<vmem_shared>>)
      } else {
      }
      %add3A_338 = arith.constant 1 : i32
      %add3A_339 = arith.addi %add3A_311, %add3A_338 : i32
      %lt3A_340 = arith.constant 200 : i32
      %lt3A_341 = arith.cmpi slt, %add3A_339, %lt3A_340 : i32
      %convert_element_type3A_342 = arith.extui %lt3A_341 : i1 to i32
      %cond3A_343 = arith.constant 0 : i32
      %cond3A_344 = arith.cmpi ne, %convert_element_type3A_342, %cond3A_343 : i32
      scf.if %cond3A_344 {
        %add3A_419 = arith.constant 1 : i32
        %add3A_420 = arith.addi %add3A_311, %add3A_419 : i32
        %add3A_421 = arith.addi %mul3A_2, %add3A_420 : i32
        %dma_start3A_422 = arith.constant 0 : i32
        %dma_start3A_423 = arith.constant 0 : i32
        %dma_start3A_424 = tpu.memref_slice %arg5[%add3A_5, %add3A_421, %dma_start3A_422, %dma_start3A_423] : memref<4x3200x2x384xi32, #tpu.memory_space<hbm>> -> memref<1x1x2x384xi32, #tpu.memory_space<hbm>>
        %dma_start3A_425 = tpu.memref_squeeze %dma_start3A_424 : memref<1x1x2x384xi32, #tpu.memory_space<hbm>> -> memref<2x384xi32, #tpu.memory_space<hbm>>
        %dma_start3A_426 = arith.constant 0 : i32
        %dma_start3A_427 = arith.constant 0 : i32
        %dma_start3A_428 = tpu.memref_slice %arg5[%add3A_5, %add3A_421, %dma_start3A_426, %dma_start3A_427] : memref<4x3200x2x384xi32, #tpu.memory_space<hbm>> -> memref<1x1x2x384xi32, #tpu.memory_space<hbm>>
        %dma_start3A_429 = tpu.memref_squeeze %dma_start3A_428 : memref<1x1x2x384xi32, #tpu.memory_space<hbm>> -> memref<2x384xi32, #tpu.memory_space<hbm>>
        tpu.enqueue_dma source(%dma_start3A_429 : memref<2x384xi32, #tpu.memory_space<hbm>>) target(%arg13 : memref<2x384xi32, #tpu.memory_space<vmem>>) target_semaphore(%arg21 : memref<!tpu.dma_semaphore, #tpu.memory_space<semaphore_mem>>)
      } else {
      }
      %mul3A_345 = arith.constant 4 : i32
      %mul3A_346 = arith.muli %scan3A_274, %mul3A_345 : i32
      %add3A_347 = arith.constant 2 : i32
      %add3A_348 = arith.addi %mul3A_346, %add3A_347 : i32
      %dma_wait3A_349 = arith.constant 0 : i32
      %dma_wait3A_350 = arith.constant 0 : i32
      %dma_wait3A_351 = arith.constant 0 : i32
      %dma_wait3A_352 = tpu.memref_slice %arg5[%add3A_5, %dma_wait3A_349, %dma_wait3A_350, %dma_wait3A_351] : memref<4x3200x2x384xi32, #tpu.memory_space<hbm>> -> memref<1x1x2x384xi32, #tpu.memory_space<hbm>>
      %dma_wait3A_353 = tpu.memref_squeeze %dma_wait3A_352 : memref<1x1x2x384xi32, #tpu.memory_space<hbm>> -> memref<2x384xi32, #tpu.memory_space<hbm>>
      %dma_wait3A_354 = arith.constant 0 : i32
      %dma_wait3A_355 = arith.constant 0 : i32
      %dma_wait3A_356 = tpu.memref_slice %arg5[%add3A_5, %dma_wait3A_349, %dma_wait3A_354, %dma_wait3A_355] : memref<4x3200x2x384xi32, #tpu.memory_space<hbm>> -> memref<1x1x2x384xi32, #tpu.memory_space<hbm>>
      %dma_wait3A_357 = tpu.memref_squeeze %dma_wait3A_356 : memref<1x1x2x384xi32, #tpu.memory_space<hbm>> -> memref<2x384xi32, #tpu.memory_space<hbm>>
      tpu.wait_dma2 semaphore(%arg21 : memref<!tpu.dma_semaphore, #tpu.memory_space<semaphore_mem>>) src(%dma_wait3A_357 : memref<2x384xi32, #tpu.memory_space<hbm>>) dst(%arg13 : memref<2x384xi32, #tpu.memory_space<vmem>>)
      %dma_start3A_358 = arith.constant 0 : i32
      %dma_start3A_359 = arith.constant 0 : i32
      %dma_start3A_360 = tpu.memref_slice %arg13[%dma_start3A_358, %dma_start3A_359] : memref<2x384xi32, #tpu.memory_space<vmem>> -> memref<1x384xi32, #tpu.memory_space<vmem>>
      %dma_start3A_361 = tpu.memref_squeeze %dma_start3A_360 : memref<1x384xi32, #tpu.memory_space<vmem>> -> memref<384xi32, #tpu.memory_space<vmem>>
      %dma_start3A_362 = arith.constant 0 : i32
      %dma_start3A_363 = arith.constant 0 : i32
      %dma_start3A_364 = tpu.memref_slice %arg3[%dma_start3A_362, %dma_start3A_363] : memref<400000x16xf32, #tpu.memory_space<hbm>> -> memref<400000x16xf32, #tpu.memory_space<hbm>>
      tpu.enqueue_indirect_dma source(%dma_start3A_364 : memref<400000x16xf32, #tpu.memory_space<hbm>>) target(%arg17 : memref<384x16xf32, #tpu.memory_space<vmem>>) offsets(%dma_start3A_361 : memref<384xi32, #tpu.memory_space<vmem>>) semaphore(%arg21 : memref<!tpu.dma_semaphore, #tpu.memory_space<semaphore_mem>>)
      %ge3A_365 = arith.constant 2 : i32
      %ge3A_366 = arith.cmpi sge, %add3A_348, %ge3A_365 : i32
      %convert_element_type3A_367 = arith.extui %ge3A_366 : i1 to i32
      %cond3A_368 = arith.constant 0 : i32
      %cond3A_369 = arith.cmpi ne, %convert_element_type3A_367, %cond3A_368 : i32
      scf.if %cond3A_369 {
        %dma_wait3A_419 = arith.constant 0 : i32
        %dma_wait3A_420 = arith.constant 0 : i32
        %dma_wait3A_421 = tpu.memref_slice %arg11[%dma_wait3A_419, %dma_wait3A_420] : memref<2x384xi32, #tpu.memory_space<vmem>> -> memref<1x384xi32, #tpu.memory_space<vmem>>
        %dma_wait3A_422 = tpu.memref_squeeze %dma_wait3A_421 : memref<1x384xi32, #tpu.memory_space<vmem>> -> memref<384xi32, #tpu.memory_space<vmem>>
        %dma_wait3A_423 = arith.constant 0 : i32
        %dma_wait3A_424 = arith.constant 0 : i32
        %dma_wait3A_425 = tpu.memref_slice %arg3[%dma_wait3A_423, %dma_wait3A_424] : memref<400000x16xf32, #tpu.memory_space<hbm>> -> memref<400000x16xf32, #tpu.memory_space<hbm>>
        tpu.wait_indirect_dma semaphore(%arg19 : memref<!tpu.dma_semaphore, #tpu.memory_space<semaphore_mem>>) src(%dma_wait3A_425 : memref<400000x16xf32, #tpu.memory_space<hbm>>) dst(%arg15 : memref<384x16xf32, #tpu.memory_space<vmem>>)
        %dma_start3A_426 = arith.constant 1 : i32
        %dma_start3A_427 = arith.constant 0 : i32
        %dma_start3A_428 = tpu.memref_slice %arg11[%dma_start3A_426, %dma_start3A_427] : memref<2x384xi32, #tpu.memory_space<vmem>> -> memref<1x384xi32, #tpu.memory_space<vmem>>
        %dma_start3A_429 = tpu.memref_squeeze %dma_start3A_428 : memref<1x384xi32, #tpu.memory_space<vmem>> -> memref<384xi32, #tpu.memory_space<vmem>>
        %dma_start3A_430 = arith.constant 0 : i32
        %dma_start3A_431 = arith.constant 0 : i32
        %dma_start3A_432 = tpu.memref_slice %arg10[%dma_start3A_430, %dma_start3A_431] : memref<100096x16xf32, #tpu.memory_space<vmem_shared>> -> memref<100096x16xf32, #tpu.memory_space<vmem_shared>>
        tpu.enqueue_indirect_dma source(%arg15 : memref<384x16xf32, #tpu.memory_space<vmem>>) target(%dma_start3A_432 : memref<100096x16xf32, #tpu.memory_space<vmem_shared>>) offsets(%dma_start3A_429 : memref<384xi32, #tpu.memory_space<vmem>>) semaphore(%arg23 : memref<!tpu.dma_semaphore, #tpu.memory_space<semaphore_mem>>) {add = true}
      } else {
      }
      %ge3A_370 = arith.constant 3 : i32
      %ge3A_371 = arith.cmpi sge, %add3A_348, %ge3A_370 : i32
      %convert_element_type3A_372 = arith.extui %ge3A_371 : i1 to i32
      %cond3A_373 = arith.constant 0 : i32
      %cond3A_374 = arith.cmpi ne, %convert_element_type3A_372, %cond3A_373 : i32
      scf.if %cond3A_374 {
        %dma_wait3A_419 = arith.constant 1 : i32
        %dma_wait3A_420 = arith.constant 0 : i32
        %dma_wait3A_421 = tpu.memref_slice %arg14[%dma_wait3A_419, %dma_wait3A_420] : memref<2x384xi32, #tpu.memory_space<vmem>> -> memref<1x384xi32, #tpu.memory_space<vmem>>
        %dma_wait3A_422 = tpu.memref_squeeze %dma_wait3A_421 : memref<1x384xi32, #tpu.memory_space<vmem>> -> memref<384xi32, #tpu.memory_space<vmem>>
        %dma_wait3A_423 = arith.constant 0 : i32
        %dma_wait3A_424 = arith.constant 0 : i32
        %dma_wait3A_425 = tpu.memref_slice %arg10[%dma_wait3A_423, %dma_wait3A_424] : memref<100096x16xf32, #tpu.memory_space<vmem_shared>> -> memref<100096x16xf32, #tpu.memory_space<vmem_shared>>
        tpu.wait_indirect_dma semaphore(%arg26 : memref<!tpu.dma_semaphore, #tpu.memory_space<semaphore_mem>>) src(%arg18 : memref<384x16xf32, #tpu.memory_space<vmem>>) dst(%dma_wait3A_425 : memref<100096x16xf32, #tpu.memory_space<vmem_shared>>)
      } else {
      }
      %add3A_375 = arith.constant 1 : i32
      %add3A_376 = arith.addi %add3A_348, %add3A_375 : i32
      %lt3A_377 = arith.constant 200 : i32
      %lt3A_378 = arith.cmpi slt, %add3A_376, %lt3A_377 : i32
      %convert_element_type3A_379 = arith.extui %lt3A_378 : i1 to i32
      %cond3A_380 = arith.constant 0 : i32
      %cond3A_381 = arith.cmpi ne, %convert_element_type3A_379, %cond3A_380 : i32
      scf.if %cond3A_381 {
        %add3A_419 = arith.constant 1 : i32
        %add3A_420 = arith.addi %add3A_348, %add3A_419 : i32
        %add3A_421 = arith.addi %mul3A_2, %add3A_420 : i32
        %dma_start3A_422 = arith.constant 0 : i32
        %dma_start3A_423 = arith.constant 0 : i32
        %dma_start3A_424 = tpu.memref_slice %arg5[%add3A_5, %add3A_421, %dma_start3A_422, %dma_start3A_423] : memref<4x3200x2x384xi32, #tpu.memory_space<hbm>> -> memref<1x1x2x384xi32, #tpu.memory_space<hbm>>
        %dma_start3A_425 = tpu.memref_squeeze %dma_start3A_424 : memref<1x1x2x384xi32, #tpu.memory_space<hbm>> -> memref<2x384xi32, #tpu.memory_space<hbm>>
        %dma_start3A_426 = arith.constant 0 : i32
        %dma_start3A_427 = arith.constant 0 : i32
        %dma_start3A_428 = tpu.memref_slice %arg5[%add3A_5, %add3A_421, %dma_start3A_426, %dma_start3A_427] : memref<4x3200x2x384xi32, #tpu.memory_space<hbm>> -> memref<1x1x2x384xi32, #tpu.memory_space<hbm>>
        %dma_start3A_429 = tpu.memref_squeeze %dma_start3A_428 : memref<1x1x2x384xi32, #tpu.memory_space<hbm>> -> memref<2x384xi32, #tpu.memory_space<hbm>>
        tpu.enqueue_dma source(%dma_start3A_429 : memref<2x384xi32, #tpu.memory_space<hbm>>) target(%arg14 : memref<2x384xi32, #tpu.memory_space<vmem>>) target_semaphore(%arg22 : memref<!tpu.dma_semaphore, #tpu.memory_space<semaphore_mem>>)
      } else {
      }
      %mul3A_382 = arith.constant 4 : i32
      %mul3A_383 = arith.muli %scan3A_274, %mul3A_382 : i32
      %add3A_384 = arith.constant 3 : i32
      %add3A_385 = arith.addi %mul3A_383, %add3A_384 : i32
      %dma_wait3A_386 = arith.constant 0 : i32
      %dma_wait3A_387 = arith.constant 0 : i32
      %dma_wait3A_388 = arith.constant 0 : i32
      %dma_wait3A_389 = tpu.memref_slice %arg5[%add3A_5, %dma_wait3A_386, %dma_wait3A_387, %dma_wait3A_388] : memref<4x3200x2x384xi32, #tpu.memory_space<hbm>> -> memref<1x1x2x384xi32, #tpu.memory_space<hbm>>
      %dma_wait3A_390 = tpu.memref_squeeze %dma_wait3A_389 : memref<1x1x2x384xi32, #tpu.memory_space<hbm>> -> memref<2x384xi32, #tpu.memory_space<hbm>>
      %dma_wait3A_391 = arith.constant 0 : i32
      %dma_wait3A_392 = arith.constant 0 : i32
      %dma_wait3A_393 = tpu.memref_slice %arg5[%add3A_5, %dma_wait3A_386, %dma_wait3A_391, %dma_wait3A_392] : memref<4x3200x2x384xi32, #tpu.memory_space<hbm>> -> memref<1x1x2x384xi32, #tpu.memory_space<hbm>>
      %dma_wait3A_394 = tpu.memref_squeeze %dma_wait3A_393 : memref<1x1x2x384xi32, #tpu.memory_space<hbm>> -> memref<2x384xi32, #tpu.memory_space<hbm>>
      tpu.wait_dma2 semaphore(%arg22 : memref<!tpu.dma_semaphore, #tpu.memory_space<semaphore_mem>>) src(%dma_wait3A_394 : memref<2x384xi32, #tpu.memory_space<hbm>>) dst(%arg14 : memref<2x384xi32, #tpu.memory_space<vmem>>)
      %dma_start3A_395 = arith.constant 0 : i32
      %dma_start3A_396 = arith.constant 0 : i32
      %dma_start3A_397 = tpu.memref_slice %arg14[%dma_start3A_395, %dma_start3A_396] : memref<2x384xi32, #tpu.memory_space<vmem>> -> memref<1x384xi32, #tpu.memory_space<vmem>>
      %dma_start3A_398 = tpu.memref_squeeze %dma_start3A_397 : memref<1x384xi32, #tpu.memory_space<vmem>> -> memref<384xi32, #tpu.memory_space<vmem>>
      %dma_start3A_399 = arith.constant 0 : i32
      %dma_start3A_400 = arith.constant 0 : i32
      %dma_start3A_401 = tpu.memref_slice %arg3[%dma_start3A_399, %dma_start3A_400] : memref<400000x16xf32, #tpu.memory_space<hbm>> -> memref<400000x16xf32, #tpu.memory_space<hbm>>
      tpu.enqueue_indirect_dma source(%dma_start3A_401 : memref<400000x16xf32, #tpu.memory_space<hbm>>) target(%arg18 : memref<384x16xf32, #tpu.memory_space<vmem>>) offsets(%dma_start3A_398 : memref<384xi32, #tpu.memory_space<vmem>>) semaphore(%arg22 : memref<!tpu.dma_semaphore, #tpu.memory_space<semaphore_mem>>)
      %ge3A_402 = arith.constant 2 : i32
      %ge3A_403 = arith.cmpi sge, %add3A_385, %ge3A_402 : i32
      %convert_element_type3A_404 = arith.extui %ge3A_403 : i1 to i32
      %cond3A_405 = arith.constant 0 : i32
      %cond3A_406 = arith.cmpi ne, %convert_element_type3A_404, %cond3A_405 : i32
      scf.if %cond3A_406 {
        %dma_wait3A_419 = arith.constant 0 : i32
        %dma_wait3A_420 = arith.constant 0 : i32
        %dma_wait3A_421 = tpu.memref_slice %arg12[%dma_wait3A_419, %dma_wait3A_420] : memref<2x384xi32, #tpu.memory_space<vmem>> -> memref<1x384xi32, #tpu.memory_space<vmem>>
        %dma_wait3A_422 = tpu.memref_squeeze %dma_wait3A_421 : memref<1x384xi32, #tpu.memory_space<vmem>> -> memref<384xi32, #tpu.memory_space<vmem>>
        %dma_wait3A_423 = arith.constant 0 : i32
        %dma_wait3A_424 = arith.constant 0 : i32
        %dma_wait3A_425 = tpu.memref_slice %arg3[%dma_wait3A_423, %dma_wait3A_424] : memref<400000x16xf32, #tpu.memory_space<hbm>> -> memref<400000x16xf32, #tpu.memory_space<hbm>>
        tpu.wait_indirect_dma semaphore(%arg20 : memref<!tpu.dma_semaphore, #tpu.memory_space<semaphore_mem>>) src(%dma_wait3A_425 : memref<400000x16xf32, #tpu.memory_space<hbm>>) dst(%arg16 : memref<384x16xf32, #tpu.memory_space<vmem>>)
        %dma_start3A_426 = arith.constant 1 : i32
        %dma_start3A_427 = arith.constant 0 : i32
        %dma_start3A_428 = tpu.memref_slice %arg12[%dma_start3A_426, %dma_start3A_427] : memref<2x384xi32, #tpu.memory_space<vmem>> -> memref<1x384xi32, #tpu.memory_space<vmem>>
        %dma_start3A_429 = tpu.memref_squeeze %dma_start3A_428 : memref<1x384xi32, #tpu.memory_space<vmem>> -> memref<384xi32, #tpu.memory_space<vmem>>
        %dma_start3A_430 = arith.constant 0 : i32
        %dma_start3A_431 = arith.constant 0 : i32
        %dma_start3A_432 = tpu.memref_slice %arg10[%dma_start3A_430, %dma_start3A_431] : memref<100096x16xf32, #tpu.memory_space<vmem_shared>> -> memref<100096x16xf32, #tpu.memory_space<vmem_shared>>
        tpu.enqueue_indirect_dma source(%arg16 : memref<384x16xf32, #tpu.memory_space<vmem>>) target(%dma_start3A_432 : memref<100096x16xf32, #tpu.memory_space<vmem_shared>>) offsets(%dma_start3A_429 : memref<384xi32, #tpu.memory_space<vmem>>) semaphore(%arg24 : memref<!tpu.dma_semaphore, #tpu.memory_space<semaphore_mem>>) {add = true}
      } else {
      }
      %ge3A_407 = arith.constant 3 : i32
      %ge3A_408 = arith.cmpi sge, %add3A_385, %ge3A_407 : i32
      %convert_element_type3A_409 = arith.extui %ge3A_408 : i1 to i32
      %cond3A_410 = arith.constant 0 : i32
      %cond3A_411 = arith.cmpi ne, %convert_element_type3A_409, %cond3A_410 : i32
      scf.if %cond3A_411 {
        %dma_wait3A_419 = arith.constant 1 : i32
        %dma_wait3A_420 = arith.constant 0 : i32
        %dma_wait3A_421 = tpu.memref_slice %arg11[%dma_wait3A_419, %dma_wait3A_420] : memref<2x384xi32, #tpu.memory_space<vmem>> -> memref<1x384xi32, #tpu.memory_space<vmem>>
        %dma_wait3A_422 = tpu.memref_squeeze %dma_wait3A_421 : memref<1x384xi32, #tpu.memory_space<vmem>> -> memref<384xi32, #tpu.memory_space<vmem>>
        %dma_wait3A_423 = arith.constant 0 : i32
        %dma_wait3A_424 = arith.constant 0 : i32
        %dma_wait3A_425 = tpu.memref_slice %arg10[%dma_wait3A_423, %dma_wait3A_424] : memref<100096x16xf32, #tpu.memory_space<vmem_shared>> -> memref<100096x16xf32, #tpu.memory_space<vmem_shared>>
        tpu.wait_indirect_dma semaphore(%arg23 : memref<!tpu.dma_semaphore, #tpu.memory_space<semaphore_mem>>) src(%arg15 : memref<384x16xf32, #tpu.memory_space<vmem>>) dst(%dma_wait3A_425 : memref<100096x16xf32, #tpu.memory_space<vmem_shared>>)
      } else {
      }
      %add3A_412 = arith.constant 1 : i32
      %add3A_413 = arith.addi %add3A_385, %add3A_412 : i32
      %lt3A_414 = arith.constant 200 : i32
      %lt3A_415 = arith.cmpi slt, %add3A_413, %lt3A_414 : i32
      %convert_element_type3A_416 = arith.extui %lt3A_415 : i1 to i32
      %cond3A_417 = arith.constant 0 : i32
      %cond3A_418 = arith.cmpi ne, %convert_element_type3A_416, %cond3A_417 : i32
      scf.if %cond3A_418 {
        %add3A_419 = arith.constant 1 : i32
        %add3A_420 = arith.addi %add3A_385, %add3A_419 : i32
        %add3A_421 = arith.addi %mul3A_2, %add3A_420 : i32
        %dma_start3A_422 = arith.constant 0 : i32
        %dma_start3A_423 = arith.constant 0 : i32
        %dma_start3A_424 = tpu.memref_slice %arg5[%add3A_5, %add3A_421, %dma_start3A_422, %dma_start3A_423] : memref<4x3200x2x384xi32, #tpu.memory_space<hbm>> -> memref<1x1x2x384xi32, #tpu.memory_space<hbm>>
        %dma_start3A_425 = tpu.memref_squeeze %dma_start3A_424 : memref<1x1x2x384xi32, #tpu.memory_space<hbm>> -> memref<2x384xi32, #tpu.memory_space<hbm>>
        %dma_start3A_426 = arith.constant 0 : i32
        %dma_start3A_427 = arith.constant 0 : i32
        %dma_start3A_428 = tpu.memref_slice %arg5[%add3A_5, %add3A_421, %dma_start3A_426, %dma_start3A_427] : memref<4x3200x2x384xi32, #tpu.memory_space<hbm>> -> memref<1x1x2x384xi32, #tpu.memory_space<hbm>>
        %dma_start3A_429 = tpu.memref_squeeze %dma_start3A_428 : memref<1x1x2x384xi32, #tpu.memory_space<hbm>> -> memref<2x384xi32, #tpu.memory_space<hbm>>
        tpu.enqueue_dma source(%dma_start3A_429 : memref<2x384xi32, #tpu.memory_space<hbm>>) target(%arg11 : memref<2x384xi32, #tpu.memory_space<vmem>>) target_semaphore(%arg19 : memref<!tpu.dma_semaphore, #tpu.memory_space<semaphore_mem>>)
      } else {
      }
    }
    %scan3A_85 = arith.constant 50 : i32
    %dma_wait3A_86 = arith.constant 0 : i32
    %dma_wait3A_87 = arith.constant 0 : i32
    %dma_wait3A_88 = tpu.memref_slice %arg13[%dma_wait3A_86, %dma_wait3A_87] : memref<2x384xi32, #tpu.memory_space<vmem>> -> memref<1x384xi32, #tpu.memory_space<vmem>>
    %dma_wait3A_89 = tpu.memref_squeeze %dma_wait3A_88 : memref<1x384xi32, #tpu.memory_space<vmem>> -> memref<384xi32, #tpu.memory_space<vmem>>
    %dma_wait3A_90 = arith.constant 0 : i32
    %dma_wait3A_91 = arith.constant 0 : i32
    %dma_wait3A_92 = tpu.memref_slice %arg3[%dma_wait3A_90, %dma_wait3A_91] : memref<400000x16xf32, #tpu.memory_space<hbm>> -> memref<400000x16xf32, #tpu.memory_space<hbm>>
    tpu.wait_indirect_dma semaphore(%arg21 : memref<!tpu.dma_semaphore, #tpu.memory_space<semaphore_mem>>) src(%dma_wait3A_92 : memref<400000x16xf32, #tpu.memory_space<hbm>>) dst(%arg17 : memref<384x16xf32, #tpu.memory_space<vmem>>)
    %dma_start3A_93 = arith.constant 1 : i32
    %dma_start3A_94 = arith.constant 0 : i32
    %dma_start3A_95 = tpu.memref_slice %arg13[%dma_start3A_93, %dma_start3A_94] : memref<2x384xi32, #tpu.memory_space<vmem>> -> memref<1x384xi32, #tpu.memory_space<vmem>>
    %dma_start3A_96 = tpu.memref_squeeze %dma_start3A_95 : memref<1x384xi32, #tpu.memory_space<vmem>> -> memref<384xi32, #tpu.memory_space<vmem>>
    %dma_start3A_97 = arith.constant 0 : i32
    %dma_start3A_98 = arith.constant 0 : i32
    %dma_start3A_99 = tpu.memref_slice %arg10[%dma_start3A_97, %dma_start3A_98] : memref<100096x16xf32, #tpu.memory_space<vmem_shared>> -> memref<100096x16xf32, #tpu.memory_space<vmem_shared>>
    tpu.enqueue_indirect_dma source(%arg17 : memref<384x16xf32, #tpu.memory_space<vmem>>) target(%dma_start3A_99 : memref<100096x16xf32, #tpu.memory_space<vmem_shared>>) offsets(%dma_start3A_96 : memref<384xi32, #tpu.memory_space<vmem>>) semaphore(%arg25 : memref<!tpu.dma_semaphore, #tpu.memory_space<semaphore_mem>>) {add = true}
    %dma_wait3A_100 = arith.constant 0 : i32
    %dma_wait3A_101 = arith.constant 0 : i32
    %dma_wait3A_102 = tpu.memref_slice %arg14[%dma_wait3A_100, %dma_wait3A_101] : memref<2x384xi32, #tpu.memory_space<vmem>> -> memref<1x384xi32, #tpu.memory_space<vmem>>
    %dma_wait3A_103 = tpu.memref_squeeze %dma_wait3A_102 : memref<1x384xi32, #tpu.memory_space<vmem>> -> memref<384xi32, #tpu.memory_space<vmem>>
    %dma_wait3A_104 = arith.constant 0 : i32
    %dma_wait3A_105 = arith.constant 0 : i32
    %dma_wait3A_106 = tpu.memref_slice %arg3[%dma_wait3A_104, %dma_wait3A_105] : memref<400000x16xf32, #tpu.memory_space<hbm>> -> memref<400000x16xf32, #tpu.memory_space<hbm>>
    tpu.wait_indirect_dma semaphore(%arg22 : memref<!tpu.dma_semaphore, #tpu.memory_space<semaphore_mem>>) src(%dma_wait3A_106 : memref<400000x16xf32, #tpu.memory_space<hbm>>) dst(%arg18 : memref<384x16xf32, #tpu.memory_space<vmem>>)
    %dma_start3A_107 = arith.constant 1 : i32
    %dma_start3A_108 = arith.constant 0 : i32
    %dma_start3A_109 = tpu.memref_slice %arg14[%dma_start3A_107, %dma_start3A_108] : memref<2x384xi32, #tpu.memory_space<vmem>> -> memref<1x384xi32, #tpu.memory_space<vmem>>
    %dma_start3A_110 = tpu.memref_squeeze %dma_start3A_109 : memref<1x384xi32, #tpu.memory_space<vmem>> -> memref<384xi32, #tpu.memory_space<vmem>>
    %dma_start3A_111 = arith.constant 0 : i32
    %dma_start3A_112 = arith.constant 0 : i32
    %dma_start3A_113 = tpu.memref_slice %arg10[%dma_start3A_111, %dma_start3A_112] : memref<100096x16xf32, #tpu.memory_space<vmem_shared>> -> memref<100096x16xf32, #tpu.memory_space<vmem_shared>>
    tpu.enqueue_indirect_dma source(%arg18 : memref<384x16xf32, #tpu.memory_space<vmem>>) target(%dma_start3A_113 : memref<100096x16xf32, #tpu.memory_space<vmem_shared>>) offsets(%dma_start3A_110 : memref<384xi32, #tpu.memory_space<vmem>>) semaphore(%arg26 : memref<!tpu.dma_semaphore, #tpu.memory_space<semaphore_mem>>) {add = true}
    %dma_wait3A_114 = arith.constant 1 : i32
    %dma_wait3A_115 = arith.constant 0 : i32
    %dma_wait3A_116 = tpu.memref_slice %arg12[%dma_wait3A_114, %dma_wait3A_115] : memref<2x384xi32, #tpu.memory_space<vmem>> -> memref<1x384xi32, #tpu.memory_space<vmem>>
    %dma_wait3A_117 = tpu.memref_squeeze %dma_wait3A_116 : memref<1x384xi32, #tpu.memory_space<vmem>> -> memref<384xi32, #tpu.memory_space<vmem>>
    %dma_wait3A_118 = arith.constant 0 : i32
    %dma_wait3A_119 = arith.constant 0 : i32
    %dma_wait3A_120 = tpu.memref_slice %arg10[%dma_wait3A_118, %dma_wait3A_119] : memref<100096x16xf32, #tpu.memory_space<vmem_shared>> -> memref<100096x16xf32, #tpu.memory_space<vmem_shared>>
    tpu.wait_indirect_dma semaphore(%arg24 : memref<!tpu.dma_semaphore, #tpu.memory_space<semaphore_mem>>) src(%arg16 : memref<384x16xf32, #tpu.memory_space<vmem>>) dst(%dma_wait3A_120 : memref<100096x16xf32, #tpu.memory_space<vmem_shared>>)
    %dma_wait3A_121 = arith.constant 1 : i32
    %dma_wait3A_122 = arith.constant 0 : i32
    %dma_wait3A_123 = tpu.memref_slice %arg13[%dma_wait3A_121, %dma_wait3A_122] : memref<2x384xi32, #tpu.memory_space<vmem>> -> memref<1x384xi32, #tpu.memory_space<vmem>>
    %dma_wait3A_124 = tpu.memref_squeeze %dma_wait3A_123 : memref<1x384xi32, #tpu.memory_space<vmem>> -> memref<384xi32, #tpu.memory_space<vmem>>
    %dma_wait3A_125 = arith.constant 0 : i32
    %dma_wait3A_126 = arith.constant 0 : i32
    %dma_wait3A_127 = tpu.memref_slice %arg10[%dma_wait3A_125, %dma_wait3A_126] : memref<100096x16xf32, #tpu.memory_space<vmem_shared>> -> memref<100096x16xf32, #tpu.memory_space<vmem_shared>>
    tpu.wait_indirect_dma semaphore(%arg25 : memref<!tpu.dma_semaphore, #tpu.memory_space<semaphore_mem>>) src(%arg17 : memref<384x16xf32, #tpu.memory_space<vmem>>) dst(%dma_wait3A_127 : memref<100096x16xf32, #tpu.memory_space<vmem_shared>>)
    %dma_wait3A_128 = arith.constant 1 : i32
    %dma_wait3A_129 = arith.constant 0 : i32
    %dma_wait3A_130 = tpu.memref_slice %arg14[%dma_wait3A_128, %dma_wait3A_129] : memref<2x384xi32, #tpu.memory_space<vmem>> -> memref<1x384xi32, #tpu.memory_space<vmem>>
    %dma_wait3A_131 = tpu.memref_squeeze %dma_wait3A_130 : memref<1x384xi32, #tpu.memory_space<vmem>> -> memref<384xi32, #tpu.memory_space<vmem>>
    %dma_wait3A_132 = arith.constant 0 : i32
    %dma_wait3A_133 = arith.constant 0 : i32
    %dma_wait3A_134 = tpu.memref_slice %arg10[%dma_wait3A_132, %dma_wait3A_133] : memref<100096x16xf32, #tpu.memory_space<vmem_shared>> -> memref<100096x16xf32, #tpu.memory_space<vmem_shared>>
    tpu.wait_indirect_dma semaphore(%arg26 : memref<!tpu.dma_semaphore, #tpu.memory_space<semaphore_mem>>) src(%arg18 : memref<384x16xf32, #tpu.memory_space<vmem>>) dst(%dma_wait3A_134 : memref<100096x16xf32, #tpu.memory_space<vmem_shared>>)
    %barrier3A_135 = arith.constant 0 : index
    tpu.barrier barrier_id(%barrier3A_135)
    "tpu.region"() ({
      %run_scoped3A = tpu.sem_alloc : memref<!tpu.dma_semaphore, #tpu.memory_space<semaphore_mem>>
      %dma_start3A_274 = arith.constant 0 : i32
      %dma_start3A_275 = tpu.memref_slice %arg9[%add3A_5, %mul3A_0, %dma_start3A_274] : memref<4x100096x16xf32, #tpu.memory_space<hbm>> -> memref<1x6256x16xf32, #tpu.memory_space<hbm>>
      %dma_start3A_276 = tpu.memref_squeeze %dma_start3A_275 : memref<1x6256x16xf32, #tpu.memory_space<hbm>> -> memref<6256x16xf32, #tpu.memory_space<hbm>>
      %dma_start3A_277 = arith.constant 0 : i32
      %dma_start3A_278 = tpu.memref_slice %arg10[%mul3A_0, %dma_start3A_277] : memref<100096x16xf32, #tpu.memory_space<vmem_shared>> -> memref<6256x16xf32, #tpu.memory_space<vmem_shared>>
      tpu.enqueue_dma source(%dma_start3A_278 : memref<6256x16xf32, #tpu.memory_space<vmem_shared>>) target(%dma_start3A_276 : memref<6256x16xf32, #tpu.memory_space<hbm>>) target_semaphore(%run_scoped3A : memref<!tpu.dma_semaphore, #tpu.memory_space<semaphore_mem>>)
      %dma_wait3A_279 = arith.constant 0 : i32
      %dma_wait3A_280 = tpu.memref_slice %arg9[%add3A_5, %mul3A_0, %dma_wait3A_279] : memref<4x100096x16xf32, #tpu.memory_space<hbm>> -> memref<1x6256x16xf32, #tpu.memory_space<hbm>>
      %dma_wait3A_281 = tpu.memref_squeeze %dma_wait3A_280 : memref<1x6256x16xf32, #tpu.memory_space<hbm>> -> memref<6256x16xf32, #tpu.memory_space<hbm>>
      %dma_wait3A_282 = arith.constant 0 : i32
      %dma_wait3A_283 = tpu.memref_slice %arg10[%mul3A_0, %dma_wait3A_282] : memref<100096x16xf32, #tpu.memory_space<vmem_shared>> -> memref<6256x16xf32, #tpu.memory_space<vmem_shared>>
      tpu.wait_dma2 semaphore(%run_scoped3A : memref<!tpu.dma_semaphore, #tpu.memory_space<semaphore_mem>>) src(%dma_wait3A_283 : memref<6256x16xf32, #tpu.memory_space<vmem_shared>>) dst(%dma_wait3A_281 : memref<6256x16xf32, #tpu.memory_space<hbm>>)
      tpu.yield
    }) : () -> ()
    %mul3A_136 = arith.constant 2 : i32
    %mul3A_137 = arith.muli %arg0, %mul3A_136 : i32
    %add3A_138 = arith.constant 1 : i32
    %add3A_139 = arith.addi %mul3A_137, %add3A_138 : i32
    "tpu.region"() ({
      %run_scoped3A = tpu.sem_alloc : memref<!tpu.dma_semaphore, #tpu.memory_space<semaphore_mem>>
      %dma_start3A_274 = arith.constant 0 : i32
      %dma_start3A_275 = tpu.memref_slice %arg10[%mul3A_0, %dma_start3A_274] : memref<100096x16xf32, #tpu.memory_space<vmem_shared>> -> memref<6256x16xf32, #tpu.memory_space<vmem_shared>>
      tpu.enqueue_dma source(%arg6 : memref<6256x16xf32, #tpu.memory_space<hbm>>) target(%dma_start3A_275 : memref<6256x16xf32, #tpu.memory_space<vmem_shared>>) target_semaphore(%run_scoped3A : memref<!tpu.dma_semaphore, #tpu.memory_space<semaphore_mem>>)
      %dma_wait3A_276 = arith.constant 0 : i32
      %dma_wait3A_277 = tpu.memref_slice %arg10[%mul3A_0, %dma_wait3A_276] : memref<100096x16xf32, #tpu.memory_space<vmem_shared>> -> memref<6256x16xf32, #tpu.memory_space<vmem_shared>>
      tpu.wait_dma2 semaphore(%run_scoped3A : memref<!tpu.dma_semaphore, #tpu.memory_space<semaphore_mem>>) src(%arg6 : memref<6256x16xf32, #tpu.memory_space<hbm>>) dst(%dma_wait3A_277 : memref<6256x16xf32, #tpu.memory_space<vmem_shared>>)
      tpu.yield
    }) : () -> ()
    %barrier3A_140 = arith.constant 0 : index
    tpu.barrier barrier_id(%barrier3A_140)
    %add3A_141 = arith.constant 0 : i32
    %add3A_142 = arith.addi %mul3A_2, %add3A_141 : i32
    %dma_start3A_143 = arith.constant 0 : i32
    %dma_start3A_144 = arith.constant 0 : i32
    %dma_start3A_145 = tpu.memref_slice %arg4[%add3A_139, %add3A_142, %dma_start3A_143, %dma_start3A_144] : memref<4x3200x2x384xi32, #tpu.memory_space<hbm>> -> memref<1x1x2x384xi32, #tpu.memory_space<hbm>>
    %dma_start3A_146 = tpu.memref_squeeze %dma_start3A_145 : memref<1x1x2x384xi32, #tpu.memory_space<hbm>> -> memref<2x384xi32, #tpu.memory_space<hbm>>
    %dma_start3A_147 = arith.constant 0 : i32
    %dma_start3A_148 = arith.constant 0 : i32
    %dma_start3A_149 = tpu.memref_slice %arg4[%add3A_139, %add3A_142, %dma_start3A_147, %dma_start3A_148] : memref<4x3200x2x384xi32, #tpu.memory_space<hbm>> -> memref<1x1x2x384xi32, #tpu.memory_space<hbm>>
    %dma_start3A_150 = tpu.memref_squeeze %dma_start3A_149 : memref<1x1x2x384xi32, #tpu.memory_space<hbm>> -> memref<2x384xi32, #tpu.memory_space<hbm>>
    tpu.enqueue_dma source(%dma_start3A_150 : memref<2x384xi32, #tpu.memory_space<hbm>>) target(%arg11 : memref<2x384xi32, #tpu.memory_space<vmem>>) target_semaphore(%arg19 : memref<!tpu.dma_semaphore, #tpu.memory_space<semaphore_mem>>)
    %scan3A_151 = arith.constant 0 : i32
    %scan3A_152 = arith.constant 0 : i32
    %scan3A_153 = arith.constant 50 : i32
    %scan3A_154 = arith.addi %scan3A_152, %scan3A_153 : i32
    %scan3A_155 = arith.constant 1 : i32
    scf.for %scan3A_274 = %scan3A_152 to %scan3A_154 step %scan3A_155  : i32 {
      %mul3A_275 = arith.constant 4 : i32
      %mul3A_276 = arith.muli %scan3A_274, %mul3A_275 : i32
      %add3A_277 = arith.constant 0 : i32
      %add3A_278 = arith.addi %mul3A_276, %add3A_277 : i32
      %dma_wait3A_279 = arith.constant 0 : i32
      %dma_wait3A_280 = arith.constant 0 : i32
      %dma_wait3A_281 = arith.constant 0 : i32
      %dma_wait3A_282 = tpu.memref_slice %arg4[%add3A_139, %dma_wait3A_279, %dma_wait3A_280, %dma_wait3A_281] : memref<4x3200x2x384xi32, #tpu.memory_space<hbm>> -> memref<1x1x2x384xi32, #tpu.memory_space<hbm>>
      %dma_wait3A_283 = tpu.memref_squeeze %dma_wait3A_282 : memref<1x1x2x384xi32, #tpu.memory_space<hbm>> -> memref<2x384xi32, #tpu.memory_space<hbm>>
      %dma_wait3A_284 = arith.constant 0 : i32
      %dma_wait3A_285 = arith.constant 0 : i32
      %dma_wait3A_286 = tpu.memref_slice %arg4[%add3A_139, %dma_wait3A_279, %dma_wait3A_284, %dma_wait3A_285] : memref<4x3200x2x384xi32, #tpu.memory_space<hbm>> -> memref<1x1x2x384xi32, #tpu.memory_space<hbm>>
      %dma_wait3A_287 = tpu.memref_squeeze %dma_wait3A_286 : memref<1x1x2x384xi32, #tpu.memory_space<hbm>> -> memref<2x384xi32, #tpu.memory_space<hbm>>
      tpu.wait_dma2 semaphore(%arg19 : memref<!tpu.dma_semaphore, #tpu.memory_space<semaphore_mem>>) src(%dma_wait3A_287 : memref<2x384xi32, #tpu.memory_space<hbm>>) dst(%arg11 : memref<2x384xi32, #tpu.memory_space<vmem>>)
      %dma_start3A_288 = arith.constant 0 : i32
      %dma_start3A_289 = arith.constant 0 : i32
      %dma_start3A_290 = tpu.memref_slice %arg11[%dma_start3A_288, %dma_start3A_289] : memref<2x384xi32, #tpu.memory_space<vmem>> -> memref<1x384xi32, #tpu.memory_space<vmem>>
      %dma_start3A_291 = tpu.memref_squeeze %dma_start3A_290 : memref<1x384xi32, #tpu.memory_space<vmem>> -> memref<384xi32, #tpu.memory_space<vmem>>
      %dma_start3A_292 = arith.constant 0 : i32
      %dma_start3A_293 = arith.constant 0 : i32
      %dma_start3A_294 = tpu.memref_slice %arg2[%dma_start3A_292, %dma_start3A_293] : memref<400000x16xf32, #tpu.memory_space<hbm>> -> memref<400000x16xf32, #tpu.memory_space<hbm>>
      tpu.enqueue_indirect_dma source(%dma_start3A_294 : memref<400000x16xf32, #tpu.memory_space<hbm>>) target(%arg15 : memref<384x16xf32, #tpu.memory_space<vmem>>) offsets(%dma_start3A_291 : memref<384xi32, #tpu.memory_space<vmem>>) semaphore(%arg19 : memref<!tpu.dma_semaphore, #tpu.memory_space<semaphore_mem>>)
      %ge3A = arith.constant 2 : i32
      %ge3A_295 = arith.cmpi sge, %add3A_278, %ge3A : i32
      %convert_element_type3A = arith.extui %ge3A_295 : i1 to i32
      %cond3A = arith.constant 0 : i32
      %cond3A_296 = arith.cmpi ne, %convert_element_type3A, %cond3A : i32
      scf.if %cond3A_296 {
        %dma_wait3A_419 = arith.constant 0 : i32
        %dma_wait3A_420 = arith.constant 0 : i32
        %dma_wait3A_421 = tpu.memref_slice %arg13[%dma_wait3A_419, %dma_wait3A_420] : memref<2x384xi32, #tpu.memory_space<vmem>> -> memref<1x384xi32, #tpu.memory_space<vmem>>
        %dma_wait3A_422 = tpu.memref_squeeze %dma_wait3A_421 : memref<1x384xi32, #tpu.memory_space<vmem>> -> memref<384xi32, #tpu.memory_space<vmem>>
        %dma_wait3A_423 = arith.constant 0 : i32
        %dma_wait3A_424 = arith.constant 0 : i32
        %dma_wait3A_425 = tpu.memref_slice %arg2[%dma_wait3A_423, %dma_wait3A_424] : memref<400000x16xf32, #tpu.memory_space<hbm>> -> memref<400000x16xf32, #tpu.memory_space<hbm>>
        tpu.wait_indirect_dma semaphore(%arg21 : memref<!tpu.dma_semaphore, #tpu.memory_space<semaphore_mem>>) src(%dma_wait3A_425 : memref<400000x16xf32, #tpu.memory_space<hbm>>) dst(%arg17 : memref<384x16xf32, #tpu.memory_space<vmem>>)
        %dma_start3A_426 = arith.constant 1 : i32
        %dma_start3A_427 = arith.constant 0 : i32
        %dma_start3A_428 = tpu.memref_slice %arg13[%dma_start3A_426, %dma_start3A_427] : memref<2x384xi32, #tpu.memory_space<vmem>> -> memref<1x384xi32, #tpu.memory_space<vmem>>
        %dma_start3A_429 = tpu.memref_squeeze %dma_start3A_428 : memref<1x384xi32, #tpu.memory_space<vmem>> -> memref<384xi32, #tpu.memory_space<vmem>>
        %dma_start3A_430 = arith.constant 0 : i32
        %dma_start3A_431 = arith.constant 0 : i32
        %dma_start3A_432 = tpu.memref_slice %arg10[%dma_start3A_430, %dma_start3A_431] : memref<100096x16xf32, #tpu.memory_space<vmem_shared>> -> memref<100096x16xf32, #tpu.memory_space<vmem_shared>>
        tpu.enqueue_indirect_dma source(%arg17 : memref<384x16xf32, #tpu.memory_space<vmem>>) target(%dma_start3A_432 : memref<100096x16xf32, #tpu.memory_space<vmem_shared>>) offsets(%dma_start3A_429 : memref<384xi32, #tpu.memory_space<vmem>>) semaphore(%arg25 : memref<!tpu.dma_semaphore, #tpu.memory_space<semaphore_mem>>) {add = true}
      } else {
      }
      %ge3A_297 = arith.constant 3 : i32
      %ge3A_298 = arith.cmpi sge, %add3A_278, %ge3A_297 : i32
      %convert_element_type3A_299 = arith.extui %ge3A_298 : i1 to i32
      %cond3A_300 = arith.constant 0 : i32
      %cond3A_301 = arith.cmpi ne, %convert_element_type3A_299, %cond3A_300 : i32
      scf.if %cond3A_301 {
        %dma_wait3A_419 = arith.constant 1 : i32
        %dma_wait3A_420 = arith.constant 0 : i32
        %dma_wait3A_421 = tpu.memref_slice %arg12[%dma_wait3A_419, %dma_wait3A_420] : memref<2x384xi32, #tpu.memory_space<vmem>> -> memref<1x384xi32, #tpu.memory_space<vmem>>
        %dma_wait3A_422 = tpu.memref_squeeze %dma_wait3A_421 : memref<1x384xi32, #tpu.memory_space<vmem>> -> memref<384xi32, #tpu.memory_space<vmem>>
        %dma_wait3A_423 = arith.constant 0 : i32
        %dma_wait3A_424 = arith.constant 0 : i32
        %dma_wait3A_425 = tpu.memref_slice %arg10[%dma_wait3A_423, %dma_wait3A_424] : memref<100096x16xf32, #tpu.memory_space<vmem_shared>> -> memref<100096x16xf32, #tpu.memory_space<vmem_shared>>
        tpu.wait_indirect_dma semaphore(%arg24 : memref<!tpu.dma_semaphore, #tpu.memory_space<semaphore_mem>>) src(%arg16 : memref<384x16xf32, #tpu.memory_space<vmem>>) dst(%dma_wait3A_425 : memref<100096x16xf32, #tpu.memory_space<vmem_shared>>)
      } else {
      }
      %add3A_302 = arith.constant 1 : i32
      %add3A_303 = arith.addi %add3A_278, %add3A_302 : i32
      %lt3A = arith.constant 200 : i32
      %lt3A_304 = arith.cmpi slt, %add3A_303, %lt3A : i32
      %convert_element_type3A_305 = arith.extui %lt3A_304 : i1 to i32
      %cond3A_306 = arith.constant 0 : i32
      %cond3A_307 = arith.cmpi ne, %convert_element_type3A_305, %cond3A_306 : i32
      scf.if %cond3A_307 {
        %add3A_419 = arith.constant 1 : i32
        %add3A_420 = arith.addi %add3A_278, %add3A_419 : i32
        %add3A_421 = arith.addi %mul3A_2, %add3A_420 : i32
        %dma_start3A_422 = arith.constant 0 : i32
        %dma_start3A_423 = arith.constant 0 : i32
        %dma_start3A_424 = tpu.memref_slice %arg4[%add3A_139, %add3A_421, %dma_start3A_422, %dma_start3A_423] : memref<4x3200x2x384xi32, #tpu.memory_space<hbm>> -> memref<1x1x2x384xi32, #tpu.memory_space<hbm>>
        %dma_start3A_425 = tpu.memref_squeeze %dma_start3A_424 : memref<1x1x2x384xi32, #tpu.memory_space<hbm>> -> memref<2x384xi32, #tpu.memory_space<hbm>>
        %dma_start3A_426 = arith.constant 0 : i32
        %dma_start3A_427 = arith.constant 0 : i32
        %dma_start3A_428 = tpu.memref_slice %arg4[%add3A_139, %add3A_421, %dma_start3A_426, %dma_start3A_427] : memref<4x3200x2x384xi32, #tpu.memory_space<hbm>> -> memref<1x1x2x384xi32, #tpu.memory_space<hbm>>
        %dma_start3A_429 = tpu.memref_squeeze %dma_start3A_428 : memref<1x1x2x384xi32, #tpu.memory_space<hbm>> -> memref<2x384xi32, #tpu.memory_space<hbm>>
        tpu.enqueue_dma source(%dma_start3A_429 : memref<2x384xi32, #tpu.memory_space<hbm>>) target(%arg12 : memref<2x384xi32, #tpu.memory_space<vmem>>) target_semaphore(%arg20 : memref<!tpu.dma_semaphore, #tpu.memory_space<semaphore_mem>>)
      } else {
      }
      %mul3A_308 = arith.constant 4 : i32
      %mul3A_309 = arith.muli %scan3A_274, %mul3A_308 : i32
      %add3A_310 = arith.constant 1 : i32
      %add3A_311 = arith.addi %mul3A_309, %add3A_310 : i32
      %dma_wait3A_312 = arith.constant 0 : i32
      %dma_wait3A_313 = arith.constant 0 : i32
      %dma_wait3A_314 = arith.constant 0 : i32
      %dma_wait3A_315 = tpu.memref_slice %arg4[%add3A_139, %dma_wait3A_312, %dma_wait3A_313, %dma_wait3A_314] : memref<4x3200x2x384xi32, #tpu.memory_space<hbm>> -> memref<1x1x2x384xi32, #tpu.memory_space<hbm>>
      %dma_wait3A_316 = tpu.memref_squeeze %dma_wait3A_315 : memref<1x1x2x384xi32, #tpu.memory_space<hbm>> -> memref<2x384xi32, #tpu.memory_space<hbm>>
      %dma_wait3A_317 = arith.constant 0 : i32
      %dma_wait3A_318 = arith.constant 0 : i32
      %dma_wait3A_319 = tpu.memref_slice %arg4[%add3A_139, %dma_wait3A_312, %dma_wait3A_317, %dma_wait3A_318] : memref<4x3200x2x384xi32, #tpu.memory_space<hbm>> -> memref<1x1x2x384xi32, #tpu.memory_space<hbm>>
      %dma_wait3A_320 = tpu.memref_squeeze %dma_wait3A_319 : memref<1x1x2x384xi32, #tpu.memory_space<hbm>> -> memref<2x384xi32, #tpu.memory_space<hbm>>
      tpu.wait_dma2 semaphore(%arg20 : memref<!tpu.dma_semaphore, #tpu.memory_space<semaphore_mem>>) src(%dma_wait3A_320 : memref<2x384xi32, #tpu.memory_space<hbm>>) dst(%arg12 : memref<2x384xi32, #tpu.memory_space<vmem>>)
      %dma_start3A_321 = arith.constant 0 : i32
      %dma_start3A_322 = arith.constant 0 : i32
      %dma_start3A_323 = tpu.memref_slice %arg12[%dma_start3A_321, %dma_start3A_322] : memref<2x384xi32, #tpu.memory_space<vmem>> -> memref<1x384xi32, #tpu.memory_space<vmem>>
      %dma_start3A_324 = tpu.memref_squeeze %dma_start3A_323 : memref<1x384xi32, #tpu.memory_space<vmem>> -> memref<384xi32, #tpu.memory_space<vmem>>
      %dma_start3A_325 = arith.constant 0 : i32
      %dma_start3A_326 = arith.constant 0 : i32
      %dma_start3A_327 = tpu.memref_slice %arg2[%dma_start3A_325, %dma_start3A_326] : memref<400000x16xf32, #tpu.memory_space<hbm>> -> memref<400000x16xf32, #tpu.memory_space<hbm>>
      tpu.enqueue_indirect_dma source(%dma_start3A_327 : memref<400000x16xf32, #tpu.memory_space<hbm>>) target(%arg16 : memref<384x16xf32, #tpu.memory_space<vmem>>) offsets(%dma_start3A_324 : memref<384xi32, #tpu.memory_space<vmem>>) semaphore(%arg20 : memref<!tpu.dma_semaphore, #tpu.memory_space<semaphore_mem>>)
      %ge3A_328 = arith.constant 2 : i32
      %ge3A_329 = arith.cmpi sge, %add3A_311, %ge3A_328 : i32
      %convert_element_type3A_330 = arith.extui %ge3A_329 : i1 to i32
      %cond3A_331 = arith.constant 0 : i32
      %cond3A_332 = arith.cmpi ne, %convert_element_type3A_330, %cond3A_331 : i32
      scf.if %cond3A_332 {
        %dma_wait3A_419 = arith.constant 0 : i32
        %dma_wait3A_420 = arith.constant 0 : i32
        %dma_wait3A_421 = tpu.memref_slice %arg14[%dma_wait3A_419, %dma_wait3A_420] : memref<2x384xi32, #tpu.memory_space<vmem>> -> memref<1x384xi32, #tpu.memory_space<vmem>>
        %dma_wait3A_422 = tpu.memref_squeeze %dma_wait3A_421 : memref<1x384xi32, #tpu.memory_space<vmem>> -> memref<384xi32, #tpu.memory_space<vmem>>
        %dma_wait3A_423 = arith.constant 0 : i32
        %dma_wait3A_424 = arith.constant 0 : i32
        %dma_wait3A_425 = tpu.memref_slice %arg2[%dma_wait3A_423, %dma_wait3A_424] : memref<400000x16xf32, #tpu.memory_space<hbm>> -> memref<400000x16xf32, #tpu.memory_space<hbm>>
        tpu.wait_indirect_dma semaphore(%arg22 : memref<!tpu.dma_semaphore, #tpu.memory_space<semaphore_mem>>) src(%dma_wait3A_425 : memref<400000x16xf32, #tpu.memory_space<hbm>>) dst(%arg18 : memref<384x16xf32, #tpu.memory_space<vmem>>)
        %dma_start3A_426 = arith.constant 1 : i32
        %dma_start3A_427 = arith.constant 0 : i32
        %dma_start3A_428 = tpu.memref_slice %arg14[%dma_start3A_426, %dma_start3A_427] : memref<2x384xi32, #tpu.memory_space<vmem>> -> memref<1x384xi32, #tpu.memory_space<vmem>>
        %dma_start3A_429 = tpu.memref_squeeze %dma_start3A_428 : memref<1x384xi32, #tpu.memory_space<vmem>> -> memref<384xi32, #tpu.memory_space<vmem>>
        %dma_start3A_430 = arith.constant 0 : i32
        %dma_start3A_431 = arith.constant 0 : i32
        %dma_start3A_432 = tpu.memref_slice %arg10[%dma_start3A_430, %dma_start3A_431] : memref<100096x16xf32, #tpu.memory_space<vmem_shared>> -> memref<100096x16xf32, #tpu.memory_space<vmem_shared>>
        tpu.enqueue_indirect_dma source(%arg18 : memref<384x16xf32, #tpu.memory_space<vmem>>) target(%dma_start3A_432 : memref<100096x16xf32, #tpu.memory_space<vmem_shared>>) offsets(%dma_start3A_429 : memref<384xi32, #tpu.memory_space<vmem>>) semaphore(%arg26 : memref<!tpu.dma_semaphore, #tpu.memory_space<semaphore_mem>>) {add = true}
      } else {
      }
      %ge3A_333 = arith.constant 3 : i32
      %ge3A_334 = arith.cmpi sge, %add3A_311, %ge3A_333 : i32
      %convert_element_type3A_335 = arith.extui %ge3A_334 : i1 to i32
      %cond3A_336 = arith.constant 0 : i32
      %cond3A_337 = arith.cmpi ne, %convert_element_type3A_335, %cond3A_336 : i32
      scf.if %cond3A_337 {
        %dma_wait3A_419 = arith.constant 1 : i32
        %dma_wait3A_420 = arith.constant 0 : i32
        %dma_wait3A_421 = tpu.memref_slice %arg13[%dma_wait3A_419, %dma_wait3A_420] : memref<2x384xi32, #tpu.memory_space<vmem>> -> memref<1x384xi32, #tpu.memory_space<vmem>>
        %dma_wait3A_422 = tpu.memref_squeeze %dma_wait3A_421 : memref<1x384xi32, #tpu.memory_space<vmem>> -> memref<384xi32, #tpu.memory_space<vmem>>
        %dma_wait3A_423 = arith.constant 0 : i32
        %dma_wait3A_424 = arith.constant 0 : i32
        %dma_wait3A_425 = tpu.memref_slice %arg10[%dma_wait3A_423, %dma_wait3A_424] : memref<100096x16xf32, #tpu.memory_space<vmem_shared>> -> memref<100096x16xf32, #tpu.memory_space<vmem_shared>>
        tpu.wait_indirect_dma semaphore(%arg25 : memref<!tpu.dma_semaphore, #tpu.memory_space<semaphore_mem>>) src(%arg17 : memref<384x16xf32, #tpu.memory_space<vmem>>) dst(%dma_wait3A_425 : memref<100096x16xf32, #tpu.memory_space<vmem_shared>>)
      } else {
      }
      %add3A_338 = arith.constant 1 : i32
      %add3A_339 = arith.addi %add3A_311, %add3A_338 : i32
      %lt3A_340 = arith.constant 200 : i32
      %lt3A_341 = arith.cmpi slt, %add3A_339, %lt3A_340 : i32
      %convert_element_type3A_342 = arith.extui %lt3A_341 : i1 to i32
      %cond3A_343 = arith.constant 0 : i32
      %cond3A_344 = arith.cmpi ne, %convert_element_type3A_342, %cond3A_343 : i32
      scf.if %cond3A_344 {
        %add3A_419 = arith.constant 1 : i32
        %add3A_420 = arith.addi %add3A_311, %add3A_419 : i32
        %add3A_421 = arith.addi %mul3A_2, %add3A_420 : i32
        %dma_start3A_422 = arith.constant 0 : i32
        %dma_start3A_423 = arith.constant 0 : i32
        %dma_start3A_424 = tpu.memref_slice %arg4[%add3A_139, %add3A_421, %dma_start3A_422, %dma_start3A_423] : memref<4x3200x2x384xi32, #tpu.memory_space<hbm>> -> memref<1x1x2x384xi32, #tpu.memory_space<hbm>>
        %dma_start3A_425 = tpu.memref_squeeze %dma_start3A_424 : memref<1x1x2x384xi32, #tpu.memory_space<hbm>> -> memref<2x384xi32, #tpu.memory_space<hbm>>
        %dma_start3A_426 = arith.constant 0 : i32
        %dma_start3A_427 = arith.constant 0 : i32
        %dma_start3A_428 = tpu.memref_slice %arg4[%add3A_139, %add3A_421, %dma_start3A_426, %dma_start3A_427] : memref<4x3200x2x384xi32, #tpu.memory_space<hbm>> -> memref<1x1x2x384xi32, #tpu.memory_space<hbm>>
        %dma_start3A_429 = tpu.memref_squeeze %dma_start3A_428 : memref<1x1x2x384xi32, #tpu.memory_space<hbm>> -> memref<2x384xi32, #tpu.memory_space<hbm>>
        tpu.enqueue_dma source(%dma_start3A_429 : memref<2x384xi32, #tpu.memory_space<hbm>>) target(%arg13 : memref<2x384xi32, #tpu.memory_space<vmem>>) target_semaphore(%arg21 : memref<!tpu.dma_semaphore, #tpu.memory_space<semaphore_mem>>)
      } else {
      }
      %mul3A_345 = arith.constant 4 : i32
      %mul3A_346 = arith.muli %scan3A_274, %mul3A_345 : i32
      %add3A_347 = arith.constant 2 : i32
      %add3A_348 = arith.addi %mul3A_346, %add3A_347 : i32
      %dma_wait3A_349 = arith.constant 0 : i32
      %dma_wait3A_350 = arith.constant 0 : i32
      %dma_wait3A_351 = arith.constant 0 : i32
      %dma_wait3A_352 = tpu.memref_slice %arg4[%add3A_139, %dma_wait3A_349, %dma_wait3A_350, %dma_wait3A_351] : memref<4x3200x2x384xi32, #tpu.memory_space<hbm>> -> memref<1x1x2x384xi32, #tpu.memory_space<hbm>>
      %dma_wait3A_353 = tpu.memref_squeeze %dma_wait3A_352 : memref<1x1x2x384xi32, #tpu.memory_space<hbm>> -> memref<2x384xi32, #tpu.memory_space<hbm>>
      %dma_wait3A_354 = arith.constant 0 : i32
      %dma_wait3A_355 = arith.constant 0 : i32
      %dma_wait3A_356 = tpu.memref_slice %arg4[%add3A_139, %dma_wait3A_349, %dma_wait3A_354, %dma_wait3A_355] : memref<4x3200x2x384xi32, #tpu.memory_space<hbm>> -> memref<1x1x2x384xi32, #tpu.memory_space<hbm>>
      %dma_wait3A_357 = tpu.memref_squeeze %dma_wait3A_356 : memref<1x1x2x384xi32, #tpu.memory_space<hbm>> -> memref<2x384xi32, #tpu.memory_space<hbm>>
      tpu.wait_dma2 semaphore(%arg21 : memref<!tpu.dma_semaphore, #tpu.memory_space<semaphore_mem>>) src(%dma_wait3A_357 : memref<2x384xi32, #tpu.memory_space<hbm>>) dst(%arg13 : memref<2x384xi32, #tpu.memory_space<vmem>>)
      %dma_start3A_358 = arith.constant 0 : i32
      %dma_start3A_359 = arith.constant 0 : i32
      %dma_start3A_360 = tpu.memref_slice %arg13[%dma_start3A_358, %dma_start3A_359] : memref<2x384xi32, #tpu.memory_space<vmem>> -> memref<1x384xi32, #tpu.memory_space<vmem>>
      %dma_start3A_361 = tpu.memref_squeeze %dma_start3A_360 : memref<1x384xi32, #tpu.memory_space<vmem>> -> memref<384xi32, #tpu.memory_space<vmem>>
      %dma_start3A_362 = arith.constant 0 : i32
      %dma_start3A_363 = arith.constant 0 : i32
      %dma_start3A_364 = tpu.memref_slice %arg2[%dma_start3A_362, %dma_start3A_363] : memref<400000x16xf32, #tpu.memory_space<hbm>> -> memref<400000x16xf32, #tpu.memory_space<hbm>>
      tpu.enqueue_indirect_dma source(%dma_start3A_364 : memref<400000x16xf32, #tpu.memory_space<hbm>>) target(%arg17 : memref<384x16xf32, #tpu.memory_space<vmem>>) offsets(%dma_start3A_361 : memref<384xi32, #tpu.memory_space<vmem>>) semaphore(%arg21 : memref<!tpu.dma_semaphore, #tpu.memory_space<semaphore_mem>>)
      %ge3A_365 = arith.constant 2 : i32
      %ge3A_366 = arith.cmpi sge, %add3A_348, %ge3A_365 : i32
      %convert_element_type3A_367 = arith.extui %ge3A_366 : i1 to i32
      %cond3A_368 = arith.constant 0 : i32
      %cond3A_369 = arith.cmpi ne, %convert_element_type3A_367, %cond3A_368 : i32
      scf.if %cond3A_369 {
        %dma_wait3A_419 = arith.constant 0 : i32
        %dma_wait3A_420 = arith.constant 0 : i32
        %dma_wait3A_421 = tpu.memref_slice %arg11[%dma_wait3A_419, %dma_wait3A_420] : memref<2x384xi32, #tpu.memory_space<vmem>> -> memref<1x384xi32, #tpu.memory_space<vmem>>
        %dma_wait3A_422 = tpu.memref_squeeze %dma_wait3A_421 : memref<1x384xi32, #tpu.memory_space<vmem>> -> memref<384xi32, #tpu.memory_space<vmem>>
        %dma_wait3A_423 = arith.constant 0 : i32
        %dma_wait3A_424 = arith.constant 0 : i32
        %dma_wait3A_425 = tpu.memref_slice %arg2[%dma_wait3A_423, %dma_wait3A_424] : memref<400000x16xf32, #tpu.memory_space<hbm>> -> memref<400000x16xf32, #tpu.memory_space<hbm>>
        tpu.wait_indirect_dma semaphore(%arg19 : memref<!tpu.dma_semaphore, #tpu.memory_space<semaphore_mem>>) src(%dma_wait3A_425 : memref<400000x16xf32, #tpu.memory_space<hbm>>) dst(%arg15 : memref<384x16xf32, #tpu.memory_space<vmem>>)
        %dma_start3A_426 = arith.constant 1 : i32
        %dma_start3A_427 = arith.constant 0 : i32
        %dma_start3A_428 = tpu.memref_slice %arg11[%dma_start3A_426, %dma_start3A_427] : memref<2x384xi32, #tpu.memory_space<vmem>> -> memref<1x384xi32, #tpu.memory_space<vmem>>
        %dma_start3A_429 = tpu.memref_squeeze %dma_start3A_428 : memref<1x384xi32, #tpu.memory_space<vmem>> -> memref<384xi32, #tpu.memory_space<vmem>>
        %dma_start3A_430 = arith.constant 0 : i32
        %dma_start3A_431 = arith.constant 0 : i32
        %dma_start3A_432 = tpu.memref_slice %arg10[%dma_start3A_430, %dma_start3A_431] : memref<100096x16xf32, #tpu.memory_space<vmem_shared>> -> memref<100096x16xf32, #tpu.memory_space<vmem_shared>>
        tpu.enqueue_indirect_dma source(%arg15 : memref<384x16xf32, #tpu.memory_space<vmem>>) target(%dma_start3A_432 : memref<100096x16xf32, #tpu.memory_space<vmem_shared>>) offsets(%dma_start3A_429 : memref<384xi32, #tpu.memory_space<vmem>>) semaphore(%arg23 : memref<!tpu.dma_semaphore, #tpu.memory_space<semaphore_mem>>) {add = true}
      } else {
      }
      %ge3A_370 = arith.constant 3 : i32
      %ge3A_371 = arith.cmpi sge, %add3A_348, %ge3A_370 : i32
      %convert_element_type3A_372 = arith.extui %ge3A_371 : i1 to i32
      %cond3A_373 = arith.constant 0 : i32
      %cond3A_374 = arith.cmpi ne, %convert_element_type3A_372, %cond3A_373 : i32
      scf.if %cond3A_374 {
        %dma_wait3A_419 = arith.constant 1 : i32
        %dma_wait3A_420 = arith.constant 0 : i32
        %dma_wait3A_421 = tpu.memref_slice %arg14[%dma_wait3A_419, %dma_wait3A_420] : memref<2x384xi32, #tpu.memory_space<vmem>> -> memref<1x384xi32, #tpu.memory_space<vmem>>
        %dma_wait3A_422 = tpu.memref_squeeze %dma_wait3A_421 : memref<1x384xi32, #tpu.memory_space<vmem>> -> memref<384xi32, #tpu.memory_space<vmem>>
        %dma_wait3A_423 = arith.constant 0 : i32
        %dma_wait3A_424 = arith.constant 0 : i32
        %dma_wait3A_425 = tpu.memref_slice %arg10[%dma_wait3A_423, %dma_wait3A_424] : memref<100096x16xf32, #tpu.memory_space<vmem_shared>> -> memref<100096x16xf32, #tpu.memory_space<vmem_shared>>
        tpu.wait_indirect_dma semaphore(%arg26 : memref<!tpu.dma_semaphore, #tpu.memory_space<semaphore_mem>>) src(%arg18 : memref<384x16xf32, #tpu.memory_space<vmem>>) dst(%dma_wait3A_425 : memref<100096x16xf32, #tpu.memory_space<vmem_shared>>)
      } else {
      }
      %add3A_375 = arith.constant 1 : i32
      %add3A_376 = arith.addi %add3A_348, %add3A_375 : i32
      %lt3A_377 = arith.constant 200 : i32
      %lt3A_378 = arith.cmpi slt, %add3A_376, %lt3A_377 : i32
      %convert_element_type3A_379 = arith.extui %lt3A_378 : i1 to i32
      %cond3A_380 = arith.constant 0 : i32
      %cond3A_381 = arith.cmpi ne, %convert_element_type3A_379, %cond3A_380 : i32
      scf.if %cond3A_381 {
        %add3A_419 = arith.constant 1 : i32
        %add3A_420 = arith.addi %add3A_348, %add3A_419 : i32
        %add3A_421 = arith.addi %mul3A_2, %add3A_420 : i32
        %dma_start3A_422 = arith.constant 0 : i32
        %dma_start3A_423 = arith.constant 0 : i32
        %dma_start3A_424 = tpu.memref_slice %arg4[%add3A_139, %add3A_421, %dma_start3A_422, %dma_start3A_423] : memref<4x3200x2x384xi32, #tpu.memory_space<hbm>> -> memref<1x1x2x384xi32, #tpu.memory_space<hbm>>
        %dma_start3A_425 = tpu.memref_squeeze %dma_start3A_424 : memref<1x1x2x384xi32, #tpu.memory_space<hbm>> -> memref<2x384xi32, #tpu.memory_space<hbm>>
        %dma_start3A_426 = arith.constant 0 : i32
        %dma_start3A_427 = arith.constant 0 : i32
        %dma_start3A_428 = tpu.memref_slice %arg4[%add3A_139, %add3A_421, %dma_start3A_426, %dma_start3A_427] : memref<4x3200x2x384xi32, #tpu.memory_space<hbm>> -> memref<1x1x2x384xi32, #tpu.memory_space<hbm>>
        %dma_start3A_429 = tpu.memref_squeeze %dma_start3A_428 : memref<1x1x2x384xi32, #tpu.memory_space<hbm>> -> memref<2x384xi32, #tpu.memory_space<hbm>>
        tpu.enqueue_dma source(%dma_start3A_429 : memref<2x384xi32, #tpu.memory_space<hbm>>) target(%arg14 : memref<2x384xi32, #tpu.memory_space<vmem>>) target_semaphore(%arg22 : memref<!tpu.dma_semaphore, #tpu.memory_space<semaphore_mem>>)
      } else {
      }
      %mul3A_382 = arith.constant 4 : i32
      %mul3A_383 = arith.muli %scan3A_274, %mul3A_382 : i32
      %add3A_384 = arith.constant 3 : i32
      %add3A_385 = arith.addi %mul3A_383, %add3A_384 : i32
      %dma_wait3A_386 = arith.constant 0 : i32
      %dma_wait3A_387 = arith.constant 0 : i32
      %dma_wait3A_388 = arith.constant 0 : i32
      %dma_wait3A_389 = tpu.memref_slice %arg4[%add3A_139, %dma_wait3A_386, %dma_wait3A_387, %dma_wait3A_388] : memref<4x3200x2x384xi32, #tpu.memory_space<hbm>> -> memref<1x1x2x384xi32, #tpu.memory_space<hbm>>
      %dma_wait3A_390 = tpu.memref_squeeze %dma_wait3A_389 : memref<1x1x2x384xi32, #tpu.memory_space<hbm>> -> memref<2x384xi32, #tpu.memory_space<hbm>>
      %dma_wait3A_391 = arith.constant 0 : i32
      %dma_wait3A_392 = arith.constant 0 : i32
      %dma_wait3A_393 = tpu.memref_slice %arg4[%add3A_139, %dma_wait3A_386, %dma_wait3A_391, %dma_wait3A_392] : memref<4x3200x2x384xi32, #tpu.memory_space<hbm>> -> memref<1x1x2x384xi32, #tpu.memory_space<hbm>>
      %dma_wait3A_394 = tpu.memref_squeeze %dma_wait3A_393 : memref<1x1x2x384xi32, #tpu.memory_space<hbm>> -> memref<2x384xi32, #tpu.memory_space<hbm>>
      tpu.wait_dma2 semaphore(%arg22 : memref<!tpu.dma_semaphore, #tpu.memory_space<semaphore_mem>>) src(%dma_wait3A_394 : memref<2x384xi32, #tpu.memory_space<hbm>>) dst(%arg14 : memref<2x384xi32, #tpu.memory_space<vmem>>)
      %dma_start3A_395 = arith.constant 0 : i32
      %dma_start3A_396 = arith.constant 0 : i32
      %dma_start3A_397 = tpu.memref_slice %arg14[%dma_start3A_395, %dma_start3A_396] : memref<2x384xi32, #tpu.memory_space<vmem>> -> memref<1x384xi32, #tpu.memory_space<vmem>>
      %dma_start3A_398 = tpu.memref_squeeze %dma_start3A_397 : memref<1x384xi32, #tpu.memory_space<vmem>> -> memref<384xi32, #tpu.memory_space<vmem>>
      %dma_start3A_399 = arith.constant 0 : i32
      %dma_start3A_400 = arith.constant 0 : i32
      %dma_start3A_401 = tpu.memref_slice %arg2[%dma_start3A_399, %dma_start3A_400] : memref<400000x16xf32, #tpu.memory_space<hbm>> -> memref<400000x16xf32, #tpu.memory_space<hbm>>
      tpu.enqueue_indirect_dma source(%dma_start3A_401 : memref<400000x16xf32, #tpu.memory_space<hbm>>) target(%arg18 : memref<384x16xf32, #tpu.memory_space<vmem>>) offsets(%dma_start3A_398 : memref<384xi32, #tpu.memory_space<vmem>>) semaphore(%arg22 : memref<!tpu.dma_semaphore, #tpu.memory_space<semaphore_mem>>)
      %ge3A_402 = arith.constant 2 : i32
      %ge3A_403 = arith.cmpi sge, %add3A_385, %ge3A_402 : i32
      %convert_element_type3A_404 = arith.extui %ge3A_403 : i1 to i32
      %cond3A_405 = arith.constant 0 : i32
      %cond3A_406 = arith.cmpi ne, %convert_element_type3A_404, %cond3A_405 : i32
      scf.if %cond3A_406 {
        %dma_wait3A_419 = arith.constant 0 : i32
        %dma_wait3A_420 = arith.constant 0 : i32
        %dma_wait3A_421 = tpu.memref_slice %arg12[%dma_wait3A_419, %dma_wait3A_420] : memref<2x384xi32, #tpu.memory_space<vmem>> -> memref<1x384xi32, #tpu.memory_space<vmem>>
        %dma_wait3A_422 = tpu.memref_squeeze %dma_wait3A_421 : memref<1x384xi32, #tpu.memory_space<vmem>> -> memref<384xi32, #tpu.memory_space<vmem>>
        %dma_wait3A_423 = arith.constant 0 : i32
        %dma_wait3A_424 = arith.constant 0 : i32
        %dma_wait3A_425 = tpu.memref_slice %arg2[%dma_wait3A_423, %dma_wait3A_424] : memref<400000x16xf32, #tpu.memory_space<hbm>> -> memref<400000x16xf32, #tpu.memory_space<hbm>>
        tpu.wait_indirect_dma semaphore(%arg20 : memref<!tpu.dma_semaphore, #tpu.memory_space<semaphore_mem>>) src(%dma_wait3A_425 : memref<400000x16xf32, #tpu.memory_space<hbm>>) dst(%arg16 : memref<384x16xf32, #tpu.memory_space<vmem>>)
        %dma_start3A_426 = arith.constant 1 : i32
        %dma_start3A_427 = arith.constant 0 : i32
        %dma_start3A_428 = tpu.memref_slice %arg12[%dma_start3A_426, %dma_start3A_427] : memref<2x384xi32, #tpu.memory_space<vmem>> -> memref<1x384xi32, #tpu.memory_space<vmem>>
        %dma_start3A_429 = tpu.memref_squeeze %dma_start3A_428 : memref<1x384xi32, #tpu.memory_space<vmem>> -> memref<384xi32, #tpu.memory_space<vmem>>
        %dma_start3A_430 = arith.constant 0 : i32
        %dma_start3A_431 = arith.constant 0 : i32
        %dma_start3A_432 = tpu.memref_slice %arg10[%dma_start3A_430, %dma_start3A_431] : memref<100096x16xf32, #tpu.memory_space<vmem_shared>> -> memref<100096x16xf32, #tpu.memory_space<vmem_shared>>
        tpu.enqueue_indirect_dma source(%arg16 : memref<384x16xf32, #tpu.memory_space<vmem>>) target(%dma_start3A_432 : memref<100096x16xf32, #tpu.memory_space<vmem_shared>>) offsets(%dma_start3A_429 : memref<384xi32, #tpu.memory_space<vmem>>) semaphore(%arg24 : memref<!tpu.dma_semaphore, #tpu.memory_space<semaphore_mem>>) {add = true}
      } else {
      }
      %ge3A_407 = arith.constant 3 : i32
      %ge3A_408 = arith.cmpi sge, %add3A_385, %ge3A_407 : i32
      %convert_element_type3A_409 = arith.extui %ge3A_408 : i1 to i32
      %cond3A_410 = arith.constant 0 : i32
      %cond3A_411 = arith.cmpi ne, %convert_element_type3A_409, %cond3A_410 : i32
      scf.if %cond3A_411 {
        %dma_wait3A_419 = arith.constant 1 : i32
        %dma_wait3A_420 = arith.constant 0 : i32
        %dma_wait3A_421 = tpu.memref_slice %arg11[%dma_wait3A_419, %dma_wait3A_420] : memref<2x384xi32, #tpu.memory_space<vmem>> -> memref<1x384xi32, #tpu.memory_space<vmem>>
        %dma_wait3A_422 = tpu.memref_squeeze %dma_wait3A_421 : memref<1x384xi32, #tpu.memory_space<vmem>> -> memref<384xi32, #tpu.memory_space<vmem>>
        %dma_wait3A_423 = arith.constant 0 : i32
        %dma_wait3A_424 = arith.constant 0 : i32
        %dma_wait3A_425 = tpu.memref_slice %arg10[%dma_wait3A_423, %dma_wait3A_424] : memref<100096x16xf32, #tpu.memory_space<vmem_shared>> -> memref<100096x16xf32, #tpu.memory_space<vmem_shared>>
        tpu.wait_indirect_dma semaphore(%arg23 : memref<!tpu.dma_semaphore, #tpu.memory_space<semaphore_mem>>) src(%arg15 : memref<384x16xf32, #tpu.memory_space<vmem>>) dst(%dma_wait3A_425 : memref<100096x16xf32, #tpu.memory_space<vmem_shared>>)
      } else {
      }
      %add3A_412 = arith.constant 1 : i32
      %add3A_413 = arith.addi %add3A_385, %add3A_412 : i32
      %lt3A_414 = arith.constant 200 : i32
      %lt3A_415 = arith.cmpi slt, %add3A_413, %lt3A_414 : i32
      %convert_element_type3A_416 = arith.extui %lt3A_415 : i1 to i32
      %cond3A_417 = arith.constant 0 : i32
      %cond3A_418 = arith.cmpi ne, %convert_element_type3A_416, %cond3A_417 : i32
      scf.if %cond3A_418 {
        %add3A_419 = arith.constant 1 : i32
        %add3A_420 = arith.addi %add3A_385, %add3A_419 : i32
        %add3A_421 = arith.addi %mul3A_2, %add3A_420 : i32
        %dma_start3A_422 = arith.constant 0 : i32
        %dma_start3A_423 = arith.constant 0 : i32
        %dma_start3A_424 = tpu.memref_slice %arg4[%add3A_139, %add3A_421, %dma_start3A_422, %dma_start3A_423] : memref<4x3200x2x384xi32, #tpu.memory_space<hbm>> -> memref<1x1x2x384xi32, #tpu.memory_space<hbm>>
        %dma_start3A_425 = tpu.memref_squeeze %dma_start3A_424 : memref<1x1x2x384xi32, #tpu.memory_space<hbm>> -> memref<2x384xi32, #tpu.memory_space<hbm>>
        %dma_start3A_426 = arith.constant 0 : i32
        %dma_start3A_427 = arith.constant 0 : i32
        %dma_start3A_428 = tpu.memref_slice %arg4[%add3A_139, %add3A_421, %dma_start3A_426, %dma_start3A_427] : memref<4x3200x2x384xi32, #tpu.memory_space<hbm>> -> memref<1x1x2x384xi32, #tpu.memory_space<hbm>>
        %dma_start3A_429 = tpu.memref_squeeze %dma_start3A_428 : memref<1x1x2x384xi32, #tpu.memory_space<hbm>> -> memref<2x384xi32, #tpu.memory_space<hbm>>
        tpu.enqueue_dma source(%dma_start3A_429 : memref<2x384xi32, #tpu.memory_space<hbm>>) target(%arg11 : memref<2x384xi32, #tpu.memory_space<vmem>>) target_semaphore(%arg19 : memref<!tpu.dma_semaphore, #tpu.memory_space<semaphore_mem>>)
      } else {
      }
    }
    %scan3A_156 = arith.constant 50 : i32
    %dma_wait3A_157 = arith.constant 0 : i32
    %dma_wait3A_158 = arith.constant 0 : i32
    %dma_wait3A_159 = tpu.memref_slice %arg13[%dma_wait3A_157, %dma_wait3A_158] : memref<2x384xi32, #tpu.memory_space<vmem>> -> memref<1x384xi32, #tpu.memory_space<vmem>>
    %dma_wait3A_160 = tpu.memref_squeeze %dma_wait3A_159 : memref<1x384xi32, #tpu.memory_space<vmem>> -> memref<384xi32, #tpu.memory_space<vmem>>
    %dma_wait3A_161 = arith.constant 0 : i32
    %dma_wait3A_162 = arith.constant 0 : i32
    %dma_wait3A_163 = tpu.memref_slice %arg2[%dma_wait3A_161, %dma_wait3A_162] : memref<400000x16xf32, #tpu.memory_space<hbm>> -> memref<400000x16xf32, #tpu.memory_space<hbm>>
    tpu.wait_indirect_dma semaphore(%arg21 : memref<!tpu.dma_semaphore, #tpu.memory_space<semaphore_mem>>) src(%dma_wait3A_163 : memref<400000x16xf32, #tpu.memory_space<hbm>>) dst(%arg17 : memref<384x16xf32, #tpu.memory_space<vmem>>)
    %dma_start3A_164 = arith.constant 1 : i32
    %dma_start3A_165 = arith.constant 0 : i32
    %dma_start3A_166 = tpu.memref_slice %arg13[%dma_start3A_164, %dma_start3A_165] : memref<2x384xi32, #tpu.memory_space<vmem>> -> memref<1x384xi32, #tpu.memory_space<vmem>>
    %dma_start3A_167 = tpu.memref_squeeze %dma_start3A_166 : memref<1x384xi32, #tpu.memory_space<vmem>> -> memref<384xi32, #tpu.memory_space<vmem>>
    %dma_start3A_168 = arith.constant 0 : i32
    %dma_start3A_169 = arith.constant 0 : i32
    %dma_start3A_170 = tpu.memref_slice %arg10[%dma_start3A_168, %dma_start3A_169] : memref<100096x16xf32, #tpu.memory_space<vmem_shared>> -> memref<100096x16xf32, #tpu.memory_space<vmem_shared>>
    tpu.enqueue_indirect_dma source(%arg17 : memref<384x16xf32, #tpu.memory_space<vmem>>) target(%dma_start3A_170 : memref<100096x16xf32, #tpu.memory_space<vmem_shared>>) offsets(%dma_start3A_167 : memref<384xi32, #tpu.memory_space<vmem>>) semaphore(%arg25 : memref<!tpu.dma_semaphore, #tpu.memory_space<semaphore_mem>>) {add = true}
    %dma_wait3A_171 = arith.constant 0 : i32
    %dma_wait3A_172 = arith.constant 0 : i32
    %dma_wait3A_173 = tpu.memref_slice %arg14[%dma_wait3A_171, %dma_wait3A_172] : memref<2x384xi32, #tpu.memory_space<vmem>> -> memref<1x384xi32, #tpu.memory_space<vmem>>
    %dma_wait3A_174 = tpu.memref_squeeze %dma_wait3A_173 : memref<1x384xi32, #tpu.memory_space<vmem>> -> memref<384xi32, #tpu.memory_space<vmem>>
    %dma_wait3A_175 = arith.constant 0 : i32
    %dma_wait3A_176 = arith.constant 0 : i32
    %dma_wait3A_177 = tpu.memref_slice %arg2[%dma_wait3A_175, %dma_wait3A_176] : memref<400000x16xf32, #tpu.memory_space<hbm>> -> memref<400000x16xf32, #tpu.memory_space<hbm>>
    tpu.wait_indirect_dma semaphore(%arg22 : memref<!tpu.dma_semaphore, #tpu.memory_space<semaphore_mem>>) src(%dma_wait3A_177 : memref<400000x16xf32, #tpu.memory_space<hbm>>) dst(%arg18 : memref<384x16xf32, #tpu.memory_space<vmem>>)
    %dma_start3A_178 = arith.constant 1 : i32
    %dma_start3A_179 = arith.constant 0 : i32
    %dma_start3A_180 = tpu.memref_slice %arg14[%dma_start3A_178, %dma_start3A_179] : memref<2x384xi32, #tpu.memory_space<vmem>> -> memref<1x384xi32, #tpu.memory_space<vmem>>
    %dma_start3A_181 = tpu.memref_squeeze %dma_start3A_180 : memref<1x384xi32, #tpu.memory_space<vmem>> -> memref<384xi32, #tpu.memory_space<vmem>>
    %dma_start3A_182 = arith.constant 0 : i32
    %dma_start3A_183 = arith.constant 0 : i32
    %dma_start3A_184 = tpu.memref_slice %arg10[%dma_start3A_182, %dma_start3A_183] : memref<100096x16xf32, #tpu.memory_space<vmem_shared>> -> memref<100096x16xf32, #tpu.memory_space<vmem_shared>>
    tpu.enqueue_indirect_dma source(%arg18 : memref<384x16xf32, #tpu.memory_space<vmem>>) target(%dma_start3A_184 : memref<100096x16xf32, #tpu.memory_space<vmem_shared>>) offsets(%dma_start3A_181 : memref<384xi32, #tpu.memory_space<vmem>>) semaphore(%arg26 : memref<!tpu.dma_semaphore, #tpu.memory_space<semaphore_mem>>) {add = true}
    %dma_wait3A_185 = arith.constant 1 : i32
    %dma_wait3A_186 = arith.constant 0 : i32
    %dma_wait3A_187 = tpu.memref_slice %arg12[%dma_wait3A_185, %dma_wait3A_186] : memref<2x384xi32, #tpu.memory_space<vmem>> -> memref<1x384xi32, #tpu.memory_space<vmem>>
    %dma_wait3A_188 = tpu.memref_squeeze %dma_wait3A_187 : memref<1x384xi32, #tpu.memory_space<vmem>> -> memref<384xi32, #tpu.memory_space<vmem>>
    %dma_wait3A_189 = arith.constant 0 : i32
    %dma_wait3A_190 = arith.constant 0 : i32
    %dma_wait3A_191 = tpu.memref_slice %arg10[%dma_wait3A_189, %dma_wait3A_190] : memref<100096x16xf32, #tpu.memory_space<vmem_shared>> -> memref<100096x16xf32, #tpu.memory_space<vmem_shared>>
    tpu.wait_indirect_dma semaphore(%arg24 : memref<!tpu.dma_semaphore, #tpu.memory_space<semaphore_mem>>) src(%arg16 : memref<384x16xf32, #tpu.memory_space<vmem>>) dst(%dma_wait3A_191 : memref<100096x16xf32, #tpu.memory_space<vmem_shared>>)
    %dma_wait3A_192 = arith.constant 1 : i32
    %dma_wait3A_193 = arith.constant 0 : i32
    %dma_wait3A_194 = tpu.memref_slice %arg13[%dma_wait3A_192, %dma_wait3A_193] : memref<2x384xi32, #tpu.memory_space<vmem>> -> memref<1x384xi32, #tpu.memory_space<vmem>>
    %dma_wait3A_195 = tpu.memref_squeeze %dma_wait3A_194 : memref<1x384xi32, #tpu.memory_space<vmem>> -> memref<384xi32, #tpu.memory_space<vmem>>
    %dma_wait3A_196 = arith.constant 0 : i32
    %dma_wait3A_197 = arith.constant 0 : i32
    %dma_wait3A_198 = tpu.memref_slice %arg10[%dma_wait3A_196, %dma_wait3A_197] : memref<100096x16xf32, #tpu.memory_space<vmem_shared>> -> memref<100096x16xf32, #tpu.memory_space<vmem_shared>>
    tpu.wait_indirect_dma semaphore(%arg25 : memref<!tpu.dma_semaphore, #tpu.memory_space<semaphore_mem>>) src(%arg17 : memref<384x16xf32, #tpu.memory_space<vmem>>) dst(%dma_wait3A_198 : memref<100096x16xf32, #tpu.memory_space<vmem_shared>>)
    %dma_wait3A_199 = arith.constant 1 : i32
    %dma_wait3A_200 = arith.constant 0 : i32
    %dma_wait3A_201 = tpu.memref_slice %arg14[%dma_wait3A_199, %dma_wait3A_200] : memref<2x384xi32, #tpu.memory_space<vmem>> -> memref<1x384xi32, #tpu.memory_space<vmem>>
    %dma_wait3A_202 = tpu.memref_squeeze %dma_wait3A_201 : memref<1x384xi32, #tpu.memory_space<vmem>> -> memref<384xi32, #tpu.memory_space<vmem>>
    %dma_wait3A_203 = arith.constant 0 : i32
    %dma_wait3A_204 = arith.constant 0 : i32
    %dma_wait3A_205 = tpu.memref_slice %arg10[%dma_wait3A_203, %dma_wait3A_204] : memref<100096x16xf32, #tpu.memory_space<vmem_shared>> -> memref<100096x16xf32, #tpu.memory_space<vmem_shared>>
    tpu.wait_indirect_dma semaphore(%arg26 : memref<!tpu.dma_semaphore, #tpu.memory_space<semaphore_mem>>) src(%arg18 : memref<384x16xf32, #tpu.memory_space<vmem>>) dst(%dma_wait3A_205 : memref<100096x16xf32, #tpu.memory_space<vmem_shared>>)
    %barrier3A_206 = arith.constant 0 : index
    tpu.barrier barrier_id(%barrier3A_206)
    "tpu.region"() ({
      %run_scoped3A = tpu.sem_alloc : memref<!tpu.dma_semaphore, #tpu.memory_space<semaphore_mem>>
      %dma_start3A_274 = arith.constant 0 : i32
      %dma_start3A_275 = tpu.memref_slice %arg8[%add3A_139, %mul3A_0, %dma_start3A_274] : memref<4x100096x16xf32, #tpu.memory_space<hbm>> -> memref<1x6256x16xf32, #tpu.memory_space<hbm>>
      %dma_start3A_276 = tpu.memref_squeeze %dma_start3A_275 : memref<1x6256x16xf32, #tpu.memory_space<hbm>> -> memref<6256x16xf32, #tpu.memory_space<hbm>>
      %dma_start3A_277 = arith.constant 0 : i32
      %dma_start3A_278 = tpu.memref_slice %arg10[%mul3A_0, %dma_start3A_277] : memref<100096x16xf32, #tpu.memory_space<vmem_shared>> -> memref<6256x16xf32, #tpu.memory_space<vmem_shared>>
      tpu.enqueue_dma source(%dma_start3A_278 : memref<6256x16xf32, #tpu.memory_space<vmem_shared>>) target(%dma_start3A_276 : memref<6256x16xf32, #tpu.memory_space<hbm>>) target_semaphore(%run_scoped3A : memref<!tpu.dma_semaphore, #tpu.memory_space<semaphore_mem>>)
      %dma_wait3A_279 = arith.constant 0 : i32
      %dma_wait3A_280 = tpu.memref_slice %arg8[%add3A_139, %mul3A_0, %dma_wait3A_279] : memref<4x100096x16xf32, #tpu.memory_space<hbm>> -> memref<1x6256x16xf32, #tpu.memory_space<hbm>>
      %dma_wait3A_281 = tpu.memref_squeeze %dma_wait3A_280 : memref<1x6256x16xf32, #tpu.memory_space<hbm>> -> memref<6256x16xf32, #tpu.memory_space<hbm>>
      %dma_wait3A_282 = arith.constant 0 : i32
      %dma_wait3A_283 = tpu.memref_slice %arg10[%mul3A_0, %dma_wait3A_282] : memref<100096x16xf32, #tpu.memory_space<vmem_shared>> -> memref<6256x16xf32, #tpu.memory_space<vmem_shared>>
      tpu.wait_dma2 semaphore(%run_scoped3A : memref<!tpu.dma_semaphore, #tpu.memory_space<semaphore_mem>>) src(%dma_wait3A_283 : memref<6256x16xf32, #tpu.memory_space<vmem_shared>>) dst(%dma_wait3A_281 : memref<6256x16xf32, #tpu.memory_space<hbm>>)
      tpu.yield
    }) : () -> ()
    "tpu.region"() ({
      %run_scoped3A = tpu.sem_alloc : memref<!tpu.dma_semaphore, #tpu.memory_space<semaphore_mem>>
      %dma_start3A_274 = arith.constant 0 : i32
      %dma_start3A_275 = tpu.memref_slice %arg10[%mul3A_0, %dma_start3A_274] : memref<100096x16xf32, #tpu.memory_space<vmem_shared>> -> memref<6256x16xf32, #tpu.memory_space<vmem_shared>>
      tpu.enqueue_dma source(%arg6 : memref<6256x16xf32, #tpu.memory_space<hbm>>) target(%dma_start3A_275 : memref<6256x16xf32, #tpu.memory_space<vmem_shared>>) target_semaphore(%run_scoped3A : memref<!tpu.dma_semaphore, #tpu.memory_space<semaphore_mem>>)
      %dma_wait3A_276 = arith.constant 0 : i32
      %dma_wait3A_277 = tpu.memref_slice %arg10[%mul3A_0, %dma_wait3A_276] : memref<100096x16xf32, #tpu.memory_space<vmem_shared>> -> memref<6256x16xf32, #tpu.memory_space<vmem_shared>>
      tpu.wait_dma2 semaphore(%run_scoped3A : memref<!tpu.dma_semaphore, #tpu.memory_space<semaphore_mem>>) src(%arg6 : memref<6256x16xf32, #tpu.memory_space<hbm>>) dst(%dma_wait3A_277 : memref<6256x16xf32, #tpu.memory_space<vmem_shared>>)
      tpu.yield
    }) : () -> ()
    %barrier3A_207 = arith.constant 0 : index
    tpu.barrier barrier_id(%barrier3A_207)
    %add3A_208 = arith.constant 0 : i32
    %add3A_209 = arith.addi %mul3A_2, %add3A_208 : i32
    %dma_start3A_210 = arith.constant 0 : i32
    %dma_start3A_211 = arith.constant 0 : i32
    %dma_start3A_212 = tpu.memref_slice %arg5[%add3A_139, %add3A_209, %dma_start3A_210, %dma_start3A_211] : memref<4x3200x2x384xi32, #tpu.memory_space<hbm>> -> memref<1x1x2x384xi32, #tpu.memory_space<hbm>>
    %dma_start3A_213 = tpu.memref_squeeze %dma_start3A_212 : memref<1x1x2x384xi32, #tpu.memory_space<hbm>> -> memref<2x384xi32, #tpu.memory_space<hbm>>
    %dma_start3A_214 = arith.constant 0 : i32
    %dma_start3A_215 = arith.constant 0 : i32
    %dma_start3A_216 = tpu.memref_slice %arg5[%add3A_139, %add3A_209, %dma_start3A_214, %dma_start3A_215] : memref<4x3200x2x384xi32, #tpu.memory_space<hbm>> -> memref<1x1x2x384xi32, #tpu.memory_space<hbm>>
    %dma_start3A_217 = tpu.memref_squeeze %dma_start3A_216 : memref<1x1x2x384xi32, #tpu.memory_space<hbm>> -> memref<2x384xi32, #tpu.memory_space<hbm>>
    tpu.enqueue_dma source(%dma_start3A_217 : memref<2x384xi32, #tpu.memory_space<hbm>>) target(%arg11 : memref<2x384xi32, #tpu.memory_space<vmem>>) target_semaphore(%arg19 : memref<!tpu.dma_semaphore, #tpu.memory_space<semaphore_mem>>)
    %scan3A_218 = arith.constant 0 : i32
    %scan3A_219 = arith.constant 0 : i32
    %scan3A_220 = arith.constant 50 : i32
    %scan3A_221 = arith.addi %scan3A_219, %scan3A_220 : i32
    %scan3A_222 = arith.constant 1 : i32
    scf.for %scan3A_274 = %scan3A_219 to %scan3A_221 step %scan3A_222  : i32 {
      %mul3A_275 = arith.constant 4 : i32
      %mul3A_276 = arith.muli %scan3A_274, %mul3A_275 : i32
      %add3A_277 = arith.constant 0 : i32
      %add3A_278 = arith.addi %mul3A_276, %add3A_277 : i32
      %dma_wait3A_279 = arith.constant 0 : i32
      %dma_wait3A_280 = arith.constant 0 : i32
      %dma_wait3A_281 = arith.constant 0 : i32
      %dma_wait3A_282 = tpu.memref_slice %arg5[%add3A_139, %dma_wait3A_279, %dma_wait3A_280, %dma_wait3A_281] : memref<4x3200x2x384xi32, #tpu.memory_space<hbm>> -> memref<1x1x2x384xi32, #tpu.memory_space<hbm>>
      %dma_wait3A_283 = tpu.memref_squeeze %dma_wait3A_282 : memref<1x1x2x384xi32, #tpu.memory_space<hbm>> -> memref<2x384xi32, #tpu.memory_space<hbm>>
      %dma_wait3A_284 = arith.constant 0 : i32
      %dma_wait3A_285 = arith.constant 0 : i32
      %dma_wait3A_286 = tpu.memref_slice %arg5[%add3A_139, %dma_wait3A_279, %dma_wait3A_284, %dma_wait3A_285] : memref<4x3200x2x384xi32, #tpu.memory_space<hbm>> -> memref<1x1x2x384xi32, #tpu.memory_space<hbm>>
      %dma_wait3A_287 = tpu.memref_squeeze %dma_wait3A_286 : memref<1x1x2x384xi32, #tpu.memory_space<hbm>> -> memref<2x384xi32, #tpu.memory_space<hbm>>
      tpu.wait_dma2 semaphore(%arg19 : memref<!tpu.dma_semaphore, #tpu.memory_space<semaphore_mem>>) src(%dma_wait3A_287 : memref<2x384xi32, #tpu.memory_space<hbm>>) dst(%arg11 : memref<2x384xi32, #tpu.memory_space<vmem>>)
      %dma_start3A_288 = arith.constant 0 : i32
      %dma_start3A_289 = arith.constant 0 : i32
      %dma_start3A_290 = tpu.memref_slice %arg11[%dma_start3A_288, %dma_start3A_289] : memref<2x384xi32, #tpu.memory_space<vmem>> -> memref<1x384xi32, #tpu.memory_space<vmem>>
      %dma_start3A_291 = tpu.memref_squeeze %dma_start3A_290 : memref<1x384xi32, #tpu.memory_space<vmem>> -> memref<384xi32, #tpu.memory_space<vmem>>
      %dma_start3A_292 = arith.constant 0 : i32
      %dma_start3A_293 = arith.constant 0 : i32
      %dma_start3A_294 = tpu.memref_slice %arg3[%dma_start3A_292, %dma_start3A_293] : memref<400000x16xf32, #tpu.memory_space<hbm>> -> memref<400000x16xf32, #tpu.memory_space<hbm>>
      tpu.enqueue_indirect_dma source(%dma_start3A_294 : memref<400000x16xf32, #tpu.memory_space<hbm>>) target(%arg15 : memref<384x16xf32, #tpu.memory_space<vmem>>) offsets(%dma_start3A_291 : memref<384xi32, #tpu.memory_space<vmem>>) semaphore(%arg19 : memref<!tpu.dma_semaphore, #tpu.memory_space<semaphore_mem>>)
      %ge3A = arith.constant 2 : i32
      %ge3A_295 = arith.cmpi sge, %add3A_278, %ge3A : i32
      %convert_element_type3A = arith.extui %ge3A_295 : i1 to i32
      %cond3A = arith.constant 0 : i32
      %cond3A_296 = arith.cmpi ne, %convert_element_type3A, %cond3A : i32
      scf.if %cond3A_296 {
        %dma_wait3A_419 = arith.constant 0 : i32
        %dma_wait3A_420 = arith.constant 0 : i32
        %dma_wait3A_421 = tpu.memref_slice %arg13[%dma_wait3A_419, %dma_wait3A_420] : memref<2x384xi32, #tpu.memory_space<vmem>> -> memref<1x384xi32, #tpu.memory_space<vmem>>
        %dma_wait3A_422 = tpu.memref_squeeze %dma_wait3A_421 : memref<1x384xi32, #tpu.memory_space<vmem>> -> memref<384xi32, #tpu.memory_space<vmem>>
        %dma_wait3A_423 = arith.constant 0 : i32
        %dma_wait3A_424 = arith.constant 0 : i32
        %dma_wait3A_425 = tpu.memref_slice %arg3[%dma_wait3A_423, %dma_wait3A_424] : memref<400000x16xf32, #tpu.memory_space<hbm>> -> memref<400000x16xf32, #tpu.memory_space<hbm>>
        tpu.wait_indirect_dma semaphore(%arg21 : memref<!tpu.dma_semaphore, #tpu.memory_space<semaphore_mem>>) src(%dma_wait3A_425 : memref<400000x16xf32, #tpu.memory_space<hbm>>) dst(%arg17 : memref<384x16xf32, #tpu.memory_space<vmem>>)
        %dma_start3A_426 = arith.constant 1 : i32
        %dma_start3A_427 = arith.constant 0 : i32
        %dma_start3A_428 = tpu.memref_slice %arg13[%dma_start3A_426, %dma_start3A_427] : memref<2x384xi32, #tpu.memory_space<vmem>> -> memref<1x384xi32, #tpu.memory_space<vmem>>
        %dma_start3A_429 = tpu.memref_squeeze %dma_start3A_428 : memref<1x384xi32, #tpu.memory_space<vmem>> -> memref<384xi32, #tpu.memory_space<vmem>>
        %dma_start3A_430 = arith.constant 0 : i32
        %dma_start3A_431 = arith.constant 0 : i32
        %dma_start3A_432 = tpu.memref_slice %arg10[%dma_start3A_430, %dma_start3A_431] : memref<100096x16xf32, #tpu.memory_space<vmem_shared>> -> memref<100096x16xf32, #tpu.memory_space<vmem_shared>>
        tpu.enqueue_indirect_dma source(%arg17 : memref<384x16xf32, #tpu.memory_space<vmem>>) target(%dma_start3A_432 : memref<100096x16xf32, #tpu.memory_space<vmem_shared>>) offsets(%dma_start3A_429 : memref<384xi32, #tpu.memory_space<vmem>>) semaphore(%arg25 : memref<!tpu.dma_semaphore, #tpu.memory_space<semaphore_mem>>) {add = true}
      } else {
      }
      %ge3A_297 = arith.constant 3 : i32
      %ge3A_298 = arith.cmpi sge, %add3A_278, %ge3A_297 : i32
      %convert_element_type3A_299 = arith.extui %ge3A_298 : i1 to i32
      %cond3A_300 = arith.constant 0 : i32
      %cond3A_301 = arith.cmpi ne, %convert_element_type3A_299, %cond3A_300 : i32
      scf.if %cond3A_301 {
        %dma_wait3A_419 = arith.constant 1 : i32
        %dma_wait3A_420 = arith.constant 0 : i32
        %dma_wait3A_421 = tpu.memref_slice %arg12[%dma_wait3A_419, %dma_wait3A_420] : memref<2x384xi32, #tpu.memory_space<vmem>> -> memref<1x384xi32, #tpu.memory_space<vmem>>
        %dma_wait3A_422 = tpu.memref_squeeze %dma_wait3A_421 : memref<1x384xi32, #tpu.memory_space<vmem>> -> memref<384xi32, #tpu.memory_space<vmem>>
        %dma_wait3A_423 = arith.constant 0 : i32
        %dma_wait3A_424 = arith.constant 0 : i32
        %dma_wait3A_425 = tpu.memref_slice %arg10[%dma_wait3A_423, %dma_wait3A_424] : memref<100096x16xf32, #tpu.memory_space<vmem_shared>> -> memref<100096x16xf32, #tpu.memory_space<vmem_shared>>
        tpu.wait_indirect_dma semaphore(%arg24 : memref<!tpu.dma_semaphore, #tpu.memory_space<semaphore_mem>>) src(%arg16 : memref<384x16xf32, #tpu.memory_space<vmem>>) dst(%dma_wait3A_425 : memref<100096x16xf32, #tpu.memory_space<vmem_shared>>)
      } else {
      }
      %add3A_302 = arith.constant 1 : i32
      %add3A_303 = arith.addi %add3A_278, %add3A_302 : i32
      %lt3A = arith.constant 200 : i32
      %lt3A_304 = arith.cmpi slt, %add3A_303, %lt3A : i32
      %convert_element_type3A_305 = arith.extui %lt3A_304 : i1 to i32
      %cond3A_306 = arith.constant 0 : i32
      %cond3A_307 = arith.cmpi ne, %convert_element_type3A_305, %cond3A_306 : i32
      scf.if %cond3A_307 {
        %add3A_419 = arith.constant 1 : i32
        %add3A_420 = arith.addi %add3A_278, %add3A_419 : i32
        %add3A_421 = arith.addi %mul3A_2, %add3A_420 : i32
        %dma_start3A_422 = arith.constant 0 : i32
        %dma_start3A_423 = arith.constant 0 : i32
        %dma_start3A_424 = tpu.memref_slice %arg5[%add3A_139, %add3A_421, %dma_start3A_422, %dma_start3A_423] : memref<4x3200x2x384xi32, #tpu.memory_space<hbm>> -> memref<1x1x2x384xi32, #tpu.memory_space<hbm>>
        %dma_start3A_425 = tpu.memref_squeeze %dma_start3A_424 : memref<1x1x2x384xi32, #tpu.memory_space<hbm>> -> memref<2x384xi32, #tpu.memory_space<hbm>>
        %dma_start3A_426 = arith.constant 0 : i32
        %dma_start3A_427 = arith.constant 0 : i32
        %dma_start3A_428 = tpu.memref_slice %arg5[%add3A_139, %add3A_421, %dma_start3A_426, %dma_start3A_427] : memref<4x3200x2x384xi32, #tpu.memory_space<hbm>> -> memref<1x1x2x384xi32, #tpu.memory_space<hbm>>
        %dma_start3A_429 = tpu.memref_squeeze %dma_start3A_428 : memref<1x1x2x384xi32, #tpu.memory_space<hbm>> -> memref<2x384xi32, #tpu.memory_space<hbm>>
        tpu.enqueue_dma source(%dma_start3A_429 : memref<2x384xi32, #tpu.memory_space<hbm>>) target(%arg12 : memref<2x384xi32, #tpu.memory_space<vmem>>) target_semaphore(%arg20 : memref<!tpu.dma_semaphore, #tpu.memory_space<semaphore_mem>>)
      } else {
      }
      %mul3A_308 = arith.constant 4 : i32
      %mul3A_309 = arith.muli %scan3A_274, %mul3A_308 : i32
      %add3A_310 = arith.constant 1 : i32
      %add3A_311 = arith.addi %mul3A_309, %add3A_310 : i32
      %dma_wait3A_312 = arith.constant 0 : i32
      %dma_wait3A_313 = arith.constant 0 : i32
      %dma_wait3A_314 = arith.constant 0 : i32
      %dma_wait3A_315 = tpu.memref_slice %arg5[%add3A_139, %dma_wait3A_312, %dma_wait3A_313, %dma_wait3A_314] : memref<4x3200x2x384xi32, #tpu.memory_space<hbm>> -> memref<1x1x2x384xi32, #tpu.memory_space<hbm>>
      %dma_wait3A_316 = tpu.memref_squeeze %dma_wait3A_315 : memref<1x1x2x384xi32, #tpu.memory_space<hbm>> -> memref<2x384xi32, #tpu.memory_space<hbm>>
      %dma_wait3A_317 = arith.constant 0 : i32
      %dma_wait3A_318 = arith.constant 0 : i32
      %dma_wait3A_319 = tpu.memref_slice %arg5[%add3A_139, %dma_wait3A_312, %dma_wait3A_317, %dma_wait3A_318] : memref<4x3200x2x384xi32, #tpu.memory_space<hbm>> -> memref<1x1x2x384xi32, #tpu.memory_space<hbm>>
      %dma_wait3A_320 = tpu.memref_squeeze %dma_wait3A_319 : memref<1x1x2x384xi32, #tpu.memory_space<hbm>> -> memref<2x384xi32, #tpu.memory_space<hbm>>
      tpu.wait_dma2 semaphore(%arg20 : memref<!tpu.dma_semaphore, #tpu.memory_space<semaphore_mem>>) src(%dma_wait3A_320 : memref<2x384xi32, #tpu.memory_space<hbm>>) dst(%arg12 : memref<2x384xi32, #tpu.memory_space<vmem>>)
      %dma_start3A_321 = arith.constant 0 : i32
      %dma_start3A_322 = arith.constant 0 : i32
      %dma_start3A_323 = tpu.memref_slice %arg12[%dma_start3A_321, %dma_start3A_322] : memref<2x384xi32, #tpu.memory_space<vmem>> -> memref<1x384xi32, #tpu.memory_space<vmem>>
      %dma_start3A_324 = tpu.memref_squeeze %dma_start3A_323 : memref<1x384xi32, #tpu.memory_space<vmem>> -> memref<384xi32, #tpu.memory_space<vmem>>
      %dma_start3A_325 = arith.constant 0 : i32
      %dma_start3A_326 = arith.constant 0 : i32
      %dma_start3A_327 = tpu.memref_slice %arg3[%dma_start3A_325, %dma_start3A_326] : memref<400000x16xf32, #tpu.memory_space<hbm>> -> memref<400000x16xf32, #tpu.memory_space<hbm>>
      tpu.enqueue_indirect_dma source(%dma_start3A_327 : memref<400000x16xf32, #tpu.memory_space<hbm>>) target(%arg16 : memref<384x16xf32, #tpu.memory_space<vmem>>) offsets(%dma_start3A_324 : memref<384xi32, #tpu.memory_space<vmem>>) semaphore(%arg20 : memref<!tpu.dma_semaphore, #tpu.memory_space<semaphore_mem>>)
      %ge3A_328 = arith.constant 2 : i32
      %ge3A_329 = arith.cmpi sge, %add3A_311, %ge3A_328 : i32
      %convert_element_type3A_330 = arith.extui %ge3A_329 : i1 to i32
      %cond3A_331 = arith.constant 0 : i32
      %cond3A_332 = arith.cmpi ne, %convert_element_type3A_330, %cond3A_331 : i32
      scf.if %cond3A_332 {
        %dma_wait3A_419 = arith.constant 0 : i32
        %dma_wait3A_420 = arith.constant 0 : i32
        %dma_wait3A_421 = tpu.memref_slice %arg14[%dma_wait3A_419, %dma_wait3A_420] : memref<2x384xi32, #tpu.memory_space<vmem>> -> memref<1x384xi32, #tpu.memory_space<vmem>>
        %dma_wait3A_422 = tpu.memref_squeeze %dma_wait3A_421 : memref<1x384xi32, #tpu.memory_space<vmem>> -> memref<384xi32, #tpu.memory_space<vmem>>
        %dma_wait3A_423 = arith.constant 0 : i32
        %dma_wait3A_424 = arith.constant 0 : i32
        %dma_wait3A_425 = tpu.memref_slice %arg3[%dma_wait3A_423, %dma_wait3A_424] : memref<400000x16xf32, #tpu.memory_space<hbm>> -> memref<400000x16xf32, #tpu.memory_space<hbm>>
        tpu.wait_indirect_dma semaphore(%arg22 : memref<!tpu.dma_semaphore, #tpu.memory_space<semaphore_mem>>) src(%dma_wait3A_425 : memref<400000x16xf32, #tpu.memory_space<hbm>>) dst(%arg18 : memref<384x16xf32, #tpu.memory_space<vmem>>)
        %dma_start3A_426 = arith.constant 1 : i32
        %dma_start3A_427 = arith.constant 0 : i32
        %dma_start3A_428 = tpu.memref_slice %arg14[%dma_start3A_426, %dma_start3A_427] : memref<2x384xi32, #tpu.memory_space<vmem>> -> memref<1x384xi32, #tpu.memory_space<vmem>>
        %dma_start3A_429 = tpu.memref_squeeze %dma_start3A_428 : memref<1x384xi32, #tpu.memory_space<vmem>> -> memref<384xi32, #tpu.memory_space<vmem>>
        %dma_start3A_430 = arith.constant 0 : i32
        %dma_start3A_431 = arith.constant 0 : i32
        %dma_start3A_432 = tpu.memref_slice %arg10[%dma_start3A_430, %dma_start3A_431] : memref<100096x16xf32, #tpu.memory_space<vmem_shared>> -> memref<100096x16xf32, #tpu.memory_space<vmem_shared>>
        tpu.enqueue_indirect_dma source(%arg18 : memref<384x16xf32, #tpu.memory_space<vmem>>) target(%dma_start3A_432 : memref<100096x16xf32, #tpu.memory_space<vmem_shared>>) offsets(%dma_start3A_429 : memref<384xi32, #tpu.memory_space<vmem>>) semaphore(%arg26 : memref<!tpu.dma_semaphore, #tpu.memory_space<semaphore_mem>>) {add = true}
      } else {
      }
      %ge3A_333 = arith.constant 3 : i32
      %ge3A_334 = arith.cmpi sge, %add3A_311, %ge3A_333 : i32
      %convert_element_type3A_335 = arith.extui %ge3A_334 : i1 to i32
      %cond3A_336 = arith.constant 0 : i32
      %cond3A_337 = arith.cmpi ne, %convert_element_type3A_335, %cond3A_336 : i32
      scf.if %cond3A_337 {
        %dma_wait3A_419 = arith.constant 1 : i32
        %dma_wait3A_420 = arith.constant 0 : i32
        %dma_wait3A_421 = tpu.memref_slice %arg13[%dma_wait3A_419, %dma_wait3A_420] : memref<2x384xi32, #tpu.memory_space<vmem>> -> memref<1x384xi32, #tpu.memory_space<vmem>>
        %dma_wait3A_422 = tpu.memref_squeeze %dma_wait3A_421 : memref<1x384xi32, #tpu.memory_space<vmem>> -> memref<384xi32, #tpu.memory_space<vmem>>
        %dma_wait3A_423 = arith.constant 0 : i32
        %dma_wait3A_424 = arith.constant 0 : i32
        %dma_wait3A_425 = tpu.memref_slice %arg10[%dma_wait3A_423, %dma_wait3A_424] : memref<100096x16xf32, #tpu.memory_space<vmem_shared>> -> memref<100096x16xf32, #tpu.memory_space<vmem_shared>>
        tpu.wait_indirect_dma semaphore(%arg25 : memref<!tpu.dma_semaphore, #tpu.memory_space<semaphore_mem>>) src(%arg17 : memref<384x16xf32, #tpu.memory_space<vmem>>) dst(%dma_wait3A_425 : memref<100096x16xf32, #tpu.memory_space<vmem_shared>>)
      } else {
      }
      %add3A_338 = arith.constant 1 : i32
      %add3A_339 = arith.addi %add3A_311, %add3A_338 : i32
      %lt3A_340 = arith.constant 200 : i32
      %lt3A_341 = arith.cmpi slt, %add3A_339, %lt3A_340 : i32
      %convert_element_type3A_342 = arith.extui %lt3A_341 : i1 to i32
      %cond3A_343 = arith.constant 0 : i32
      %cond3A_344 = arith.cmpi ne, %convert_element_type3A_342, %cond3A_343 : i32
      scf.if %cond3A_344 {
        %add3A_419 = arith.constant 1 : i32
        %add3A_420 = arith.addi %add3A_311, %add3A_419 : i32
        %add3A_421 = arith.addi %mul3A_2, %add3A_420 : i32
        %dma_start3A_422 = arith.constant 0 : i32
        %dma_start3A_423 = arith.constant 0 : i32
        %dma_start3A_424 = tpu.memref_slice %arg5[%add3A_139, %add3A_421, %dma_start3A_422, %dma_start3A_423] : memref<4x3200x2x384xi32, #tpu.memory_space<hbm>> -> memref<1x1x2x384xi32, #tpu.memory_space<hbm>>
        %dma_start3A_425 = tpu.memref_squeeze %dma_start3A_424 : memref<1x1x2x384xi32, #tpu.memory_space<hbm>> -> memref<2x384xi32, #tpu.memory_space<hbm>>
        %dma_start3A_426 = arith.constant 0 : i32
        %dma_start3A_427 = arith.constant 0 : i32
        %dma_start3A_428 = tpu.memref_slice %arg5[%add3A_139, %add3A_421, %dma_start3A_426, %dma_start3A_427] : memref<4x3200x2x384xi32, #tpu.memory_space<hbm>> -> memref<1x1x2x384xi32, #tpu.memory_space<hbm>>
        %dma_start3A_429 = tpu.memref_squeeze %dma_start3A_428 : memref<1x1x2x384xi32, #tpu.memory_space<hbm>> -> memref<2x384xi32, #tpu.memory_space<hbm>>
        tpu.enqueue_dma source(%dma_start3A_429 : memref<2x384xi32, #tpu.memory_space<hbm>>) target(%arg13 : memref<2x384xi32, #tpu.memory_space<vmem>>) target_semaphore(%arg21 : memref<!tpu.dma_semaphore, #tpu.memory_space<semaphore_mem>>)
      } else {
      }
      %mul3A_345 = arith.constant 4 : i32
      %mul3A_346 = arith.muli %scan3A_274, %mul3A_345 : i32
      %add3A_347 = arith.constant 2 : i32
      %add3A_348 = arith.addi %mul3A_346, %add3A_347 : i32
      %dma_wait3A_349 = arith.constant 0 : i32
      %dma_wait3A_350 = arith.constant 0 : i32
      %dma_wait3A_351 = arith.constant 0 : i32
      %dma_wait3A_352 = tpu.memref_slice %arg5[%add3A_139, %dma_wait3A_349, %dma_wait3A_350, %dma_wait3A_351] : memref<4x3200x2x384xi32, #tpu.memory_space<hbm>> -> memref<1x1x2x384xi32, #tpu.memory_space<hbm>>
      %dma_wait3A_353 = tpu.memref_squeeze %dma_wait3A_352 : memref<1x1x2x384xi32, #tpu.memory_space<hbm>> -> memref<2x384xi32, #tpu.memory_space<hbm>>
      %dma_wait3A_354 = arith.constant 0 : i32
      %dma_wait3A_355 = arith.constant 0 : i32
      %dma_wait3A_356 = tpu.memref_slice %arg5[%add3A_139, %dma_wait3A_349, %dma_wait3A_354, %dma_wait3A_355] : memref<4x3200x2x384xi32, #tpu.memory_space<hbm>> -> memref<1x1x2x384xi32, #tpu.memory_space<hbm>>
      %dma_wait3A_357 = tpu.memref_squeeze %dma_wait3A_356 : memref<1x1x2x384xi32, #tpu.memory_space<hbm>> -> memref<2x384xi32, #tpu.memory_space<hbm>>
      tpu.wait_dma2 semaphore(%arg21 : memref<!tpu.dma_semaphore, #tpu.memory_space<semaphore_mem>>) src(%dma_wait3A_357 : memref<2x384xi32, #tpu.memory_space<hbm>>) dst(%arg13 : memref<2x384xi32, #tpu.memory_space<vmem>>)
      %dma_start3A_358 = arith.constant 0 : i32
      %dma_start3A_359 = arith.constant 0 : i32
      %dma_start3A_360 = tpu.memref_slice %arg13[%dma_start3A_358, %dma_start3A_359] : memref<2x384xi32, #tpu.memory_space<vmem>> -> memref<1x384xi32, #tpu.memory_space<vmem>>
      %dma_start3A_361 = tpu.memref_squeeze %dma_start3A_360 : memref<1x384xi32, #tpu.memory_space<vmem>> -> memref<384xi32, #tpu.memory_space<vmem>>
      %dma_start3A_362 = arith.constant 0 : i32
      %dma_start3A_363 = arith.constant 0 : i32
      %dma_start3A_364 = tpu.memref_slice %arg3[%dma_start3A_362, %dma_start3A_363] : memref<400000x16xf32, #tpu.memory_space<hbm>> -> memref<400000x16xf32, #tpu.memory_space<hbm>>
      tpu.enqueue_indirect_dma source(%dma_start3A_364 : memref<400000x16xf32, #tpu.memory_space<hbm>>) target(%arg17 : memref<384x16xf32, #tpu.memory_space<vmem>>) offsets(%dma_start3A_361 : memref<384xi32, #tpu.memory_space<vmem>>) semaphore(%arg21 : memref<!tpu.dma_semaphore, #tpu.memory_space<semaphore_mem>>)
      %ge3A_365 = arith.constant 2 : i32
      %ge3A_366 = arith.cmpi sge, %add3A_348, %ge3A_365 : i32
      %convert_element_type3A_367 = arith.extui %ge3A_366 : i1 to i32
      %cond3A_368 = arith.constant 0 : i32
      %cond3A_369 = arith.cmpi ne, %convert_element_type3A_367, %cond3A_368 : i32
      scf.if %cond3A_369 {
        %dma_wait3A_419 = arith.constant 0 : i32
        %dma_wait3A_420 = arith.constant 0 : i32
        %dma_wait3A_421 = tpu.memref_slice %arg11[%dma_wait3A_419, %dma_wait3A_420] : memref<2x384xi32, #tpu.memory_space<vmem>> -> memref<1x384xi32, #tpu.memory_space<vmem>>
        %dma_wait3A_422 = tpu.memref_squeeze %dma_wait3A_421 : memref<1x384xi32, #tpu.memory_space<vmem>> -> memref<384xi32, #tpu.memory_space<vmem>>
        %dma_wait3A_423 = arith.constant 0 : i32
        %dma_wait3A_424 = arith.constant 0 : i32
        %dma_wait3A_425 = tpu.memref_slice %arg3[%dma_wait3A_423, %dma_wait3A_424] : memref<400000x16xf32, #tpu.memory_space<hbm>> -> memref<400000x16xf32, #tpu.memory_space<hbm>>
        tpu.wait_indirect_dma semaphore(%arg19 : memref<!tpu.dma_semaphore, #tpu.memory_space<semaphore_mem>>) src(%dma_wait3A_425 : memref<400000x16xf32, #tpu.memory_space<hbm>>) dst(%arg15 : memref<384x16xf32, #tpu.memory_space<vmem>>)
        %dma_start3A_426 = arith.constant 1 : i32
        %dma_start3A_427 = arith.constant 0 : i32
        %dma_start3A_428 = tpu.memref_slice %arg11[%dma_start3A_426, %dma_start3A_427] : memref<2x384xi32, #tpu.memory_space<vmem>> -> memref<1x384xi32, #tpu.memory_space<vmem>>
        %dma_start3A_429 = tpu.memref_squeeze %dma_start3A_428 : memref<1x384xi32, #tpu.memory_space<vmem>> -> memref<384xi32, #tpu.memory_space<vmem>>
        %dma_start3A_430 = arith.constant 0 : i32
        %dma_start3A_431 = arith.constant 0 : i32
        %dma_start3A_432 = tpu.memref_slice %arg10[%dma_start3A_430, %dma_start3A_431] : memref<100096x16xf32, #tpu.memory_space<vmem_shared>> -> memref<100096x16xf32, #tpu.memory_space<vmem_shared>>
        tpu.enqueue_indirect_dma source(%arg15 : memref<384x16xf32, #tpu.memory_space<vmem>>) target(%dma_start3A_432 : memref<100096x16xf32, #tpu.memory_space<vmem_shared>>) offsets(%dma_start3A_429 : memref<384xi32, #tpu.memory_space<vmem>>) semaphore(%arg23 : memref<!tpu.dma_semaphore, #tpu.memory_space<semaphore_mem>>) {add = true}
      } else {
      }
      %ge3A_370 = arith.constant 3 : i32
      %ge3A_371 = arith.cmpi sge, %add3A_348, %ge3A_370 : i32
      %convert_element_type3A_372 = arith.extui %ge3A_371 : i1 to i32
      %cond3A_373 = arith.constant 0 : i32
      %cond3A_374 = arith.cmpi ne, %convert_element_type3A_372, %cond3A_373 : i32
      scf.if %cond3A_374 {
        %dma_wait3A_419 = arith.constant 1 : i32
        %dma_wait3A_420 = arith.constant 0 : i32
        %dma_wait3A_421 = tpu.memref_slice %arg14[%dma_wait3A_419, %dma_wait3A_420] : memref<2x384xi32, #tpu.memory_space<vmem>> -> memref<1x384xi32, #tpu.memory_space<vmem>>
        %dma_wait3A_422 = tpu.memref_squeeze %dma_wait3A_421 : memref<1x384xi32, #tpu.memory_space<vmem>> -> memref<384xi32, #tpu.memory_space<vmem>>
        %dma_wait3A_423 = arith.constant 0 : i32
        %dma_wait3A_424 = arith.constant 0 : i32
        %dma_wait3A_425 = tpu.memref_slice %arg10[%dma_wait3A_423, %dma_wait3A_424] : memref<100096x16xf32, #tpu.memory_space<vmem_shared>> -> memref<100096x16xf32, #tpu.memory_space<vmem_shared>>
        tpu.wait_indirect_dma semaphore(%arg26 : memref<!tpu.dma_semaphore, #tpu.memory_space<semaphore_mem>>) src(%arg18 : memref<384x16xf32, #tpu.memory_space<vmem>>) dst(%dma_wait3A_425 : memref<100096x16xf32, #tpu.memory_space<vmem_shared>>)
      } else {
      }
      %add3A_375 = arith.constant 1 : i32
      %add3A_376 = arith.addi %add3A_348, %add3A_375 : i32
      %lt3A_377 = arith.constant 200 : i32
      %lt3A_378 = arith.cmpi slt, %add3A_376, %lt3A_377 : i32
      %convert_element_type3A_379 = arith.extui %lt3A_378 : i1 to i32
      %cond3A_380 = arith.constant 0 : i32
      %cond3A_381 = arith.cmpi ne, %convert_element_type3A_379, %cond3A_380 : i32
      scf.if %cond3A_381 {
        %add3A_419 = arith.constant 1 : i32
        %add3A_420 = arith.addi %add3A_348, %add3A_419 : i32
        %add3A_421 = arith.addi %mul3A_2, %add3A_420 : i32
        %dma_start3A_422 = arith.constant 0 : i32
        %dma_start3A_423 = arith.constant 0 : i32
        %dma_start3A_424 = tpu.memref_slice %arg5[%add3A_139, %add3A_421, %dma_start3A_422, %dma_start3A_423] : memref<4x3200x2x384xi32, #tpu.memory_space<hbm>> -> memref<1x1x2x384xi32, #tpu.memory_space<hbm>>
        %dma_start3A_425 = tpu.memref_squeeze %dma_start3A_424 : memref<1x1x2x384xi32, #tpu.memory_space<hbm>> -> memref<2x384xi32, #tpu.memory_space<hbm>>
        %dma_start3A_426 = arith.constant 0 : i32
        %dma_start3A_427 = arith.constant 0 : i32
        %dma_start3A_428 = tpu.memref_slice %arg5[%add3A_139, %add3A_421, %dma_start3A_426, %dma_start3A_427] : memref<4x3200x2x384xi32, #tpu.memory_space<hbm>> -> memref<1x1x2x384xi32, #tpu.memory_space<hbm>>
        %dma_start3A_429 = tpu.memref_squeeze %dma_start3A_428 : memref<1x1x2x384xi32, #tpu.memory_space<hbm>> -> memref<2x384xi32, #tpu.memory_space<hbm>>
        tpu.enqueue_dma source(%dma_start3A_429 : memref<2x384xi32, #tpu.memory_space<hbm>>) target(%arg14 : memref<2x384xi32, #tpu.memory_space<vmem>>) target_semaphore(%arg22 : memref<!tpu.dma_semaphore, #tpu.memory_space<semaphore_mem>>)
      } else {
      }
      %mul3A_382 = arith.constant 4 : i32
      %mul3A_383 = arith.muli %scan3A_274, %mul3A_382 : i32
      %add3A_384 = arith.constant 3 : i32
      %add3A_385 = arith.addi %mul3A_383, %add3A_384 : i32
      %dma_wait3A_386 = arith.constant 0 : i32
      %dma_wait3A_387 = arith.constant 0 : i32
      %dma_wait3A_388 = arith.constant 0 : i32
      %dma_wait3A_389 = tpu.memref_slice %arg5[%add3A_139, %dma_wait3A_386, %dma_wait3A_387, %dma_wait3A_388] : memref<4x3200x2x384xi32, #tpu.memory_space<hbm>> -> memref<1x1x2x384xi32, #tpu.memory_space<hbm>>
      %dma_wait3A_390 = tpu.memref_squeeze %dma_wait3A_389 : memref<1x1x2x384xi32, #tpu.memory_space<hbm>> -> memref<2x384xi32, #tpu.memory_space<hbm>>
      %dma_wait3A_391 = arith.constant 0 : i32
      %dma_wait3A_392 = arith.constant 0 : i32
      %dma_wait3A_393 = tpu.memref_slice %arg5[%add3A_139, %dma_wait3A_386, %dma_wait3A_391, %dma_wait3A_392] : memref<4x3200x2x384xi32, #tpu.memory_space<hbm>> -> memref<1x1x2x384xi32, #tpu.memory_space<hbm>>
      %dma_wait3A_394 = tpu.memref_squeeze %dma_wait3A_393 : memref<1x1x2x384xi32, #tpu.memory_space<hbm>> -> memref<2x384xi32, #tpu.memory_space<hbm>>
      tpu.wait_dma2 semaphore(%arg22 : memref<!tpu.dma_semaphore, #tpu.memory_space<semaphore_mem>>) src(%dma_wait3A_394 : memref<2x384xi32, #tpu.memory_space<hbm>>) dst(%arg14 : memref<2x384xi32, #tpu.memory_space<vmem>>)
      %dma_start3A_395 = arith.constant 0 : i32
      %dma_start3A_396 = arith.constant 0 : i32
      %dma_start3A_397 = tpu.memref_slice %arg14[%dma_start3A_395, %dma_start3A_396] : memref<2x384xi32, #tpu.memory_space<vmem>> -> memref<1x384xi32, #tpu.memory_space<vmem>>
      %dma_start3A_398 = tpu.memref_squeeze %dma_start3A_397 : memref<1x384xi32, #tpu.memory_space<vmem>> -> memref<384xi32, #tpu.memory_space<vmem>>
      %dma_start3A_399 = arith.constant 0 : i32
      %dma_start3A_400 = arith.constant 0 : i32
      %dma_start3A_401 = tpu.memref_slice %arg3[%dma_start3A_399, %dma_start3A_400] : memref<400000x16xf32, #tpu.memory_space<hbm>> -> memref<400000x16xf32, #tpu.memory_space<hbm>>
      tpu.enqueue_indirect_dma source(%dma_start3A_401 : memref<400000x16xf32, #tpu.memory_space<hbm>>) target(%arg18 : memref<384x16xf32, #tpu.memory_space<vmem>>) offsets(%dma_start3A_398 : memref<384xi32, #tpu.memory_space<vmem>>) semaphore(%arg22 : memref<!tpu.dma_semaphore, #tpu.memory_space<semaphore_mem>>)
      %ge3A_402 = arith.constant 2 : i32
      %ge3A_403 = arith.cmpi sge, %add3A_385, %ge3A_402 : i32
      %convert_element_type3A_404 = arith.extui %ge3A_403 : i1 to i32
      %cond3A_405 = arith.constant 0 : i32
      %cond3A_406 = arith.cmpi ne, %convert_element_type3A_404, %cond3A_405 : i32
      scf.if %cond3A_406 {
        %dma_wait3A_419 = arith.constant 0 : i32
        %dma_wait3A_420 = arith.constant 0 : i32
        %dma_wait3A_421 = tpu.memref_slice %arg12[%dma_wait3A_419, %dma_wait3A_420] : memref<2x384xi32, #tpu.memory_space<vmem>> -> memref<1x384xi32, #tpu.memory_space<vmem>>
        %dma_wait3A_422 = tpu.memref_squeeze %dma_wait3A_421 : memref<1x384xi32, #tpu.memory_space<vmem>> -> memref<384xi32, #tpu.memory_space<vmem>>
        %dma_wait3A_423 = arith.constant 0 : i32
        %dma_wait3A_424 = arith.constant 0 : i32
        %dma_wait3A_425 = tpu.memref_slice %arg3[%dma_wait3A_423, %dma_wait3A_424] : memref<400000x16xf32, #tpu.memory_space<hbm>> -> memref<400000x16xf32, #tpu.memory_space<hbm>>
        tpu.wait_indirect_dma semaphore(%arg20 : memref<!tpu.dma_semaphore, #tpu.memory_space<semaphore_mem>>) src(%dma_wait3A_425 : memref<400000x16xf32, #tpu.memory_space<hbm>>) dst(%arg16 : memref<384x16xf32, #tpu.memory_space<vmem>>)
        %dma_start3A_426 = arith.constant 1 : i32
        %dma_start3A_427 = arith.constant 0 : i32
        %dma_start3A_428 = tpu.memref_slice %arg12[%dma_start3A_426, %dma_start3A_427] : memref<2x384xi32, #tpu.memory_space<vmem>> -> memref<1x384xi32, #tpu.memory_space<vmem>>
        %dma_start3A_429 = tpu.memref_squeeze %dma_start3A_428 : memref<1x384xi32, #tpu.memory_space<vmem>> -> memref<384xi32, #tpu.memory_space<vmem>>
        %dma_start3A_430 = arith.constant 0 : i32
        %dma_start3A_431 = arith.constant 0 : i32
        %dma_start3A_432 = tpu.memref_slice %arg10[%dma_start3A_430, %dma_start3A_431] : memref<100096x16xf32, #tpu.memory_space<vmem_shared>> -> memref<100096x16xf32, #tpu.memory_space<vmem_shared>>
        tpu.enqueue_indirect_dma source(%arg16 : memref<384x16xf32, #tpu.memory_space<vmem>>) target(%dma_start3A_432 : memref<100096x16xf32, #tpu.memory_space<vmem_shared>>) offsets(%dma_start3A_429 : memref<384xi32, #tpu.memory_space<vmem>>) semaphore(%arg24 : memref<!tpu.dma_semaphore, #tpu.memory_space<semaphore_mem>>) {add = true}
      } else {
      }
      %ge3A_407 = arith.constant 3 : i32
      %ge3A_408 = arith.cmpi sge, %add3A_385, %ge3A_407 : i32
      %convert_element_type3A_409 = arith.extui %ge3A_408 : i1 to i32
      %cond3A_410 = arith.constant 0 : i32
      %cond3A_411 = arith.cmpi ne, %convert_element_type3A_409, %cond3A_410 : i32
      scf.if %cond3A_411 {
        %dma_wait3A_419 = arith.constant 1 : i32
        %dma_wait3A_420 = arith.constant 0 : i32
        %dma_wait3A_421 = tpu.memref_slice %arg11[%dma_wait3A_419, %dma_wait3A_420] : memref<2x384xi32, #tpu.memory_space<vmem>> -> memref<1x384xi32, #tpu.memory_space<vmem>>
        %dma_wait3A_422 = tpu.memref_squeeze %dma_wait3A_421 : memref<1x384xi32, #tpu.memory_space<vmem>> -> memref<384xi32, #tpu.memory_space<vmem>>
        %dma_wait3A_423 = arith.constant 0 : i32
        %dma_wait3A_424 = arith.constant 0 : i32
        %dma_wait3A_425 = tpu.memref_slice %arg10[%dma_wait3A_423, %dma_wait3A_424] : memref<100096x16xf32, #tpu.memory_space<vmem_shared>> -> memref<100096x16xf32, #tpu.memory_space<vmem_shared>>
        tpu.wait_indirect_dma semaphore(%arg23 : memref<!tpu.dma_semaphore, #tpu.memory_space<semaphore_mem>>) src(%arg15 : memref<384x16xf32, #tpu.memory_space<vmem>>) dst(%dma_wait3A_425 : memref<100096x16xf32, #tpu.memory_space<vmem_shared>>)
      } else {
      }
      %add3A_412 = arith.constant 1 : i32
      %add3A_413 = arith.addi %add3A_385, %add3A_412 : i32
      %lt3A_414 = arith.constant 200 : i32
      %lt3A_415 = arith.cmpi slt, %add3A_413, %lt3A_414 : i32
      %convert_element_type3A_416 = arith.extui %lt3A_415 : i1 to i32
      %cond3A_417 = arith.constant 0 : i32
      %cond3A_418 = arith.cmpi ne, %convert_element_type3A_416, %cond3A_417 : i32
      scf.if %cond3A_418 {
        %add3A_419 = arith.constant 1 : i32
        %add3A_420 = arith.addi %add3A_385, %add3A_419 : i32
        %add3A_421 = arith.addi %mul3A_2, %add3A_420 : i32
        %dma_start3A_422 = arith.constant 0 : i32
        %dma_start3A_423 = arith.constant 0 : i32
        %dma_start3A_424 = tpu.memref_slice %arg5[%add3A_139, %add3A_421, %dma_start3A_422, %dma_start3A_423] : memref<4x3200x2x384xi32, #tpu.memory_space<hbm>> -> memref<1x1x2x384xi32, #tpu.memory_space<hbm>>
        %dma_start3A_425 = tpu.memref_squeeze %dma_start3A_424 : memref<1x1x2x384xi32, #tpu.memory_space<hbm>> -> memref<2x384xi32, #tpu.memory_space<hbm>>
        %dma_start3A_426 = arith.constant 0 : i32
        %dma_start3A_427 = arith.constant 0 : i32
        %dma_start3A_428 = tpu.memref_slice %arg5[%add3A_139, %add3A_421, %dma_start3A_426, %dma_start3A_427] : memref<4x3200x2x384xi32, #tpu.memory_space<hbm>> -> memref<1x1x2x384xi32, #tpu.memory_space<hbm>>
        %dma_start3A_429 = tpu.memref_squeeze %dma_start3A_428 : memref<1x1x2x384xi32, #tpu.memory_space<hbm>> -> memref<2x384xi32, #tpu.memory_space<hbm>>
        tpu.enqueue_dma source(%dma_start3A_429 : memref<2x384xi32, #tpu.memory_space<hbm>>) target(%arg11 : memref<2x384xi32, #tpu.memory_space<vmem>>) target_semaphore(%arg19 : memref<!tpu.dma_semaphore, #tpu.memory_space<semaphore_mem>>)
      } else {
      }
    }
    %scan3A_223 = arith.constant 50 : i32
    %dma_wait3A_224 = arith.constant 0 : i32
    %dma_wait3A_225 = arith.constant 0 : i32
    %dma_wait3A_226 = tpu.memref_slice %arg13[%dma_wait3A_224, %dma_wait3A_225] : memref<2x384xi32, #tpu.memory_space<vmem>> -> memref<1x384xi32, #tpu.memory_space<vmem>>
    %dma_wait3A_227 = tpu.memref_squeeze %dma_wait3A_226 : memref<1x384xi32, #tpu.memory_space<vmem>> -> memref<384xi32, #tpu.memory_space<vmem>>
    %dma_wait3A_228 = arith.constant 0 : i32
    %dma_wait3A_229 = arith.constant 0 : i32
    %dma_wait3A_230 = tpu.memref_slice %arg3[%dma_wait3A_228, %dma_wait3A_229] : memref<400000x16xf32, #tpu.memory_space<hbm>> -> memref<400000x16xf32, #tpu.memory_space<hbm>>
    tpu.wait_indirect_dma semaphore(%arg21 : memref<!tpu.dma_semaphore, #tpu.memory_space<semaphore_mem>>) src(%dma_wait3A_230 : memref<400000x16xf32, #tpu.memory_space<hbm>>) dst(%arg17 : memref<384x16xf32, #tpu.memory_space<vmem>>)
    %dma_start3A_231 = arith.constant 1 : i32
    %dma_start3A_232 = arith.constant 0 : i32
    %dma_start3A_233 = tpu.memref_slice %arg13[%dma_start3A_231, %dma_start3A_232] : memref<2x384xi32, #tpu.memory_space<vmem>> -> memref<1x384xi32, #tpu.memory_space<vmem>>
    %dma_start3A_234 = tpu.memref_squeeze %dma_start3A_233 : memref<1x384xi32, #tpu.memory_space<vmem>> -> memref<384xi32, #tpu.memory_space<vmem>>
    %dma_start3A_235 = arith.constant 0 : i32
    %dma_start3A_236 = arith.constant 0 : i32
    %dma_start3A_237 = tpu.memref_slice %arg10[%dma_start3A_235, %dma_start3A_236] : memref<100096x16xf32, #tpu.memory_space<vmem_shared>> -> memref<100096x16xf32, #tpu.memory_space<vmem_shared>>
    tpu.enqueue_indirect_dma source(%arg17 : memref<384x16xf32, #tpu.memory_space<vmem>>) target(%dma_start3A_237 : memref<100096x16xf32, #tpu.memory_space<vmem_shared>>) offsets(%dma_start3A_234 : memref<384xi32, #tpu.memory_space<vmem>>) semaphore(%arg25 : memref<!tpu.dma_semaphore, #tpu.memory_space<semaphore_mem>>) {add = true}
    %dma_wait3A_238 = arith.constant 0 : i32
    %dma_wait3A_239 = arith.constant 0 : i32
    %dma_wait3A_240 = tpu.memref_slice %arg14[%dma_wait3A_238, %dma_wait3A_239] : memref<2x384xi32, #tpu.memory_space<vmem>> -> memref<1x384xi32, #tpu.memory_space<vmem>>
    %dma_wait3A_241 = tpu.memref_squeeze %dma_wait3A_240 : memref<1x384xi32, #tpu.memory_space<vmem>> -> memref<384xi32, #tpu.memory_space<vmem>>
    %dma_wait3A_242 = arith.constant 0 : i32
    %dma_wait3A_243 = arith.constant 0 : i32
    %dma_wait3A_244 = tpu.memref_slice %arg3[%dma_wait3A_242, %dma_wait3A_243] : memref<400000x16xf32, #tpu.memory_space<hbm>> -> memref<400000x16xf32, #tpu.memory_space<hbm>>
    tpu.wait_indirect_dma semaphore(%arg22 : memref<!tpu.dma_semaphore, #tpu.memory_space<semaphore_mem>>) src(%dma_wait3A_244 : memref<400000x16xf32, #tpu.memory_space<hbm>>) dst(%arg18 : memref<384x16xf32, #tpu.memory_space<vmem>>)
    %dma_start3A_245 = arith.constant 1 : i32
    %dma_start3A_246 = arith.constant 0 : i32
    %dma_start3A_247 = tpu.memref_slice %arg14[%dma_start3A_245, %dma_start3A_246] : memref<2x384xi32, #tpu.memory_space<vmem>> -> memref<1x384xi32, #tpu.memory_space<vmem>>
    %dma_start3A_248 = tpu.memref_squeeze %dma_start3A_247 : memref<1x384xi32, #tpu.memory_space<vmem>> -> memref<384xi32, #tpu.memory_space<vmem>>
    %dma_start3A_249 = arith.constant 0 : i32
    %dma_start3A_250 = arith.constant 0 : i32
    %dma_start3A_251 = tpu.memref_slice %arg10[%dma_start3A_249, %dma_start3A_250] : memref<100096x16xf32, #tpu.memory_space<vmem_shared>> -> memref<100096x16xf32, #tpu.memory_space<vmem_shared>>
    tpu.enqueue_indirect_dma source(%arg18 : memref<384x16xf32, #tpu.memory_space<vmem>>) target(%dma_start3A_251 : memref<100096x16xf32, #tpu.memory_space<vmem_shared>>) offsets(%dma_start3A_248 : memref<384xi32, #tpu.memory_space<vmem>>) semaphore(%arg26 : memref<!tpu.dma_semaphore, #tpu.memory_space<semaphore_mem>>) {add = true}
    %dma_wait3A_252 = arith.constant 1 : i32
    %dma_wait3A_253 = arith.constant 0 : i32
    %dma_wait3A_254 = tpu.memref_slice %arg12[%dma_wait3A_252, %dma_wait3A_253] : memref<2x384xi32, #tpu.memory_space<vmem>> -> memref<1x384xi32, #tpu.memory_space<vmem>>
    %dma_wait3A_255 = tpu.memref_squeeze %dma_wait3A_254 : memref<1x384xi32, #tpu.memory_space<vmem>> -> memref<384xi32, #tpu.memory_space<vmem>>
    %dma_wait3A_256 = arith.constant 0 : i32
    %dma_wait3A_257 = arith.constant 0 : i32
    %dma_wait3A_258 = tpu.memref_slice %arg10[%dma_wait3A_256, %dma_wait3A_257] : memref<100096x16xf32, #tpu.memory_space<vmem_shared>> -> memref<100096x16xf32, #tpu.memory_space<vmem_shared>>
    tpu.wait_indirect_dma semaphore(%arg24 : memref<!tpu.dma_semaphore, #tpu.memory_space<semaphore_mem>>) src(%arg16 : memref<384x16xf32, #tpu.memory_space<vmem>>) dst(%dma_wait3A_258 : memref<100096x16xf32, #tpu.memory_space<vmem_shared>>)
    %dma_wait3A_259 = arith.constant 1 : i32
    %dma_wait3A_260 = arith.constant 0 : i32
    %dma_wait3A_261 = tpu.memref_slice %arg13[%dma_wait3A_259, %dma_wait3A_260] : memref<2x384xi32, #tpu.memory_space<vmem>> -> memref<1x384xi32, #tpu.memory_space<vmem>>
    %dma_wait3A_262 = tpu.memref_squeeze %dma_wait3A_261 : memref<1x384xi32, #tpu.memory_space<vmem>> -> memref<384xi32, #tpu.memory_space<vmem>>
    %dma_wait3A_263 = arith.constant 0 : i32
    %dma_wait3A_264 = arith.constant 0 : i32
    %dma_wait3A_265 = tpu.memref_slice %arg10[%dma_wait3A_263, %dma_wait3A_264] : memref<100096x16xf32, #tpu.memory_space<vmem_shared>> -> memref<100096x16xf32, #tpu.memory_space<vmem_shared>>
    tpu.wait_indirect_dma semaphore(%arg25 : memref<!tpu.dma_semaphore, #tpu.memory_space<semaphore_mem>>) src(%arg17 : memref<384x16xf32, #tpu.memory_space<vmem>>) dst(%dma_wait3A_265 : memref<100096x16xf32, #tpu.memory_space<vmem_shared>>)
    %dma_wait3A_266 = arith.constant 1 : i32
    %dma_wait3A_267 = arith.constant 0 : i32
    %dma_wait3A_268 = tpu.memref_slice %arg14[%dma_wait3A_266, %dma_wait3A_267] : memref<2x384xi32, #tpu.memory_space<vmem>> -> memref<1x384xi32, #tpu.memory_space<vmem>>
    %dma_wait3A_269 = tpu.memref_squeeze %dma_wait3A_268 : memref<1x384xi32, #tpu.memory_space<vmem>> -> memref<384xi32, #tpu.memory_space<vmem>>
    %dma_wait3A_270 = arith.constant 0 : i32
    %dma_wait3A_271 = arith.constant 0 : i32
    %dma_wait3A_272 = tpu.memref_slice %arg10[%dma_wait3A_270, %dma_wait3A_271] : memref<100096x16xf32, #tpu.memory_space<vmem_shared>> -> memref<100096x16xf32, #tpu.memory_space<vmem_shared>>
    tpu.wait_indirect_dma semaphore(%arg26 : memref<!tpu.dma_semaphore, #tpu.memory_space<semaphore_mem>>) src(%arg18 : memref<384x16xf32, #tpu.memory_space<vmem>>) dst(%dma_wait3A_272 : memref<100096x16xf32, #tpu.memory_space<vmem_shared>>)
    %barrier3A_273 = arith.constant 0 : index
    tpu.barrier barrier_id(%barrier3A_273)
    "tpu.region"() ({
      %run_scoped3A = tpu.sem_alloc : memref<!tpu.dma_semaphore, #tpu.memory_space<semaphore_mem>>
      %dma_start3A_274 = arith.constant 0 : i32
      %dma_start3A_275 = tpu.memref_slice %arg9[%add3A_139, %mul3A_0, %dma_start3A_274] : memref<4x100096x16xf32, #tpu.memory_space<hbm>> -> memref<1x6256x16xf32, #tpu.memory_space<hbm>>
      %dma_start3A_276 = tpu.memref_squeeze %dma_start3A_275 : memref<1x6256x16xf32, #tpu.memory_space<hbm>> -> memref<6256x16xf32, #tpu.memory_space<hbm>>
      %dma_start3A_277 = arith.constant 0 : i32
      %dma_start3A_278 = tpu.memref_slice %arg10[%mul3A_0, %dma_start3A_277] : memref<100096x16xf32, #tpu.memory_space<vmem_shared>> -> memref<6256x16xf32, #tpu.memory_space<vmem_shared>>
      tpu.enqueue_dma source(%dma_start3A_278 : memref<6256x16xf32, #tpu.memory_space<vmem_shared>>) target(%dma_start3A_276 : memref<6256x16xf32, #tpu.memory_space<hbm>>) target_semaphore(%run_scoped3A : memref<!tpu.dma_semaphore, #tpu.memory_space<semaphore_mem>>)
      %dma_wait3A_279 = arith.constant 0 : i32
      %dma_wait3A_280 = tpu.memref_slice %arg9[%add3A_139, %mul3A_0, %dma_wait3A_279] : memref<4x100096x16xf32, #tpu.memory_space<hbm>> -> memref<1x6256x16xf32, #tpu.memory_space<hbm>>
      %dma_wait3A_281 = tpu.memref_squeeze %dma_wait3A_280 : memref<1x6256x16xf32, #tpu.memory_space<hbm>> -> memref<6256x16xf32, #tpu.memory_space<hbm>>
      %dma_wait3A_282 = arith.constant 0 : i32
      %dma_wait3A_283 = tpu.memref_slice %arg10[%mul3A_0, %dma_wait3A_282] : memref<100096x16xf32, #tpu.memory_space<vmem_shared>> -> memref<6256x16xf32, #tpu.memory_space<vmem_shared>>
      tpu.wait_dma2 semaphore(%run_scoped3A : memref<!tpu.dma_semaphore, #tpu.memory_space<semaphore_mem>>) src(%dma_wait3A_283 : memref<6256x16xf32, #tpu.memory_space<vmem_shared>>) dst(%dma_wait3A_281 : memref<6256x16xf32, #tpu.memory_space<hbm>>)
      tpu.yield
    }) : () -> ()
    return
  }
}

#map = affine_map<(d0, d1) -> (0, 0)>
#map1 = affine_map<(d0, d1) -> (0, 0, 0, 0)>
#map2 = affine_map<(d0, d1) -> (0, 0, 0)>
module attributes {stable_mosaic.version = 14 : i64} {
  func.func @_sc_body(%arg0: i32, %arg1: i32, %arg2: memref<400000x16xf32, #tpu.memory_space<hbm>>, %arg3: memref<400000x16xf32, #tpu.memory_space<hbm>>, %arg4: memref<4x3200x2x384xi32, #tpu.memory_space<hbm>>, %arg5: memref<4x3200x2x384xi32, #tpu.memory_space<hbm>>, %arg6: memref<6256x16xf32, #tpu.memory_space<hbm>>, %arg7: memref<384x16xf32, #tpu.memory_space<hbm>>, %arg8: memref<4x100096x16xf32, #tpu.memory_space<hbm>>, %arg9: memref<4x100096x16xf32, #tpu.memory_space<hbm>>, %arg10: memref<100096x16xf32, #tpu.memory_space<hbm>>, %arg11: memref<100096x16xf32, #tpu.memory_space<hbm>>, %arg12: memref<100096x16xf32, #tpu.memory_space<vmem_shared>>, %arg13: memref<2x384xi32, #tpu.memory_space<vmem>>, %arg14: memref<2x384xi32, #tpu.memory_space<vmem>>, %arg15: memref<2x384xi32, #tpu.memory_space<vmem>>, %arg16: memref<2x384xi32, #tpu.memory_space<vmem>>, %arg17: memref<384x16xf32, #tpu.memory_space<vmem>>, %arg18: memref<384x16xf32, #tpu.memory_space<vmem>>, %arg19: memref<384x16xf32, #tpu.memory_space<vmem>>, %arg20: memref<384x16xf32, #tpu.memory_space<vmem>>, %arg21: memref<!tpu.dma_semaphore, #tpu.memory_space<semaphore_mem>>, %arg22: memref<!tpu.dma_semaphore, #tpu.memory_space<semaphore_mem>>, %arg23: memref<!tpu.dma_semaphore, #tpu.memory_space<semaphore_mem>>, %arg24: memref<!tpu.dma_semaphore, #tpu.memory_space<semaphore_mem>>, %arg25: memref<!tpu.dma_semaphore, #tpu.memory_space<semaphore_mem>>, %arg26: memref<!tpu.dma_semaphore, #tpu.memory_space<semaphore_mem>>, %arg27: memref<!tpu.dma_semaphore, #tpu.memory_space<semaphore_mem>>, %arg28: memref<!tpu.dma_semaphore, #tpu.memory_space<semaphore_mem>>) attributes {dimension_semantics = [#tpu.dimension_semantics<core_parallel>, #tpu.dimension_semantics<subcore_parallel>], iteration_bounds = array<i64: 2, 16>, scalar_prefetch = 0 : i64, scratch_operands = 17 : i64, tpu.core_type = #tpu.core_type<sc_vector_subcore>, window_params = [{transform_indices = #map}, {transform_indices = #map}, {transform_indices = #map1}, {transform_indices = #map1}, {transform_indices = #map}, {transform_indices = #map}, {transform_indices = #map2}, {transform_indices = #map2}, {transform_indices = #map}, {transform_indices = #map}]} {
    %mul3A = arith.constant 6256 : i32
    %mul3A_0 = arith.muli %arg1, %mul3A : i32
    %mul3A_1 = arith.constant 200 : i32
    %mul3A_2 = arith.muli %arg1, %mul3A_1 : i32
    %mul3A_3 = arith.constant 2 : i32
    %mul3A_4 = arith.muli %arg0, %mul3A_3 : i32
    %add3A = arith.constant 0 : i32
    %add3A_5 = arith.addi %mul3A_4, %add3A : i32
    "tpu.region"() ({
      %run_scoped3A = tpu.sem_alloc : memref<!tpu.dma_semaphore, #tpu.memory_space<semaphore_mem>>
      %dma_start3A_281 = arith.constant 0 : i32
      %dma_start3A_282 = tpu.memref_slice %arg12[%mul3A_0, %dma_start3A_281] : memref<100096x16xf32, #tpu.memory_space<vmem_shared>> -> memref<6256x16xf32, #tpu.memory_space<vmem_shared>>
      tpu.enqueue_dma source(%arg6 : memref<6256x16xf32, #tpu.memory_space<hbm>>) target(%dma_start3A_282 : memref<6256x16xf32, #tpu.memory_space<vmem_shared>>) target_semaphore(%run_scoped3A : memref<!tpu.dma_semaphore, #tpu.memory_space<semaphore_mem>>)
      %dma_wait3A_283 = arith.constant 0 : i32
      %dma_wait3A_284 = tpu.memref_slice %arg12[%mul3A_0, %dma_wait3A_283] : memref<100096x16xf32, #tpu.memory_space<vmem_shared>> -> memref<6256x16xf32, #tpu.memory_space<vmem_shared>>
      tpu.wait_dma2 semaphore(%run_scoped3A : memref<!tpu.dma_semaphore, #tpu.memory_space<semaphore_mem>>) src(%arg6 : memref<6256x16xf32, #tpu.memory_space<hbm>>) dst(%dma_wait3A_284 : memref<6256x16xf32, #tpu.memory_space<vmem_shared>>)
      tpu.yield
    }) : () -> ()
    %barrier3A = arith.constant 0 : index
    tpu.barrier barrier_id(%barrier3A)
    %add3A_6 = arith.constant 0 : i32
    %add3A_7 = arith.addi %mul3A_2, %add3A_6 : i32
    %dma_start3A = arith.constant 0 : i32
    %dma_start3A_8 = arith.constant 0 : i32
    %dma_start3A_9 = tpu.memref_slice %arg4[%add3A_5, %add3A_7, %dma_start3A, %dma_start3A_8] : memref<4x3200x2x384xi32, #tpu.memory_space<hbm>> -> memref<1x1x2x384xi32, #tpu.memory_space<hbm>>
    %dma_start3A_10 = tpu.memref_squeeze %dma_start3A_9 : memref<1x1x2x384xi32, #tpu.memory_space<hbm>> -> memref<2x384xi32, #tpu.memory_space<hbm>>
    %dma_start3A_11 = arith.constant 0 : i32
    %dma_start3A_12 = arith.constant 0 : i32
    %dma_start3A_13 = tpu.memref_slice %arg4[%add3A_5, %add3A_7, %dma_start3A_11, %dma_start3A_12] : memref<4x3200x2x384xi32, #tpu.memory_space<hbm>> -> memref<1x1x2x384xi32, #tpu.memory_space<hbm>>
    %dma_start3A_14 = tpu.memref_squeeze %dma_start3A_13 : memref<1x1x2x384xi32, #tpu.memory_space<hbm>> -> memref<2x384xi32, #tpu.memory_space<hbm>>
    tpu.enqueue_dma source(%dma_start3A_14 : memref<2x384xi32, #tpu.memory_space<hbm>>) target(%arg13 : memref<2x384xi32, #tpu.memory_space<vmem>>) target_semaphore(%arg21 : memref<!tpu.dma_semaphore, #tpu.memory_space<semaphore_mem>>)
    %scan3A = arith.constant 0 : i32
    %scan3A_15 = arith.constant 0 : i32
    %scan3A_16 = arith.constant 50 : i32
    %scan3A_17 = arith.addi %scan3A_15, %scan3A_16 : i32
    %scan3A_18 = arith.constant 1 : i32
    scf.for %scan3A_281 = %scan3A_15 to %scan3A_17 step %scan3A_18  : i32 {
      %mul3A_282 = arith.constant 4 : i32
      %mul3A_283 = arith.muli %scan3A_281, %mul3A_282 : i32
      %add3A_284 = arith.constant 0 : i32
      %add3A_285 = arith.addi %mul3A_283, %add3A_284 : i32
      %dma_wait3A_286 = arith.constant 0 : i32
      %dma_wait3A_287 = arith.constant 0 : i32
      %dma_wait3A_288 = arith.constant 0 : i32
      %dma_wait3A_289 = tpu.memref_slice %arg4[%add3A_5, %dma_wait3A_286, %dma_wait3A_287, %dma_wait3A_288] : memref<4x3200x2x384xi32, #tpu.memory_space<hbm>> -> memref<1x1x2x384xi32, #tpu.memory_space<hbm>>
      %dma_wait3A_290 = tpu.memref_squeeze %dma_wait3A_289 : memref<1x1x2x384xi32, #tpu.memory_space<hbm>> -> memref<2x384xi32, #tpu.memory_space<hbm>>
      %dma_wait3A_291 = arith.constant 0 : i32
      %dma_wait3A_292 = arith.constant 0 : i32
      %dma_wait3A_293 = tpu.memref_slice %arg4[%add3A_5, %dma_wait3A_286, %dma_wait3A_291, %dma_wait3A_292] : memref<4x3200x2x384xi32, #tpu.memory_space<hbm>> -> memref<1x1x2x384xi32, #tpu.memory_space<hbm>>
      %dma_wait3A_294 = tpu.memref_squeeze %dma_wait3A_293 : memref<1x1x2x384xi32, #tpu.memory_space<hbm>> -> memref<2x384xi32, #tpu.memory_space<hbm>>
      tpu.wait_dma2 semaphore(%arg21 : memref<!tpu.dma_semaphore, #tpu.memory_space<semaphore_mem>>) src(%dma_wait3A_294 : memref<2x384xi32, #tpu.memory_space<hbm>>) dst(%arg13 : memref<2x384xi32, #tpu.memory_space<vmem>>)
      %dma_start3A_295 = arith.constant 0 : i32
      %dma_start3A_296 = arith.constant 0 : i32
      %dma_start3A_297 = tpu.memref_slice %arg13[%dma_start3A_295, %dma_start3A_296] : memref<2x384xi32, #tpu.memory_space<vmem>> -> memref<1x384xi32, #tpu.memory_space<vmem>>
      %dma_start3A_298 = tpu.memref_squeeze %dma_start3A_297 : memref<1x384xi32, #tpu.memory_space<vmem>> -> memref<384xi32, #tpu.memory_space<vmem>>
      %dma_start3A_299 = arith.constant 0 : i32
      %dma_start3A_300 = arith.constant 0 : i32
      %dma_start3A_301 = tpu.memref_slice %arg2[%dma_start3A_299, %dma_start3A_300] : memref<400000x16xf32, #tpu.memory_space<hbm>> -> memref<400000x16xf32, #tpu.memory_space<hbm>>
      tpu.enqueue_indirect_dma source(%dma_start3A_301 : memref<400000x16xf32, #tpu.memory_space<hbm>>) target(%arg17 : memref<384x16xf32, #tpu.memory_space<vmem>>) offsets(%dma_start3A_298 : memref<384xi32, #tpu.memory_space<vmem>>) semaphore(%arg21 : memref<!tpu.dma_semaphore, #tpu.memory_space<semaphore_mem>>)
      %ge3A = arith.constant 2 : i32
      %ge3A_302 = arith.cmpi sge, %add3A_285, %ge3A : i32
      %convert_element_type3A_303 = arith.extui %ge3A_302 : i1 to i32
      %cond3A_304 = arith.constant 0 : i32
      %cond3A_305 = arith.cmpi ne, %convert_element_type3A_303, %cond3A_304 : i32
      scf.if %cond3A_305 {
        %dma_wait3A_428 = arith.constant 0 : i32
        %dma_wait3A_429 = arith.constant 0 : i32
        %dma_wait3A_430 = tpu.memref_slice %arg15[%dma_wait3A_428, %dma_wait3A_429] : memref<2x384xi32, #tpu.memory_space<vmem>> -> memref<1x384xi32, #tpu.memory_space<vmem>>
        %dma_wait3A_431 = tpu.memref_squeeze %dma_wait3A_430 : memref<1x384xi32, #tpu.memory_space<vmem>> -> memref<384xi32, #tpu.memory_space<vmem>>
        %dma_wait3A_432 = arith.constant 0 : i32
        %dma_wait3A_433 = arith.constant 0 : i32
        %dma_wait3A_434 = tpu.memref_slice %arg2[%dma_wait3A_432, %dma_wait3A_433] : memref<400000x16xf32, #tpu.memory_space<hbm>> -> memref<400000x16xf32, #tpu.memory_space<hbm>>
        tpu.wait_indirect_dma semaphore(%arg23 : memref<!tpu.dma_semaphore, #tpu.memory_space<semaphore_mem>>) src(%dma_wait3A_434 : memref<400000x16xf32, #tpu.memory_space<hbm>>) dst(%arg19 : memref<384x16xf32, #tpu.memory_space<vmem>>)
        %dma_start3A_435 = arith.constant 1 : i32
        %dma_start3A_436 = arith.constant 0 : i32
        %dma_start3A_437 = tpu.memref_slice %arg15[%dma_start3A_435, %dma_start3A_436] : memref<2x384xi32, #tpu.memory_space<vmem>> -> memref<1x384xi32, #tpu.memory_space<vmem>>
        %dma_start3A_438 = tpu.memref_squeeze %dma_start3A_437 : memref<1x384xi32, #tpu.memory_space<vmem>> -> memref<384xi32, #tpu.memory_space<vmem>>
        %dma_start3A_439 = arith.constant 0 : i32
        %dma_start3A_440 = arith.constant 0 : i32
        %dma_start3A_441 = tpu.memref_slice %arg12[%dma_start3A_439, %dma_start3A_440] : memref<100096x16xf32, #tpu.memory_space<vmem_shared>> -> memref<100096x16xf32, #tpu.memory_space<vmem_shared>>
        tpu.enqueue_indirect_dma source(%arg19 : memref<384x16xf32, #tpu.memory_space<vmem>>) target(%dma_start3A_441 : memref<100096x16xf32, #tpu.memory_space<vmem_shared>>) offsets(%dma_start3A_438 : memref<384xi32, #tpu.memory_space<vmem>>) semaphore(%arg27 : memref<!tpu.dma_semaphore, #tpu.memory_space<semaphore_mem>>) {add = true}
      } else {
      }
      %ge3A_306 = arith.constant 3 : i32
      %ge3A_307 = arith.cmpi sge, %add3A_285, %ge3A_306 : i32
      %convert_element_type3A_308 = arith.extui %ge3A_307 : i1 to i32
      %cond3A_309 = arith.constant 0 : i32
      %cond3A_310 = arith.cmpi ne, %convert_element_type3A_308, %cond3A_309 : i32
      scf.if %cond3A_310 {
        %dma_wait3A_428 = arith.constant 1 : i32
        %dma_wait3A_429 = arith.constant 0 : i32
        %dma_wait3A_430 = tpu.memref_slice %arg14[%dma_wait3A_428, %dma_wait3A_429] : memref<2x384xi32, #tpu.memory_space<vmem>> -> memref<1x384xi32, #tpu.memory_space<vmem>>
        %dma_wait3A_431 = tpu.memref_squeeze %dma_wait3A_430 : memref<1x384xi32, #tpu.memory_space<vmem>> -> memref<384xi32, #tpu.memory_space<vmem>>
        %dma_wait3A_432 = arith.constant 0 : i32
        %dma_wait3A_433 = arith.constant 0 : i32
        %dma_wait3A_434 = tpu.memref_slice %arg12[%dma_wait3A_432, %dma_wait3A_433] : memref<100096x16xf32, #tpu.memory_space<vmem_shared>> -> memref<100096x16xf32, #tpu.memory_space<vmem_shared>>
        tpu.wait_indirect_dma semaphore(%arg26 : memref<!tpu.dma_semaphore, #tpu.memory_space<semaphore_mem>>) src(%arg18 : memref<384x16xf32, #tpu.memory_space<vmem>>) dst(%dma_wait3A_434 : memref<100096x16xf32, #tpu.memory_space<vmem_shared>>)
      } else {
      }
      %add3A_311 = arith.constant 1 : i32
      %add3A_312 = arith.addi %add3A_285, %add3A_311 : i32
      %lt3A = arith.constant 200 : i32
      %lt3A_313 = arith.cmpi slt, %add3A_312, %lt3A : i32
      %convert_element_type3A_314 = arith.extui %lt3A_313 : i1 to i32
      %cond3A_315 = arith.constant 0 : i32
      %cond3A_316 = arith.cmpi ne, %convert_element_type3A_314, %cond3A_315 : i32
      scf.if %cond3A_316 {
        %add3A_428 = arith.constant 1 : i32
        %add3A_429 = arith.addi %add3A_285, %add3A_428 : i32
        %add3A_430 = arith.addi %mul3A_2, %add3A_429 : i32
        %dma_start3A_431 = arith.constant 0 : i32
        %dma_start3A_432 = arith.constant 0 : i32
        %dma_start3A_433 = tpu.memref_slice %arg4[%add3A_5, %add3A_430, %dma_start3A_431, %dma_start3A_432] : memref<4x3200x2x384xi32, #tpu.memory_space<hbm>> -> memref<1x1x2x384xi32, #tpu.memory_space<hbm>>
        %dma_start3A_434 = tpu.memref_squeeze %dma_start3A_433 : memref<1x1x2x384xi32, #tpu.memory_space<hbm>> -> memref<2x384xi32, #tpu.memory_space<hbm>>
        %dma_start3A_435 = arith.constant 0 : i32
        %dma_start3A_436 = arith.constant 0 : i32
        %dma_start3A_437 = tpu.memref_slice %arg4[%add3A_5, %add3A_430, %dma_start3A_435, %dma_start3A_436] : memref<4x3200x2x384xi32, #tpu.memory_space<hbm>> -> memref<1x1x2x384xi32, #tpu.memory_space<hbm>>
        %dma_start3A_438 = tpu.memref_squeeze %dma_start3A_437 : memref<1x1x2x384xi32, #tpu.memory_space<hbm>> -> memref<2x384xi32, #tpu.memory_space<hbm>>
        tpu.enqueue_dma source(%dma_start3A_438 : memref<2x384xi32, #tpu.memory_space<hbm>>) target(%arg14 : memref<2x384xi32, #tpu.memory_space<vmem>>) target_semaphore(%arg22 : memref<!tpu.dma_semaphore, #tpu.memory_space<semaphore_mem>>)
      } else {
      }
      %mul3A_317 = arith.constant 4 : i32
      %mul3A_318 = arith.muli %scan3A_281, %mul3A_317 : i32
      %add3A_319 = arith.constant 1 : i32
      %add3A_320 = arith.addi %mul3A_318, %add3A_319 : i32
      %dma_wait3A_321 = arith.constant 0 : i32
      %dma_wait3A_322 = arith.constant 0 : i32
      %dma_wait3A_323 = arith.constant 0 : i32
      %dma_wait3A_324 = tpu.memref_slice %arg4[%add3A_5, %dma_wait3A_321, %dma_wait3A_322, %dma_wait3A_323] : memref<4x3200x2x384xi32, #tpu.memory_space<hbm>> -> memref<1x1x2x384xi32, #tpu.memory_space<hbm>>
      %dma_wait3A_325 = tpu.memref_squeeze %dma_wait3A_324 : memref<1x1x2x384xi32, #tpu.memory_space<hbm>> -> memref<2x384xi32, #tpu.memory_space<hbm>>
      %dma_wait3A_326 = arith.constant 0 : i32
      %dma_wait3A_327 = arith.constant 0 : i32
      %dma_wait3A_328 = tpu.memref_slice %arg4[%add3A_5, %dma_wait3A_321, %dma_wait3A_326, %dma_wait3A_327] : memref<4x3200x2x384xi32, #tpu.memory_space<hbm>> -> memref<1x1x2x384xi32, #tpu.memory_space<hbm>>
      %dma_wait3A_329 = tpu.memref_squeeze %dma_wait3A_328 : memref<1x1x2x384xi32, #tpu.memory_space<hbm>> -> memref<2x384xi32, #tpu.memory_space<hbm>>
      tpu.wait_dma2 semaphore(%arg22 : memref<!tpu.dma_semaphore, #tpu.memory_space<semaphore_mem>>) src(%dma_wait3A_329 : memref<2x384xi32, #tpu.memory_space<hbm>>) dst(%arg14 : memref<2x384xi32, #tpu.memory_space<vmem>>)
      %dma_start3A_330 = arith.constant 0 : i32
      %dma_start3A_331 = arith.constant 0 : i32
      %dma_start3A_332 = tpu.memref_slice %arg14[%dma_start3A_330, %dma_start3A_331] : memref<2x384xi32, #tpu.memory_space<vmem>> -> memref<1x384xi32, #tpu.memory_space<vmem>>
      %dma_start3A_333 = tpu.memref_squeeze %dma_start3A_332 : memref<1x384xi32, #tpu.memory_space<vmem>> -> memref<384xi32, #tpu.memory_space<vmem>>
      %dma_start3A_334 = arith.constant 0 : i32
      %dma_start3A_335 = arith.constant 0 : i32
      %dma_start3A_336 = tpu.memref_slice %arg2[%dma_start3A_334, %dma_start3A_335] : memref<400000x16xf32, #tpu.memory_space<hbm>> -> memref<400000x16xf32, #tpu.memory_space<hbm>>
      tpu.enqueue_indirect_dma source(%dma_start3A_336 : memref<400000x16xf32, #tpu.memory_space<hbm>>) target(%arg18 : memref<384x16xf32, #tpu.memory_space<vmem>>) offsets(%dma_start3A_333 : memref<384xi32, #tpu.memory_space<vmem>>) semaphore(%arg22 : memref<!tpu.dma_semaphore, #tpu.memory_space<semaphore_mem>>)
      %ge3A_337 = arith.constant 2 : i32
      %ge3A_338 = arith.cmpi sge, %add3A_320, %ge3A_337 : i32
      %convert_element_type3A_339 = arith.extui %ge3A_338 : i1 to i32
      %cond3A_340 = arith.constant 0 : i32
      %cond3A_341 = arith.cmpi ne, %convert_element_type3A_339, %cond3A_340 : i32
      scf.if %cond3A_341 {
        %dma_wait3A_428 = arith.constant 0 : i32
        %dma_wait3A_429 = arith.constant 0 : i32
        %dma_wait3A_430 = tpu.memref_slice %arg16[%dma_wait3A_428, %dma_wait3A_429] : memref<2x384xi32, #tpu.memory_space<vmem>> -> memref<1x384xi32, #tpu.memory_space<vmem>>
        %dma_wait3A_431 = tpu.memref_squeeze %dma_wait3A_430 : memref<1x384xi32, #tpu.memory_space<vmem>> -> memref<384xi32, #tpu.memory_space<vmem>>
        %dma_wait3A_432 = arith.constant 0 : i32
        %dma_wait3A_433 = arith.constant 0 : i32
        %dma_wait3A_434 = tpu.memref_slice %arg2[%dma_wait3A_432, %dma_wait3A_433] : memref<400000x16xf32, #tpu.memory_space<hbm>> -> memref<400000x16xf32, #tpu.memory_space<hbm>>
        tpu.wait_indirect_dma semaphore(%arg24 : memref<!tpu.dma_semaphore, #tpu.memory_space<semaphore_mem>>) src(%dma_wait3A_434 : memref<400000x16xf32, #tpu.memory_space<hbm>>) dst(%arg20 : memref<384x16xf32, #tpu.memory_space<vmem>>)
        %dma_start3A_435 = arith.constant 1 : i32
        %dma_start3A_436 = arith.constant 0 : i32
        %dma_start3A_437 = tpu.memref_slice %arg16[%dma_start3A_435, %dma_start3A_436] : memref<2x384xi32, #tpu.memory_space<vmem>> -> memref<1x384xi32, #tpu.memory_space<vmem>>
        %dma_start3A_438 = tpu.memref_squeeze %dma_start3A_437 : memref<1x384xi32, #tpu.memory_space<vmem>> -> memref<384xi32, #tpu.memory_space<vmem>>
        %dma_start3A_439 = arith.constant 0 : i32
        %dma_start3A_440 = arith.constant 0 : i32
        %dma_start3A_441 = tpu.memref_slice %arg12[%dma_start3A_439, %dma_start3A_440] : memref<100096x16xf32, #tpu.memory_space<vmem_shared>> -> memref<100096x16xf32, #tpu.memory_space<vmem_shared>>
        tpu.enqueue_indirect_dma source(%arg20 : memref<384x16xf32, #tpu.memory_space<vmem>>) target(%dma_start3A_441 : memref<100096x16xf32, #tpu.memory_space<vmem_shared>>) offsets(%dma_start3A_438 : memref<384xi32, #tpu.memory_space<vmem>>) semaphore(%arg28 : memref<!tpu.dma_semaphore, #tpu.memory_space<semaphore_mem>>) {add = true}
      } else {
      }
      %ge3A_342 = arith.constant 3 : i32
      %ge3A_343 = arith.cmpi sge, %add3A_320, %ge3A_342 : i32
      %convert_element_type3A_344 = arith.extui %ge3A_343 : i1 to i32
      %cond3A_345 = arith.constant 0 : i32
      %cond3A_346 = arith.cmpi ne, %convert_element_type3A_344, %cond3A_345 : i32
      scf.if %cond3A_346 {
        %dma_wait3A_428 = arith.constant 1 : i32
        %dma_wait3A_429 = arith.constant 0 : i32
        %dma_wait3A_430 = tpu.memref_slice %arg15[%dma_wait3A_428, %dma_wait3A_429] : memref<2x384xi32, #tpu.memory_space<vmem>> -> memref<1x384xi32, #tpu.memory_space<vmem>>
        %dma_wait3A_431 = tpu.memref_squeeze %dma_wait3A_430 : memref<1x384xi32, #tpu.memory_space<vmem>> -> memref<384xi32, #tpu.memory_space<vmem>>
        %dma_wait3A_432 = arith.constant 0 : i32
        %dma_wait3A_433 = arith.constant 0 : i32
        %dma_wait3A_434 = tpu.memref_slice %arg12[%dma_wait3A_432, %dma_wait3A_433] : memref<100096x16xf32, #tpu.memory_space<vmem_shared>> -> memref<100096x16xf32, #tpu.memory_space<vmem_shared>>
        tpu.wait_indirect_dma semaphore(%arg27 : memref<!tpu.dma_semaphore, #tpu.memory_space<semaphore_mem>>) src(%arg19 : memref<384x16xf32, #tpu.memory_space<vmem>>) dst(%dma_wait3A_434 : memref<100096x16xf32, #tpu.memory_space<vmem_shared>>)
      } else {
      }
      %add3A_347 = arith.constant 1 : i32
      %add3A_348 = arith.addi %add3A_320, %add3A_347 : i32
      %lt3A_349 = arith.constant 200 : i32
      %lt3A_350 = arith.cmpi slt, %add3A_348, %lt3A_349 : i32
      %convert_element_type3A_351 = arith.extui %lt3A_350 : i1 to i32
      %cond3A_352 = arith.constant 0 : i32
      %cond3A_353 = arith.cmpi ne, %convert_element_type3A_351, %cond3A_352 : i32
      scf.if %cond3A_353 {
        %add3A_428 = arith.constant 1 : i32
        %add3A_429 = arith.addi %add3A_320, %add3A_428 : i32
        %add3A_430 = arith.addi %mul3A_2, %add3A_429 : i32
        %dma_start3A_431 = arith.constant 0 : i32
        %dma_start3A_432 = arith.constant 0 : i32
        %dma_start3A_433 = tpu.memref_slice %arg4[%add3A_5, %add3A_430, %dma_start3A_431, %dma_start3A_432] : memref<4x3200x2x384xi32, #tpu.memory_space<hbm>> -> memref<1x1x2x384xi32, #tpu.memory_space<hbm>>
        %dma_start3A_434 = tpu.memref_squeeze %dma_start3A_433 : memref<1x1x2x384xi32, #tpu.memory_space<hbm>> -> memref<2x384xi32, #tpu.memory_space<hbm>>
        %dma_start3A_435 = arith.constant 0 : i32
        %dma_start3A_436 = arith.constant 0 : i32
        %dma_start3A_437 = tpu.memref_slice %arg4[%add3A_5, %add3A_430, %dma_start3A_435, %dma_start3A_436] : memref<4x3200x2x384xi32, #tpu.memory_space<hbm>> -> memref<1x1x2x384xi32, #tpu.memory_space<hbm>>
        %dma_start3A_438 = tpu.memref_squeeze %dma_start3A_437 : memref<1x1x2x384xi32, #tpu.memory_space<hbm>> -> memref<2x384xi32, #tpu.memory_space<hbm>>
        tpu.enqueue_dma source(%dma_start3A_438 : memref<2x384xi32, #tpu.memory_space<hbm>>) target(%arg15 : memref<2x384xi32, #tpu.memory_space<vmem>>) target_semaphore(%arg23 : memref<!tpu.dma_semaphore, #tpu.memory_space<semaphore_mem>>)
      } else {
      }
      %mul3A_354 = arith.constant 4 : i32
      %mul3A_355 = arith.muli %scan3A_281, %mul3A_354 : i32
      %add3A_356 = arith.constant 2 : i32
      %add3A_357 = arith.addi %mul3A_355, %add3A_356 : i32
      %dma_wait3A_358 = arith.constant 0 : i32
      %dma_wait3A_359 = arith.constant 0 : i32
      %dma_wait3A_360 = arith.constant 0 : i32
      %dma_wait3A_361 = tpu.memref_slice %arg4[%add3A_5, %dma_wait3A_358, %dma_wait3A_359, %dma_wait3A_360] : memref<4x3200x2x384xi32, #tpu.memory_space<hbm>> -> memref<1x1x2x384xi32, #tpu.memory_space<hbm>>
      %dma_wait3A_362 = tpu.memref_squeeze %dma_wait3A_361 : memref<1x1x2x384xi32, #tpu.memory_space<hbm>> -> memref<2x384xi32, #tpu.memory_space<hbm>>
      %dma_wait3A_363 = arith.constant 0 : i32
      %dma_wait3A_364 = arith.constant 0 : i32
      %dma_wait3A_365 = tpu.memref_slice %arg4[%add3A_5, %dma_wait3A_358, %dma_wait3A_363, %dma_wait3A_364] : memref<4x3200x2x384xi32, #tpu.memory_space<hbm>> -> memref<1x1x2x384xi32, #tpu.memory_space<hbm>>
      %dma_wait3A_366 = tpu.memref_squeeze %dma_wait3A_365 : memref<1x1x2x384xi32, #tpu.memory_space<hbm>> -> memref<2x384xi32, #tpu.memory_space<hbm>>
      tpu.wait_dma2 semaphore(%arg23 : memref<!tpu.dma_semaphore, #tpu.memory_space<semaphore_mem>>) src(%dma_wait3A_366 : memref<2x384xi32, #tpu.memory_space<hbm>>) dst(%arg15 : memref<2x384xi32, #tpu.memory_space<vmem>>)
      %dma_start3A_367 = arith.constant 0 : i32
      %dma_start3A_368 = arith.constant 0 : i32
      %dma_start3A_369 = tpu.memref_slice %arg15[%dma_start3A_367, %dma_start3A_368] : memref<2x384xi32, #tpu.memory_space<vmem>> -> memref<1x384xi32, #tpu.memory_space<vmem>>
      %dma_start3A_370 = tpu.memref_squeeze %dma_start3A_369 : memref<1x384xi32, #tpu.memory_space<vmem>> -> memref<384xi32, #tpu.memory_space<vmem>>
      %dma_start3A_371 = arith.constant 0 : i32
      %dma_start3A_372 = arith.constant 0 : i32
      %dma_start3A_373 = tpu.memref_slice %arg2[%dma_start3A_371, %dma_start3A_372] : memref<400000x16xf32, #tpu.memory_space<hbm>> -> memref<400000x16xf32, #tpu.memory_space<hbm>>
      tpu.enqueue_indirect_dma source(%dma_start3A_373 : memref<400000x16xf32, #tpu.memory_space<hbm>>) target(%arg19 : memref<384x16xf32, #tpu.memory_space<vmem>>) offsets(%dma_start3A_370 : memref<384xi32, #tpu.memory_space<vmem>>) semaphore(%arg23 : memref<!tpu.dma_semaphore, #tpu.memory_space<semaphore_mem>>)
      %ge3A_374 = arith.constant 2 : i32
      %ge3A_375 = arith.cmpi sge, %add3A_357, %ge3A_374 : i32
      %convert_element_type3A_376 = arith.extui %ge3A_375 : i1 to i32
      %cond3A_377 = arith.constant 0 : i32
      %cond3A_378 = arith.cmpi ne, %convert_element_type3A_376, %cond3A_377 : i32
      scf.if %cond3A_378 {
        %dma_wait3A_428 = arith.constant 0 : i32
        %dma_wait3A_429 = arith.constant 0 : i32
        %dma_wait3A_430 = tpu.memref_slice %arg13[%dma_wait3A_428, %dma_wait3A_429] : memref<2x384xi32, #tpu.memory_space<vmem>> -> memref<1x384xi32, #tpu.memory_space<vmem>>
        %dma_wait3A_431 = tpu.memref_squeeze %dma_wait3A_430 : memref<1x384xi32, #tpu.memory_space<vmem>> -> memref<384xi32, #tpu.memory_space<vmem>>
        %dma_wait3A_432 = arith.constant 0 : i32
        %dma_wait3A_433 = arith.constant 0 : i32
        %dma_wait3A_434 = tpu.memref_slice %arg2[%dma_wait3A_432, %dma_wait3A_433] : memref<400000x16xf32, #tpu.memory_space<hbm>> -> memref<400000x16xf32, #tpu.memory_space<hbm>>
        tpu.wait_indirect_dma semaphore(%arg21 : memref<!tpu.dma_semaphore, #tpu.memory_space<semaphore_mem>>) src(%dma_wait3A_434 : memref<400000x16xf32, #tpu.memory_space<hbm>>) dst(%arg17 : memref<384x16xf32, #tpu.memory_space<vmem>>)
        %dma_start3A_435 = arith.constant 1 : i32
        %dma_start3A_436 = arith.constant 0 : i32
        %dma_start3A_437 = tpu.memref_slice %arg13[%dma_start3A_435, %dma_start3A_436] : memref<2x384xi32, #tpu.memory_space<vmem>> -> memref<1x384xi32, #tpu.memory_space<vmem>>
        %dma_start3A_438 = tpu.memref_squeeze %dma_start3A_437 : memref<1x384xi32, #tpu.memory_space<vmem>> -> memref<384xi32, #tpu.memory_space<vmem>>
        %dma_start3A_439 = arith.constant 0 : i32
        %dma_start3A_440 = arith.constant 0 : i32
        %dma_start3A_441 = tpu.memref_slice %arg12[%dma_start3A_439, %dma_start3A_440] : memref<100096x16xf32, #tpu.memory_space<vmem_shared>> -> memref<100096x16xf32, #tpu.memory_space<vmem_shared>>
        tpu.enqueue_indirect_dma source(%arg17 : memref<384x16xf32, #tpu.memory_space<vmem>>) target(%dma_start3A_441 : memref<100096x16xf32, #tpu.memory_space<vmem_shared>>) offsets(%dma_start3A_438 : memref<384xi32, #tpu.memory_space<vmem>>) semaphore(%arg25 : memref<!tpu.dma_semaphore, #tpu.memory_space<semaphore_mem>>) {add = true}
      } else {
      }
      %ge3A_379 = arith.constant 3 : i32
      %ge3A_380 = arith.cmpi sge, %add3A_357, %ge3A_379 : i32
      %convert_element_type3A_381 = arith.extui %ge3A_380 : i1 to i32
      %cond3A_382 = arith.constant 0 : i32
      %cond3A_383 = arith.cmpi ne, %convert_element_type3A_381, %cond3A_382 : i32
      scf.if %cond3A_383 {
        %dma_wait3A_428 = arith.constant 1 : i32
        %dma_wait3A_429 = arith.constant 0 : i32
        %dma_wait3A_430 = tpu.memref_slice %arg16[%dma_wait3A_428, %dma_wait3A_429] : memref<2x384xi32, #tpu.memory_space<vmem>> -> memref<1x384xi32, #tpu.memory_space<vmem>>
        %dma_wait3A_431 = tpu.memref_squeeze %dma_wait3A_430 : memref<1x384xi32, #tpu.memory_space<vmem>> -> memref<384xi32, #tpu.memory_space<vmem>>
        %dma_wait3A_432 = arith.constant 0 : i32
        %dma_wait3A_433 = arith.constant 0 : i32
        %dma_wait3A_434 = tpu.memref_slice %arg12[%dma_wait3A_432, %dma_wait3A_433] : memref<100096x16xf32, #tpu.memory_space<vmem_shared>> -> memref<100096x16xf32, #tpu.memory_space<vmem_shared>>
        tpu.wait_indirect_dma semaphore(%arg28 : memref<!tpu.dma_semaphore, #tpu.memory_space<semaphore_mem>>) src(%arg20 : memref<384x16xf32, #tpu.memory_space<vmem>>) dst(%dma_wait3A_434 : memref<100096x16xf32, #tpu.memory_space<vmem_shared>>)
      } else {
      }
      %add3A_384 = arith.constant 1 : i32
      %add3A_385 = arith.addi %add3A_357, %add3A_384 : i32
      %lt3A_386 = arith.constant 200 : i32
      %lt3A_387 = arith.cmpi slt, %add3A_385, %lt3A_386 : i32
      %convert_element_type3A_388 = arith.extui %lt3A_387 : i1 to i32
      %cond3A_389 = arith.constant 0 : i32
      %cond3A_390 = arith.cmpi ne, %convert_element_type3A_388, %cond3A_389 : i32
      scf.if %cond3A_390 {
        %add3A_428 = arith.constant 1 : i32
        %add3A_429 = arith.addi %add3A_357, %add3A_428 : i32
        %add3A_430 = arith.addi %mul3A_2, %add3A_429 : i32
        %dma_start3A_431 = arith.constant 0 : i32
        %dma_start3A_432 = arith.constant 0 : i32
        %dma_start3A_433 = tpu.memref_slice %arg4[%add3A_5, %add3A_430, %dma_start3A_431, %dma_start3A_432] : memref<4x3200x2x384xi32, #tpu.memory_space<hbm>> -> memref<1x1x2x384xi32, #tpu.memory_space<hbm>>
        %dma_start3A_434 = tpu.memref_squeeze %dma_start3A_433 : memref<1x1x2x384xi32, #tpu.memory_space<hbm>> -> memref<2x384xi32, #tpu.memory_space<hbm>>
        %dma_start3A_435 = arith.constant 0 : i32
        %dma_start3A_436 = arith.constant 0 : i32
        %dma_start3A_437 = tpu.memref_slice %arg4[%add3A_5, %add3A_430, %dma_start3A_435, %dma_start3A_436] : memref<4x3200x2x384xi32, #tpu.memory_space<hbm>> -> memref<1x1x2x384xi32, #tpu.memory_space<hbm>>
        %dma_start3A_438 = tpu.memref_squeeze %dma_start3A_437 : memref<1x1x2x384xi32, #tpu.memory_space<hbm>> -> memref<2x384xi32, #tpu.memory_space<hbm>>
        tpu.enqueue_dma source(%dma_start3A_438 : memref<2x384xi32, #tpu.memory_space<hbm>>) target(%arg16 : memref<2x384xi32, #tpu.memory_space<vmem>>) target_semaphore(%arg24 : memref<!tpu.dma_semaphore, #tpu.memory_space<semaphore_mem>>)
      } else {
      }
      %mul3A_391 = arith.constant 4 : i32
      %mul3A_392 = arith.muli %scan3A_281, %mul3A_391 : i32
      %add3A_393 = arith.constant 3 : i32
      %add3A_394 = arith.addi %mul3A_392, %add3A_393 : i32
      %dma_wait3A_395 = arith.constant 0 : i32
      %dma_wait3A_396 = arith.constant 0 : i32
      %dma_wait3A_397 = arith.constant 0 : i32
      %dma_wait3A_398 = tpu.memref_slice %arg4[%add3A_5, %dma_wait3A_395, %dma_wait3A_396, %dma_wait3A_397] : memref<4x3200x2x384xi32, #tpu.memory_space<hbm>> -> memref<1x1x2x384xi32, #tpu.memory_space<hbm>>
      %dma_wait3A_399 = tpu.memref_squeeze %dma_wait3A_398 : memref<1x1x2x384xi32, #tpu.memory_space<hbm>> -> memref<2x384xi32, #tpu.memory_space<hbm>>
      %dma_wait3A_400 = arith.constant 0 : i32
      %dma_wait3A_401 = arith.constant 0 : i32
      %dma_wait3A_402 = tpu.memref_slice %arg4[%add3A_5, %dma_wait3A_395, %dma_wait3A_400, %dma_wait3A_401] : memref<4x3200x2x384xi32, #tpu.memory_space<hbm>> -> memref<1x1x2x384xi32, #tpu.memory_space<hbm>>
      %dma_wait3A_403 = tpu.memref_squeeze %dma_wait3A_402 : memref<1x1x2x384xi32, #tpu.memory_space<hbm>> -> memref<2x384xi32, #tpu.memory_space<hbm>>
      tpu.wait_dma2 semaphore(%arg24 : memref<!tpu.dma_semaphore, #tpu.memory_space<semaphore_mem>>) src(%dma_wait3A_403 : memref<2x384xi32, #tpu.memory_space<hbm>>) dst(%arg16 : memref<2x384xi32, #tpu.memory_space<vmem>>)
      %dma_start3A_404 = arith.constant 0 : i32
      %dma_start3A_405 = arith.constant 0 : i32
      %dma_start3A_406 = tpu.memref_slice %arg16[%dma_start3A_404, %dma_start3A_405] : memref<2x384xi32, #tpu.memory_space<vmem>> -> memref<1x384xi32, #tpu.memory_space<vmem>>
      %dma_start3A_407 = tpu.memref_squeeze %dma_start3A_406 : memref<1x384xi32, #tpu.memory_space<vmem>> -> memref<384xi32, #tpu.memory_space<vmem>>
      %dma_start3A_408 = arith.constant 0 : i32
      %dma_start3A_409 = arith.constant 0 : i32
      %dma_start3A_410 = tpu.memref_slice %arg2[%dma_start3A_408, %dma_start3A_409] : memref<400000x16xf32, #tpu.memory_space<hbm>> -> memref<400000x16xf32, #tpu.memory_space<hbm>>
      tpu.enqueue_indirect_dma source(%dma_start3A_410 : memref<400000x16xf32, #tpu.memory_space<hbm>>) target(%arg20 : memref<384x16xf32, #tpu.memory_space<vmem>>) offsets(%dma_start3A_407 : memref<384xi32, #tpu.memory_space<vmem>>) semaphore(%arg24 : memref<!tpu.dma_semaphore, #tpu.memory_space<semaphore_mem>>)
      %ge3A_411 = arith.constant 2 : i32
      %ge3A_412 = arith.cmpi sge, %add3A_394, %ge3A_411 : i32
      %convert_element_type3A_413 = arith.extui %ge3A_412 : i1 to i32
      %cond3A_414 = arith.constant 0 : i32
      %cond3A_415 = arith.cmpi ne, %convert_element_type3A_413, %cond3A_414 : i32
      scf.if %cond3A_415 {
        %dma_wait3A_428 = arith.constant 0 : i32
        %dma_wait3A_429 = arith.constant 0 : i32
        %dma_wait3A_430 = tpu.memref_slice %arg14[%dma_wait3A_428, %dma_wait3A_429] : memref<2x384xi32, #tpu.memory_space<vmem>> -> memref<1x384xi32, #tpu.memory_space<vmem>>
        %dma_wait3A_431 = tpu.memref_squeeze %dma_wait3A_430 : memref<1x384xi32, #tpu.memory_space<vmem>> -> memref<384xi32, #tpu.memory_space<vmem>>
        %dma_wait3A_432 = arith.constant 0 : i32
        %dma_wait3A_433 = arith.constant 0 : i32
        %dma_wait3A_434 = tpu.memref_slice %arg2[%dma_wait3A_432, %dma_wait3A_433] : memref<400000x16xf32, #tpu.memory_space<hbm>> -> memref<400000x16xf32, #tpu.memory_space<hbm>>
        tpu.wait_indirect_dma semaphore(%arg22 : memref<!tpu.dma_semaphore, #tpu.memory_space<semaphore_mem>>) src(%dma_wait3A_434 : memref<400000x16xf32, #tpu.memory_space<hbm>>) dst(%arg18 : memref<384x16xf32, #tpu.memory_space<vmem>>)
        %dma_start3A_435 = arith.constant 1 : i32
        %dma_start3A_436 = arith.constant 0 : i32
        %dma_start3A_437 = tpu.memref_slice %arg14[%dma_start3A_435, %dma_start3A_436] : memref<2x384xi32, #tpu.memory_space<vmem>> -> memref<1x384xi32, #tpu.memory_space<vmem>>
        %dma_start3A_438 = tpu.memref_squeeze %dma_start3A_437 : memref<1x384xi32, #tpu.memory_space<vmem>> -> memref<384xi32, #tpu.memory_space<vmem>>
        %dma_start3A_439 = arith.constant 0 : i32
        %dma_start3A_440 = arith.constant 0 : i32
        %dma_start3A_441 = tpu.memref_slice %arg12[%dma_start3A_439, %dma_start3A_440] : memref<100096x16xf32, #tpu.memory_space<vmem_shared>> -> memref<100096x16xf32, #tpu.memory_space<vmem_shared>>
        tpu.enqueue_indirect_dma source(%arg18 : memref<384x16xf32, #tpu.memory_space<vmem>>) target(%dma_start3A_441 : memref<100096x16xf32, #tpu.memory_space<vmem_shared>>) offsets(%dma_start3A_438 : memref<384xi32, #tpu.memory_space<vmem>>) semaphore(%arg26 : memref<!tpu.dma_semaphore, #tpu.memory_space<semaphore_mem>>) {add = true}
      } else {
      }
      %ge3A_416 = arith.constant 3 : i32
      %ge3A_417 = arith.cmpi sge, %add3A_394, %ge3A_416 : i32
      %convert_element_type3A_418 = arith.extui %ge3A_417 : i1 to i32
      %cond3A_419 = arith.constant 0 : i32
      %cond3A_420 = arith.cmpi ne, %convert_element_type3A_418, %cond3A_419 : i32
      scf.if %cond3A_420 {
        %dma_wait3A_428 = arith.constant 1 : i32
        %dma_wait3A_429 = arith.constant 0 : i32
        %dma_wait3A_430 = tpu.memref_slice %arg13[%dma_wait3A_428, %dma_wait3A_429] : memref<2x384xi32, #tpu.memory_space<vmem>> -> memref<1x384xi32, #tpu.memory_space<vmem>>
        %dma_wait3A_431 = tpu.memref_squeeze %dma_wait3A_430 : memref<1x384xi32, #tpu.memory_space<vmem>> -> memref<384xi32, #tpu.memory_space<vmem>>
        %dma_wait3A_432 = arith.constant 0 : i32
        %dma_wait3A_433 = arith.constant 0 : i32
        %dma_wait3A_434 = tpu.memref_slice %arg12[%dma_wait3A_432, %dma_wait3A_433] : memref<100096x16xf32, #tpu.memory_space<vmem_shared>> -> memref<100096x16xf32, #tpu.memory_space<vmem_shared>>
        tpu.wait_indirect_dma semaphore(%arg25 : memref<!tpu.dma_semaphore, #tpu.memory_space<semaphore_mem>>) src(%arg17 : memref<384x16xf32, #tpu.memory_space<vmem>>) dst(%dma_wait3A_434 : memref<100096x16xf32, #tpu.memory_space<vmem_shared>>)
      } else {
      }
      %add3A_421 = arith.constant 1 : i32
      %add3A_422 = arith.addi %add3A_394, %add3A_421 : i32
      %lt3A_423 = arith.constant 200 : i32
      %lt3A_424 = arith.cmpi slt, %add3A_422, %lt3A_423 : i32
      %convert_element_type3A_425 = arith.extui %lt3A_424 : i1 to i32
      %cond3A_426 = arith.constant 0 : i32
      %cond3A_427 = arith.cmpi ne, %convert_element_type3A_425, %cond3A_426 : i32
      scf.if %cond3A_427 {
        %add3A_428 = arith.constant 1 : i32
        %add3A_429 = arith.addi %add3A_394, %add3A_428 : i32
        %add3A_430 = arith.addi %mul3A_2, %add3A_429 : i32
        %dma_start3A_431 = arith.constant 0 : i32
        %dma_start3A_432 = arith.constant 0 : i32
        %dma_start3A_433 = tpu.memref_slice %arg4[%add3A_5, %add3A_430, %dma_start3A_431, %dma_start3A_432] : memref<4x3200x2x384xi32, #tpu.memory_space<hbm>> -> memref<1x1x2x384xi32, #tpu.memory_space<hbm>>
        %dma_start3A_434 = tpu.memref_squeeze %dma_start3A_433 : memref<1x1x2x384xi32, #tpu.memory_space<hbm>> -> memref<2x384xi32, #tpu.memory_space<hbm>>
        %dma_start3A_435 = arith.constant 0 : i32
        %dma_start3A_436 = arith.constant 0 : i32
        %dma_start3A_437 = tpu.memref_slice %arg4[%add3A_5, %add3A_430, %dma_start3A_435, %dma_start3A_436] : memref<4x3200x2x384xi32, #tpu.memory_space<hbm>> -> memref<1x1x2x384xi32, #tpu.memory_space<hbm>>
        %dma_start3A_438 = tpu.memref_squeeze %dma_start3A_437 : memref<1x1x2x384xi32, #tpu.memory_space<hbm>> -> memref<2x384xi32, #tpu.memory_space<hbm>>
        tpu.enqueue_dma source(%dma_start3A_438 : memref<2x384xi32, #tpu.memory_space<hbm>>) target(%arg13 : memref<2x384xi32, #tpu.memory_space<vmem>>) target_semaphore(%arg21 : memref<!tpu.dma_semaphore, #tpu.memory_space<semaphore_mem>>)
      } else {
      }
    }
    %scan3A_19 = arith.constant 50 : i32
    %dma_wait3A = arith.constant 0 : i32
    %dma_wait3A_20 = arith.constant 0 : i32
    %dma_wait3A_21 = tpu.memref_slice %arg15[%dma_wait3A, %dma_wait3A_20] : memref<2x384xi32, #tpu.memory_space<vmem>> -> memref<1x384xi32, #tpu.memory_space<vmem>>
    %dma_wait3A_22 = tpu.memref_squeeze %dma_wait3A_21 : memref<1x384xi32, #tpu.memory_space<vmem>> -> memref<384xi32, #tpu.memory_space<vmem>>
    %dma_wait3A_23 = arith.constant 0 : i32
    %dma_wait3A_24 = arith.constant 0 : i32
    %dma_wait3A_25 = tpu.memref_slice %arg2[%dma_wait3A_23, %dma_wait3A_24] : memref<400000x16xf32, #tpu.memory_space<hbm>> -> memref<400000x16xf32, #tpu.memory_space<hbm>>
    tpu.wait_indirect_dma semaphore(%arg23 : memref<!tpu.dma_semaphore, #tpu.memory_space<semaphore_mem>>) src(%dma_wait3A_25 : memref<400000x16xf32, #tpu.memory_space<hbm>>) dst(%arg19 : memref<384x16xf32, #tpu.memory_space<vmem>>)
    %dma_start3A_26 = arith.constant 1 : i32
    %dma_start3A_27 = arith.constant 0 : i32
    %dma_start3A_28 = tpu.memref_slice %arg15[%dma_start3A_26, %dma_start3A_27] : memref<2x384xi32, #tpu.memory_space<vmem>> -> memref<1x384xi32, #tpu.memory_space<vmem>>
    %dma_start3A_29 = tpu.memref_squeeze %dma_start3A_28 : memref<1x384xi32, #tpu.memory_space<vmem>> -> memref<384xi32, #tpu.memory_space<vmem>>
    %dma_start3A_30 = arith.constant 0 : i32
    %dma_start3A_31 = arith.constant 0 : i32
    %dma_start3A_32 = tpu.memref_slice %arg12[%dma_start3A_30, %dma_start3A_31] : memref<100096x16xf32, #tpu.memory_space<vmem_shared>> -> memref<100096x16xf32, #tpu.memory_space<vmem_shared>>
    tpu.enqueue_indirect_dma source(%arg19 : memref<384x16xf32, #tpu.memory_space<vmem>>) target(%dma_start3A_32 : memref<100096x16xf32, #tpu.memory_space<vmem_shared>>) offsets(%dma_start3A_29 : memref<384xi32, #tpu.memory_space<vmem>>) semaphore(%arg27 : memref<!tpu.dma_semaphore, #tpu.memory_space<semaphore_mem>>) {add = true}
    %dma_wait3A_33 = arith.constant 0 : i32
    %dma_wait3A_34 = arith.constant 0 : i32
    %dma_wait3A_35 = tpu.memref_slice %arg16[%dma_wait3A_33, %dma_wait3A_34] : memref<2x384xi32, #tpu.memory_space<vmem>> -> memref<1x384xi32, #tpu.memory_space<vmem>>
    %dma_wait3A_36 = tpu.memref_squeeze %dma_wait3A_35 : memref<1x384xi32, #tpu.memory_space<vmem>> -> memref<384xi32, #tpu.memory_space<vmem>>
    %dma_wait3A_37 = arith.constant 0 : i32
    %dma_wait3A_38 = arith.constant 0 : i32
    %dma_wait3A_39 = tpu.memref_slice %arg2[%dma_wait3A_37, %dma_wait3A_38] : memref<400000x16xf32, #tpu.memory_space<hbm>> -> memref<400000x16xf32, #tpu.memory_space<hbm>>
    tpu.wait_indirect_dma semaphore(%arg24 : memref<!tpu.dma_semaphore, #tpu.memory_space<semaphore_mem>>) src(%dma_wait3A_39 : memref<400000x16xf32, #tpu.memory_space<hbm>>) dst(%arg20 : memref<384x16xf32, #tpu.memory_space<vmem>>)
    %dma_start3A_40 = arith.constant 1 : i32
    %dma_start3A_41 = arith.constant 0 : i32
    %dma_start3A_42 = tpu.memref_slice %arg16[%dma_start3A_40, %dma_start3A_41] : memref<2x384xi32, #tpu.memory_space<vmem>> -> memref<1x384xi32, #tpu.memory_space<vmem>>
    %dma_start3A_43 = tpu.memref_squeeze %dma_start3A_42 : memref<1x384xi32, #tpu.memory_space<vmem>> -> memref<384xi32, #tpu.memory_space<vmem>>
    %dma_start3A_44 = arith.constant 0 : i32
    %dma_start3A_45 = arith.constant 0 : i32
    %dma_start3A_46 = tpu.memref_slice %arg12[%dma_start3A_44, %dma_start3A_45] : memref<100096x16xf32, #tpu.memory_space<vmem_shared>> -> memref<100096x16xf32, #tpu.memory_space<vmem_shared>>
    tpu.enqueue_indirect_dma source(%arg20 : memref<384x16xf32, #tpu.memory_space<vmem>>) target(%dma_start3A_46 : memref<100096x16xf32, #tpu.memory_space<vmem_shared>>) offsets(%dma_start3A_43 : memref<384xi32, #tpu.memory_space<vmem>>) semaphore(%arg28 : memref<!tpu.dma_semaphore, #tpu.memory_space<semaphore_mem>>) {add = true}
    %dma_wait3A_47 = arith.constant 1 : i32
    %dma_wait3A_48 = arith.constant 0 : i32
    %dma_wait3A_49 = tpu.memref_slice %arg14[%dma_wait3A_47, %dma_wait3A_48] : memref<2x384xi32, #tpu.memory_space<vmem>> -> memref<1x384xi32, #tpu.memory_space<vmem>>
    %dma_wait3A_50 = tpu.memref_squeeze %dma_wait3A_49 : memref<1x384xi32, #tpu.memory_space<vmem>> -> memref<384xi32, #tpu.memory_space<vmem>>
    %dma_wait3A_51 = arith.constant 0 : i32
    %dma_wait3A_52 = arith.constant 0 : i32
    %dma_wait3A_53 = tpu.memref_slice %arg12[%dma_wait3A_51, %dma_wait3A_52] : memref<100096x16xf32, #tpu.memory_space<vmem_shared>> -> memref<100096x16xf32, #tpu.memory_space<vmem_shared>>
    tpu.wait_indirect_dma semaphore(%arg26 : memref<!tpu.dma_semaphore, #tpu.memory_space<semaphore_mem>>) src(%arg18 : memref<384x16xf32, #tpu.memory_space<vmem>>) dst(%dma_wait3A_53 : memref<100096x16xf32, #tpu.memory_space<vmem_shared>>)
    %dma_wait3A_54 = arith.constant 1 : i32
    %dma_wait3A_55 = arith.constant 0 : i32
    %dma_wait3A_56 = tpu.memref_slice %arg15[%dma_wait3A_54, %dma_wait3A_55] : memref<2x384xi32, #tpu.memory_space<vmem>> -> memref<1x384xi32, #tpu.memory_space<vmem>>
    %dma_wait3A_57 = tpu.memref_squeeze %dma_wait3A_56 : memref<1x384xi32, #tpu.memory_space<vmem>> -> memref<384xi32, #tpu.memory_space<vmem>>
    %dma_wait3A_58 = arith.constant 0 : i32
    %dma_wait3A_59 = arith.constant 0 : i32
    %dma_wait3A_60 = tpu.memref_slice %arg12[%dma_wait3A_58, %dma_wait3A_59] : memref<100096x16xf32, #tpu.memory_space<vmem_shared>> -> memref<100096x16xf32, #tpu.memory_space<vmem_shared>>
    tpu.wait_indirect_dma semaphore(%arg27 : memref<!tpu.dma_semaphore, #tpu.memory_space<semaphore_mem>>) src(%arg19 : memref<384x16xf32, #tpu.memory_space<vmem>>) dst(%dma_wait3A_60 : memref<100096x16xf32, #tpu.memory_space<vmem_shared>>)
    %dma_wait3A_61 = arith.constant 1 : i32
    %dma_wait3A_62 = arith.constant 0 : i32
    %dma_wait3A_63 = tpu.memref_slice %arg16[%dma_wait3A_61, %dma_wait3A_62] : memref<2x384xi32, #tpu.memory_space<vmem>> -> memref<1x384xi32, #tpu.memory_space<vmem>>
    %dma_wait3A_64 = tpu.memref_squeeze %dma_wait3A_63 : memref<1x384xi32, #tpu.memory_space<vmem>> -> memref<384xi32, #tpu.memory_space<vmem>>
    %dma_wait3A_65 = arith.constant 0 : i32
    %dma_wait3A_66 = arith.constant 0 : i32
    %dma_wait3A_67 = tpu.memref_slice %arg12[%dma_wait3A_65, %dma_wait3A_66] : memref<100096x16xf32, #tpu.memory_space<vmem_shared>> -> memref<100096x16xf32, #tpu.memory_space<vmem_shared>>
    tpu.wait_indirect_dma semaphore(%arg28 : memref<!tpu.dma_semaphore, #tpu.memory_space<semaphore_mem>>) src(%arg20 : memref<384x16xf32, #tpu.memory_space<vmem>>) dst(%dma_wait3A_67 : memref<100096x16xf32, #tpu.memory_space<vmem_shared>>)
    %barrier3A_68 = arith.constant 0 : index
    tpu.barrier barrier_id(%barrier3A_68)
    "tpu.region"() ({
      %run_scoped3A = tpu.sem_alloc : memref<!tpu.dma_semaphore, #tpu.memory_space<semaphore_mem>>
      %dma_start3A_281 = arith.constant 0 : i32
      %dma_start3A_282 = tpu.memref_slice %arg8[%add3A_5, %mul3A_0, %dma_start3A_281] : memref<4x100096x16xf32, #tpu.memory_space<hbm>> -> memref<1x6256x16xf32, #tpu.memory_space<hbm>>
      %dma_start3A_283 = tpu.memref_squeeze %dma_start3A_282 : memref<1x6256x16xf32, #tpu.memory_space<hbm>> -> memref<6256x16xf32, #tpu.memory_space<hbm>>
      %dma_start3A_284 = arith.constant 0 : i32
      %dma_start3A_285 = tpu.memref_slice %arg12[%mul3A_0, %dma_start3A_284] : memref<100096x16xf32, #tpu.memory_space<vmem_shared>> -> memref<6256x16xf32, #tpu.memory_space<vmem_shared>>
      tpu.enqueue_dma source(%dma_start3A_285 : memref<6256x16xf32, #tpu.memory_space<vmem_shared>>) target(%dma_start3A_283 : memref<6256x16xf32, #tpu.memory_space<hbm>>) target_semaphore(%run_scoped3A : memref<!tpu.dma_semaphore, #tpu.memory_space<semaphore_mem>>)
      %dma_wait3A_286 = arith.constant 0 : i32
      %dma_wait3A_287 = tpu.memref_slice %arg8[%add3A_5, %mul3A_0, %dma_wait3A_286] : memref<4x100096x16xf32, #tpu.memory_space<hbm>> -> memref<1x6256x16xf32, #tpu.memory_space<hbm>>
      %dma_wait3A_288 = tpu.memref_squeeze %dma_wait3A_287 : memref<1x6256x16xf32, #tpu.memory_space<hbm>> -> memref<6256x16xf32, #tpu.memory_space<hbm>>
      %dma_wait3A_289 = arith.constant 0 : i32
      %dma_wait3A_290 = tpu.memref_slice %arg12[%mul3A_0, %dma_wait3A_289] : memref<100096x16xf32, #tpu.memory_space<vmem_shared>> -> memref<6256x16xf32, #tpu.memory_space<vmem_shared>>
      tpu.wait_dma2 semaphore(%run_scoped3A : memref<!tpu.dma_semaphore, #tpu.memory_space<semaphore_mem>>) src(%dma_wait3A_290 : memref<6256x16xf32, #tpu.memory_space<vmem_shared>>) dst(%dma_wait3A_288 : memref<6256x16xf32, #tpu.memory_space<hbm>>)
      tpu.yield
    }) : () -> ()
    "tpu.region"() ({
      %run_scoped3A = tpu.sem_alloc : memref<!tpu.dma_semaphore, #tpu.memory_space<semaphore_mem>>
      %dma_start3A_281 = arith.constant 0 : i32
      %dma_start3A_282 = tpu.memref_slice %arg12[%mul3A_0, %dma_start3A_281] : memref<100096x16xf32, #tpu.memory_space<vmem_shared>> -> memref<6256x16xf32, #tpu.memory_space<vmem_shared>>
      tpu.enqueue_dma source(%arg6 : memref<6256x16xf32, #tpu.memory_space<hbm>>) target(%dma_start3A_282 : memref<6256x16xf32, #tpu.memory_space<vmem_shared>>) target_semaphore(%run_scoped3A : memref<!tpu.dma_semaphore, #tpu.memory_space<semaphore_mem>>)
      %dma_wait3A_283 = arith.constant 0 : i32
      %dma_wait3A_284 = tpu.memref_slice %arg12[%mul3A_0, %dma_wait3A_283] : memref<100096x16xf32, #tpu.memory_space<vmem_shared>> -> memref<6256x16xf32, #tpu.memory_space<vmem_shared>>
      tpu.wait_dma2 semaphore(%run_scoped3A : memref<!tpu.dma_semaphore, #tpu.memory_space<semaphore_mem>>) src(%arg6 : memref<6256x16xf32, #tpu.memory_space<hbm>>) dst(%dma_wait3A_284 : memref<6256x16xf32, #tpu.memory_space<vmem_shared>>)
      tpu.yield
    }) : () -> ()
    %barrier3A_69 = arith.constant 0 : index
    tpu.barrier barrier_id(%barrier3A_69)
    %add3A_70 = arith.constant 0 : i32
    %add3A_71 = arith.addi %mul3A_2, %add3A_70 : i32
    %dma_start3A_72 = arith.constant 0 : i32
    %dma_start3A_73 = arith.constant 0 : i32
    %dma_start3A_74 = tpu.memref_slice %arg5[%add3A_5, %add3A_71, %dma_start3A_72, %dma_start3A_73] : memref<4x3200x2x384xi32, #tpu.memory_space<hbm>> -> memref<1x1x2x384xi32, #tpu.memory_space<hbm>>
    %dma_start3A_75 = tpu.memref_squeeze %dma_start3A_74 : memref<1x1x2x384xi32, #tpu.memory_space<hbm>> -> memref<2x384xi32, #tpu.memory_space<hbm>>
    %dma_start3A_76 = arith.constant 0 : i32
    %dma_start3A_77 = arith.constant 0 : i32
    %dma_start3A_78 = tpu.memref_slice %arg5[%add3A_5, %add3A_71, %dma_start3A_76, %dma_start3A_77] : memref<4x3200x2x384xi32, #tpu.memory_space<hbm>> -> memref<1x1x2x384xi32, #tpu.memory_space<hbm>>
    %dma_start3A_79 = tpu.memref_squeeze %dma_start3A_78 : memref<1x1x2x384xi32, #tpu.memory_space<hbm>> -> memref<2x384xi32, #tpu.memory_space<hbm>>
    tpu.enqueue_dma source(%dma_start3A_79 : memref<2x384xi32, #tpu.memory_space<hbm>>) target(%arg13 : memref<2x384xi32, #tpu.memory_space<vmem>>) target_semaphore(%arg21 : memref<!tpu.dma_semaphore, #tpu.memory_space<semaphore_mem>>)
    %scan3A_80 = arith.constant 0 : i32
    %scan3A_81 = arith.constant 0 : i32
    %scan3A_82 = arith.constant 50 : i32
    %scan3A_83 = arith.addi %scan3A_81, %scan3A_82 : i32
    %scan3A_84 = arith.constant 1 : i32
    scf.for %scan3A_281 = %scan3A_81 to %scan3A_83 step %scan3A_84  : i32 {
      %mul3A_282 = arith.constant 4 : i32
      %mul3A_283 = arith.muli %scan3A_281, %mul3A_282 : i32
      %add3A_284 = arith.constant 0 : i32
      %add3A_285 = arith.addi %mul3A_283, %add3A_284 : i32
      %dma_wait3A_286 = arith.constant 0 : i32
      %dma_wait3A_287 = arith.constant 0 : i32
      %dma_wait3A_288 = arith.constant 0 : i32
      %dma_wait3A_289 = tpu.memref_slice %arg5[%add3A_5, %dma_wait3A_286, %dma_wait3A_287, %dma_wait3A_288] : memref<4x3200x2x384xi32, #tpu.memory_space<hbm>> -> memref<1x1x2x384xi32, #tpu.memory_space<hbm>>
      %dma_wait3A_290 = tpu.memref_squeeze %dma_wait3A_289 : memref<1x1x2x384xi32, #tpu.memory_space<hbm>> -> memref<2x384xi32, #tpu.memory_space<hbm>>
      %dma_wait3A_291 = arith.constant 0 : i32
      %dma_wait3A_292 = arith.constant 0 : i32
      %dma_wait3A_293 = tpu.memref_slice %arg5[%add3A_5, %dma_wait3A_286, %dma_wait3A_291, %dma_wait3A_292] : memref<4x3200x2x384xi32, #tpu.memory_space<hbm>> -> memref<1x1x2x384xi32, #tpu.memory_space<hbm>>
      %dma_wait3A_294 = tpu.memref_squeeze %dma_wait3A_293 : memref<1x1x2x384xi32, #tpu.memory_space<hbm>> -> memref<2x384xi32, #tpu.memory_space<hbm>>
      tpu.wait_dma2 semaphore(%arg21 : memref<!tpu.dma_semaphore, #tpu.memory_space<semaphore_mem>>) src(%dma_wait3A_294 : memref<2x384xi32, #tpu.memory_space<hbm>>) dst(%arg13 : memref<2x384xi32, #tpu.memory_space<vmem>>)
      %dma_start3A_295 = arith.constant 0 : i32
      %dma_start3A_296 = arith.constant 0 : i32
      %dma_start3A_297 = tpu.memref_slice %arg13[%dma_start3A_295, %dma_start3A_296] : memref<2x384xi32, #tpu.memory_space<vmem>> -> memref<1x384xi32, #tpu.memory_space<vmem>>
      %dma_start3A_298 = tpu.memref_squeeze %dma_start3A_297 : memref<1x384xi32, #tpu.memory_space<vmem>> -> memref<384xi32, #tpu.memory_space<vmem>>
      %dma_start3A_299 = arith.constant 0 : i32
      %dma_start3A_300 = arith.constant 0 : i32
      %dma_start3A_301 = tpu.memref_slice %arg3[%dma_start3A_299, %dma_start3A_300] : memref<400000x16xf32, #tpu.memory_space<hbm>> -> memref<400000x16xf32, #tpu.memory_space<hbm>>
      tpu.enqueue_indirect_dma source(%dma_start3A_301 : memref<400000x16xf32, #tpu.memory_space<hbm>>) target(%arg17 : memref<384x16xf32, #tpu.memory_space<vmem>>) offsets(%dma_start3A_298 : memref<384xi32, #tpu.memory_space<vmem>>) semaphore(%arg21 : memref<!tpu.dma_semaphore, #tpu.memory_space<semaphore_mem>>)
      %ge3A = arith.constant 2 : i32
      %ge3A_302 = arith.cmpi sge, %add3A_285, %ge3A : i32
      %convert_element_type3A_303 = arith.extui %ge3A_302 : i1 to i32
      %cond3A_304 = arith.constant 0 : i32
      %cond3A_305 = arith.cmpi ne, %convert_element_type3A_303, %cond3A_304 : i32
      scf.if %cond3A_305 {
        %dma_wait3A_428 = arith.constant 0 : i32
        %dma_wait3A_429 = arith.constant 0 : i32
        %dma_wait3A_430 = tpu.memref_slice %arg15[%dma_wait3A_428, %dma_wait3A_429] : memref<2x384xi32, #tpu.memory_space<vmem>> -> memref<1x384xi32, #tpu.memory_space<vmem>>
        %dma_wait3A_431 = tpu.memref_squeeze %dma_wait3A_430 : memref<1x384xi32, #tpu.memory_space<vmem>> -> memref<384xi32, #tpu.memory_space<vmem>>
        %dma_wait3A_432 = arith.constant 0 : i32
        %dma_wait3A_433 = arith.constant 0 : i32
        %dma_wait3A_434 = tpu.memref_slice %arg3[%dma_wait3A_432, %dma_wait3A_433] : memref<400000x16xf32, #tpu.memory_space<hbm>> -> memref<400000x16xf32, #tpu.memory_space<hbm>>
        tpu.wait_indirect_dma semaphore(%arg23 : memref<!tpu.dma_semaphore, #tpu.memory_space<semaphore_mem>>) src(%dma_wait3A_434 : memref<400000x16xf32, #tpu.memory_space<hbm>>) dst(%arg19 : memref<384x16xf32, #tpu.memory_space<vmem>>)
        %dma_start3A_435 = arith.constant 1 : i32
        %dma_start3A_436 = arith.constant 0 : i32
        %dma_start3A_437 = tpu.memref_slice %arg15[%dma_start3A_435, %dma_start3A_436] : memref<2x384xi32, #tpu.memory_space<vmem>> -> memref<1x384xi32, #tpu.memory_space<vmem>>
        %dma_start3A_438 = tpu.memref_squeeze %dma_start3A_437 : memref<1x384xi32, #tpu.memory_space<vmem>> -> memref<384xi32, #tpu.memory_space<vmem>>
        %dma_start3A_439 = arith.constant 0 : i32
        %dma_start3A_440 = arith.constant 0 : i32
        %dma_start3A_441 = tpu.memref_slice %arg12[%dma_start3A_439, %dma_start3A_440] : memref<100096x16xf32, #tpu.memory_space<vmem_shared>> -> memref<100096x16xf32, #tpu.memory_space<vmem_shared>>
        tpu.enqueue_indirect_dma source(%arg19 : memref<384x16xf32, #tpu.memory_space<vmem>>) target(%dma_start3A_441 : memref<100096x16xf32, #tpu.memory_space<vmem_shared>>) offsets(%dma_start3A_438 : memref<384xi32, #tpu.memory_space<vmem>>) semaphore(%arg27 : memref<!tpu.dma_semaphore, #tpu.memory_space<semaphore_mem>>) {add = true}
      } else {
      }
      %ge3A_306 = arith.constant 3 : i32
      %ge3A_307 = arith.cmpi sge, %add3A_285, %ge3A_306 : i32
      %convert_element_type3A_308 = arith.extui %ge3A_307 : i1 to i32
      %cond3A_309 = arith.constant 0 : i32
      %cond3A_310 = arith.cmpi ne, %convert_element_type3A_308, %cond3A_309 : i32
      scf.if %cond3A_310 {
        %dma_wait3A_428 = arith.constant 1 : i32
        %dma_wait3A_429 = arith.constant 0 : i32
        %dma_wait3A_430 = tpu.memref_slice %arg14[%dma_wait3A_428, %dma_wait3A_429] : memref<2x384xi32, #tpu.memory_space<vmem>> -> memref<1x384xi32, #tpu.memory_space<vmem>>
        %dma_wait3A_431 = tpu.memref_squeeze %dma_wait3A_430 : memref<1x384xi32, #tpu.memory_space<vmem>> -> memref<384xi32, #tpu.memory_space<vmem>>
        %dma_wait3A_432 = arith.constant 0 : i32
        %dma_wait3A_433 = arith.constant 0 : i32
        %dma_wait3A_434 = tpu.memref_slice %arg12[%dma_wait3A_432, %dma_wait3A_433] : memref<100096x16xf32, #tpu.memory_space<vmem_shared>> -> memref<100096x16xf32, #tpu.memory_space<vmem_shared>>
        tpu.wait_indirect_dma semaphore(%arg26 : memref<!tpu.dma_semaphore, #tpu.memory_space<semaphore_mem>>) src(%arg18 : memref<384x16xf32, #tpu.memory_space<vmem>>) dst(%dma_wait3A_434 : memref<100096x16xf32, #tpu.memory_space<vmem_shared>>)
      } else {
      }
      %add3A_311 = arith.constant 1 : i32
      %add3A_312 = arith.addi %add3A_285, %add3A_311 : i32
      %lt3A = arith.constant 200 : i32
      %lt3A_313 = arith.cmpi slt, %add3A_312, %lt3A : i32
      %convert_element_type3A_314 = arith.extui %lt3A_313 : i1 to i32
      %cond3A_315 = arith.constant 0 : i32
      %cond3A_316 = arith.cmpi ne, %convert_element_type3A_314, %cond3A_315 : i32
      scf.if %cond3A_316 {
        %add3A_428 = arith.constant 1 : i32
        %add3A_429 = arith.addi %add3A_285, %add3A_428 : i32
        %add3A_430 = arith.addi %mul3A_2, %add3A_429 : i32
        %dma_start3A_431 = arith.constant 0 : i32
        %dma_start3A_432 = arith.constant 0 : i32
        %dma_start3A_433 = tpu.memref_slice %arg5[%add3A_5, %add3A_430, %dma_start3A_431, %dma_start3A_432] : memref<4x3200x2x384xi32, #tpu.memory_space<hbm>> -> memref<1x1x2x384xi32, #tpu.memory_space<hbm>>
        %dma_start3A_434 = tpu.memref_squeeze %dma_start3A_433 : memref<1x1x2x384xi32, #tpu.memory_space<hbm>> -> memref<2x384xi32, #tpu.memory_space<hbm>>
        %dma_start3A_435 = arith.constant 0 : i32
        %dma_start3A_436 = arith.constant 0 : i32
        %dma_start3A_437 = tpu.memref_slice %arg5[%add3A_5, %add3A_430, %dma_start3A_435, %dma_start3A_436] : memref<4x3200x2x384xi32, #tpu.memory_space<hbm>> -> memref<1x1x2x384xi32, #tpu.memory_space<hbm>>
        %dma_start3A_438 = tpu.memref_squeeze %dma_start3A_437 : memref<1x1x2x384xi32, #tpu.memory_space<hbm>> -> memref<2x384xi32, #tpu.memory_space<hbm>>
        tpu.enqueue_dma source(%dma_start3A_438 : memref<2x384xi32, #tpu.memory_space<hbm>>) target(%arg14 : memref<2x384xi32, #tpu.memory_space<vmem>>) target_semaphore(%arg22 : memref<!tpu.dma_semaphore, #tpu.memory_space<semaphore_mem>>)
      } else {
      }
      %mul3A_317 = arith.constant 4 : i32
      %mul3A_318 = arith.muli %scan3A_281, %mul3A_317 : i32
      %add3A_319 = arith.constant 1 : i32
      %add3A_320 = arith.addi %mul3A_318, %add3A_319 : i32
      %dma_wait3A_321 = arith.constant 0 : i32
      %dma_wait3A_322 = arith.constant 0 : i32
      %dma_wait3A_323 = arith.constant 0 : i32
      %dma_wait3A_324 = tpu.memref_slice %arg5[%add3A_5, %dma_wait3A_321, %dma_wait3A_322, %dma_wait3A_323] : memref<4x3200x2x384xi32, #tpu.memory_space<hbm>> -> memref<1x1x2x384xi32, #tpu.memory_space<hbm>>
      %dma_wait3A_325 = tpu.memref_squeeze %dma_wait3A_324 : memref<1x1x2x384xi32, #tpu.memory_space<hbm>> -> memref<2x384xi32, #tpu.memory_space<hbm>>
      %dma_wait3A_326 = arith.constant 0 : i32
      %dma_wait3A_327 = arith.constant 0 : i32
      %dma_wait3A_328 = tpu.memref_slice %arg5[%add3A_5, %dma_wait3A_321, %dma_wait3A_326, %dma_wait3A_327] : memref<4x3200x2x384xi32, #tpu.memory_space<hbm>> -> memref<1x1x2x384xi32, #tpu.memory_space<hbm>>
      %dma_wait3A_329 = tpu.memref_squeeze %dma_wait3A_328 : memref<1x1x2x384xi32, #tpu.memory_space<hbm>> -> memref<2x384xi32, #tpu.memory_space<hbm>>
      tpu.wait_dma2 semaphore(%arg22 : memref<!tpu.dma_semaphore, #tpu.memory_space<semaphore_mem>>) src(%dma_wait3A_329 : memref<2x384xi32, #tpu.memory_space<hbm>>) dst(%arg14 : memref<2x384xi32, #tpu.memory_space<vmem>>)
      %dma_start3A_330 = arith.constant 0 : i32
      %dma_start3A_331 = arith.constant 0 : i32
      %dma_start3A_332 = tpu.memref_slice %arg14[%dma_start3A_330, %dma_start3A_331] : memref<2x384xi32, #tpu.memory_space<vmem>> -> memref<1x384xi32, #tpu.memory_space<vmem>>
      %dma_start3A_333 = tpu.memref_squeeze %dma_start3A_332 : memref<1x384xi32, #tpu.memory_space<vmem>> -> memref<384xi32, #tpu.memory_space<vmem>>
      %dma_start3A_334 = arith.constant 0 : i32
      %dma_start3A_335 = arith.constant 0 : i32
      %dma_start3A_336 = tpu.memref_slice %arg3[%dma_start3A_334, %dma_start3A_335] : memref<400000x16xf32, #tpu.memory_space<hbm>> -> memref<400000x16xf32, #tpu.memory_space<hbm>>
      tpu.enqueue_indirect_dma source(%dma_start3A_336 : memref<400000x16xf32, #tpu.memory_space<hbm>>) target(%arg18 : memref<384x16xf32, #tpu.memory_space<vmem>>) offsets(%dma_start3A_333 : memref<384xi32, #tpu.memory_space<vmem>>) semaphore(%arg22 : memref<!tpu.dma_semaphore, #tpu.memory_space<semaphore_mem>>)
      %ge3A_337 = arith.constant 2 : i32
      %ge3A_338 = arith.cmpi sge, %add3A_320, %ge3A_337 : i32
      %convert_element_type3A_339 = arith.extui %ge3A_338 : i1 to i32
      %cond3A_340 = arith.constant 0 : i32
      %cond3A_341 = arith.cmpi ne, %convert_element_type3A_339, %cond3A_340 : i32
      scf.if %cond3A_341 {
        %dma_wait3A_428 = arith.constant 0 : i32
        %dma_wait3A_429 = arith.constant 0 : i32
        %dma_wait3A_430 = tpu.memref_slice %arg16[%dma_wait3A_428, %dma_wait3A_429] : memref<2x384xi32, #tpu.memory_space<vmem>> -> memref<1x384xi32, #tpu.memory_space<vmem>>
        %dma_wait3A_431 = tpu.memref_squeeze %dma_wait3A_430 : memref<1x384xi32, #tpu.memory_space<vmem>> -> memref<384xi32, #tpu.memory_space<vmem>>
        %dma_wait3A_432 = arith.constant 0 : i32
        %dma_wait3A_433 = arith.constant 0 : i32
        %dma_wait3A_434 = tpu.memref_slice %arg3[%dma_wait3A_432, %dma_wait3A_433] : memref<400000x16xf32, #tpu.memory_space<hbm>> -> memref<400000x16xf32, #tpu.memory_space<hbm>>
        tpu.wait_indirect_dma semaphore(%arg24 : memref<!tpu.dma_semaphore, #tpu.memory_space<semaphore_mem>>) src(%dma_wait3A_434 : memref<400000x16xf32, #tpu.memory_space<hbm>>) dst(%arg20 : memref<384x16xf32, #tpu.memory_space<vmem>>)
        %dma_start3A_435 = arith.constant 1 : i32
        %dma_start3A_436 = arith.constant 0 : i32
        %dma_start3A_437 = tpu.memref_slice %arg16[%dma_start3A_435, %dma_start3A_436] : memref<2x384xi32, #tpu.memory_space<vmem>> -> memref<1x384xi32, #tpu.memory_space<vmem>>
        %dma_start3A_438 = tpu.memref_squeeze %dma_start3A_437 : memref<1x384xi32, #tpu.memory_space<vmem>> -> memref<384xi32, #tpu.memory_space<vmem>>
        %dma_start3A_439 = arith.constant 0 : i32
        %dma_start3A_440 = arith.constant 0 : i32
        %dma_start3A_441 = tpu.memref_slice %arg12[%dma_start3A_439, %dma_start3A_440] : memref<100096x16xf32, #tpu.memory_space<vmem_shared>> -> memref<100096x16xf32, #tpu.memory_space<vmem_shared>>
        tpu.enqueue_indirect_dma source(%arg20 : memref<384x16xf32, #tpu.memory_space<vmem>>) target(%dma_start3A_441 : memref<100096x16xf32, #tpu.memory_space<vmem_shared>>) offsets(%dma_start3A_438 : memref<384xi32, #tpu.memory_space<vmem>>) semaphore(%arg28 : memref<!tpu.dma_semaphore, #tpu.memory_space<semaphore_mem>>) {add = true}
      } else {
      }
      %ge3A_342 = arith.constant 3 : i32
      %ge3A_343 = arith.cmpi sge, %add3A_320, %ge3A_342 : i32
      %convert_element_type3A_344 = arith.extui %ge3A_343 : i1 to i32
      %cond3A_345 = arith.constant 0 : i32
      %cond3A_346 = arith.cmpi ne, %convert_element_type3A_344, %cond3A_345 : i32
      scf.if %cond3A_346 {
        %dma_wait3A_428 = arith.constant 1 : i32
        %dma_wait3A_429 = arith.constant 0 : i32
        %dma_wait3A_430 = tpu.memref_slice %arg15[%dma_wait3A_428, %dma_wait3A_429] : memref<2x384xi32, #tpu.memory_space<vmem>> -> memref<1x384xi32, #tpu.memory_space<vmem>>
        %dma_wait3A_431 = tpu.memref_squeeze %dma_wait3A_430 : memref<1x384xi32, #tpu.memory_space<vmem>> -> memref<384xi32, #tpu.memory_space<vmem>>
        %dma_wait3A_432 = arith.constant 0 : i32
        %dma_wait3A_433 = arith.constant 0 : i32
        %dma_wait3A_434 = tpu.memref_slice %arg12[%dma_wait3A_432, %dma_wait3A_433] : memref<100096x16xf32, #tpu.memory_space<vmem_shared>> -> memref<100096x16xf32, #tpu.memory_space<vmem_shared>>
        tpu.wait_indirect_dma semaphore(%arg27 : memref<!tpu.dma_semaphore, #tpu.memory_space<semaphore_mem>>) src(%arg19 : memref<384x16xf32, #tpu.memory_space<vmem>>) dst(%dma_wait3A_434 : memref<100096x16xf32, #tpu.memory_space<vmem_shared>>)
      } else {
      }
      %add3A_347 = arith.constant 1 : i32
      %add3A_348 = arith.addi %add3A_320, %add3A_347 : i32
      %lt3A_349 = arith.constant 200 : i32
      %lt3A_350 = arith.cmpi slt, %add3A_348, %lt3A_349 : i32
      %convert_element_type3A_351 = arith.extui %lt3A_350 : i1 to i32
      %cond3A_352 = arith.constant 0 : i32
      %cond3A_353 = arith.cmpi ne, %convert_element_type3A_351, %cond3A_352 : i32
      scf.if %cond3A_353 {
        %add3A_428 = arith.constant 1 : i32
        %add3A_429 = arith.addi %add3A_320, %add3A_428 : i32
        %add3A_430 = arith.addi %mul3A_2, %add3A_429 : i32
        %dma_start3A_431 = arith.constant 0 : i32
        %dma_start3A_432 = arith.constant 0 : i32
        %dma_start3A_433 = tpu.memref_slice %arg5[%add3A_5, %add3A_430, %dma_start3A_431, %dma_start3A_432] : memref<4x3200x2x384xi32, #tpu.memory_space<hbm>> -> memref<1x1x2x384xi32, #tpu.memory_space<hbm>>
        %dma_start3A_434 = tpu.memref_squeeze %dma_start3A_433 : memref<1x1x2x384xi32, #tpu.memory_space<hbm>> -> memref<2x384xi32, #tpu.memory_space<hbm>>
        %dma_start3A_435 = arith.constant 0 : i32
        %dma_start3A_436 = arith.constant 0 : i32
        %dma_start3A_437 = tpu.memref_slice %arg5[%add3A_5, %add3A_430, %dma_start3A_435, %dma_start3A_436] : memref<4x3200x2x384xi32, #tpu.memory_space<hbm>> -> memref<1x1x2x384xi32, #tpu.memory_space<hbm>>
        %dma_start3A_438 = tpu.memref_squeeze %dma_start3A_437 : memref<1x1x2x384xi32, #tpu.memory_space<hbm>> -> memref<2x384xi32, #tpu.memory_space<hbm>>
        tpu.enqueue_dma source(%dma_start3A_438 : memref<2x384xi32, #tpu.memory_space<hbm>>) target(%arg15 : memref<2x384xi32, #tpu.memory_space<vmem>>) target_semaphore(%arg23 : memref<!tpu.dma_semaphore, #tpu.memory_space<semaphore_mem>>)
      } else {
      }
      %mul3A_354 = arith.constant 4 : i32
      %mul3A_355 = arith.muli %scan3A_281, %mul3A_354 : i32
      %add3A_356 = arith.constant 2 : i32
      %add3A_357 = arith.addi %mul3A_355, %add3A_356 : i32
      %dma_wait3A_358 = arith.constant 0 : i32
      %dma_wait3A_359 = arith.constant 0 : i32
      %dma_wait3A_360 = arith.constant 0 : i32
      %dma_wait3A_361 = tpu.memref_slice %arg5[%add3A_5, %dma_wait3A_358, %dma_wait3A_359, %dma_wait3A_360] : memref<4x3200x2x384xi32, #tpu.memory_space<hbm>> -> memref<1x1x2x384xi32, #tpu.memory_space<hbm>>
      %dma_wait3A_362 = tpu.memref_squeeze %dma_wait3A_361 : memref<1x1x2x384xi32, #tpu.memory_space<hbm>> -> memref<2x384xi32, #tpu.memory_space<hbm>>
      %dma_wait3A_363 = arith.constant 0 : i32
      %dma_wait3A_364 = arith.constant 0 : i32
      %dma_wait3A_365 = tpu.memref_slice %arg5[%add3A_5, %dma_wait3A_358, %dma_wait3A_363, %dma_wait3A_364] : memref<4x3200x2x384xi32, #tpu.memory_space<hbm>> -> memref<1x1x2x384xi32, #tpu.memory_space<hbm>>
      %dma_wait3A_366 = tpu.memref_squeeze %dma_wait3A_365 : memref<1x1x2x384xi32, #tpu.memory_space<hbm>> -> memref<2x384xi32, #tpu.memory_space<hbm>>
      tpu.wait_dma2 semaphore(%arg23 : memref<!tpu.dma_semaphore, #tpu.memory_space<semaphore_mem>>) src(%dma_wait3A_366 : memref<2x384xi32, #tpu.memory_space<hbm>>) dst(%arg15 : memref<2x384xi32, #tpu.memory_space<vmem>>)
      %dma_start3A_367 = arith.constant 0 : i32
      %dma_start3A_368 = arith.constant 0 : i32
      %dma_start3A_369 = tpu.memref_slice %arg15[%dma_start3A_367, %dma_start3A_368] : memref<2x384xi32, #tpu.memory_space<vmem>> -> memref<1x384xi32, #tpu.memory_space<vmem>>
      %dma_start3A_370 = tpu.memref_squeeze %dma_start3A_369 : memref<1x384xi32, #tpu.memory_space<vmem>> -> memref<384xi32, #tpu.memory_space<vmem>>
      %dma_start3A_371 = arith.constant 0 : i32
      %dma_start3A_372 = arith.constant 0 : i32
      %dma_start3A_373 = tpu.memref_slice %arg3[%dma_start3A_371, %dma_start3A_372] : memref<400000x16xf32, #tpu.memory_space<hbm>> -> memref<400000x16xf32, #tpu.memory_space<hbm>>
      tpu.enqueue_indirect_dma source(%dma_start3A_373 : memref<400000x16xf32, #tpu.memory_space<hbm>>) target(%arg19 : memref<384x16xf32, #tpu.memory_space<vmem>>) offsets(%dma_start3A_370 : memref<384xi32, #tpu.memory_space<vmem>>) semaphore(%arg23 : memref<!tpu.dma_semaphore, #tpu.memory_space<semaphore_mem>>)
      %ge3A_374 = arith.constant 2 : i32
      %ge3A_375 = arith.cmpi sge, %add3A_357, %ge3A_374 : i32
      %convert_element_type3A_376 = arith.extui %ge3A_375 : i1 to i32
      %cond3A_377 = arith.constant 0 : i32
      %cond3A_378 = arith.cmpi ne, %convert_element_type3A_376, %cond3A_377 : i32
      scf.if %cond3A_378 {
        %dma_wait3A_428 = arith.constant 0 : i32
        %dma_wait3A_429 = arith.constant 0 : i32
        %dma_wait3A_430 = tpu.memref_slice %arg13[%dma_wait3A_428, %dma_wait3A_429] : memref<2x384xi32, #tpu.memory_space<vmem>> -> memref<1x384xi32, #tpu.memory_space<vmem>>
        %dma_wait3A_431 = tpu.memref_squeeze %dma_wait3A_430 : memref<1x384xi32, #tpu.memory_space<vmem>> -> memref<384xi32, #tpu.memory_space<vmem>>
        %dma_wait3A_432 = arith.constant 0 : i32
        %dma_wait3A_433 = arith.constant 0 : i32
        %dma_wait3A_434 = tpu.memref_slice %arg3[%dma_wait3A_432, %dma_wait3A_433] : memref<400000x16xf32, #tpu.memory_space<hbm>> -> memref<400000x16xf32, #tpu.memory_space<hbm>>
        tpu.wait_indirect_dma semaphore(%arg21 : memref<!tpu.dma_semaphore, #tpu.memory_space<semaphore_mem>>) src(%dma_wait3A_434 : memref<400000x16xf32, #tpu.memory_space<hbm>>) dst(%arg17 : memref<384x16xf32, #tpu.memory_space<vmem>>)
        %dma_start3A_435 = arith.constant 1 : i32
        %dma_start3A_436 = arith.constant 0 : i32
        %dma_start3A_437 = tpu.memref_slice %arg13[%dma_start3A_435, %dma_start3A_436] : memref<2x384xi32, #tpu.memory_space<vmem>> -> memref<1x384xi32, #tpu.memory_space<vmem>>
        %dma_start3A_438 = tpu.memref_squeeze %dma_start3A_437 : memref<1x384xi32, #tpu.memory_space<vmem>> -> memref<384xi32, #tpu.memory_space<vmem>>
        %dma_start3A_439 = arith.constant 0 : i32
        %dma_start3A_440 = arith.constant 0 : i32
        %dma_start3A_441 = tpu.memref_slice %arg12[%dma_start3A_439, %dma_start3A_440] : memref<100096x16xf32, #tpu.memory_space<vmem_shared>> -> memref<100096x16xf32, #tpu.memory_space<vmem_shared>>
        tpu.enqueue_indirect_dma source(%arg17 : memref<384x16xf32, #tpu.memory_space<vmem>>) target(%dma_start3A_441 : memref<100096x16xf32, #tpu.memory_space<vmem_shared>>) offsets(%dma_start3A_438 : memref<384xi32, #tpu.memory_space<vmem>>) semaphore(%arg25 : memref<!tpu.dma_semaphore, #tpu.memory_space<semaphore_mem>>) {add = true}
      } else {
      }
      %ge3A_379 = arith.constant 3 : i32
      %ge3A_380 = arith.cmpi sge, %add3A_357, %ge3A_379 : i32
      %convert_element_type3A_381 = arith.extui %ge3A_380 : i1 to i32
      %cond3A_382 = arith.constant 0 : i32
      %cond3A_383 = arith.cmpi ne, %convert_element_type3A_381, %cond3A_382 : i32
      scf.if %cond3A_383 {
        %dma_wait3A_428 = arith.constant 1 : i32
        %dma_wait3A_429 = arith.constant 0 : i32
        %dma_wait3A_430 = tpu.memref_slice %arg16[%dma_wait3A_428, %dma_wait3A_429] : memref<2x384xi32, #tpu.memory_space<vmem>> -> memref<1x384xi32, #tpu.memory_space<vmem>>
        %dma_wait3A_431 = tpu.memref_squeeze %dma_wait3A_430 : memref<1x384xi32, #tpu.memory_space<vmem>> -> memref<384xi32, #tpu.memory_space<vmem>>
        %dma_wait3A_432 = arith.constant 0 : i32
        %dma_wait3A_433 = arith.constant 0 : i32
        %dma_wait3A_434 = tpu.memref_slice %arg12[%dma_wait3A_432, %dma_wait3A_433] : memref<100096x16xf32, #tpu.memory_space<vmem_shared>> -> memref<100096x16xf32, #tpu.memory_space<vmem_shared>>
        tpu.wait_indirect_dma semaphore(%arg28 : memref<!tpu.dma_semaphore, #tpu.memory_space<semaphore_mem>>) src(%arg20 : memref<384x16xf32, #tpu.memory_space<vmem>>) dst(%dma_wait3A_434 : memref<100096x16xf32, #tpu.memory_space<vmem_shared>>)
      } else {
      }
      %add3A_384 = arith.constant 1 : i32
      %add3A_385 = arith.addi %add3A_357, %add3A_384 : i32
      %lt3A_386 = arith.constant 200 : i32
      %lt3A_387 = arith.cmpi slt, %add3A_385, %lt3A_386 : i32
      %convert_element_type3A_388 = arith.extui %lt3A_387 : i1 to i32
      %cond3A_389 = arith.constant 0 : i32
      %cond3A_390 = arith.cmpi ne, %convert_element_type3A_388, %cond3A_389 : i32
      scf.if %cond3A_390 {
        %add3A_428 = arith.constant 1 : i32
        %add3A_429 = arith.addi %add3A_357, %add3A_428 : i32
        %add3A_430 = arith.addi %mul3A_2, %add3A_429 : i32
        %dma_start3A_431 = arith.constant 0 : i32
        %dma_start3A_432 = arith.constant 0 : i32
        %dma_start3A_433 = tpu.memref_slice %arg5[%add3A_5, %add3A_430, %dma_start3A_431, %dma_start3A_432] : memref<4x3200x2x384xi32, #tpu.memory_space<hbm>> -> memref<1x1x2x384xi32, #tpu.memory_space<hbm>>
        %dma_start3A_434 = tpu.memref_squeeze %dma_start3A_433 : memref<1x1x2x384xi32, #tpu.memory_space<hbm>> -> memref<2x384xi32, #tpu.memory_space<hbm>>
        %dma_start3A_435 = arith.constant 0 : i32
        %dma_start3A_436 = arith.constant 0 : i32
        %dma_start3A_437 = tpu.memref_slice %arg5[%add3A_5, %add3A_430, %dma_start3A_435, %dma_start3A_436] : memref<4x3200x2x384xi32, #tpu.memory_space<hbm>> -> memref<1x1x2x384xi32, #tpu.memory_space<hbm>>
        %dma_start3A_438 = tpu.memref_squeeze %dma_start3A_437 : memref<1x1x2x384xi32, #tpu.memory_space<hbm>> -> memref<2x384xi32, #tpu.memory_space<hbm>>
        tpu.enqueue_dma source(%dma_start3A_438 : memref<2x384xi32, #tpu.memory_space<hbm>>) target(%arg16 : memref<2x384xi32, #tpu.memory_space<vmem>>) target_semaphore(%arg24 : memref<!tpu.dma_semaphore, #tpu.memory_space<semaphore_mem>>)
      } else {
      }
      %mul3A_391 = arith.constant 4 : i32
      %mul3A_392 = arith.muli %scan3A_281, %mul3A_391 : i32
      %add3A_393 = arith.constant 3 : i32
      %add3A_394 = arith.addi %mul3A_392, %add3A_393 : i32
      %dma_wait3A_395 = arith.constant 0 : i32
      %dma_wait3A_396 = arith.constant 0 : i32
      %dma_wait3A_397 = arith.constant 0 : i32
      %dma_wait3A_398 = tpu.memref_slice %arg5[%add3A_5, %dma_wait3A_395, %dma_wait3A_396, %dma_wait3A_397] : memref<4x3200x2x384xi32, #tpu.memory_space<hbm>> -> memref<1x1x2x384xi32, #tpu.memory_space<hbm>>
      %dma_wait3A_399 = tpu.memref_squeeze %dma_wait3A_398 : memref<1x1x2x384xi32, #tpu.memory_space<hbm>> -> memref<2x384xi32, #tpu.memory_space<hbm>>
      %dma_wait3A_400 = arith.constant 0 : i32
      %dma_wait3A_401 = arith.constant 0 : i32
      %dma_wait3A_402 = tpu.memref_slice %arg5[%add3A_5, %dma_wait3A_395, %dma_wait3A_400, %dma_wait3A_401] : memref<4x3200x2x384xi32, #tpu.memory_space<hbm>> -> memref<1x1x2x384xi32, #tpu.memory_space<hbm>>
      %dma_wait3A_403 = tpu.memref_squeeze %dma_wait3A_402 : memref<1x1x2x384xi32, #tpu.memory_space<hbm>> -> memref<2x384xi32, #tpu.memory_space<hbm>>
      tpu.wait_dma2 semaphore(%arg24 : memref<!tpu.dma_semaphore, #tpu.memory_space<semaphore_mem>>) src(%dma_wait3A_403 : memref<2x384xi32, #tpu.memory_space<hbm>>) dst(%arg16 : memref<2x384xi32, #tpu.memory_space<vmem>>)
      %dma_start3A_404 = arith.constant 0 : i32
      %dma_start3A_405 = arith.constant 0 : i32
      %dma_start3A_406 = tpu.memref_slice %arg16[%dma_start3A_404, %dma_start3A_405] : memref<2x384xi32, #tpu.memory_space<vmem>> -> memref<1x384xi32, #tpu.memory_space<vmem>>
      %dma_start3A_407 = tpu.memref_squeeze %dma_start3A_406 : memref<1x384xi32, #tpu.memory_space<vmem>> -> memref<384xi32, #tpu.memory_space<vmem>>
      %dma_start3A_408 = arith.constant 0 : i32
      %dma_start3A_409 = arith.constant 0 : i32
      %dma_start3A_410 = tpu.memref_slice %arg3[%dma_start3A_408, %dma_start3A_409] : memref<400000x16xf32, #tpu.memory_space<hbm>> -> memref<400000x16xf32, #tpu.memory_space<hbm>>
      tpu.enqueue_indirect_dma source(%dma_start3A_410 : memref<400000x16xf32, #tpu.memory_space<hbm>>) target(%arg20 : memref<384x16xf32, #tpu.memory_space<vmem>>) offsets(%dma_start3A_407 : memref<384xi32, #tpu.memory_space<vmem>>) semaphore(%arg24 : memref<!tpu.dma_semaphore, #tpu.memory_space<semaphore_mem>>)
      %ge3A_411 = arith.constant 2 : i32
      %ge3A_412 = arith.cmpi sge, %add3A_394, %ge3A_411 : i32
      %convert_element_type3A_413 = arith.extui %ge3A_412 : i1 to i32
      %cond3A_414 = arith.constant 0 : i32
      %cond3A_415 = arith.cmpi ne, %convert_element_type3A_413, %cond3A_414 : i32
      scf.if %cond3A_415 {
        %dma_wait3A_428 = arith.constant 0 : i32
        %dma_wait3A_429 = arith.constant 0 : i32
        %dma_wait3A_430 = tpu.memref_slice %arg14[%dma_wait3A_428, %dma_wait3A_429] : memref<2x384xi32, #tpu.memory_space<vmem>> -> memref<1x384xi32, #tpu.memory_space<vmem>>
        %dma_wait3A_431 = tpu.memref_squeeze %dma_wait3A_430 : memref<1x384xi32, #tpu.memory_space<vmem>> -> memref<384xi32, #tpu.memory_space<vmem>>
        %dma_wait3A_432 = arith.constant 0 : i32
        %dma_wait3A_433 = arith.constant 0 : i32
        %dma_wait3A_434 = tpu.memref_slice %arg3[%dma_wait3A_432, %dma_wait3A_433] : memref<400000x16xf32, #tpu.memory_space<hbm>> -> memref<400000x16xf32, #tpu.memory_space<hbm>>
        tpu.wait_indirect_dma semaphore(%arg22 : memref<!tpu.dma_semaphore, #tpu.memory_space<semaphore_mem>>) src(%dma_wait3A_434 : memref<400000x16xf32, #tpu.memory_space<hbm>>) dst(%arg18 : memref<384x16xf32, #tpu.memory_space<vmem>>)
        %dma_start3A_435 = arith.constant 1 : i32
        %dma_start3A_436 = arith.constant 0 : i32
        %dma_start3A_437 = tpu.memref_slice %arg14[%dma_start3A_435, %dma_start3A_436] : memref<2x384xi32, #tpu.memory_space<vmem>> -> memref<1x384xi32, #tpu.memory_space<vmem>>
        %dma_start3A_438 = tpu.memref_squeeze %dma_start3A_437 : memref<1x384xi32, #tpu.memory_space<vmem>> -> memref<384xi32, #tpu.memory_space<vmem>>
        %dma_start3A_439 = arith.constant 0 : i32
        %dma_start3A_440 = arith.constant 0 : i32
        %dma_start3A_441 = tpu.memref_slice %arg12[%dma_start3A_439, %dma_start3A_440] : memref<100096x16xf32, #tpu.memory_space<vmem_shared>> -> memref<100096x16xf32, #tpu.memory_space<vmem_shared>>
        tpu.enqueue_indirect_dma source(%arg18 : memref<384x16xf32, #tpu.memory_space<vmem>>) target(%dma_start3A_441 : memref<100096x16xf32, #tpu.memory_space<vmem_shared>>) offsets(%dma_start3A_438 : memref<384xi32, #tpu.memory_space<vmem>>) semaphore(%arg26 : memref<!tpu.dma_semaphore, #tpu.memory_space<semaphore_mem>>) {add = true}
      } else {
      }
      %ge3A_416 = arith.constant 3 : i32
      %ge3A_417 = arith.cmpi sge, %add3A_394, %ge3A_416 : i32
      %convert_element_type3A_418 = arith.extui %ge3A_417 : i1 to i32
      %cond3A_419 = arith.constant 0 : i32
      %cond3A_420 = arith.cmpi ne, %convert_element_type3A_418, %cond3A_419 : i32
      scf.if %cond3A_420 {
        %dma_wait3A_428 = arith.constant 1 : i32
        %dma_wait3A_429 = arith.constant 0 : i32
        %dma_wait3A_430 = tpu.memref_slice %arg13[%dma_wait3A_428, %dma_wait3A_429] : memref<2x384xi32, #tpu.memory_space<vmem>> -> memref<1x384xi32, #tpu.memory_space<vmem>>
        %dma_wait3A_431 = tpu.memref_squeeze %dma_wait3A_430 : memref<1x384xi32, #tpu.memory_space<vmem>> -> memref<384xi32, #tpu.memory_space<vmem>>
        %dma_wait3A_432 = arith.constant 0 : i32
        %dma_wait3A_433 = arith.constant 0 : i32
        %dma_wait3A_434 = tpu.memref_slice %arg12[%dma_wait3A_432, %dma_wait3A_433] : memref<100096x16xf32, #tpu.memory_space<vmem_shared>> -> memref<100096x16xf32, #tpu.memory_space<vmem_shared>>
        tpu.wait_indirect_dma semaphore(%arg25 : memref<!tpu.dma_semaphore, #tpu.memory_space<semaphore_mem>>) src(%arg17 : memref<384x16xf32, #tpu.memory_space<vmem>>) dst(%dma_wait3A_434 : memref<100096x16xf32, #tpu.memory_space<vmem_shared>>)
      } else {
      }
      %add3A_421 = arith.constant 1 : i32
      %add3A_422 = arith.addi %add3A_394, %add3A_421 : i32
      %lt3A_423 = arith.constant 200 : i32
      %lt3A_424 = arith.cmpi slt, %add3A_422, %lt3A_423 : i32
      %convert_element_type3A_425 = arith.extui %lt3A_424 : i1 to i32
      %cond3A_426 = arith.constant 0 : i32
      %cond3A_427 = arith.cmpi ne, %convert_element_type3A_425, %cond3A_426 : i32
      scf.if %cond3A_427 {
        %add3A_428 = arith.constant 1 : i32
        %add3A_429 = arith.addi %add3A_394, %add3A_428 : i32
        %add3A_430 = arith.addi %mul3A_2, %add3A_429 : i32
        %dma_start3A_431 = arith.constant 0 : i32
        %dma_start3A_432 = arith.constant 0 : i32
        %dma_start3A_433 = tpu.memref_slice %arg5[%add3A_5, %add3A_430, %dma_start3A_431, %dma_start3A_432] : memref<4x3200x2x384xi32, #tpu.memory_space<hbm>> -> memref<1x1x2x384xi32, #tpu.memory_space<hbm>>
        %dma_start3A_434 = tpu.memref_squeeze %dma_start3A_433 : memref<1x1x2x384xi32, #tpu.memory_space<hbm>> -> memref<2x384xi32, #tpu.memory_space<hbm>>
        %dma_start3A_435 = arith.constant 0 : i32
        %dma_start3A_436 = arith.constant 0 : i32
        %dma_start3A_437 = tpu.memref_slice %arg5[%add3A_5, %add3A_430, %dma_start3A_435, %dma_start3A_436] : memref<4x3200x2x384xi32, #tpu.memory_space<hbm>> -> memref<1x1x2x384xi32, #tpu.memory_space<hbm>>
        %dma_start3A_438 = tpu.memref_squeeze %dma_start3A_437 : memref<1x1x2x384xi32, #tpu.memory_space<hbm>> -> memref<2x384xi32, #tpu.memory_space<hbm>>
        tpu.enqueue_dma source(%dma_start3A_438 : memref<2x384xi32, #tpu.memory_space<hbm>>) target(%arg13 : memref<2x384xi32, #tpu.memory_space<vmem>>) target_semaphore(%arg21 : memref<!tpu.dma_semaphore, #tpu.memory_space<semaphore_mem>>)
      } else {
      }
    }
    %scan3A_85 = arith.constant 50 : i32
    %dma_wait3A_86 = arith.constant 0 : i32
    %dma_wait3A_87 = arith.constant 0 : i32
    %dma_wait3A_88 = tpu.memref_slice %arg15[%dma_wait3A_86, %dma_wait3A_87] : memref<2x384xi32, #tpu.memory_space<vmem>> -> memref<1x384xi32, #tpu.memory_space<vmem>>
    %dma_wait3A_89 = tpu.memref_squeeze %dma_wait3A_88 : memref<1x384xi32, #tpu.memory_space<vmem>> -> memref<384xi32, #tpu.memory_space<vmem>>
    %dma_wait3A_90 = arith.constant 0 : i32
    %dma_wait3A_91 = arith.constant 0 : i32
    %dma_wait3A_92 = tpu.memref_slice %arg3[%dma_wait3A_90, %dma_wait3A_91] : memref<400000x16xf32, #tpu.memory_space<hbm>> -> memref<400000x16xf32, #tpu.memory_space<hbm>>
    tpu.wait_indirect_dma semaphore(%arg23 : memref<!tpu.dma_semaphore, #tpu.memory_space<semaphore_mem>>) src(%dma_wait3A_92 : memref<400000x16xf32, #tpu.memory_space<hbm>>) dst(%arg19 : memref<384x16xf32, #tpu.memory_space<vmem>>)
    %dma_start3A_93 = arith.constant 1 : i32
    %dma_start3A_94 = arith.constant 0 : i32
    %dma_start3A_95 = tpu.memref_slice %arg15[%dma_start3A_93, %dma_start3A_94] : memref<2x384xi32, #tpu.memory_space<vmem>> -> memref<1x384xi32, #tpu.memory_space<vmem>>
    %dma_start3A_96 = tpu.memref_squeeze %dma_start3A_95 : memref<1x384xi32, #tpu.memory_space<vmem>> -> memref<384xi32, #tpu.memory_space<vmem>>
    %dma_start3A_97 = arith.constant 0 : i32
    %dma_start3A_98 = arith.constant 0 : i32
    %dma_start3A_99 = tpu.memref_slice %arg12[%dma_start3A_97, %dma_start3A_98] : memref<100096x16xf32, #tpu.memory_space<vmem_shared>> -> memref<100096x16xf32, #tpu.memory_space<vmem_shared>>
    tpu.enqueue_indirect_dma source(%arg19 : memref<384x16xf32, #tpu.memory_space<vmem>>) target(%dma_start3A_99 : memref<100096x16xf32, #tpu.memory_space<vmem_shared>>) offsets(%dma_start3A_96 : memref<384xi32, #tpu.memory_space<vmem>>) semaphore(%arg27 : memref<!tpu.dma_semaphore, #tpu.memory_space<semaphore_mem>>) {add = true}
    %dma_wait3A_100 = arith.constant 0 : i32
    %dma_wait3A_101 = arith.constant 0 : i32
    %dma_wait3A_102 = tpu.memref_slice %arg16[%dma_wait3A_100, %dma_wait3A_101] : memref<2x384xi32, #tpu.memory_space<vmem>> -> memref<1x384xi32, #tpu.memory_space<vmem>>
    %dma_wait3A_103 = tpu.memref_squeeze %dma_wait3A_102 : memref<1x384xi32, #tpu.memory_space<vmem>> -> memref<384xi32, #tpu.memory_space<vmem>>
    %dma_wait3A_104 = arith.constant 0 : i32
    %dma_wait3A_105 = arith.constant 0 : i32
    %dma_wait3A_106 = tpu.memref_slice %arg3[%dma_wait3A_104, %dma_wait3A_105] : memref<400000x16xf32, #tpu.memory_space<hbm>> -> memref<400000x16xf32, #tpu.memory_space<hbm>>
    tpu.wait_indirect_dma semaphore(%arg24 : memref<!tpu.dma_semaphore, #tpu.memory_space<semaphore_mem>>) src(%dma_wait3A_106 : memref<400000x16xf32, #tpu.memory_space<hbm>>) dst(%arg20 : memref<384x16xf32, #tpu.memory_space<vmem>>)
    %dma_start3A_107 = arith.constant 1 : i32
    %dma_start3A_108 = arith.constant 0 : i32
    %dma_start3A_109 = tpu.memref_slice %arg16[%dma_start3A_107, %dma_start3A_108] : memref<2x384xi32, #tpu.memory_space<vmem>> -> memref<1x384xi32, #tpu.memory_space<vmem>>
    %dma_start3A_110 = tpu.memref_squeeze %dma_start3A_109 : memref<1x384xi32, #tpu.memory_space<vmem>> -> memref<384xi32, #tpu.memory_space<vmem>>
    %dma_start3A_111 = arith.constant 0 : i32
    %dma_start3A_112 = arith.constant 0 : i32
    %dma_start3A_113 = tpu.memref_slice %arg12[%dma_start3A_111, %dma_start3A_112] : memref<100096x16xf32, #tpu.memory_space<vmem_shared>> -> memref<100096x16xf32, #tpu.memory_space<vmem_shared>>
    tpu.enqueue_indirect_dma source(%arg20 : memref<384x16xf32, #tpu.memory_space<vmem>>) target(%dma_start3A_113 : memref<100096x16xf32, #tpu.memory_space<vmem_shared>>) offsets(%dma_start3A_110 : memref<384xi32, #tpu.memory_space<vmem>>) semaphore(%arg28 : memref<!tpu.dma_semaphore, #tpu.memory_space<semaphore_mem>>) {add = true}
    %dma_wait3A_114 = arith.constant 1 : i32
    %dma_wait3A_115 = arith.constant 0 : i32
    %dma_wait3A_116 = tpu.memref_slice %arg14[%dma_wait3A_114, %dma_wait3A_115] : memref<2x384xi32, #tpu.memory_space<vmem>> -> memref<1x384xi32, #tpu.memory_space<vmem>>
    %dma_wait3A_117 = tpu.memref_squeeze %dma_wait3A_116 : memref<1x384xi32, #tpu.memory_space<vmem>> -> memref<384xi32, #tpu.memory_space<vmem>>
    %dma_wait3A_118 = arith.constant 0 : i32
    %dma_wait3A_119 = arith.constant 0 : i32
    %dma_wait3A_120 = tpu.memref_slice %arg12[%dma_wait3A_118, %dma_wait3A_119] : memref<100096x16xf32, #tpu.memory_space<vmem_shared>> -> memref<100096x16xf32, #tpu.memory_space<vmem_shared>>
    tpu.wait_indirect_dma semaphore(%arg26 : memref<!tpu.dma_semaphore, #tpu.memory_space<semaphore_mem>>) src(%arg18 : memref<384x16xf32, #tpu.memory_space<vmem>>) dst(%dma_wait3A_120 : memref<100096x16xf32, #tpu.memory_space<vmem_shared>>)
    %dma_wait3A_121 = arith.constant 1 : i32
    %dma_wait3A_122 = arith.constant 0 : i32
    %dma_wait3A_123 = tpu.memref_slice %arg15[%dma_wait3A_121, %dma_wait3A_122] : memref<2x384xi32, #tpu.memory_space<vmem>> -> memref<1x384xi32, #tpu.memory_space<vmem>>
    %dma_wait3A_124 = tpu.memref_squeeze %dma_wait3A_123 : memref<1x384xi32, #tpu.memory_space<vmem>> -> memref<384xi32, #tpu.memory_space<vmem>>
    %dma_wait3A_125 = arith.constant 0 : i32
    %dma_wait3A_126 = arith.constant 0 : i32
    %dma_wait3A_127 = tpu.memref_slice %arg12[%dma_wait3A_125, %dma_wait3A_126] : memref<100096x16xf32, #tpu.memory_space<vmem_shared>> -> memref<100096x16xf32, #tpu.memory_space<vmem_shared>>
    tpu.wait_indirect_dma semaphore(%arg27 : memref<!tpu.dma_semaphore, #tpu.memory_space<semaphore_mem>>) src(%arg19 : memref<384x16xf32, #tpu.memory_space<vmem>>) dst(%dma_wait3A_127 : memref<100096x16xf32, #tpu.memory_space<vmem_shared>>)
    %dma_wait3A_128 = arith.constant 1 : i32
    %dma_wait3A_129 = arith.constant 0 : i32
    %dma_wait3A_130 = tpu.memref_slice %arg16[%dma_wait3A_128, %dma_wait3A_129] : memref<2x384xi32, #tpu.memory_space<vmem>> -> memref<1x384xi32, #tpu.memory_space<vmem>>
    %dma_wait3A_131 = tpu.memref_squeeze %dma_wait3A_130 : memref<1x384xi32, #tpu.memory_space<vmem>> -> memref<384xi32, #tpu.memory_space<vmem>>
    %dma_wait3A_132 = arith.constant 0 : i32
    %dma_wait3A_133 = arith.constant 0 : i32
    %dma_wait3A_134 = tpu.memref_slice %arg12[%dma_wait3A_132, %dma_wait3A_133] : memref<100096x16xf32, #tpu.memory_space<vmem_shared>> -> memref<100096x16xf32, #tpu.memory_space<vmem_shared>>
    tpu.wait_indirect_dma semaphore(%arg28 : memref<!tpu.dma_semaphore, #tpu.memory_space<semaphore_mem>>) src(%arg20 : memref<384x16xf32, #tpu.memory_space<vmem>>) dst(%dma_wait3A_134 : memref<100096x16xf32, #tpu.memory_space<vmem_shared>>)
    %barrier3A_135 = arith.constant 0 : index
    tpu.barrier barrier_id(%barrier3A_135)
    "tpu.region"() ({
      %run_scoped3A = tpu.sem_alloc : memref<!tpu.dma_semaphore, #tpu.memory_space<semaphore_mem>>
      %dma_start3A_281 = arith.constant 0 : i32
      %dma_start3A_282 = tpu.memref_slice %arg9[%add3A_5, %mul3A_0, %dma_start3A_281] : memref<4x100096x16xf32, #tpu.memory_space<hbm>> -> memref<1x6256x16xf32, #tpu.memory_space<hbm>>
      %dma_start3A_283 = tpu.memref_squeeze %dma_start3A_282 : memref<1x6256x16xf32, #tpu.memory_space<hbm>> -> memref<6256x16xf32, #tpu.memory_space<hbm>>
      %dma_start3A_284 = arith.constant 0 : i32
      %dma_start3A_285 = tpu.memref_slice %arg12[%mul3A_0, %dma_start3A_284] : memref<100096x16xf32, #tpu.memory_space<vmem_shared>> -> memref<6256x16xf32, #tpu.memory_space<vmem_shared>>
      tpu.enqueue_dma source(%dma_start3A_285 : memref<6256x16xf32, #tpu.memory_space<vmem_shared>>) target(%dma_start3A_283 : memref<6256x16xf32, #tpu.memory_space<hbm>>) target_semaphore(%run_scoped3A : memref<!tpu.dma_semaphore, #tpu.memory_space<semaphore_mem>>)
      %dma_wait3A_286 = arith.constant 0 : i32
      %dma_wait3A_287 = tpu.memref_slice %arg9[%add3A_5, %mul3A_0, %dma_wait3A_286] : memref<4x100096x16xf32, #tpu.memory_space<hbm>> -> memref<1x6256x16xf32, #tpu.memory_space<hbm>>
      %dma_wait3A_288 = tpu.memref_squeeze %dma_wait3A_287 : memref<1x6256x16xf32, #tpu.memory_space<hbm>> -> memref<6256x16xf32, #tpu.memory_space<hbm>>
      %dma_wait3A_289 = arith.constant 0 : i32
      %dma_wait3A_290 = tpu.memref_slice %arg12[%mul3A_0, %dma_wait3A_289] : memref<100096x16xf32, #tpu.memory_space<vmem_shared>> -> memref<6256x16xf32, #tpu.memory_space<vmem_shared>>
      tpu.wait_dma2 semaphore(%run_scoped3A : memref<!tpu.dma_semaphore, #tpu.memory_space<semaphore_mem>>) src(%dma_wait3A_290 : memref<6256x16xf32, #tpu.memory_space<vmem_shared>>) dst(%dma_wait3A_288 : memref<6256x16xf32, #tpu.memory_space<hbm>>)
      tpu.yield
    }) : () -> ()
    %mul3A_136 = arith.constant 2 : i32
    %mul3A_137 = arith.muli %arg0, %mul3A_136 : i32
    %add3A_138 = arith.constant 1 : i32
    %add3A_139 = arith.addi %mul3A_137, %add3A_138 : i32
    "tpu.region"() ({
      %run_scoped3A = tpu.sem_alloc : memref<!tpu.dma_semaphore, #tpu.memory_space<semaphore_mem>>
      %dma_start3A_281 = arith.constant 0 : i32
      %dma_start3A_282 = tpu.memref_slice %arg12[%mul3A_0, %dma_start3A_281] : memref<100096x16xf32, #tpu.memory_space<vmem_shared>> -> memref<6256x16xf32, #tpu.memory_space<vmem_shared>>
      tpu.enqueue_dma source(%arg6 : memref<6256x16xf32, #tpu.memory_space<hbm>>) target(%dma_start3A_282 : memref<6256x16xf32, #tpu.memory_space<vmem_shared>>) target_semaphore(%run_scoped3A : memref<!tpu.dma_semaphore, #tpu.memory_space<semaphore_mem>>)
      %dma_wait3A_283 = arith.constant 0 : i32
      %dma_wait3A_284 = tpu.memref_slice %arg12[%mul3A_0, %dma_wait3A_283] : memref<100096x16xf32, #tpu.memory_space<vmem_shared>> -> memref<6256x16xf32, #tpu.memory_space<vmem_shared>>
      tpu.wait_dma2 semaphore(%run_scoped3A : memref<!tpu.dma_semaphore, #tpu.memory_space<semaphore_mem>>) src(%arg6 : memref<6256x16xf32, #tpu.memory_space<hbm>>) dst(%dma_wait3A_284 : memref<6256x16xf32, #tpu.memory_space<vmem_shared>>)
      tpu.yield
    }) : () -> ()
    %barrier3A_140 = arith.constant 0 : index
    tpu.barrier barrier_id(%barrier3A_140)
    %add3A_141 = arith.constant 0 : i32
    %add3A_142 = arith.addi %mul3A_2, %add3A_141 : i32
    %dma_start3A_143 = arith.constant 0 : i32
    %dma_start3A_144 = arith.constant 0 : i32
    %dma_start3A_145 = tpu.memref_slice %arg4[%add3A_139, %add3A_142, %dma_start3A_143, %dma_start3A_144] : memref<4x3200x2x384xi32, #tpu.memory_space<hbm>> -> memref<1x1x2x384xi32, #tpu.memory_space<hbm>>
    %dma_start3A_146 = tpu.memref_squeeze %dma_start3A_145 : memref<1x1x2x384xi32, #tpu.memory_space<hbm>> -> memref<2x384xi32, #tpu.memory_space<hbm>>
    %dma_start3A_147 = arith.constant 0 : i32
    %dma_start3A_148 = arith.constant 0 : i32
    %dma_start3A_149 = tpu.memref_slice %arg4[%add3A_139, %add3A_142, %dma_start3A_147, %dma_start3A_148] : memref<4x3200x2x384xi32, #tpu.memory_space<hbm>> -> memref<1x1x2x384xi32, #tpu.memory_space<hbm>>
    %dma_start3A_150 = tpu.memref_squeeze %dma_start3A_149 : memref<1x1x2x384xi32, #tpu.memory_space<hbm>> -> memref<2x384xi32, #tpu.memory_space<hbm>>
    tpu.enqueue_dma source(%dma_start3A_150 : memref<2x384xi32, #tpu.memory_space<hbm>>) target(%arg13 : memref<2x384xi32, #tpu.memory_space<vmem>>) target_semaphore(%arg21 : memref<!tpu.dma_semaphore, #tpu.memory_space<semaphore_mem>>)
    %scan3A_151 = arith.constant 0 : i32
    %scan3A_152 = arith.constant 0 : i32
    %scan3A_153 = arith.constant 50 : i32
    %scan3A_154 = arith.addi %scan3A_152, %scan3A_153 : i32
    %scan3A_155 = arith.constant 1 : i32
    scf.for %scan3A_281 = %scan3A_152 to %scan3A_154 step %scan3A_155  : i32 {
      %mul3A_282 = arith.constant 4 : i32
      %mul3A_283 = arith.muli %scan3A_281, %mul3A_282 : i32
      %add3A_284 = arith.constant 0 : i32
      %add3A_285 = arith.addi %mul3A_283, %add3A_284 : i32
      %dma_wait3A_286 = arith.constant 0 : i32
      %dma_wait3A_287 = arith.constant 0 : i32
      %dma_wait3A_288 = arith.constant 0 : i32
      %dma_wait3A_289 = tpu.memref_slice %arg4[%add3A_139, %dma_wait3A_286, %dma_wait3A_287, %dma_wait3A_288] : memref<4x3200x2x384xi32, #tpu.memory_space<hbm>> -> memref<1x1x2x384xi32, #tpu.memory_space<hbm>>
      %dma_wait3A_290 = tpu.memref_squeeze %dma_wait3A_289 : memref<1x1x2x384xi32, #tpu.memory_space<hbm>> -> memref<2x384xi32, #tpu.memory_space<hbm>>
      %dma_wait3A_291 = arith.constant 0 : i32
      %dma_wait3A_292 = arith.constant 0 : i32
      %dma_wait3A_293 = tpu.memref_slice %arg4[%add3A_139, %dma_wait3A_286, %dma_wait3A_291, %dma_wait3A_292] : memref<4x3200x2x384xi32, #tpu.memory_space<hbm>> -> memref<1x1x2x384xi32, #tpu.memory_space<hbm>>
      %dma_wait3A_294 = tpu.memref_squeeze %dma_wait3A_293 : memref<1x1x2x384xi32, #tpu.memory_space<hbm>> -> memref<2x384xi32, #tpu.memory_space<hbm>>
      tpu.wait_dma2 semaphore(%arg21 : memref<!tpu.dma_semaphore, #tpu.memory_space<semaphore_mem>>) src(%dma_wait3A_294 : memref<2x384xi32, #tpu.memory_space<hbm>>) dst(%arg13 : memref<2x384xi32, #tpu.memory_space<vmem>>)
      %dma_start3A_295 = arith.constant 0 : i32
      %dma_start3A_296 = arith.constant 0 : i32
      %dma_start3A_297 = tpu.memref_slice %arg13[%dma_start3A_295, %dma_start3A_296] : memref<2x384xi32, #tpu.memory_space<vmem>> -> memref<1x384xi32, #tpu.memory_space<vmem>>
      %dma_start3A_298 = tpu.memref_squeeze %dma_start3A_297 : memref<1x384xi32, #tpu.memory_space<vmem>> -> memref<384xi32, #tpu.memory_space<vmem>>
      %dma_start3A_299 = arith.constant 0 : i32
      %dma_start3A_300 = arith.constant 0 : i32
      %dma_start3A_301 = tpu.memref_slice %arg2[%dma_start3A_299, %dma_start3A_300] : memref<400000x16xf32, #tpu.memory_space<hbm>> -> memref<400000x16xf32, #tpu.memory_space<hbm>>
      tpu.enqueue_indirect_dma source(%dma_start3A_301 : memref<400000x16xf32, #tpu.memory_space<hbm>>) target(%arg17 : memref<384x16xf32, #tpu.memory_space<vmem>>) offsets(%dma_start3A_298 : memref<384xi32, #tpu.memory_space<vmem>>) semaphore(%arg21 : memref<!tpu.dma_semaphore, #tpu.memory_space<semaphore_mem>>)
      %ge3A = arith.constant 2 : i32
      %ge3A_302 = arith.cmpi sge, %add3A_285, %ge3A : i32
      %convert_element_type3A_303 = arith.extui %ge3A_302 : i1 to i32
      %cond3A_304 = arith.constant 0 : i32
      %cond3A_305 = arith.cmpi ne, %convert_element_type3A_303, %cond3A_304 : i32
      scf.if %cond3A_305 {
        %dma_wait3A_428 = arith.constant 0 : i32
        %dma_wait3A_429 = arith.constant 0 : i32
        %dma_wait3A_430 = tpu.memref_slice %arg15[%dma_wait3A_428, %dma_wait3A_429] : memref<2x384xi32, #tpu.memory_space<vmem>> -> memref<1x384xi32, #tpu.memory_space<vmem>>
        %dma_wait3A_431 = tpu.memref_squeeze %dma_wait3A_430 : memref<1x384xi32, #tpu.memory_space<vmem>> -> memref<384xi32, #tpu.memory_space<vmem>>
        %dma_wait3A_432 = arith.constant 0 : i32
        %dma_wait3A_433 = arith.constant 0 : i32
        %dma_wait3A_434 = tpu.memref_slice %arg2[%dma_wait3A_432, %dma_wait3A_433] : memref<400000x16xf32, #tpu.memory_space<hbm>> -> memref<400000x16xf32, #tpu.memory_space<hbm>>
        tpu.wait_indirect_dma semaphore(%arg23 : memref<!tpu.dma_semaphore, #tpu.memory_space<semaphore_mem>>) src(%dma_wait3A_434 : memref<400000x16xf32, #tpu.memory_space<hbm>>) dst(%arg19 : memref<384x16xf32, #tpu.memory_space<vmem>>)
        %dma_start3A_435 = arith.constant 1 : i32
        %dma_start3A_436 = arith.constant 0 : i32
        %dma_start3A_437 = tpu.memref_slice %arg15[%dma_start3A_435, %dma_start3A_436] : memref<2x384xi32, #tpu.memory_space<vmem>> -> memref<1x384xi32, #tpu.memory_space<vmem>>
        %dma_start3A_438 = tpu.memref_squeeze %dma_start3A_437 : memref<1x384xi32, #tpu.memory_space<vmem>> -> memref<384xi32, #tpu.memory_space<vmem>>
        %dma_start3A_439 = arith.constant 0 : i32
        %dma_start3A_440 = arith.constant 0 : i32
        %dma_start3A_441 = tpu.memref_slice %arg12[%dma_start3A_439, %dma_start3A_440] : memref<100096x16xf32, #tpu.memory_space<vmem_shared>> -> memref<100096x16xf32, #tpu.memory_space<vmem_shared>>
        tpu.enqueue_indirect_dma source(%arg19 : memref<384x16xf32, #tpu.memory_space<vmem>>) target(%dma_start3A_441 : memref<100096x16xf32, #tpu.memory_space<vmem_shared>>) offsets(%dma_start3A_438 : memref<384xi32, #tpu.memory_space<vmem>>) semaphore(%arg27 : memref<!tpu.dma_semaphore, #tpu.memory_space<semaphore_mem>>) {add = true}
      } else {
      }
      %ge3A_306 = arith.constant 3 : i32
      %ge3A_307 = arith.cmpi sge, %add3A_285, %ge3A_306 : i32
      %convert_element_type3A_308 = arith.extui %ge3A_307 : i1 to i32
      %cond3A_309 = arith.constant 0 : i32
      %cond3A_310 = arith.cmpi ne, %convert_element_type3A_308, %cond3A_309 : i32
      scf.if %cond3A_310 {
        %dma_wait3A_428 = arith.constant 1 : i32
        %dma_wait3A_429 = arith.constant 0 : i32
        %dma_wait3A_430 = tpu.memref_slice %arg14[%dma_wait3A_428, %dma_wait3A_429] : memref<2x384xi32, #tpu.memory_space<vmem>> -> memref<1x384xi32, #tpu.memory_space<vmem>>
        %dma_wait3A_431 = tpu.memref_squeeze %dma_wait3A_430 : memref<1x384xi32, #tpu.memory_space<vmem>> -> memref<384xi32, #tpu.memory_space<vmem>>
        %dma_wait3A_432 = arith.constant 0 : i32
        %dma_wait3A_433 = arith.constant 0 : i32
        %dma_wait3A_434 = tpu.memref_slice %arg12[%dma_wait3A_432, %dma_wait3A_433] : memref<100096x16xf32, #tpu.memory_space<vmem_shared>> -> memref<100096x16xf32, #tpu.memory_space<vmem_shared>>
        tpu.wait_indirect_dma semaphore(%arg26 : memref<!tpu.dma_semaphore, #tpu.memory_space<semaphore_mem>>) src(%arg18 : memref<384x16xf32, #tpu.memory_space<vmem>>) dst(%dma_wait3A_434 : memref<100096x16xf32, #tpu.memory_space<vmem_shared>>)
      } else {
      }
      %add3A_311 = arith.constant 1 : i32
      %add3A_312 = arith.addi %add3A_285, %add3A_311 : i32
      %lt3A = arith.constant 200 : i32
      %lt3A_313 = arith.cmpi slt, %add3A_312, %lt3A : i32
      %convert_element_type3A_314 = arith.extui %lt3A_313 : i1 to i32
      %cond3A_315 = arith.constant 0 : i32
      %cond3A_316 = arith.cmpi ne, %convert_element_type3A_314, %cond3A_315 : i32
      scf.if %cond3A_316 {
        %add3A_428 = arith.constant 1 : i32
        %add3A_429 = arith.addi %add3A_285, %add3A_428 : i32
        %add3A_430 = arith.addi %mul3A_2, %add3A_429 : i32
        %dma_start3A_431 = arith.constant 0 : i32
        %dma_start3A_432 = arith.constant 0 : i32
        %dma_start3A_433 = tpu.memref_slice %arg4[%add3A_139, %add3A_430, %dma_start3A_431, %dma_start3A_432] : memref<4x3200x2x384xi32, #tpu.memory_space<hbm>> -> memref<1x1x2x384xi32, #tpu.memory_space<hbm>>
        %dma_start3A_434 = tpu.memref_squeeze %dma_start3A_433 : memref<1x1x2x384xi32, #tpu.memory_space<hbm>> -> memref<2x384xi32, #tpu.memory_space<hbm>>
        %dma_start3A_435 = arith.constant 0 : i32
        %dma_start3A_436 = arith.constant 0 : i32
        %dma_start3A_437 = tpu.memref_slice %arg4[%add3A_139, %add3A_430, %dma_start3A_435, %dma_start3A_436] : memref<4x3200x2x384xi32, #tpu.memory_space<hbm>> -> memref<1x1x2x384xi32, #tpu.memory_space<hbm>>
        %dma_start3A_438 = tpu.memref_squeeze %dma_start3A_437 : memref<1x1x2x384xi32, #tpu.memory_space<hbm>> -> memref<2x384xi32, #tpu.memory_space<hbm>>
        tpu.enqueue_dma source(%dma_start3A_438 : memref<2x384xi32, #tpu.memory_space<hbm>>) target(%arg14 : memref<2x384xi32, #tpu.memory_space<vmem>>) target_semaphore(%arg22 : memref<!tpu.dma_semaphore, #tpu.memory_space<semaphore_mem>>)
      } else {
      }
      %mul3A_317 = arith.constant 4 : i32
      %mul3A_318 = arith.muli %scan3A_281, %mul3A_317 : i32
      %add3A_319 = arith.constant 1 : i32
      %add3A_320 = arith.addi %mul3A_318, %add3A_319 : i32
      %dma_wait3A_321 = arith.constant 0 : i32
      %dma_wait3A_322 = arith.constant 0 : i32
      %dma_wait3A_323 = arith.constant 0 : i32
      %dma_wait3A_324 = tpu.memref_slice %arg4[%add3A_139, %dma_wait3A_321, %dma_wait3A_322, %dma_wait3A_323] : memref<4x3200x2x384xi32, #tpu.memory_space<hbm>> -> memref<1x1x2x384xi32, #tpu.memory_space<hbm>>
      %dma_wait3A_325 = tpu.memref_squeeze %dma_wait3A_324 : memref<1x1x2x384xi32, #tpu.memory_space<hbm>> -> memref<2x384xi32, #tpu.memory_space<hbm>>
      %dma_wait3A_326 = arith.constant 0 : i32
      %dma_wait3A_327 = arith.constant 0 : i32
      %dma_wait3A_328 = tpu.memref_slice %arg4[%add3A_139, %dma_wait3A_321, %dma_wait3A_326, %dma_wait3A_327] : memref<4x3200x2x384xi32, #tpu.memory_space<hbm>> -> memref<1x1x2x384xi32, #tpu.memory_space<hbm>>
      %dma_wait3A_329 = tpu.memref_squeeze %dma_wait3A_328 : memref<1x1x2x384xi32, #tpu.memory_space<hbm>> -> memref<2x384xi32, #tpu.memory_space<hbm>>
      tpu.wait_dma2 semaphore(%arg22 : memref<!tpu.dma_semaphore, #tpu.memory_space<semaphore_mem>>) src(%dma_wait3A_329 : memref<2x384xi32, #tpu.memory_space<hbm>>) dst(%arg14 : memref<2x384xi32, #tpu.memory_space<vmem>>)
      %dma_start3A_330 = arith.constant 0 : i32
      %dma_start3A_331 = arith.constant 0 : i32
      %dma_start3A_332 = tpu.memref_slice %arg14[%dma_start3A_330, %dma_start3A_331] : memref<2x384xi32, #tpu.memory_space<vmem>> -> memref<1x384xi32, #tpu.memory_space<vmem>>
      %dma_start3A_333 = tpu.memref_squeeze %dma_start3A_332 : memref<1x384xi32, #tpu.memory_space<vmem>> -> memref<384xi32, #tpu.memory_space<vmem>>
      %dma_start3A_334 = arith.constant 0 : i32
      %dma_start3A_335 = arith.constant 0 : i32
      %dma_start3A_336 = tpu.memref_slice %arg2[%dma_start3A_334, %dma_start3A_335] : memref<400000x16xf32, #tpu.memory_space<hbm>> -> memref<400000x16xf32, #tpu.memory_space<hbm>>
      tpu.enqueue_indirect_dma source(%dma_start3A_336 : memref<400000x16xf32, #tpu.memory_space<hbm>>) target(%arg18 : memref<384x16xf32, #tpu.memory_space<vmem>>) offsets(%dma_start3A_333 : memref<384xi32, #tpu.memory_space<vmem>>) semaphore(%arg22 : memref<!tpu.dma_semaphore, #tpu.memory_space<semaphore_mem>>)
      %ge3A_337 = arith.constant 2 : i32
      %ge3A_338 = arith.cmpi sge, %add3A_320, %ge3A_337 : i32
      %convert_element_type3A_339 = arith.extui %ge3A_338 : i1 to i32
      %cond3A_340 = arith.constant 0 : i32
      %cond3A_341 = arith.cmpi ne, %convert_element_type3A_339, %cond3A_340 : i32
      scf.if %cond3A_341 {
        %dma_wait3A_428 = arith.constant 0 : i32
        %dma_wait3A_429 = arith.constant 0 : i32
        %dma_wait3A_430 = tpu.memref_slice %arg16[%dma_wait3A_428, %dma_wait3A_429] : memref<2x384xi32, #tpu.memory_space<vmem>> -> memref<1x384xi32, #tpu.memory_space<vmem>>
        %dma_wait3A_431 = tpu.memref_squeeze %dma_wait3A_430 : memref<1x384xi32, #tpu.memory_space<vmem>> -> memref<384xi32, #tpu.memory_space<vmem>>
        %dma_wait3A_432 = arith.constant 0 : i32
        %dma_wait3A_433 = arith.constant 0 : i32
        %dma_wait3A_434 = tpu.memref_slice %arg2[%dma_wait3A_432, %dma_wait3A_433] : memref<400000x16xf32, #tpu.memory_space<hbm>> -> memref<400000x16xf32, #tpu.memory_space<hbm>>
        tpu.wait_indirect_dma semaphore(%arg24 : memref<!tpu.dma_semaphore, #tpu.memory_space<semaphore_mem>>) src(%dma_wait3A_434 : memref<400000x16xf32, #tpu.memory_space<hbm>>) dst(%arg20 : memref<384x16xf32, #tpu.memory_space<vmem>>)
        %dma_start3A_435 = arith.constant 1 : i32
        %dma_start3A_436 = arith.constant 0 : i32
        %dma_start3A_437 = tpu.memref_slice %arg16[%dma_start3A_435, %dma_start3A_436] : memref<2x384xi32, #tpu.memory_space<vmem>> -> memref<1x384xi32, #tpu.memory_space<vmem>>
        %dma_start3A_438 = tpu.memref_squeeze %dma_start3A_437 : memref<1x384xi32, #tpu.memory_space<vmem>> -> memref<384xi32, #tpu.memory_space<vmem>>
        %dma_start3A_439 = arith.constant 0 : i32
        %dma_start3A_440 = arith.constant 0 : i32
        %dma_start3A_441 = tpu.memref_slice %arg12[%dma_start3A_439, %dma_start3A_440] : memref<100096x16xf32, #tpu.memory_space<vmem_shared>> -> memref<100096x16xf32, #tpu.memory_space<vmem_shared>>
        tpu.enqueue_indirect_dma source(%arg20 : memref<384x16xf32, #tpu.memory_space<vmem>>) target(%dma_start3A_441 : memref<100096x16xf32, #tpu.memory_space<vmem_shared>>) offsets(%dma_start3A_438 : memref<384xi32, #tpu.memory_space<vmem>>) semaphore(%arg28 : memref<!tpu.dma_semaphore, #tpu.memory_space<semaphore_mem>>) {add = true}
      } else {
      }
      %ge3A_342 = arith.constant 3 : i32
      %ge3A_343 = arith.cmpi sge, %add3A_320, %ge3A_342 : i32
      %convert_element_type3A_344 = arith.extui %ge3A_343 : i1 to i32
      %cond3A_345 = arith.constant 0 : i32
      %cond3A_346 = arith.cmpi ne, %convert_element_type3A_344, %cond3A_345 : i32
      scf.if %cond3A_346 {
        %dma_wait3A_428 = arith.constant 1 : i32
        %dma_wait3A_429 = arith.constant 0 : i32
        %dma_wait3A_430 = tpu.memref_slice %arg15[%dma_wait3A_428, %dma_wait3A_429] : memref<2x384xi32, #tpu.memory_space<vmem>> -> memref<1x384xi32, #tpu.memory_space<vmem>>
        %dma_wait3A_431 = tpu.memref_squeeze %dma_wait3A_430 : memref<1x384xi32, #tpu.memory_space<vmem>> -> memref<384xi32, #tpu.memory_space<vmem>>
        %dma_wait3A_432 = arith.constant 0 : i32
        %dma_wait3A_433 = arith.constant 0 : i32
        %dma_wait3A_434 = tpu.memref_slice %arg12[%dma_wait3A_432, %dma_wait3A_433] : memref<100096x16xf32, #tpu.memory_space<vmem_shared>> -> memref<100096x16xf32, #tpu.memory_space<vmem_shared>>
        tpu.wait_indirect_dma semaphore(%arg27 : memref<!tpu.dma_semaphore, #tpu.memory_space<semaphore_mem>>) src(%arg19 : memref<384x16xf32, #tpu.memory_space<vmem>>) dst(%dma_wait3A_434 : memref<100096x16xf32, #tpu.memory_space<vmem_shared>>)
      } else {
      }
      %add3A_347 = arith.constant 1 : i32
      %add3A_348 = arith.addi %add3A_320, %add3A_347 : i32
      %lt3A_349 = arith.constant 200 : i32
      %lt3A_350 = arith.cmpi slt, %add3A_348, %lt3A_349 : i32
      %convert_element_type3A_351 = arith.extui %lt3A_350 : i1 to i32
      %cond3A_352 = arith.constant 0 : i32
      %cond3A_353 = arith.cmpi ne, %convert_element_type3A_351, %cond3A_352 : i32
      scf.if %cond3A_353 {
        %add3A_428 = arith.constant 1 : i32
        %add3A_429 = arith.addi %add3A_320, %add3A_428 : i32
        %add3A_430 = arith.addi %mul3A_2, %add3A_429 : i32
        %dma_start3A_431 = arith.constant 0 : i32
        %dma_start3A_432 = arith.constant 0 : i32
        %dma_start3A_433 = tpu.memref_slice %arg4[%add3A_139, %add3A_430, %dma_start3A_431, %dma_start3A_432] : memref<4x3200x2x384xi32, #tpu.memory_space<hbm>> -> memref<1x1x2x384xi32, #tpu.memory_space<hbm>>
        %dma_start3A_434 = tpu.memref_squeeze %dma_start3A_433 : memref<1x1x2x384xi32, #tpu.memory_space<hbm>> -> memref<2x384xi32, #tpu.memory_space<hbm>>
        %dma_start3A_435 = arith.constant 0 : i32
        %dma_start3A_436 = arith.constant 0 : i32
        %dma_start3A_437 = tpu.memref_slice %arg4[%add3A_139, %add3A_430, %dma_start3A_435, %dma_start3A_436] : memref<4x3200x2x384xi32, #tpu.memory_space<hbm>> -> memref<1x1x2x384xi32, #tpu.memory_space<hbm>>
        %dma_start3A_438 = tpu.memref_squeeze %dma_start3A_437 : memref<1x1x2x384xi32, #tpu.memory_space<hbm>> -> memref<2x384xi32, #tpu.memory_space<hbm>>
        tpu.enqueue_dma source(%dma_start3A_438 : memref<2x384xi32, #tpu.memory_space<hbm>>) target(%arg15 : memref<2x384xi32, #tpu.memory_space<vmem>>) target_semaphore(%arg23 : memref<!tpu.dma_semaphore, #tpu.memory_space<semaphore_mem>>)
      } else {
      }
      %mul3A_354 = arith.constant 4 : i32
      %mul3A_355 = arith.muli %scan3A_281, %mul3A_354 : i32
      %add3A_356 = arith.constant 2 : i32
      %add3A_357 = arith.addi %mul3A_355, %add3A_356 : i32
      %dma_wait3A_358 = arith.constant 0 : i32
      %dma_wait3A_359 = arith.constant 0 : i32
      %dma_wait3A_360 = arith.constant 0 : i32
      %dma_wait3A_361 = tpu.memref_slice %arg4[%add3A_139, %dma_wait3A_358, %dma_wait3A_359, %dma_wait3A_360] : memref<4x3200x2x384xi32, #tpu.memory_space<hbm>> -> memref<1x1x2x384xi32, #tpu.memory_space<hbm>>
      %dma_wait3A_362 = tpu.memref_squeeze %dma_wait3A_361 : memref<1x1x2x384xi32, #tpu.memory_space<hbm>> -> memref<2x384xi32, #tpu.memory_space<hbm>>
      %dma_wait3A_363 = arith.constant 0 : i32
      %dma_wait3A_364 = arith.constant 0 : i32
      %dma_wait3A_365 = tpu.memref_slice %arg4[%add3A_139, %dma_wait3A_358, %dma_wait3A_363, %dma_wait3A_364] : memref<4x3200x2x384xi32, #tpu.memory_space<hbm>> -> memref<1x1x2x384xi32, #tpu.memory_space<hbm>>
      %dma_wait3A_366 = tpu.memref_squeeze %dma_wait3A_365 : memref<1x1x2x384xi32, #tpu.memory_space<hbm>> -> memref<2x384xi32, #tpu.memory_space<hbm>>
      tpu.wait_dma2 semaphore(%arg23 : memref<!tpu.dma_semaphore, #tpu.memory_space<semaphore_mem>>) src(%dma_wait3A_366 : memref<2x384xi32, #tpu.memory_space<hbm>>) dst(%arg15 : memref<2x384xi32, #tpu.memory_space<vmem>>)
      %dma_start3A_367 = arith.constant 0 : i32
      %dma_start3A_368 = arith.constant 0 : i32
      %dma_start3A_369 = tpu.memref_slice %arg15[%dma_start3A_367, %dma_start3A_368] : memref<2x384xi32, #tpu.memory_space<vmem>> -> memref<1x384xi32, #tpu.memory_space<vmem>>
      %dma_start3A_370 = tpu.memref_squeeze %dma_start3A_369 : memref<1x384xi32, #tpu.memory_space<vmem>> -> memref<384xi32, #tpu.memory_space<vmem>>
      %dma_start3A_371 = arith.constant 0 : i32
      %dma_start3A_372 = arith.constant 0 : i32
      %dma_start3A_373 = tpu.memref_slice %arg2[%dma_start3A_371, %dma_start3A_372] : memref<400000x16xf32, #tpu.memory_space<hbm>> -> memref<400000x16xf32, #tpu.memory_space<hbm>>
      tpu.enqueue_indirect_dma source(%dma_start3A_373 : memref<400000x16xf32, #tpu.memory_space<hbm>>) target(%arg19 : memref<384x16xf32, #tpu.memory_space<vmem>>) offsets(%dma_start3A_370 : memref<384xi32, #tpu.memory_space<vmem>>) semaphore(%arg23 : memref<!tpu.dma_semaphore, #tpu.memory_space<semaphore_mem>>)
      %ge3A_374 = arith.constant 2 : i32
      %ge3A_375 = arith.cmpi sge, %add3A_357, %ge3A_374 : i32
      %convert_element_type3A_376 = arith.extui %ge3A_375 : i1 to i32
      %cond3A_377 = arith.constant 0 : i32
      %cond3A_378 = arith.cmpi ne, %convert_element_type3A_376, %cond3A_377 : i32
      scf.if %cond3A_378 {
        %dma_wait3A_428 = arith.constant 0 : i32
        %dma_wait3A_429 = arith.constant 0 : i32
        %dma_wait3A_430 = tpu.memref_slice %arg13[%dma_wait3A_428, %dma_wait3A_429] : memref<2x384xi32, #tpu.memory_space<vmem>> -> memref<1x384xi32, #tpu.memory_space<vmem>>
        %dma_wait3A_431 = tpu.memref_squeeze %dma_wait3A_430 : memref<1x384xi32, #tpu.memory_space<vmem>> -> memref<384xi32, #tpu.memory_space<vmem>>
        %dma_wait3A_432 = arith.constant 0 : i32
        %dma_wait3A_433 = arith.constant 0 : i32
        %dma_wait3A_434 = tpu.memref_slice %arg2[%dma_wait3A_432, %dma_wait3A_433] : memref<400000x16xf32, #tpu.memory_space<hbm>> -> memref<400000x16xf32, #tpu.memory_space<hbm>>
        tpu.wait_indirect_dma semaphore(%arg21 : memref<!tpu.dma_semaphore, #tpu.memory_space<semaphore_mem>>) src(%dma_wait3A_434 : memref<400000x16xf32, #tpu.memory_space<hbm>>) dst(%arg17 : memref<384x16xf32, #tpu.memory_space<vmem>>)
        %dma_start3A_435 = arith.constant 1 : i32
        %dma_start3A_436 = arith.constant 0 : i32
        %dma_start3A_437 = tpu.memref_slice %arg13[%dma_start3A_435, %dma_start3A_436] : memref<2x384xi32, #tpu.memory_space<vmem>> -> memref<1x384xi32, #tpu.memory_space<vmem>>
        %dma_start3A_438 = tpu.memref_squeeze %dma_start3A_437 : memref<1x384xi32, #tpu.memory_space<vmem>> -> memref<384xi32, #tpu.memory_space<vmem>>
        %dma_start3A_439 = arith.constant 0 : i32
        %dma_start3A_440 = arith.constant 0 : i32
        %dma_start3A_441 = tpu.memref_slice %arg12[%dma_start3A_439, %dma_start3A_440] : memref<100096x16xf32, #tpu.memory_space<vmem_shared>> -> memref<100096x16xf32, #tpu.memory_space<vmem_shared>>
        tpu.enqueue_indirect_dma source(%arg17 : memref<384x16xf32, #tpu.memory_space<vmem>>) target(%dma_start3A_441 : memref<100096x16xf32, #tpu.memory_space<vmem_shared>>) offsets(%dma_start3A_438 : memref<384xi32, #tpu.memory_space<vmem>>) semaphore(%arg25 : memref<!tpu.dma_semaphore, #tpu.memory_space<semaphore_mem>>) {add = true}
      } else {
      }
      %ge3A_379 = arith.constant 3 : i32
      %ge3A_380 = arith.cmpi sge, %add3A_357, %ge3A_379 : i32
      %convert_element_type3A_381 = arith.extui %ge3A_380 : i1 to i32
      %cond3A_382 = arith.constant 0 : i32
      %cond3A_383 = arith.cmpi ne, %convert_element_type3A_381, %cond3A_382 : i32
      scf.if %cond3A_383 {
        %dma_wait3A_428 = arith.constant 1 : i32
        %dma_wait3A_429 = arith.constant 0 : i32
        %dma_wait3A_430 = tpu.memref_slice %arg16[%dma_wait3A_428, %dma_wait3A_429] : memref<2x384xi32, #tpu.memory_space<vmem>> -> memref<1x384xi32, #tpu.memory_space<vmem>>
        %dma_wait3A_431 = tpu.memref_squeeze %dma_wait3A_430 : memref<1x384xi32, #tpu.memory_space<vmem>> -> memref<384xi32, #tpu.memory_space<vmem>>
        %dma_wait3A_432 = arith.constant 0 : i32
        %dma_wait3A_433 = arith.constant 0 : i32
        %dma_wait3A_434 = tpu.memref_slice %arg12[%dma_wait3A_432, %dma_wait3A_433] : memref<100096x16xf32, #tpu.memory_space<vmem_shared>> -> memref<100096x16xf32, #tpu.memory_space<vmem_shared>>
        tpu.wait_indirect_dma semaphore(%arg28 : memref<!tpu.dma_semaphore, #tpu.memory_space<semaphore_mem>>) src(%arg20 : memref<384x16xf32, #tpu.memory_space<vmem>>) dst(%dma_wait3A_434 : memref<100096x16xf32, #tpu.memory_space<vmem_shared>>)
      } else {
      }
      %add3A_384 = arith.constant 1 : i32
      %add3A_385 = arith.addi %add3A_357, %add3A_384 : i32
      %lt3A_386 = arith.constant 200 : i32
      %lt3A_387 = arith.cmpi slt, %add3A_385, %lt3A_386 : i32
      %convert_element_type3A_388 = arith.extui %lt3A_387 : i1 to i32
      %cond3A_389 = arith.constant 0 : i32
      %cond3A_390 = arith.cmpi ne, %convert_element_type3A_388, %cond3A_389 : i32
      scf.if %cond3A_390 {
        %add3A_428 = arith.constant 1 : i32
        %add3A_429 = arith.addi %add3A_357, %add3A_428 : i32
        %add3A_430 = arith.addi %mul3A_2, %add3A_429 : i32
        %dma_start3A_431 = arith.constant 0 : i32
        %dma_start3A_432 = arith.constant 0 : i32
        %dma_start3A_433 = tpu.memref_slice %arg4[%add3A_139, %add3A_430, %dma_start3A_431, %dma_start3A_432] : memref<4x3200x2x384xi32, #tpu.memory_space<hbm>> -> memref<1x1x2x384xi32, #tpu.memory_space<hbm>>
        %dma_start3A_434 = tpu.memref_squeeze %dma_start3A_433 : memref<1x1x2x384xi32, #tpu.memory_space<hbm>> -> memref<2x384xi32, #tpu.memory_space<hbm>>
        %dma_start3A_435 = arith.constant 0 : i32
        %dma_start3A_436 = arith.constant 0 : i32
        %dma_start3A_437 = tpu.memref_slice %arg4[%add3A_139, %add3A_430, %dma_start3A_435, %dma_start3A_436] : memref<4x3200x2x384xi32, #tpu.memory_space<hbm>> -> memref<1x1x2x384xi32, #tpu.memory_space<hbm>>
        %dma_start3A_438 = tpu.memref_squeeze %dma_start3A_437 : memref<1x1x2x384xi32, #tpu.memory_space<hbm>> -> memref<2x384xi32, #tpu.memory_space<hbm>>
        tpu.enqueue_dma source(%dma_start3A_438 : memref<2x384xi32, #tpu.memory_space<hbm>>) target(%arg16 : memref<2x384xi32, #tpu.memory_space<vmem>>) target_semaphore(%arg24 : memref<!tpu.dma_semaphore, #tpu.memory_space<semaphore_mem>>)
      } else {
      }
      %mul3A_391 = arith.constant 4 : i32
      %mul3A_392 = arith.muli %scan3A_281, %mul3A_391 : i32
      %add3A_393 = arith.constant 3 : i32
      %add3A_394 = arith.addi %mul3A_392, %add3A_393 : i32
      %dma_wait3A_395 = arith.constant 0 : i32
      %dma_wait3A_396 = arith.constant 0 : i32
      %dma_wait3A_397 = arith.constant 0 : i32
      %dma_wait3A_398 = tpu.memref_slice %arg4[%add3A_139, %dma_wait3A_395, %dma_wait3A_396, %dma_wait3A_397] : memref<4x3200x2x384xi32, #tpu.memory_space<hbm>> -> memref<1x1x2x384xi32, #tpu.memory_space<hbm>>
      %dma_wait3A_399 = tpu.memref_squeeze %dma_wait3A_398 : memref<1x1x2x384xi32, #tpu.memory_space<hbm>> -> memref<2x384xi32, #tpu.memory_space<hbm>>
      %dma_wait3A_400 = arith.constant 0 : i32
      %dma_wait3A_401 = arith.constant 0 : i32
      %dma_wait3A_402 = tpu.memref_slice %arg4[%add3A_139, %dma_wait3A_395, %dma_wait3A_400, %dma_wait3A_401] : memref<4x3200x2x384xi32, #tpu.memory_space<hbm>> -> memref<1x1x2x384xi32, #tpu.memory_space<hbm>>
      %dma_wait3A_403 = tpu.memref_squeeze %dma_wait3A_402 : memref<1x1x2x384xi32, #tpu.memory_space<hbm>> -> memref<2x384xi32, #tpu.memory_space<hbm>>
      tpu.wait_dma2 semaphore(%arg24 : memref<!tpu.dma_semaphore, #tpu.memory_space<semaphore_mem>>) src(%dma_wait3A_403 : memref<2x384xi32, #tpu.memory_space<hbm>>) dst(%arg16 : memref<2x384xi32, #tpu.memory_space<vmem>>)
      %dma_start3A_404 = arith.constant 0 : i32
      %dma_start3A_405 = arith.constant 0 : i32
      %dma_start3A_406 = tpu.memref_slice %arg16[%dma_start3A_404, %dma_start3A_405] : memref<2x384xi32, #tpu.memory_space<vmem>> -> memref<1x384xi32, #tpu.memory_space<vmem>>
      %dma_start3A_407 = tpu.memref_squeeze %dma_start3A_406 : memref<1x384xi32, #tpu.memory_space<vmem>> -> memref<384xi32, #tpu.memory_space<vmem>>
      %dma_start3A_408 = arith.constant 0 : i32
      %dma_start3A_409 = arith.constant 0 : i32
      %dma_start3A_410 = tpu.memref_slice %arg2[%dma_start3A_408, %dma_start3A_409] : memref<400000x16xf32, #tpu.memory_space<hbm>> -> memref<400000x16xf32, #tpu.memory_space<hbm>>
      tpu.enqueue_indirect_dma source(%dma_start3A_410 : memref<400000x16xf32, #tpu.memory_space<hbm>>) target(%arg20 : memref<384x16xf32, #tpu.memory_space<vmem>>) offsets(%dma_start3A_407 : memref<384xi32, #tpu.memory_space<vmem>>) semaphore(%arg24 : memref<!tpu.dma_semaphore, #tpu.memory_space<semaphore_mem>>)
      %ge3A_411 = arith.constant 2 : i32
      %ge3A_412 = arith.cmpi sge, %add3A_394, %ge3A_411 : i32
      %convert_element_type3A_413 = arith.extui %ge3A_412 : i1 to i32
      %cond3A_414 = arith.constant 0 : i32
      %cond3A_415 = arith.cmpi ne, %convert_element_type3A_413, %cond3A_414 : i32
      scf.if %cond3A_415 {
        %dma_wait3A_428 = arith.constant 0 : i32
        %dma_wait3A_429 = arith.constant 0 : i32
        %dma_wait3A_430 = tpu.memref_slice %arg14[%dma_wait3A_428, %dma_wait3A_429] : memref<2x384xi32, #tpu.memory_space<vmem>> -> memref<1x384xi32, #tpu.memory_space<vmem>>
        %dma_wait3A_431 = tpu.memref_squeeze %dma_wait3A_430 : memref<1x384xi32, #tpu.memory_space<vmem>> -> memref<384xi32, #tpu.memory_space<vmem>>
        %dma_wait3A_432 = arith.constant 0 : i32
        %dma_wait3A_433 = arith.constant 0 : i32
        %dma_wait3A_434 = tpu.memref_slice %arg2[%dma_wait3A_432, %dma_wait3A_433] : memref<400000x16xf32, #tpu.memory_space<hbm>> -> memref<400000x16xf32, #tpu.memory_space<hbm>>
        tpu.wait_indirect_dma semaphore(%arg22 : memref<!tpu.dma_semaphore, #tpu.memory_space<semaphore_mem>>) src(%dma_wait3A_434 : memref<400000x16xf32, #tpu.memory_space<hbm>>) dst(%arg18 : memref<384x16xf32, #tpu.memory_space<vmem>>)
        %dma_start3A_435 = arith.constant 1 : i32
        %dma_start3A_436 = arith.constant 0 : i32
        %dma_start3A_437 = tpu.memref_slice %arg14[%dma_start3A_435, %dma_start3A_436] : memref<2x384xi32, #tpu.memory_space<vmem>> -> memref<1x384xi32, #tpu.memory_space<vmem>>
        %dma_start3A_438 = tpu.memref_squeeze %dma_start3A_437 : memref<1x384xi32, #tpu.memory_space<vmem>> -> memref<384xi32, #tpu.memory_space<vmem>>
        %dma_start3A_439 = arith.constant 0 : i32
        %dma_start3A_440 = arith.constant 0 : i32
        %dma_start3A_441 = tpu.memref_slice %arg12[%dma_start3A_439, %dma_start3A_440] : memref<100096x16xf32, #tpu.memory_space<vmem_shared>> -> memref<100096x16xf32, #tpu.memory_space<vmem_shared>>
        tpu.enqueue_indirect_dma source(%arg18 : memref<384x16xf32, #tpu.memory_space<vmem>>) target(%dma_start3A_441 : memref<100096x16xf32, #tpu.memory_space<vmem_shared>>) offsets(%dma_start3A_438 : memref<384xi32, #tpu.memory_space<vmem>>) semaphore(%arg26 : memref<!tpu.dma_semaphore, #tpu.memory_space<semaphore_mem>>) {add = true}
      } else {
      }
      %ge3A_416 = arith.constant 3 : i32
      %ge3A_417 = arith.cmpi sge, %add3A_394, %ge3A_416 : i32
      %convert_element_type3A_418 = arith.extui %ge3A_417 : i1 to i32
      %cond3A_419 = arith.constant 0 : i32
      %cond3A_420 = arith.cmpi ne, %convert_element_type3A_418, %cond3A_419 : i32
      scf.if %cond3A_420 {
        %dma_wait3A_428 = arith.constant 1 : i32
        %dma_wait3A_429 = arith.constant 0 : i32
        %dma_wait3A_430 = tpu.memref_slice %arg13[%dma_wait3A_428, %dma_wait3A_429] : memref<2x384xi32, #tpu.memory_space<vmem>> -> memref<1x384xi32, #tpu.memory_space<vmem>>
        %dma_wait3A_431 = tpu.memref_squeeze %dma_wait3A_430 : memref<1x384xi32, #tpu.memory_space<vmem>> -> memref<384xi32, #tpu.memory_space<vmem>>
        %dma_wait3A_432 = arith.constant 0 : i32
        %dma_wait3A_433 = arith.constant 0 : i32
        %dma_wait3A_434 = tpu.memref_slice %arg12[%dma_wait3A_432, %dma_wait3A_433] : memref<100096x16xf32, #tpu.memory_space<vmem_shared>> -> memref<100096x16xf32, #tpu.memory_space<vmem_shared>>
        tpu.wait_indirect_dma semaphore(%arg25 : memref<!tpu.dma_semaphore, #tpu.memory_space<semaphore_mem>>) src(%arg17 : memref<384x16xf32, #tpu.memory_space<vmem>>) dst(%dma_wait3A_434 : memref<100096x16xf32, #tpu.memory_space<vmem_shared>>)
      } else {
      }
      %add3A_421 = arith.constant 1 : i32
      %add3A_422 = arith.addi %add3A_394, %add3A_421 : i32
      %lt3A_423 = arith.constant 200 : i32
      %lt3A_424 = arith.cmpi slt, %add3A_422, %lt3A_423 : i32
      %convert_element_type3A_425 = arith.extui %lt3A_424 : i1 to i32
      %cond3A_426 = arith.constant 0 : i32
      %cond3A_427 = arith.cmpi ne, %convert_element_type3A_425, %cond3A_426 : i32
      scf.if %cond3A_427 {
        %add3A_428 = arith.constant 1 : i32
        %add3A_429 = arith.addi %add3A_394, %add3A_428 : i32
        %add3A_430 = arith.addi %mul3A_2, %add3A_429 : i32
        %dma_start3A_431 = arith.constant 0 : i32
        %dma_start3A_432 = arith.constant 0 : i32
        %dma_start3A_433 = tpu.memref_slice %arg4[%add3A_139, %add3A_430, %dma_start3A_431, %dma_start3A_432] : memref<4x3200x2x384xi32, #tpu.memory_space<hbm>> -> memref<1x1x2x384xi32, #tpu.memory_space<hbm>>
        %dma_start3A_434 = tpu.memref_squeeze %dma_start3A_433 : memref<1x1x2x384xi32, #tpu.memory_space<hbm>> -> memref<2x384xi32, #tpu.memory_space<hbm>>
        %dma_start3A_435 = arith.constant 0 : i32
        %dma_start3A_436 = arith.constant 0 : i32
        %dma_start3A_437 = tpu.memref_slice %arg4[%add3A_139, %add3A_430, %dma_start3A_435, %dma_start3A_436] : memref<4x3200x2x384xi32, #tpu.memory_space<hbm>> -> memref<1x1x2x384xi32, #tpu.memory_space<hbm>>
        %dma_start3A_438 = tpu.memref_squeeze %dma_start3A_437 : memref<1x1x2x384xi32, #tpu.memory_space<hbm>> -> memref<2x384xi32, #tpu.memory_space<hbm>>
        tpu.enqueue_dma source(%dma_start3A_438 : memref<2x384xi32, #tpu.memory_space<hbm>>) target(%arg13 : memref<2x384xi32, #tpu.memory_space<vmem>>) target_semaphore(%arg21 : memref<!tpu.dma_semaphore, #tpu.memory_space<semaphore_mem>>)
      } else {
      }
    }
    %scan3A_156 = arith.constant 50 : i32
    %dma_wait3A_157 = arith.constant 0 : i32
    %dma_wait3A_158 = arith.constant 0 : i32
    %dma_wait3A_159 = tpu.memref_slice %arg15[%dma_wait3A_157, %dma_wait3A_158] : memref<2x384xi32, #tpu.memory_space<vmem>> -> memref<1x384xi32, #tpu.memory_space<vmem>>
    %dma_wait3A_160 = tpu.memref_squeeze %dma_wait3A_159 : memref<1x384xi32, #tpu.memory_space<vmem>> -> memref<384xi32, #tpu.memory_space<vmem>>
    %dma_wait3A_161 = arith.constant 0 : i32
    %dma_wait3A_162 = arith.constant 0 : i32
    %dma_wait3A_163 = tpu.memref_slice %arg2[%dma_wait3A_161, %dma_wait3A_162] : memref<400000x16xf32, #tpu.memory_space<hbm>> -> memref<400000x16xf32, #tpu.memory_space<hbm>>
    tpu.wait_indirect_dma semaphore(%arg23 : memref<!tpu.dma_semaphore, #tpu.memory_space<semaphore_mem>>) src(%dma_wait3A_163 : memref<400000x16xf32, #tpu.memory_space<hbm>>) dst(%arg19 : memref<384x16xf32, #tpu.memory_space<vmem>>)
    %dma_start3A_164 = arith.constant 1 : i32
    %dma_start3A_165 = arith.constant 0 : i32
    %dma_start3A_166 = tpu.memref_slice %arg15[%dma_start3A_164, %dma_start3A_165] : memref<2x384xi32, #tpu.memory_space<vmem>> -> memref<1x384xi32, #tpu.memory_space<vmem>>
    %dma_start3A_167 = tpu.memref_squeeze %dma_start3A_166 : memref<1x384xi32, #tpu.memory_space<vmem>> -> memref<384xi32, #tpu.memory_space<vmem>>
    %dma_start3A_168 = arith.constant 0 : i32
    %dma_start3A_169 = arith.constant 0 : i32
    %dma_start3A_170 = tpu.memref_slice %arg12[%dma_start3A_168, %dma_start3A_169] : memref<100096x16xf32, #tpu.memory_space<vmem_shared>> -> memref<100096x16xf32, #tpu.memory_space<vmem_shared>>
    tpu.enqueue_indirect_dma source(%arg19 : memref<384x16xf32, #tpu.memory_space<vmem>>) target(%dma_start3A_170 : memref<100096x16xf32, #tpu.memory_space<vmem_shared>>) offsets(%dma_start3A_167 : memref<384xi32, #tpu.memory_space<vmem>>) semaphore(%arg27 : memref<!tpu.dma_semaphore, #tpu.memory_space<semaphore_mem>>) {add = true}
    %dma_wait3A_171 = arith.constant 0 : i32
    %dma_wait3A_172 = arith.constant 0 : i32
    %dma_wait3A_173 = tpu.memref_slice %arg16[%dma_wait3A_171, %dma_wait3A_172] : memref<2x384xi32, #tpu.memory_space<vmem>> -> memref<1x384xi32, #tpu.memory_space<vmem>>
    %dma_wait3A_174 = tpu.memref_squeeze %dma_wait3A_173 : memref<1x384xi32, #tpu.memory_space<vmem>> -> memref<384xi32, #tpu.memory_space<vmem>>
    %dma_wait3A_175 = arith.constant 0 : i32
    %dma_wait3A_176 = arith.constant 0 : i32
    %dma_wait3A_177 = tpu.memref_slice %arg2[%dma_wait3A_175, %dma_wait3A_176] : memref<400000x16xf32, #tpu.memory_space<hbm>> -> memref<400000x16xf32, #tpu.memory_space<hbm>>
    tpu.wait_indirect_dma semaphore(%arg24 : memref<!tpu.dma_semaphore, #tpu.memory_space<semaphore_mem>>) src(%dma_wait3A_177 : memref<400000x16xf32, #tpu.memory_space<hbm>>) dst(%arg20 : memref<384x16xf32, #tpu.memory_space<vmem>>)
    %dma_start3A_178 = arith.constant 1 : i32
    %dma_start3A_179 = arith.constant 0 : i32
    %dma_start3A_180 = tpu.memref_slice %arg16[%dma_start3A_178, %dma_start3A_179] : memref<2x384xi32, #tpu.memory_space<vmem>> -> memref<1x384xi32, #tpu.memory_space<vmem>>
    %dma_start3A_181 = tpu.memref_squeeze %dma_start3A_180 : memref<1x384xi32, #tpu.memory_space<vmem>> -> memref<384xi32, #tpu.memory_space<vmem>>
    %dma_start3A_182 = arith.constant 0 : i32
    %dma_start3A_183 = arith.constant 0 : i32
    %dma_start3A_184 = tpu.memref_slice %arg12[%dma_start3A_182, %dma_start3A_183] : memref<100096x16xf32, #tpu.memory_space<vmem_shared>> -> memref<100096x16xf32, #tpu.memory_space<vmem_shared>>
    tpu.enqueue_indirect_dma source(%arg20 : memref<384x16xf32, #tpu.memory_space<vmem>>) target(%dma_start3A_184 : memref<100096x16xf32, #tpu.memory_space<vmem_shared>>) offsets(%dma_start3A_181 : memref<384xi32, #tpu.memory_space<vmem>>) semaphore(%arg28 : memref<!tpu.dma_semaphore, #tpu.memory_space<semaphore_mem>>) {add = true}
    %dma_wait3A_185 = arith.constant 1 : i32
    %dma_wait3A_186 = arith.constant 0 : i32
    %dma_wait3A_187 = tpu.memref_slice %arg14[%dma_wait3A_185, %dma_wait3A_186] : memref<2x384xi32, #tpu.memory_space<vmem>> -> memref<1x384xi32, #tpu.memory_space<vmem>>
    %dma_wait3A_188 = tpu.memref_squeeze %dma_wait3A_187 : memref<1x384xi32, #tpu.memory_space<vmem>> -> memref<384xi32, #tpu.memory_space<vmem>>
    %dma_wait3A_189 = arith.constant 0 : i32
    %dma_wait3A_190 = arith.constant 0 : i32
    %dma_wait3A_191 = tpu.memref_slice %arg12[%dma_wait3A_189, %dma_wait3A_190] : memref<100096x16xf32, #tpu.memory_space<vmem_shared>> -> memref<100096x16xf32, #tpu.memory_space<vmem_shared>>
    tpu.wait_indirect_dma semaphore(%arg26 : memref<!tpu.dma_semaphore, #tpu.memory_space<semaphore_mem>>) src(%arg18 : memref<384x16xf32, #tpu.memory_space<vmem>>) dst(%dma_wait3A_191 : memref<100096x16xf32, #tpu.memory_space<vmem_shared>>)
    %dma_wait3A_192 = arith.constant 1 : i32
    %dma_wait3A_193 = arith.constant 0 : i32
    %dma_wait3A_194 = tpu.memref_slice %arg15[%dma_wait3A_192, %dma_wait3A_193] : memref<2x384xi32, #tpu.memory_space<vmem>> -> memref<1x384xi32, #tpu.memory_space<vmem>>
    %dma_wait3A_195 = tpu.memref_squeeze %dma_wait3A_194 : memref<1x384xi32, #tpu.memory_space<vmem>> -> memref<384xi32, #tpu.memory_space<vmem>>
    %dma_wait3A_196 = arith.constant 0 : i32
    %dma_wait3A_197 = arith.constant 0 : i32
    %dma_wait3A_198 = tpu.memref_slice %arg12[%dma_wait3A_196, %dma_wait3A_197] : memref<100096x16xf32, #tpu.memory_space<vmem_shared>> -> memref<100096x16xf32, #tpu.memory_space<vmem_shared>>
    tpu.wait_indirect_dma semaphore(%arg27 : memref<!tpu.dma_semaphore, #tpu.memory_space<semaphore_mem>>) src(%arg19 : memref<384x16xf32, #tpu.memory_space<vmem>>) dst(%dma_wait3A_198 : memref<100096x16xf32, #tpu.memory_space<vmem_shared>>)
    %dma_wait3A_199 = arith.constant 1 : i32
    %dma_wait3A_200 = arith.constant 0 : i32
    %dma_wait3A_201 = tpu.memref_slice %arg16[%dma_wait3A_199, %dma_wait3A_200] : memref<2x384xi32, #tpu.memory_space<vmem>> -> memref<1x384xi32, #tpu.memory_space<vmem>>
    %dma_wait3A_202 = tpu.memref_squeeze %dma_wait3A_201 : memref<1x384xi32, #tpu.memory_space<vmem>> -> memref<384xi32, #tpu.memory_space<vmem>>
    %dma_wait3A_203 = arith.constant 0 : i32
    %dma_wait3A_204 = arith.constant 0 : i32
    %dma_wait3A_205 = tpu.memref_slice %arg12[%dma_wait3A_203, %dma_wait3A_204] : memref<100096x16xf32, #tpu.memory_space<vmem_shared>> -> memref<100096x16xf32, #tpu.memory_space<vmem_shared>>
    tpu.wait_indirect_dma semaphore(%arg28 : memref<!tpu.dma_semaphore, #tpu.memory_space<semaphore_mem>>) src(%arg20 : memref<384x16xf32, #tpu.memory_space<vmem>>) dst(%dma_wait3A_205 : memref<100096x16xf32, #tpu.memory_space<vmem_shared>>)
    %barrier3A_206 = arith.constant 0 : index
    tpu.barrier barrier_id(%barrier3A_206)
    "tpu.region"() ({
      %run_scoped3A = tpu.sem_alloc : memref<!tpu.dma_semaphore, #tpu.memory_space<semaphore_mem>>
      %dma_start3A_281 = arith.constant 0 : i32
      %dma_start3A_282 = tpu.memref_slice %arg8[%add3A_139, %mul3A_0, %dma_start3A_281] : memref<4x100096x16xf32, #tpu.memory_space<hbm>> -> memref<1x6256x16xf32, #tpu.memory_space<hbm>>
      %dma_start3A_283 = tpu.memref_squeeze %dma_start3A_282 : memref<1x6256x16xf32, #tpu.memory_space<hbm>> -> memref<6256x16xf32, #tpu.memory_space<hbm>>
      %dma_start3A_284 = arith.constant 0 : i32
      %dma_start3A_285 = tpu.memref_slice %arg12[%mul3A_0, %dma_start3A_284] : memref<100096x16xf32, #tpu.memory_space<vmem_shared>> -> memref<6256x16xf32, #tpu.memory_space<vmem_shared>>
      tpu.enqueue_dma source(%dma_start3A_285 : memref<6256x16xf32, #tpu.memory_space<vmem_shared>>) target(%dma_start3A_283 : memref<6256x16xf32, #tpu.memory_space<hbm>>) target_semaphore(%run_scoped3A : memref<!tpu.dma_semaphore, #tpu.memory_space<semaphore_mem>>)
      %dma_wait3A_286 = arith.constant 0 : i32
      %dma_wait3A_287 = tpu.memref_slice %arg8[%add3A_139, %mul3A_0, %dma_wait3A_286] : memref<4x100096x16xf32, #tpu.memory_space<hbm>> -> memref<1x6256x16xf32, #tpu.memory_space<hbm>>
      %dma_wait3A_288 = tpu.memref_squeeze %dma_wait3A_287 : memref<1x6256x16xf32, #tpu.memory_space<hbm>> -> memref<6256x16xf32, #tpu.memory_space<hbm>>
      %dma_wait3A_289 = arith.constant 0 : i32
      %dma_wait3A_290 = tpu.memref_slice %arg12[%mul3A_0, %dma_wait3A_289] : memref<100096x16xf32, #tpu.memory_space<vmem_shared>> -> memref<6256x16xf32, #tpu.memory_space<vmem_shared>>
      tpu.wait_dma2 semaphore(%run_scoped3A : memref<!tpu.dma_semaphore, #tpu.memory_space<semaphore_mem>>) src(%dma_wait3A_290 : memref<6256x16xf32, #tpu.memory_space<vmem_shared>>) dst(%dma_wait3A_288 : memref<6256x16xf32, #tpu.memory_space<hbm>>)
      tpu.yield
    }) : () -> ()
    "tpu.region"() ({
      %run_scoped3A = tpu.sem_alloc : memref<!tpu.dma_semaphore, #tpu.memory_space<semaphore_mem>>
      %dma_start3A_281 = arith.constant 0 : i32
      %dma_start3A_282 = tpu.memref_slice %arg12[%mul3A_0, %dma_start3A_281] : memref<100096x16xf32, #tpu.memory_space<vmem_shared>> -> memref<6256x16xf32, #tpu.memory_space<vmem_shared>>
      tpu.enqueue_dma source(%arg6 : memref<6256x16xf32, #tpu.memory_space<hbm>>) target(%dma_start3A_282 : memref<6256x16xf32, #tpu.memory_space<vmem_shared>>) target_semaphore(%run_scoped3A : memref<!tpu.dma_semaphore, #tpu.memory_space<semaphore_mem>>)
      %dma_wait3A_283 = arith.constant 0 : i32
      %dma_wait3A_284 = tpu.memref_slice %arg12[%mul3A_0, %dma_wait3A_283] : memref<100096x16xf32, #tpu.memory_space<vmem_shared>> -> memref<6256x16xf32, #tpu.memory_space<vmem_shared>>
      tpu.wait_dma2 semaphore(%run_scoped3A : memref<!tpu.dma_semaphore, #tpu.memory_space<semaphore_mem>>) src(%arg6 : memref<6256x16xf32, #tpu.memory_space<hbm>>) dst(%dma_wait3A_284 : memref<6256x16xf32, #tpu.memory_space<vmem_shared>>)
      tpu.yield
    }) : () -> ()
    %barrier3A_207 = arith.constant 0 : index
    tpu.barrier barrier_id(%barrier3A_207)
    %add3A_208 = arith.constant 0 : i32
    %add3A_209 = arith.addi %mul3A_2, %add3A_208 : i32
    %dma_start3A_210 = arith.constant 0 : i32
    %dma_start3A_211 = arith.constant 0 : i32
    %dma_start3A_212 = tpu.memref_slice %arg5[%add3A_139, %add3A_209, %dma_start3A_210, %dma_start3A_211] : memref<4x3200x2x384xi32, #tpu.memory_space<hbm>> -> memref<1x1x2x384xi32, #tpu.memory_space<hbm>>
    %dma_start3A_213 = tpu.memref_squeeze %dma_start3A_212 : memref<1x1x2x384xi32, #tpu.memory_space<hbm>> -> memref<2x384xi32, #tpu.memory_space<hbm>>
    %dma_start3A_214 = arith.constant 0 : i32
    %dma_start3A_215 = arith.constant 0 : i32
    %dma_start3A_216 = tpu.memref_slice %arg5[%add3A_139, %add3A_209, %dma_start3A_214, %dma_start3A_215] : memref<4x3200x2x384xi32, #tpu.memory_space<hbm>> -> memref<1x1x2x384xi32, #tpu.memory_space<hbm>>
    %dma_start3A_217 = tpu.memref_squeeze %dma_start3A_216 : memref<1x1x2x384xi32, #tpu.memory_space<hbm>> -> memref<2x384xi32, #tpu.memory_space<hbm>>
    tpu.enqueue_dma source(%dma_start3A_217 : memref<2x384xi32, #tpu.memory_space<hbm>>) target(%arg13 : memref<2x384xi32, #tpu.memory_space<vmem>>) target_semaphore(%arg21 : memref<!tpu.dma_semaphore, #tpu.memory_space<semaphore_mem>>)
    %scan3A_218 = arith.constant 0 : i32
    %scan3A_219 = arith.constant 0 : i32
    %scan3A_220 = arith.constant 50 : i32
    %scan3A_221 = arith.addi %scan3A_219, %scan3A_220 : i32
    %scan3A_222 = arith.constant 1 : i32
    scf.for %scan3A_281 = %scan3A_219 to %scan3A_221 step %scan3A_222  : i32 {
      %mul3A_282 = arith.constant 4 : i32
      %mul3A_283 = arith.muli %scan3A_281, %mul3A_282 : i32
      %add3A_284 = arith.constant 0 : i32
      %add3A_285 = arith.addi %mul3A_283, %add3A_284 : i32
      %dma_wait3A_286 = arith.constant 0 : i32
      %dma_wait3A_287 = arith.constant 0 : i32
      %dma_wait3A_288 = arith.constant 0 : i32
      %dma_wait3A_289 = tpu.memref_slice %arg5[%add3A_139, %dma_wait3A_286, %dma_wait3A_287, %dma_wait3A_288] : memref<4x3200x2x384xi32, #tpu.memory_space<hbm>> -> memref<1x1x2x384xi32, #tpu.memory_space<hbm>>
      %dma_wait3A_290 = tpu.memref_squeeze %dma_wait3A_289 : memref<1x1x2x384xi32, #tpu.memory_space<hbm>> -> memref<2x384xi32, #tpu.memory_space<hbm>>
      %dma_wait3A_291 = arith.constant 0 : i32
      %dma_wait3A_292 = arith.constant 0 : i32
      %dma_wait3A_293 = tpu.memref_slice %arg5[%add3A_139, %dma_wait3A_286, %dma_wait3A_291, %dma_wait3A_292] : memref<4x3200x2x384xi32, #tpu.memory_space<hbm>> -> memref<1x1x2x384xi32, #tpu.memory_space<hbm>>
      %dma_wait3A_294 = tpu.memref_squeeze %dma_wait3A_293 : memref<1x1x2x384xi32, #tpu.memory_space<hbm>> -> memref<2x384xi32, #tpu.memory_space<hbm>>
      tpu.wait_dma2 semaphore(%arg21 : memref<!tpu.dma_semaphore, #tpu.memory_space<semaphore_mem>>) src(%dma_wait3A_294 : memref<2x384xi32, #tpu.memory_space<hbm>>) dst(%arg13 : memref<2x384xi32, #tpu.memory_space<vmem>>)
      %dma_start3A_295 = arith.constant 0 : i32
      %dma_start3A_296 = arith.constant 0 : i32
      %dma_start3A_297 = tpu.memref_slice %arg13[%dma_start3A_295, %dma_start3A_296] : memref<2x384xi32, #tpu.memory_space<vmem>> -> memref<1x384xi32, #tpu.memory_space<vmem>>
      %dma_start3A_298 = tpu.memref_squeeze %dma_start3A_297 : memref<1x384xi32, #tpu.memory_space<vmem>> -> memref<384xi32, #tpu.memory_space<vmem>>
      %dma_start3A_299 = arith.constant 0 : i32
      %dma_start3A_300 = arith.constant 0 : i32
      %dma_start3A_301 = tpu.memref_slice %arg3[%dma_start3A_299, %dma_start3A_300] : memref<400000x16xf32, #tpu.memory_space<hbm>> -> memref<400000x16xf32, #tpu.memory_space<hbm>>
      tpu.enqueue_indirect_dma source(%dma_start3A_301 : memref<400000x16xf32, #tpu.memory_space<hbm>>) target(%arg17 : memref<384x16xf32, #tpu.memory_space<vmem>>) offsets(%dma_start3A_298 : memref<384xi32, #tpu.memory_space<vmem>>) semaphore(%arg21 : memref<!tpu.dma_semaphore, #tpu.memory_space<semaphore_mem>>)
      %ge3A = arith.constant 2 : i32
      %ge3A_302 = arith.cmpi sge, %add3A_285, %ge3A : i32
      %convert_element_type3A_303 = arith.extui %ge3A_302 : i1 to i32
      %cond3A_304 = arith.constant 0 : i32
      %cond3A_305 = arith.cmpi ne, %convert_element_type3A_303, %cond3A_304 : i32
      scf.if %cond3A_305 {
        %dma_wait3A_428 = arith.constant 0 : i32
        %dma_wait3A_429 = arith.constant 0 : i32
        %dma_wait3A_430 = tpu.memref_slice %arg15[%dma_wait3A_428, %dma_wait3A_429] : memref<2x384xi32, #tpu.memory_space<vmem>> -> memref<1x384xi32, #tpu.memory_space<vmem>>
        %dma_wait3A_431 = tpu.memref_squeeze %dma_wait3A_430 : memref<1x384xi32, #tpu.memory_space<vmem>> -> memref<384xi32, #tpu.memory_space<vmem>>
        %dma_wait3A_432 = arith.constant 0 : i32
        %dma_wait3A_433 = arith.constant 0 : i32
        %dma_wait3A_434 = tpu.memref_slice %arg3[%dma_wait3A_432, %dma_wait3A_433] : memref<400000x16xf32, #tpu.memory_space<hbm>> -> memref<400000x16xf32, #tpu.memory_space<hbm>>
        tpu.wait_indirect_dma semaphore(%arg23 : memref<!tpu.dma_semaphore, #tpu.memory_space<semaphore_mem>>) src(%dma_wait3A_434 : memref<400000x16xf32, #tpu.memory_space<hbm>>) dst(%arg19 : memref<384x16xf32, #tpu.memory_space<vmem>>)
        %dma_start3A_435 = arith.constant 1 : i32
        %dma_start3A_436 = arith.constant 0 : i32
        %dma_start3A_437 = tpu.memref_slice %arg15[%dma_start3A_435, %dma_start3A_436] : memref<2x384xi32, #tpu.memory_space<vmem>> -> memref<1x384xi32, #tpu.memory_space<vmem>>
        %dma_start3A_438 = tpu.memref_squeeze %dma_start3A_437 : memref<1x384xi32, #tpu.memory_space<vmem>> -> memref<384xi32, #tpu.memory_space<vmem>>
        %dma_start3A_439 = arith.constant 0 : i32
        %dma_start3A_440 = arith.constant 0 : i32
        %dma_start3A_441 = tpu.memref_slice %arg12[%dma_start3A_439, %dma_start3A_440] : memref<100096x16xf32, #tpu.memory_space<vmem_shared>> -> memref<100096x16xf32, #tpu.memory_space<vmem_shared>>
        tpu.enqueue_indirect_dma source(%arg19 : memref<384x16xf32, #tpu.memory_space<vmem>>) target(%dma_start3A_441 : memref<100096x16xf32, #tpu.memory_space<vmem_shared>>) offsets(%dma_start3A_438 : memref<384xi32, #tpu.memory_space<vmem>>) semaphore(%arg27 : memref<!tpu.dma_semaphore, #tpu.memory_space<semaphore_mem>>) {add = true}
      } else {
      }
      %ge3A_306 = arith.constant 3 : i32
      %ge3A_307 = arith.cmpi sge, %add3A_285, %ge3A_306 : i32
      %convert_element_type3A_308 = arith.extui %ge3A_307 : i1 to i32
      %cond3A_309 = arith.constant 0 : i32
      %cond3A_310 = arith.cmpi ne, %convert_element_type3A_308, %cond3A_309 : i32
      scf.if %cond3A_310 {
        %dma_wait3A_428 = arith.constant 1 : i32
        %dma_wait3A_429 = arith.constant 0 : i32
        %dma_wait3A_430 = tpu.memref_slice %arg14[%dma_wait3A_428, %dma_wait3A_429] : memref<2x384xi32, #tpu.memory_space<vmem>> -> memref<1x384xi32, #tpu.memory_space<vmem>>
        %dma_wait3A_431 = tpu.memref_squeeze %dma_wait3A_430 : memref<1x384xi32, #tpu.memory_space<vmem>> -> memref<384xi32, #tpu.memory_space<vmem>>
        %dma_wait3A_432 = arith.constant 0 : i32
        %dma_wait3A_433 = arith.constant 0 : i32
        %dma_wait3A_434 = tpu.memref_slice %arg12[%dma_wait3A_432, %dma_wait3A_433] : memref<100096x16xf32, #tpu.memory_space<vmem_shared>> -> memref<100096x16xf32, #tpu.memory_space<vmem_shared>>
        tpu.wait_indirect_dma semaphore(%arg26 : memref<!tpu.dma_semaphore, #tpu.memory_space<semaphore_mem>>) src(%arg18 : memref<384x16xf32, #tpu.memory_space<vmem>>) dst(%dma_wait3A_434 : memref<100096x16xf32, #tpu.memory_space<vmem_shared>>)
      } else {
      }
      %add3A_311 = arith.constant 1 : i32
      %add3A_312 = arith.addi %add3A_285, %add3A_311 : i32
      %lt3A = arith.constant 200 : i32
      %lt3A_313 = arith.cmpi slt, %add3A_312, %lt3A : i32
      %convert_element_type3A_314 = arith.extui %lt3A_313 : i1 to i32
      %cond3A_315 = arith.constant 0 : i32
      %cond3A_316 = arith.cmpi ne, %convert_element_type3A_314, %cond3A_315 : i32
      scf.if %cond3A_316 {
        %add3A_428 = arith.constant 1 : i32
        %add3A_429 = arith.addi %add3A_285, %add3A_428 : i32
        %add3A_430 = arith.addi %mul3A_2, %add3A_429 : i32
        %dma_start3A_431 = arith.constant 0 : i32
        %dma_start3A_432 = arith.constant 0 : i32
        %dma_start3A_433 = tpu.memref_slice %arg5[%add3A_139, %add3A_430, %dma_start3A_431, %dma_start3A_432] : memref<4x3200x2x384xi32, #tpu.memory_space<hbm>> -> memref<1x1x2x384xi32, #tpu.memory_space<hbm>>
        %dma_start3A_434 = tpu.memref_squeeze %dma_start3A_433 : memref<1x1x2x384xi32, #tpu.memory_space<hbm>> -> memref<2x384xi32, #tpu.memory_space<hbm>>
        %dma_start3A_435 = arith.constant 0 : i32
        %dma_start3A_436 = arith.constant 0 : i32
        %dma_start3A_437 = tpu.memref_slice %arg5[%add3A_139, %add3A_430, %dma_start3A_435, %dma_start3A_436] : memref<4x3200x2x384xi32, #tpu.memory_space<hbm>> -> memref<1x1x2x384xi32, #tpu.memory_space<hbm>>
        %dma_start3A_438 = tpu.memref_squeeze %dma_start3A_437 : memref<1x1x2x384xi32, #tpu.memory_space<hbm>> -> memref<2x384xi32, #tpu.memory_space<hbm>>
        tpu.enqueue_dma source(%dma_start3A_438 : memref<2x384xi32, #tpu.memory_space<hbm>>) target(%arg14 : memref<2x384xi32, #tpu.memory_space<vmem>>) target_semaphore(%arg22 : memref<!tpu.dma_semaphore, #tpu.memory_space<semaphore_mem>>)
      } else {
      }
      %mul3A_317 = arith.constant 4 : i32
      %mul3A_318 = arith.muli %scan3A_281, %mul3A_317 : i32
      %add3A_319 = arith.constant 1 : i32
      %add3A_320 = arith.addi %mul3A_318, %add3A_319 : i32
      %dma_wait3A_321 = arith.constant 0 : i32
      %dma_wait3A_322 = arith.constant 0 : i32
      %dma_wait3A_323 = arith.constant 0 : i32
      %dma_wait3A_324 = tpu.memref_slice %arg5[%add3A_139, %dma_wait3A_321, %dma_wait3A_322, %dma_wait3A_323] : memref<4x3200x2x384xi32, #tpu.memory_space<hbm>> -> memref<1x1x2x384xi32, #tpu.memory_space<hbm>>
      %dma_wait3A_325 = tpu.memref_squeeze %dma_wait3A_324 : memref<1x1x2x384xi32, #tpu.memory_space<hbm>> -> memref<2x384xi32, #tpu.memory_space<hbm>>
      %dma_wait3A_326 = arith.constant 0 : i32
      %dma_wait3A_327 = arith.constant 0 : i32
      %dma_wait3A_328 = tpu.memref_slice %arg5[%add3A_139, %dma_wait3A_321, %dma_wait3A_326, %dma_wait3A_327] : memref<4x3200x2x384xi32, #tpu.memory_space<hbm>> -> memref<1x1x2x384xi32, #tpu.memory_space<hbm>>
      %dma_wait3A_329 = tpu.memref_squeeze %dma_wait3A_328 : memref<1x1x2x384xi32, #tpu.memory_space<hbm>> -> memref<2x384xi32, #tpu.memory_space<hbm>>
      tpu.wait_dma2 semaphore(%arg22 : memref<!tpu.dma_semaphore, #tpu.memory_space<semaphore_mem>>) src(%dma_wait3A_329 : memref<2x384xi32, #tpu.memory_space<hbm>>) dst(%arg14 : memref<2x384xi32, #tpu.memory_space<vmem>>)
      %dma_start3A_330 = arith.constant 0 : i32
      %dma_start3A_331 = arith.constant 0 : i32
      %dma_start3A_332 = tpu.memref_slice %arg14[%dma_start3A_330, %dma_start3A_331] : memref<2x384xi32, #tpu.memory_space<vmem>> -> memref<1x384xi32, #tpu.memory_space<vmem>>
      %dma_start3A_333 = tpu.memref_squeeze %dma_start3A_332 : memref<1x384xi32, #tpu.memory_space<vmem>> -> memref<384xi32, #tpu.memory_space<vmem>>
      %dma_start3A_334 = arith.constant 0 : i32
      %dma_start3A_335 = arith.constant 0 : i32
      %dma_start3A_336 = tpu.memref_slice %arg3[%dma_start3A_334, %dma_start3A_335] : memref<400000x16xf32, #tpu.memory_space<hbm>> -> memref<400000x16xf32, #tpu.memory_space<hbm>>
      tpu.enqueue_indirect_dma source(%dma_start3A_336 : memref<400000x16xf32, #tpu.memory_space<hbm>>) target(%arg18 : memref<384x16xf32, #tpu.memory_space<vmem>>) offsets(%dma_start3A_333 : memref<384xi32, #tpu.memory_space<vmem>>) semaphore(%arg22 : memref<!tpu.dma_semaphore, #tpu.memory_space<semaphore_mem>>)
      %ge3A_337 = arith.constant 2 : i32
      %ge3A_338 = arith.cmpi sge, %add3A_320, %ge3A_337 : i32
      %convert_element_type3A_339 = arith.extui %ge3A_338 : i1 to i32
      %cond3A_340 = arith.constant 0 : i32
      %cond3A_341 = arith.cmpi ne, %convert_element_type3A_339, %cond3A_340 : i32
      scf.if %cond3A_341 {
        %dma_wait3A_428 = arith.constant 0 : i32
        %dma_wait3A_429 = arith.constant 0 : i32
        %dma_wait3A_430 = tpu.memref_slice %arg16[%dma_wait3A_428, %dma_wait3A_429] : memref<2x384xi32, #tpu.memory_space<vmem>> -> memref<1x384xi32, #tpu.memory_space<vmem>>
        %dma_wait3A_431 = tpu.memref_squeeze %dma_wait3A_430 : memref<1x384xi32, #tpu.memory_space<vmem>> -> memref<384xi32, #tpu.memory_space<vmem>>
        %dma_wait3A_432 = arith.constant 0 : i32
        %dma_wait3A_433 = arith.constant 0 : i32
        %dma_wait3A_434 = tpu.memref_slice %arg3[%dma_wait3A_432, %dma_wait3A_433] : memref<400000x16xf32, #tpu.memory_space<hbm>> -> memref<400000x16xf32, #tpu.memory_space<hbm>>
        tpu.wait_indirect_dma semaphore(%arg24 : memref<!tpu.dma_semaphore, #tpu.memory_space<semaphore_mem>>) src(%dma_wait3A_434 : memref<400000x16xf32, #tpu.memory_space<hbm>>) dst(%arg20 : memref<384x16xf32, #tpu.memory_space<vmem>>)
        %dma_start3A_435 = arith.constant 1 : i32
        %dma_start3A_436 = arith.constant 0 : i32
        %dma_start3A_437 = tpu.memref_slice %arg16[%dma_start3A_435, %dma_start3A_436] : memref<2x384xi32, #tpu.memory_space<vmem>> -> memref<1x384xi32, #tpu.memory_space<vmem>>
        %dma_start3A_438 = tpu.memref_squeeze %dma_start3A_437 : memref<1x384xi32, #tpu.memory_space<vmem>> -> memref<384xi32, #tpu.memory_space<vmem>>
        %dma_start3A_439 = arith.constant 0 : i32
        %dma_start3A_440 = arith.constant 0 : i32
        %dma_start3A_441 = tpu.memref_slice %arg12[%dma_start3A_439, %dma_start3A_440] : memref<100096x16xf32, #tpu.memory_space<vmem_shared>> -> memref<100096x16xf32, #tpu.memory_space<vmem_shared>>
        tpu.enqueue_indirect_dma source(%arg20 : memref<384x16xf32, #tpu.memory_space<vmem>>) target(%dma_start3A_441 : memref<100096x16xf32, #tpu.memory_space<vmem_shared>>) offsets(%dma_start3A_438 : memref<384xi32, #tpu.memory_space<vmem>>) semaphore(%arg28 : memref<!tpu.dma_semaphore, #tpu.memory_space<semaphore_mem>>) {add = true}
      } else {
      }
      %ge3A_342 = arith.constant 3 : i32
      %ge3A_343 = arith.cmpi sge, %add3A_320, %ge3A_342 : i32
      %convert_element_type3A_344 = arith.extui %ge3A_343 : i1 to i32
      %cond3A_345 = arith.constant 0 : i32
      %cond3A_346 = arith.cmpi ne, %convert_element_type3A_344, %cond3A_345 : i32
      scf.if %cond3A_346 {
        %dma_wait3A_428 = arith.constant 1 : i32
        %dma_wait3A_429 = arith.constant 0 : i32
        %dma_wait3A_430 = tpu.memref_slice %arg15[%dma_wait3A_428, %dma_wait3A_429] : memref<2x384xi32, #tpu.memory_space<vmem>> -> memref<1x384xi32, #tpu.memory_space<vmem>>
        %dma_wait3A_431 = tpu.memref_squeeze %dma_wait3A_430 : memref<1x384xi32, #tpu.memory_space<vmem>> -> memref<384xi32, #tpu.memory_space<vmem>>
        %dma_wait3A_432 = arith.constant 0 : i32
        %dma_wait3A_433 = arith.constant 0 : i32
        %dma_wait3A_434 = tpu.memref_slice %arg12[%dma_wait3A_432, %dma_wait3A_433] : memref<100096x16xf32, #tpu.memory_space<vmem_shared>> -> memref<100096x16xf32, #tpu.memory_space<vmem_shared>>
        tpu.wait_indirect_dma semaphore(%arg27 : memref<!tpu.dma_semaphore, #tpu.memory_space<semaphore_mem>>) src(%arg19 : memref<384x16xf32, #tpu.memory_space<vmem>>) dst(%dma_wait3A_434 : memref<100096x16xf32, #tpu.memory_space<vmem_shared>>)
      } else {
      }
      %add3A_347 = arith.constant 1 : i32
      %add3A_348 = arith.addi %add3A_320, %add3A_347 : i32
      %lt3A_349 = arith.constant 200 : i32
      %lt3A_350 = arith.cmpi slt, %add3A_348, %lt3A_349 : i32
      %convert_element_type3A_351 = arith.extui %lt3A_350 : i1 to i32
      %cond3A_352 = arith.constant 0 : i32
      %cond3A_353 = arith.cmpi ne, %convert_element_type3A_351, %cond3A_352 : i32
      scf.if %cond3A_353 {
        %add3A_428 = arith.constant 1 : i32
        %add3A_429 = arith.addi %add3A_320, %add3A_428 : i32
        %add3A_430 = arith.addi %mul3A_2, %add3A_429 : i32
        %dma_start3A_431 = arith.constant 0 : i32
        %dma_start3A_432 = arith.constant 0 : i32
        %dma_start3A_433 = tpu.memref_slice %arg5[%add3A_139, %add3A_430, %dma_start3A_431, %dma_start3A_432] : memref<4x3200x2x384xi32, #tpu.memory_space<hbm>> -> memref<1x1x2x384xi32, #tpu.memory_space<hbm>>
        %dma_start3A_434 = tpu.memref_squeeze %dma_start3A_433 : memref<1x1x2x384xi32, #tpu.memory_space<hbm>> -> memref<2x384xi32, #tpu.memory_space<hbm>>
        %dma_start3A_435 = arith.constant 0 : i32
        %dma_start3A_436 = arith.constant 0 : i32
        %dma_start3A_437 = tpu.memref_slice %arg5[%add3A_139, %add3A_430, %dma_start3A_435, %dma_start3A_436] : memref<4x3200x2x384xi32, #tpu.memory_space<hbm>> -> memref<1x1x2x384xi32, #tpu.memory_space<hbm>>
        %dma_start3A_438 = tpu.memref_squeeze %dma_start3A_437 : memref<1x1x2x384xi32, #tpu.memory_space<hbm>> -> memref<2x384xi32, #tpu.memory_space<hbm>>
        tpu.enqueue_dma source(%dma_start3A_438 : memref<2x384xi32, #tpu.memory_space<hbm>>) target(%arg15 : memref<2x384xi32, #tpu.memory_space<vmem>>) target_semaphore(%arg23 : memref<!tpu.dma_semaphore, #tpu.memory_space<semaphore_mem>>)
      } else {
      }
      %mul3A_354 = arith.constant 4 : i32
      %mul3A_355 = arith.muli %scan3A_281, %mul3A_354 : i32
      %add3A_356 = arith.constant 2 : i32
      %add3A_357 = arith.addi %mul3A_355, %add3A_356 : i32
      %dma_wait3A_358 = arith.constant 0 : i32
      %dma_wait3A_359 = arith.constant 0 : i32
      %dma_wait3A_360 = arith.constant 0 : i32
      %dma_wait3A_361 = tpu.memref_slice %arg5[%add3A_139, %dma_wait3A_358, %dma_wait3A_359, %dma_wait3A_360] : memref<4x3200x2x384xi32, #tpu.memory_space<hbm>> -> memref<1x1x2x384xi32, #tpu.memory_space<hbm>>
      %dma_wait3A_362 = tpu.memref_squeeze %dma_wait3A_361 : memref<1x1x2x384xi32, #tpu.memory_space<hbm>> -> memref<2x384xi32, #tpu.memory_space<hbm>>
      %dma_wait3A_363 = arith.constant 0 : i32
      %dma_wait3A_364 = arith.constant 0 : i32
      %dma_wait3A_365 = tpu.memref_slice %arg5[%add3A_139, %dma_wait3A_358, %dma_wait3A_363, %dma_wait3A_364] : memref<4x3200x2x384xi32, #tpu.memory_space<hbm>> -> memref<1x1x2x384xi32, #tpu.memory_space<hbm>>
      %dma_wait3A_366 = tpu.memref_squeeze %dma_wait3A_365 : memref<1x1x2x384xi32, #tpu.memory_space<hbm>> -> memref<2x384xi32, #tpu.memory_space<hbm>>
      tpu.wait_dma2 semaphore(%arg23 : memref<!tpu.dma_semaphore, #tpu.memory_space<semaphore_mem>>) src(%dma_wait3A_366 : memref<2x384xi32, #tpu.memory_space<hbm>>) dst(%arg15 : memref<2x384xi32, #tpu.memory_space<vmem>>)
      %dma_start3A_367 = arith.constant 0 : i32
      %dma_start3A_368 = arith.constant 0 : i32
      %dma_start3A_369 = tpu.memref_slice %arg15[%dma_start3A_367, %dma_start3A_368] : memref<2x384xi32, #tpu.memory_space<vmem>> -> memref<1x384xi32, #tpu.memory_space<vmem>>
      %dma_start3A_370 = tpu.memref_squeeze %dma_start3A_369 : memref<1x384xi32, #tpu.memory_space<vmem>> -> memref<384xi32, #tpu.memory_space<vmem>>
      %dma_start3A_371 = arith.constant 0 : i32
      %dma_start3A_372 = arith.constant 0 : i32
      %dma_start3A_373 = tpu.memref_slice %arg3[%dma_start3A_371, %dma_start3A_372] : memref<400000x16xf32, #tpu.memory_space<hbm>> -> memref<400000x16xf32, #tpu.memory_space<hbm>>
      tpu.enqueue_indirect_dma source(%dma_start3A_373 : memref<400000x16xf32, #tpu.memory_space<hbm>>) target(%arg19 : memref<384x16xf32, #tpu.memory_space<vmem>>) offsets(%dma_start3A_370 : memref<384xi32, #tpu.memory_space<vmem>>) semaphore(%arg23 : memref<!tpu.dma_semaphore, #tpu.memory_space<semaphore_mem>>)
      %ge3A_374 = arith.constant 2 : i32
      %ge3A_375 = arith.cmpi sge, %add3A_357, %ge3A_374 : i32
      %convert_element_type3A_376 = arith.extui %ge3A_375 : i1 to i32
      %cond3A_377 = arith.constant 0 : i32
      %cond3A_378 = arith.cmpi ne, %convert_element_type3A_376, %cond3A_377 : i32
      scf.if %cond3A_378 {
        %dma_wait3A_428 = arith.constant 0 : i32
        %dma_wait3A_429 = arith.constant 0 : i32
        %dma_wait3A_430 = tpu.memref_slice %arg13[%dma_wait3A_428, %dma_wait3A_429] : memref<2x384xi32, #tpu.memory_space<vmem>> -> memref<1x384xi32, #tpu.memory_space<vmem>>
        %dma_wait3A_431 = tpu.memref_squeeze %dma_wait3A_430 : memref<1x384xi32, #tpu.memory_space<vmem>> -> memref<384xi32, #tpu.memory_space<vmem>>
        %dma_wait3A_432 = arith.constant 0 : i32
        %dma_wait3A_433 = arith.constant 0 : i32
        %dma_wait3A_434 = tpu.memref_slice %arg3[%dma_wait3A_432, %dma_wait3A_433] : memref<400000x16xf32, #tpu.memory_space<hbm>> -> memref<400000x16xf32, #tpu.memory_space<hbm>>
        tpu.wait_indirect_dma semaphore(%arg21 : memref<!tpu.dma_semaphore, #tpu.memory_space<semaphore_mem>>) src(%dma_wait3A_434 : memref<400000x16xf32, #tpu.memory_space<hbm>>) dst(%arg17 : memref<384x16xf32, #tpu.memory_space<vmem>>)
        %dma_start3A_435 = arith.constant 1 : i32
        %dma_start3A_436 = arith.constant 0 : i32
        %dma_start3A_437 = tpu.memref_slice %arg13[%dma_start3A_435, %dma_start3A_436] : memref<2x384xi32, #tpu.memory_space<vmem>> -> memref<1x384xi32, #tpu.memory_space<vmem>>
        %dma_start3A_438 = tpu.memref_squeeze %dma_start3A_437 : memref<1x384xi32, #tpu.memory_space<vmem>> -> memref<384xi32, #tpu.memory_space<vmem>>
        %dma_start3A_439 = arith.constant 0 : i32
        %dma_start3A_440 = arith.constant 0 : i32
        %dma_start3A_441 = tpu.memref_slice %arg12[%dma_start3A_439, %dma_start3A_440] : memref<100096x16xf32, #tpu.memory_space<vmem_shared>> -> memref<100096x16xf32, #tpu.memory_space<vmem_shared>>
        tpu.enqueue_indirect_dma source(%arg17 : memref<384x16xf32, #tpu.memory_space<vmem>>) target(%dma_start3A_441 : memref<100096x16xf32, #tpu.memory_space<vmem_shared>>) offsets(%dma_start3A_438 : memref<384xi32, #tpu.memory_space<vmem>>) semaphore(%arg25 : memref<!tpu.dma_semaphore, #tpu.memory_space<semaphore_mem>>) {add = true}
      } else {
      }
      %ge3A_379 = arith.constant 3 : i32
      %ge3A_380 = arith.cmpi sge, %add3A_357, %ge3A_379 : i32
      %convert_element_type3A_381 = arith.extui %ge3A_380 : i1 to i32
      %cond3A_382 = arith.constant 0 : i32
      %cond3A_383 = arith.cmpi ne, %convert_element_type3A_381, %cond3A_382 : i32
      scf.if %cond3A_383 {
        %dma_wait3A_428 = arith.constant 1 : i32
        %dma_wait3A_429 = arith.constant 0 : i32
        %dma_wait3A_430 = tpu.memref_slice %arg16[%dma_wait3A_428, %dma_wait3A_429] : memref<2x384xi32, #tpu.memory_space<vmem>> -> memref<1x384xi32, #tpu.memory_space<vmem>>
        %dma_wait3A_431 = tpu.memref_squeeze %dma_wait3A_430 : memref<1x384xi32, #tpu.memory_space<vmem>> -> memref<384xi32, #tpu.memory_space<vmem>>
        %dma_wait3A_432 = arith.constant 0 : i32
        %dma_wait3A_433 = arith.constant 0 : i32
        %dma_wait3A_434 = tpu.memref_slice %arg12[%dma_wait3A_432, %dma_wait3A_433] : memref<100096x16xf32, #tpu.memory_space<vmem_shared>> -> memref<100096x16xf32, #tpu.memory_space<vmem_shared>>
        tpu.wait_indirect_dma semaphore(%arg28 : memref<!tpu.dma_semaphore, #tpu.memory_space<semaphore_mem>>) src(%arg20 : memref<384x16xf32, #tpu.memory_space<vmem>>) dst(%dma_wait3A_434 : memref<100096x16xf32, #tpu.memory_space<vmem_shared>>)
      } else {
      }
      %add3A_384 = arith.constant 1 : i32
      %add3A_385 = arith.addi %add3A_357, %add3A_384 : i32
      %lt3A_386 = arith.constant 200 : i32
      %lt3A_387 = arith.cmpi slt, %add3A_385, %lt3A_386 : i32
      %convert_element_type3A_388 = arith.extui %lt3A_387 : i1 to i32
      %cond3A_389 = arith.constant 0 : i32
      %cond3A_390 = arith.cmpi ne, %convert_element_type3A_388, %cond3A_389 : i32
      scf.if %cond3A_390 {
        %add3A_428 = arith.constant 1 : i32
        %add3A_429 = arith.addi %add3A_357, %add3A_428 : i32
        %add3A_430 = arith.addi %mul3A_2, %add3A_429 : i32
        %dma_start3A_431 = arith.constant 0 : i32
        %dma_start3A_432 = arith.constant 0 : i32
        %dma_start3A_433 = tpu.memref_slice %arg5[%add3A_139, %add3A_430, %dma_start3A_431, %dma_start3A_432] : memref<4x3200x2x384xi32, #tpu.memory_space<hbm>> -> memref<1x1x2x384xi32, #tpu.memory_space<hbm>>
        %dma_start3A_434 = tpu.memref_squeeze %dma_start3A_433 : memref<1x1x2x384xi32, #tpu.memory_space<hbm>> -> memref<2x384xi32, #tpu.memory_space<hbm>>
        %dma_start3A_435 = arith.constant 0 : i32
        %dma_start3A_436 = arith.constant 0 : i32
        %dma_start3A_437 = tpu.memref_slice %arg5[%add3A_139, %add3A_430, %dma_start3A_435, %dma_start3A_436] : memref<4x3200x2x384xi32, #tpu.memory_space<hbm>> -> memref<1x1x2x384xi32, #tpu.memory_space<hbm>>
        %dma_start3A_438 = tpu.memref_squeeze %dma_start3A_437 : memref<1x1x2x384xi32, #tpu.memory_space<hbm>> -> memref<2x384xi32, #tpu.memory_space<hbm>>
        tpu.enqueue_dma source(%dma_start3A_438 : memref<2x384xi32, #tpu.memory_space<hbm>>) target(%arg16 : memref<2x384xi32, #tpu.memory_space<vmem>>) target_semaphore(%arg24 : memref<!tpu.dma_semaphore, #tpu.memory_space<semaphore_mem>>)
      } else {
      }
      %mul3A_391 = arith.constant 4 : i32
      %mul3A_392 = arith.muli %scan3A_281, %mul3A_391 : i32
      %add3A_393 = arith.constant 3 : i32
      %add3A_394 = arith.addi %mul3A_392, %add3A_393 : i32
      %dma_wait3A_395 = arith.constant 0 : i32
      %dma_wait3A_396 = arith.constant 0 : i32
      %dma_wait3A_397 = arith.constant 0 : i32
      %dma_wait3A_398 = tpu.memref_slice %arg5[%add3A_139, %dma_wait3A_395, %dma_wait3A_396, %dma_wait3A_397] : memref<4x3200x2x384xi32, #tpu.memory_space<hbm>> -> memref<1x1x2x384xi32, #tpu.memory_space<hbm>>
      %dma_wait3A_399 = tpu.memref_squeeze %dma_wait3A_398 : memref<1x1x2x384xi32, #tpu.memory_space<hbm>> -> memref<2x384xi32, #tpu.memory_space<hbm>>
      %dma_wait3A_400 = arith.constant 0 : i32
      %dma_wait3A_401 = arith.constant 0 : i32
      %dma_wait3A_402 = tpu.memref_slice %arg5[%add3A_139, %dma_wait3A_395, %dma_wait3A_400, %dma_wait3A_401] : memref<4x3200x2x384xi32, #tpu.memory_space<hbm>> -> memref<1x1x2x384xi32, #tpu.memory_space<hbm>>
      %dma_wait3A_403 = tpu.memref_squeeze %dma_wait3A_402 : memref<1x1x2x384xi32, #tpu.memory_space<hbm>> -> memref<2x384xi32, #tpu.memory_space<hbm>>
      tpu.wait_dma2 semaphore(%arg24 : memref<!tpu.dma_semaphore, #tpu.memory_space<semaphore_mem>>) src(%dma_wait3A_403 : memref<2x384xi32, #tpu.memory_space<hbm>>) dst(%arg16 : memref<2x384xi32, #tpu.memory_space<vmem>>)
      %dma_start3A_404 = arith.constant 0 : i32
      %dma_start3A_405 = arith.constant 0 : i32
      %dma_start3A_406 = tpu.memref_slice %arg16[%dma_start3A_404, %dma_start3A_405] : memref<2x384xi32, #tpu.memory_space<vmem>> -> memref<1x384xi32, #tpu.memory_space<vmem>>
      %dma_start3A_407 = tpu.memref_squeeze %dma_start3A_406 : memref<1x384xi32, #tpu.memory_space<vmem>> -> memref<384xi32, #tpu.memory_space<vmem>>
      %dma_start3A_408 = arith.constant 0 : i32
      %dma_start3A_409 = arith.constant 0 : i32
      %dma_start3A_410 = tpu.memref_slice %arg3[%dma_start3A_408, %dma_start3A_409] : memref<400000x16xf32, #tpu.memory_space<hbm>> -> memref<400000x16xf32, #tpu.memory_space<hbm>>
      tpu.enqueue_indirect_dma source(%dma_start3A_410 : memref<400000x16xf32, #tpu.memory_space<hbm>>) target(%arg20 : memref<384x16xf32, #tpu.memory_space<vmem>>) offsets(%dma_start3A_407 : memref<384xi32, #tpu.memory_space<vmem>>) semaphore(%arg24 : memref<!tpu.dma_semaphore, #tpu.memory_space<semaphore_mem>>)
      %ge3A_411 = arith.constant 2 : i32
      %ge3A_412 = arith.cmpi sge, %add3A_394, %ge3A_411 : i32
      %convert_element_type3A_413 = arith.extui %ge3A_412 : i1 to i32
      %cond3A_414 = arith.constant 0 : i32
      %cond3A_415 = arith.cmpi ne, %convert_element_type3A_413, %cond3A_414 : i32
      scf.if %cond3A_415 {
        %dma_wait3A_428 = arith.constant 0 : i32
        %dma_wait3A_429 = arith.constant 0 : i32
        %dma_wait3A_430 = tpu.memref_slice %arg14[%dma_wait3A_428, %dma_wait3A_429] : memref<2x384xi32, #tpu.memory_space<vmem>> -> memref<1x384xi32, #tpu.memory_space<vmem>>
        %dma_wait3A_431 = tpu.memref_squeeze %dma_wait3A_430 : memref<1x384xi32, #tpu.memory_space<vmem>> -> memref<384xi32, #tpu.memory_space<vmem>>
        %dma_wait3A_432 = arith.constant 0 : i32
        %dma_wait3A_433 = arith.constant 0 : i32
        %dma_wait3A_434 = tpu.memref_slice %arg3[%dma_wait3A_432, %dma_wait3A_433] : memref<400000x16xf32, #tpu.memory_space<hbm>> -> memref<400000x16xf32, #tpu.memory_space<hbm>>
        tpu.wait_indirect_dma semaphore(%arg22 : memref<!tpu.dma_semaphore, #tpu.memory_space<semaphore_mem>>) src(%dma_wait3A_434 : memref<400000x16xf32, #tpu.memory_space<hbm>>) dst(%arg18 : memref<384x16xf32, #tpu.memory_space<vmem>>)
        %dma_start3A_435 = arith.constant 1 : i32
        %dma_start3A_436 = arith.constant 0 : i32
        %dma_start3A_437 = tpu.memref_slice %arg14[%dma_start3A_435, %dma_start3A_436] : memref<2x384xi32, #tpu.memory_space<vmem>> -> memref<1x384xi32, #tpu.memory_space<vmem>>
        %dma_start3A_438 = tpu.memref_squeeze %dma_start3A_437 : memref<1x384xi32, #tpu.memory_space<vmem>> -> memref<384xi32, #tpu.memory_space<vmem>>
        %dma_start3A_439 = arith.constant 0 : i32
        %dma_start3A_440 = arith.constant 0 : i32
        %dma_start3A_441 = tpu.memref_slice %arg12[%dma_start3A_439, %dma_start3A_440] : memref<100096x16xf32, #tpu.memory_space<vmem_shared>> -> memref<100096x16xf32, #tpu.memory_space<vmem_shared>>
        tpu.enqueue_indirect_dma source(%arg18 : memref<384x16xf32, #tpu.memory_space<vmem>>) target(%dma_start3A_441 : memref<100096x16xf32, #tpu.memory_space<vmem_shared>>) offsets(%dma_start3A_438 : memref<384xi32, #tpu.memory_space<vmem>>) semaphore(%arg26 : memref<!tpu.dma_semaphore, #tpu.memory_space<semaphore_mem>>) {add = true}
      } else {
      }
      %ge3A_416 = arith.constant 3 : i32
      %ge3A_417 = arith.cmpi sge, %add3A_394, %ge3A_416 : i32
      %convert_element_type3A_418 = arith.extui %ge3A_417 : i1 to i32
      %cond3A_419 = arith.constant 0 : i32
      %cond3A_420 = arith.cmpi ne, %convert_element_type3A_418, %cond3A_419 : i32
      scf.if %cond3A_420 {
        %dma_wait3A_428 = arith.constant 1 : i32
        %dma_wait3A_429 = arith.constant 0 : i32
        %dma_wait3A_430 = tpu.memref_slice %arg13[%dma_wait3A_428, %dma_wait3A_429] : memref<2x384xi32, #tpu.memory_space<vmem>> -> memref<1x384xi32, #tpu.memory_space<vmem>>
        %dma_wait3A_431 = tpu.memref_squeeze %dma_wait3A_430 : memref<1x384xi32, #tpu.memory_space<vmem>> -> memref<384xi32, #tpu.memory_space<vmem>>
        %dma_wait3A_432 = arith.constant 0 : i32
        %dma_wait3A_433 = arith.constant 0 : i32
        %dma_wait3A_434 = tpu.memref_slice %arg12[%dma_wait3A_432, %dma_wait3A_433] : memref<100096x16xf32, #tpu.memory_space<vmem_shared>> -> memref<100096x16xf32, #tpu.memory_space<vmem_shared>>
        tpu.wait_indirect_dma semaphore(%arg25 : memref<!tpu.dma_semaphore, #tpu.memory_space<semaphore_mem>>) src(%arg17 : memref<384x16xf32, #tpu.memory_space<vmem>>) dst(%dma_wait3A_434 : memref<100096x16xf32, #tpu.memory_space<vmem_shared>>)
      } else {
      }
      %add3A_421 = arith.constant 1 : i32
      %add3A_422 = arith.addi %add3A_394, %add3A_421 : i32
      %lt3A_423 = arith.constant 200 : i32
      %lt3A_424 = arith.cmpi slt, %add3A_422, %lt3A_423 : i32
      %convert_element_type3A_425 = arith.extui %lt3A_424 : i1 to i32
      %cond3A_426 = arith.constant 0 : i32
      %cond3A_427 = arith.cmpi ne, %convert_element_type3A_425, %cond3A_426 : i32
      scf.if %cond3A_427 {
        %add3A_428 = arith.constant 1 : i32
        %add3A_429 = arith.addi %add3A_394, %add3A_428 : i32
        %add3A_430 = arith.addi %mul3A_2, %add3A_429 : i32
        %dma_start3A_431 = arith.constant 0 : i32
        %dma_start3A_432 = arith.constant 0 : i32
        %dma_start3A_433 = tpu.memref_slice %arg5[%add3A_139, %add3A_430, %dma_start3A_431, %dma_start3A_432] : memref<4x3200x2x384xi32, #tpu.memory_space<hbm>> -> memref<1x1x2x384xi32, #tpu.memory_space<hbm>>
        %dma_start3A_434 = tpu.memref_squeeze %dma_start3A_433 : memref<1x1x2x384xi32, #tpu.memory_space<hbm>> -> memref<2x384xi32, #tpu.memory_space<hbm>>
        %dma_start3A_435 = arith.constant 0 : i32
        %dma_start3A_436 = arith.constant 0 : i32
        %dma_start3A_437 = tpu.memref_slice %arg5[%add3A_139, %add3A_430, %dma_start3A_435, %dma_start3A_436] : memref<4x3200x2x384xi32, #tpu.memory_space<hbm>> -> memref<1x1x2x384xi32, #tpu.memory_space<hbm>>
        %dma_start3A_438 = tpu.memref_squeeze %dma_start3A_437 : memref<1x1x2x384xi32, #tpu.memory_space<hbm>> -> memref<2x384xi32, #tpu.memory_space<hbm>>
        tpu.enqueue_dma source(%dma_start3A_438 : memref<2x384xi32, #tpu.memory_space<hbm>>) target(%arg13 : memref<2x384xi32, #tpu.memory_space<vmem>>) target_semaphore(%arg21 : memref<!tpu.dma_semaphore, #tpu.memory_space<semaphore_mem>>)
      } else {
      }
    }
    %scan3A_223 = arith.constant 50 : i32
    %dma_wait3A_224 = arith.constant 0 : i32
    %dma_wait3A_225 = arith.constant 0 : i32
    %dma_wait3A_226 = tpu.memref_slice %arg15[%dma_wait3A_224, %dma_wait3A_225] : memref<2x384xi32, #tpu.memory_space<vmem>> -> memref<1x384xi32, #tpu.memory_space<vmem>>
    %dma_wait3A_227 = tpu.memref_squeeze %dma_wait3A_226 : memref<1x384xi32, #tpu.memory_space<vmem>> -> memref<384xi32, #tpu.memory_space<vmem>>
    %dma_wait3A_228 = arith.constant 0 : i32
    %dma_wait3A_229 = arith.constant 0 : i32
    %dma_wait3A_230 = tpu.memref_slice %arg3[%dma_wait3A_228, %dma_wait3A_229] : memref<400000x16xf32, #tpu.memory_space<hbm>> -> memref<400000x16xf32, #tpu.memory_space<hbm>>
    tpu.wait_indirect_dma semaphore(%arg23 : memref<!tpu.dma_semaphore, #tpu.memory_space<semaphore_mem>>) src(%dma_wait3A_230 : memref<400000x16xf32, #tpu.memory_space<hbm>>) dst(%arg19 : memref<384x16xf32, #tpu.memory_space<vmem>>)
    %dma_start3A_231 = arith.constant 1 : i32
    %dma_start3A_232 = arith.constant 0 : i32
    %dma_start3A_233 = tpu.memref_slice %arg15[%dma_start3A_231, %dma_start3A_232] : memref<2x384xi32, #tpu.memory_space<vmem>> -> memref<1x384xi32, #tpu.memory_space<vmem>>
    %dma_start3A_234 = tpu.memref_squeeze %dma_start3A_233 : memref<1x384xi32, #tpu.memory_space<vmem>> -> memref<384xi32, #tpu.memory_space<vmem>>
    %dma_start3A_235 = arith.constant 0 : i32
    %dma_start3A_236 = arith.constant 0 : i32
    %dma_start3A_237 = tpu.memref_slice %arg12[%dma_start3A_235, %dma_start3A_236] : memref<100096x16xf32, #tpu.memory_space<vmem_shared>> -> memref<100096x16xf32, #tpu.memory_space<vmem_shared>>
    tpu.enqueue_indirect_dma source(%arg19 : memref<384x16xf32, #tpu.memory_space<vmem>>) target(%dma_start3A_237 : memref<100096x16xf32, #tpu.memory_space<vmem_shared>>) offsets(%dma_start3A_234 : memref<384xi32, #tpu.memory_space<vmem>>) semaphore(%arg27 : memref<!tpu.dma_semaphore, #tpu.memory_space<semaphore_mem>>) {add = true}
    %dma_wait3A_238 = arith.constant 0 : i32
    %dma_wait3A_239 = arith.constant 0 : i32
    %dma_wait3A_240 = tpu.memref_slice %arg16[%dma_wait3A_238, %dma_wait3A_239] : memref<2x384xi32, #tpu.memory_space<vmem>> -> memref<1x384xi32, #tpu.memory_space<vmem>>
    %dma_wait3A_241 = tpu.memref_squeeze %dma_wait3A_240 : memref<1x384xi32, #tpu.memory_space<vmem>> -> memref<384xi32, #tpu.memory_space<vmem>>
    %dma_wait3A_242 = arith.constant 0 : i32
    %dma_wait3A_243 = arith.constant 0 : i32
    %dma_wait3A_244 = tpu.memref_slice %arg3[%dma_wait3A_242, %dma_wait3A_243] : memref<400000x16xf32, #tpu.memory_space<hbm>> -> memref<400000x16xf32, #tpu.memory_space<hbm>>
    tpu.wait_indirect_dma semaphore(%arg24 : memref<!tpu.dma_semaphore, #tpu.memory_space<semaphore_mem>>) src(%dma_wait3A_244 : memref<400000x16xf32, #tpu.memory_space<hbm>>) dst(%arg20 : memref<384x16xf32, #tpu.memory_space<vmem>>)
    %dma_start3A_245 = arith.constant 1 : i32
    %dma_start3A_246 = arith.constant 0 : i32
    %dma_start3A_247 = tpu.memref_slice %arg16[%dma_start3A_245, %dma_start3A_246] : memref<2x384xi32, #tpu.memory_space<vmem>> -> memref<1x384xi32, #tpu.memory_space<vmem>>
    %dma_start3A_248 = tpu.memref_squeeze %dma_start3A_247 : memref<1x384xi32, #tpu.memory_space<vmem>> -> memref<384xi32, #tpu.memory_space<vmem>>
    %dma_start3A_249 = arith.constant 0 : i32
    %dma_start3A_250 = arith.constant 0 : i32
    %dma_start3A_251 = tpu.memref_slice %arg12[%dma_start3A_249, %dma_start3A_250] : memref<100096x16xf32, #tpu.memory_space<vmem_shared>> -> memref<100096x16xf32, #tpu.memory_space<vmem_shared>>
    tpu.enqueue_indirect_dma source(%arg20 : memref<384x16xf32, #tpu.memory_space<vmem>>) target(%dma_start3A_251 : memref<100096x16xf32, #tpu.memory_space<vmem_shared>>) offsets(%dma_start3A_248 : memref<384xi32, #tpu.memory_space<vmem>>) semaphore(%arg28 : memref<!tpu.dma_semaphore, #tpu.memory_space<semaphore_mem>>) {add = true}
    %dma_wait3A_252 = arith.constant 1 : i32
    %dma_wait3A_253 = arith.constant 0 : i32
    %dma_wait3A_254 = tpu.memref_slice %arg14[%dma_wait3A_252, %dma_wait3A_253] : memref<2x384xi32, #tpu.memory_space<vmem>> -> memref<1x384xi32, #tpu.memory_space<vmem>>
    %dma_wait3A_255 = tpu.memref_squeeze %dma_wait3A_254 : memref<1x384xi32, #tpu.memory_space<vmem>> -> memref<384xi32, #tpu.memory_space<vmem>>
    %dma_wait3A_256 = arith.constant 0 : i32
    %dma_wait3A_257 = arith.constant 0 : i32
    %dma_wait3A_258 = tpu.memref_slice %arg12[%dma_wait3A_256, %dma_wait3A_257] : memref<100096x16xf32, #tpu.memory_space<vmem_shared>> -> memref<100096x16xf32, #tpu.memory_space<vmem_shared>>
    tpu.wait_indirect_dma semaphore(%arg26 : memref<!tpu.dma_semaphore, #tpu.memory_space<semaphore_mem>>) src(%arg18 : memref<384x16xf32, #tpu.memory_space<vmem>>) dst(%dma_wait3A_258 : memref<100096x16xf32, #tpu.memory_space<vmem_shared>>)
    %dma_wait3A_259 = arith.constant 1 : i32
    %dma_wait3A_260 = arith.constant 0 : i32
    %dma_wait3A_261 = tpu.memref_slice %arg15[%dma_wait3A_259, %dma_wait3A_260] : memref<2x384xi32, #tpu.memory_space<vmem>> -> memref<1x384xi32, #tpu.memory_space<vmem>>
    %dma_wait3A_262 = tpu.memref_squeeze %dma_wait3A_261 : memref<1x384xi32, #tpu.memory_space<vmem>> -> memref<384xi32, #tpu.memory_space<vmem>>
    %dma_wait3A_263 = arith.constant 0 : i32
    %dma_wait3A_264 = arith.constant 0 : i32
    %dma_wait3A_265 = tpu.memref_slice %arg12[%dma_wait3A_263, %dma_wait3A_264] : memref<100096x16xf32, #tpu.memory_space<vmem_shared>> -> memref<100096x16xf32, #tpu.memory_space<vmem_shared>>
    tpu.wait_indirect_dma semaphore(%arg27 : memref<!tpu.dma_semaphore, #tpu.memory_space<semaphore_mem>>) src(%arg19 : memref<384x16xf32, #tpu.memory_space<vmem>>) dst(%dma_wait3A_265 : memref<100096x16xf32, #tpu.memory_space<vmem_shared>>)
    %dma_wait3A_266 = arith.constant 1 : i32
    %dma_wait3A_267 = arith.constant 0 : i32
    %dma_wait3A_268 = tpu.memref_slice %arg16[%dma_wait3A_266, %dma_wait3A_267] : memref<2x384xi32, #tpu.memory_space<vmem>> -> memref<1x384xi32, #tpu.memory_space<vmem>>
    %dma_wait3A_269 = tpu.memref_squeeze %dma_wait3A_268 : memref<1x384xi32, #tpu.memory_space<vmem>> -> memref<384xi32, #tpu.memory_space<vmem>>
    %dma_wait3A_270 = arith.constant 0 : i32
    %dma_wait3A_271 = arith.constant 0 : i32
    %dma_wait3A_272 = tpu.memref_slice %arg12[%dma_wait3A_270, %dma_wait3A_271] : memref<100096x16xf32, #tpu.memory_space<vmem_shared>> -> memref<100096x16xf32, #tpu.memory_space<vmem_shared>>
    tpu.wait_indirect_dma semaphore(%arg28 : memref<!tpu.dma_semaphore, #tpu.memory_space<semaphore_mem>>) src(%arg20 : memref<384x16xf32, #tpu.memory_space<vmem>>) dst(%dma_wait3A_272 : memref<100096x16xf32, #tpu.memory_space<vmem_shared>>)
    %barrier3A_273 = arith.constant 0 : index
    tpu.barrier barrier_id(%barrier3A_273)
    "tpu.region"() ({
      %run_scoped3A = tpu.sem_alloc : memref<!tpu.dma_semaphore, #tpu.memory_space<semaphore_mem>>
      %dma_start3A_281 = arith.constant 0 : i32
      %dma_start3A_282 = tpu.memref_slice %arg9[%add3A_139, %mul3A_0, %dma_start3A_281] : memref<4x100096x16xf32, #tpu.memory_space<hbm>> -> memref<1x6256x16xf32, #tpu.memory_space<hbm>>
      %dma_start3A_283 = tpu.memref_squeeze %dma_start3A_282 : memref<1x6256x16xf32, #tpu.memory_space<hbm>> -> memref<6256x16xf32, #tpu.memory_space<hbm>>
      %dma_start3A_284 = arith.constant 0 : i32
      %dma_start3A_285 = tpu.memref_slice %arg12[%mul3A_0, %dma_start3A_284] : memref<100096x16xf32, #tpu.memory_space<vmem_shared>> -> memref<6256x16xf32, #tpu.memory_space<vmem_shared>>
      tpu.enqueue_dma source(%dma_start3A_285 : memref<6256x16xf32, #tpu.memory_space<vmem_shared>>) target(%dma_start3A_283 : memref<6256x16xf32, #tpu.memory_space<hbm>>) target_semaphore(%run_scoped3A : memref<!tpu.dma_semaphore, #tpu.memory_space<semaphore_mem>>)
      %dma_wait3A_286 = arith.constant 0 : i32
      %dma_wait3A_287 = tpu.memref_slice %arg9[%add3A_139, %mul3A_0, %dma_wait3A_286] : memref<4x100096x16xf32, #tpu.memory_space<hbm>> -> memref<1x6256x16xf32, #tpu.memory_space<hbm>>
      %dma_wait3A_288 = tpu.memref_squeeze %dma_wait3A_287 : memref<1x6256x16xf32, #tpu.memory_space<hbm>> -> memref<6256x16xf32, #tpu.memory_space<hbm>>
      %dma_wait3A_289 = arith.constant 0 : i32
      %dma_wait3A_290 = tpu.memref_slice %arg12[%mul3A_0, %dma_wait3A_289] : memref<100096x16xf32, #tpu.memory_space<vmem_shared>> -> memref<6256x16xf32, #tpu.memory_space<vmem_shared>>
      tpu.wait_dma2 semaphore(%run_scoped3A : memref<!tpu.dma_semaphore, #tpu.memory_space<semaphore_mem>>) src(%dma_wait3A_290 : memref<6256x16xf32, #tpu.memory_space<vmem_shared>>) dst(%dma_wait3A_288 : memref<6256x16xf32, #tpu.memory_space<hbm>>)
      tpu.yield
    }) : () -> ()
    %eq3A = arith.constant 0 : i32
    %eq3A_274 = arith.cmpi eq, %arg0, %eq3A : i32
    %convert_element_type3A = arith.extui %eq3A_274 : i1 to i32
    %cond3A = arith.constant 0 : i32
    %cond3A_275 = arith.cmpi ne, %convert_element_type3A, %cond3A : i32
    scf.if %cond3A_275 {
      "tpu.region"() ({
        %run_scoped3A = tpu.sem_alloc : memref<!tpu.dma_semaphore, #tpu.memory_space<semaphore_mem>>
        tpu.enqueue_dma source(%arg7 : memref<384x16xf32, #tpu.memory_space<hbm>>) target(%arg17 : memref<384x16xf32, #tpu.memory_space<vmem>>) target_semaphore(%run_scoped3A : memref<!tpu.dma_semaphore, #tpu.memory_space<semaphore_mem>>)
        tpu.wait_dma2 semaphore(%run_scoped3A : memref<!tpu.dma_semaphore, #tpu.memory_space<semaphore_mem>>) src(%arg7 : memref<384x16xf32, #tpu.memory_space<hbm>>) dst(%arg17 : memref<384x16xf32, #tpu.memory_space<vmem>>)
        tpu.yield
      }) : () -> ()
      "tpu.region"() ({
        %run_scoped3A = tpu.sem_alloc : memref<!tpu.dma_semaphore, #tpu.memory_space<semaphore_mem>>
        %dma_start3A_317 = arith.constant 0 : i32
        %dma_start3A_318 = tpu.memref_slice %arg12[%mul3A_0, %dma_start3A_317] : memref<100096x16xf32, #tpu.memory_space<vmem_shared>> -> memref<6256x16xf32, #tpu.memory_space<vmem_shared>>
        tpu.enqueue_dma source(%arg6 : memref<6256x16xf32, #tpu.memory_space<hbm>>) target(%dma_start3A_318 : memref<6256x16xf32, #tpu.memory_space<vmem_shared>>) target_semaphore(%run_scoped3A : memref<!tpu.dma_semaphore, #tpu.memory_space<semaphore_mem>>)
        %dma_wait3A_319 = arith.constant 0 : i32
        %dma_wait3A_320 = tpu.memref_slice %arg12[%mul3A_0, %dma_wait3A_319] : memref<100096x16xf32, #tpu.memory_space<vmem_shared>> -> memref<6256x16xf32, #tpu.memory_space<vmem_shared>>
        tpu.wait_dma2 semaphore(%run_scoped3A : memref<!tpu.dma_semaphore, #tpu.memory_space<semaphore_mem>>) src(%arg6 : memref<6256x16xf32, #tpu.memory_space<hbm>>) dst(%dma_wait3A_320 : memref<6256x16xf32, #tpu.memory_space<vmem_shared>>)
        tpu.yield
      }) : () -> ()
      %barrier3A_281 = arith.constant 0 : index
      tpu.barrier barrier_id(%barrier3A_281)
      %scan3A_282 = arith.constant 0 : i32
      %scan3A_283 = arith.constant 0 : i32
      %scan3A_284 = arith.constant 50 : i32
      %scan3A_285 = arith.addi %scan3A_283, %scan3A_284 : i32
      %scan3A_286 = arith.constant 1 : i32
      scf.for %scan3A_317 = %scan3A_283 to %scan3A_285 step %scan3A_286  : i32 {
        %mul3A_318 = arith.constant 4 : i32
        %mul3A_319 = arith.muli %scan3A_317, %mul3A_318 : i32
        %add3A_320 = arith.constant 0 : i32
        %add3A_321 = arith.addi %mul3A_319, %add3A_320 : i32
        %ge3A = arith.constant 4 : i32
        %ge3A_322 = arith.cmpi sge, %add3A_321, %ge3A : i32
        %convert_element_type3A_323 = arith.extui %ge3A_322 : i1 to i32
        %cond3A_324 = arith.constant 0 : i32
        %cond3A_325 = arith.cmpi ne, %convert_element_type3A_323, %cond3A_324 : i32
        scf.if %cond3A_325 {
          %dma_wait3A_388 = arith.constant 1 : i32
          %dma_wait3A_389 = arith.constant 0 : i32
          %dma_wait3A_390 = tpu.memref_slice %arg13[%dma_wait3A_388, %dma_wait3A_389] : memref<2x384xi32, #tpu.memory_space<vmem>> -> memref<1x384xi32, #tpu.memory_space<vmem>>
          %dma_wait3A_391 = tpu.memref_squeeze %dma_wait3A_390 : memref<1x384xi32, #tpu.memory_space<vmem>> -> memref<384xi32, #tpu.memory_space<vmem>>
          %dma_wait3A_392 = arith.constant 0 : i32
          %dma_wait3A_393 = arith.constant 0 : i32
          %dma_wait3A_394 = tpu.memref_slice %arg12[%dma_wait3A_392, %dma_wait3A_393] : memref<100096x16xf32, #tpu.memory_space<vmem_shared>> -> memref<100096x16xf32, #tpu.memory_space<vmem_shared>>
          tpu.wait_indirect_dma semaphore(%arg25 : memref<!tpu.dma_semaphore, #tpu.memory_space<semaphore_mem>>) src(%arg17 : memref<384x16xf32, #tpu.memory_space<vmem>>) dst(%dma_wait3A_394 : memref<100096x16xf32, #tpu.memory_space<vmem_shared>>)
        } else {
        }
        %add3A_326 = arith.addi %mul3A_2, %add3A_321 : i32
        %run_scoped3A = arith.constant 0 : i32
        "tpu.region"() ({
          %run_scoped3A_388 = tpu.sem_alloc : memref<!tpu.dma_semaphore, #tpu.memory_space<semaphore_mem>>
          %dma_start3A_389 = arith.constant 0 : i32
          %dma_start3A_390 = arith.constant 0 : i32
          %dma_start3A_391 = tpu.memref_slice %arg4[%run_scoped3A, %add3A_326, %dma_start3A_389, %dma_start3A_390] : memref<4x3200x2x384xi32, #tpu.memory_space<hbm>> -> memref<1x1x2x384xi32, #tpu.memory_space<hbm>>
          %dma_start3A_392 = tpu.memref_squeeze %dma_start3A_391 : memref<1x1x2x384xi32, #tpu.memory_space<hbm>> -> memref<2x384xi32, #tpu.memory_space<hbm>>
          %dma_start3A_393 = arith.constant 0 : i32
          %dma_start3A_394 = arith.constant 0 : i32
          %dma_start3A_395 = tpu.memref_slice %arg4[%run_scoped3A, %add3A_326, %dma_start3A_393, %dma_start3A_394] : memref<4x3200x2x384xi32, #tpu.memory_space<hbm>> -> memref<1x1x2x384xi32, #tpu.memory_space<hbm>>
          %dma_start3A_396 = tpu.memref_squeeze %dma_start3A_395 : memref<1x1x2x384xi32, #tpu.memory_space<hbm>> -> memref<2x384xi32, #tpu.memory_space<hbm>>
          tpu.enqueue_dma source(%dma_start3A_396 : memref<2x384xi32, #tpu.memory_space<hbm>>) target(%arg13 : memref<2x384xi32, #tpu.memory_space<vmem>>) target_semaphore(%run_scoped3A_388 : memref<!tpu.dma_semaphore, #tpu.memory_space<semaphore_mem>>)
          %dma_wait3A_397 = arith.constant 0 : i32
          %dma_wait3A_398 = arith.constant 0 : i32
          %dma_wait3A_399 = tpu.memref_slice %arg4[%run_scoped3A, %add3A_326, %dma_wait3A_397, %dma_wait3A_398] : memref<4x3200x2x384xi32, #tpu.memory_space<hbm>> -> memref<1x1x2x384xi32, #tpu.memory_space<hbm>>
          %dma_wait3A_400 = tpu.memref_squeeze %dma_wait3A_399 : memref<1x1x2x384xi32, #tpu.memory_space<hbm>> -> memref<2x384xi32, #tpu.memory_space<hbm>>
          %dma_wait3A_401 = arith.constant 0 : i32
          %dma_wait3A_402 = arith.constant 0 : i32
          %dma_wait3A_403 = tpu.memref_slice %arg4[%run_scoped3A, %add3A_326, %dma_wait3A_401, %dma_wait3A_402] : memref<4x3200x2x384xi32, #tpu.memory_space<hbm>> -> memref<1x1x2x384xi32, #tpu.memory_space<hbm>>
          %dma_wait3A_404 = tpu.memref_squeeze %dma_wait3A_403 : memref<1x1x2x384xi32, #tpu.memory_space<hbm>> -> memref<2x384xi32, #tpu.memory_space<hbm>>
          tpu.wait_dma2 semaphore(%run_scoped3A_388 : memref<!tpu.dma_semaphore, #tpu.memory_space<semaphore_mem>>) src(%dma_wait3A_404 : memref<2x384xi32, #tpu.memory_space<hbm>>) dst(%arg13 : memref<2x384xi32, #tpu.memory_space<vmem>>)
          tpu.yield
        }) : () -> ()
        %dma_start3A_327 = arith.constant 1 : i32
        %dma_start3A_328 = arith.constant 0 : i32
        %dma_start3A_329 = tpu.memref_slice %arg13[%dma_start3A_327, %dma_start3A_328] : memref<2x384xi32, #tpu.memory_space<vmem>> -> memref<1x384xi32, #tpu.memory_space<vmem>>
        %dma_start3A_330 = tpu.memref_squeeze %dma_start3A_329 : memref<1x384xi32, #tpu.memory_space<vmem>> -> memref<384xi32, #tpu.memory_space<vmem>>
        %dma_start3A_331 = arith.constant 0 : i32
        %dma_start3A_332 = arith.constant 0 : i32
        %dma_start3A_333 = tpu.memref_slice %arg12[%dma_start3A_331, %dma_start3A_332] : memref<100096x16xf32, #tpu.memory_space<vmem_shared>> -> memref<100096x16xf32, #tpu.memory_space<vmem_shared>>
        tpu.enqueue_indirect_dma source(%arg17 : memref<384x16xf32, #tpu.memory_space<vmem>>) target(%dma_start3A_333 : memref<100096x16xf32, #tpu.memory_space<vmem_shared>>) offsets(%dma_start3A_330 : memref<384xi32, #tpu.memory_space<vmem>>) semaphore(%arg25 : memref<!tpu.dma_semaphore, #tpu.memory_space<semaphore_mem>>) {add = true}
        %mul3A_334 = arith.constant 4 : i32
        %mul3A_335 = arith.muli %scan3A_317, %mul3A_334 : i32
        %add3A_336 = arith.constant 1 : i32
        %add3A_337 = arith.addi %mul3A_335, %add3A_336 : i32
        %ge3A_338 = arith.constant 4 : i32
        %ge3A_339 = arith.cmpi sge, %add3A_337, %ge3A_338 : i32
        %convert_element_type3A_340 = arith.extui %ge3A_339 : i1 to i32
        %cond3A_341 = arith.constant 0 : i32
        %cond3A_342 = arith.cmpi ne, %convert_element_type3A_340, %cond3A_341 : i32
        scf.if %cond3A_342 {
          %dma_wait3A_388 = arith.constant 1 : i32
          %dma_wait3A_389 = arith.constant 0 : i32
          %dma_wait3A_390 = tpu.memref_slice %arg14[%dma_wait3A_388, %dma_wait3A_389] : memref<2x384xi32, #tpu.memory_space<vmem>> -> memref<1x384xi32, #tpu.memory_space<vmem>>
          %dma_wait3A_391 = tpu.memref_squeeze %dma_wait3A_390 : memref<1x384xi32, #tpu.memory_space<vmem>> -> memref<384xi32, #tpu.memory_space<vmem>>
          %dma_wait3A_392 = arith.constant 0 : i32
          %dma_wait3A_393 = arith.constant 0 : i32
          %dma_wait3A_394 = tpu.memref_slice %arg12[%dma_wait3A_392, %dma_wait3A_393] : memref<100096x16xf32, #tpu.memory_space<vmem_shared>> -> memref<100096x16xf32, #tpu.memory_space<vmem_shared>>
          tpu.wait_indirect_dma semaphore(%arg26 : memref<!tpu.dma_semaphore, #tpu.memory_space<semaphore_mem>>) src(%arg17 : memref<384x16xf32, #tpu.memory_space<vmem>>) dst(%dma_wait3A_394 : memref<100096x16xf32, #tpu.memory_space<vmem_shared>>)
        } else {
        }
        %add3A_343 = arith.addi %mul3A_2, %add3A_337 : i32
        %run_scoped3A_344 = arith.constant 0 : i32
        "tpu.region"() ({
          %run_scoped3A_388 = tpu.sem_alloc : memref<!tpu.dma_semaphore, #tpu.memory_space<semaphore_mem>>
          %dma_start3A_389 = arith.constant 0 : i32
          %dma_start3A_390 = arith.constant 0 : i32
          %dma_start3A_391 = tpu.memref_slice %arg4[%run_scoped3A_344, %add3A_343, %dma_start3A_389, %dma_start3A_390] : memref<4x3200x2x384xi32, #tpu.memory_space<hbm>> -> memref<1x1x2x384xi32, #tpu.memory_space<hbm>>
          %dma_start3A_392 = tpu.memref_squeeze %dma_start3A_391 : memref<1x1x2x384xi32, #tpu.memory_space<hbm>> -> memref<2x384xi32, #tpu.memory_space<hbm>>
          %dma_start3A_393 = arith.constant 0 : i32
          %dma_start3A_394 = arith.constant 0 : i32
          %dma_start3A_395 = tpu.memref_slice %arg4[%run_scoped3A_344, %add3A_343, %dma_start3A_393, %dma_start3A_394] : memref<4x3200x2x384xi32, #tpu.memory_space<hbm>> -> memref<1x1x2x384xi32, #tpu.memory_space<hbm>>
          %dma_start3A_396 = tpu.memref_squeeze %dma_start3A_395 : memref<1x1x2x384xi32, #tpu.memory_space<hbm>> -> memref<2x384xi32, #tpu.memory_space<hbm>>
          tpu.enqueue_dma source(%dma_start3A_396 : memref<2x384xi32, #tpu.memory_space<hbm>>) target(%arg14 : memref<2x384xi32, #tpu.memory_space<vmem>>) target_semaphore(%run_scoped3A_388 : memref<!tpu.dma_semaphore, #tpu.memory_space<semaphore_mem>>)
          %dma_wait3A_397 = arith.constant 0 : i32
          %dma_wait3A_398 = arith.constant 0 : i32
          %dma_wait3A_399 = tpu.memref_slice %arg4[%run_scoped3A_344, %add3A_343, %dma_wait3A_397, %dma_wait3A_398] : memref<4x3200x2x384xi32, #tpu.memory_space<hbm>> -> memref<1x1x2x384xi32, #tpu.memory_space<hbm>>
          %dma_wait3A_400 = tpu.memref_squeeze %dma_wait3A_399 : memref<1x1x2x384xi32, #tpu.memory_space<hbm>> -> memref<2x384xi32, #tpu.memory_space<hbm>>
          %dma_wait3A_401 = arith.constant 0 : i32
          %dma_wait3A_402 = arith.constant 0 : i32
          %dma_wait3A_403 = tpu.memref_slice %arg4[%run_scoped3A_344, %add3A_343, %dma_wait3A_401, %dma_wait3A_402] : memref<4x3200x2x384xi32, #tpu.memory_space<hbm>> -> memref<1x1x2x384xi32, #tpu.memory_space<hbm>>
          %dma_wait3A_404 = tpu.memref_squeeze %dma_wait3A_403 : memref<1x1x2x384xi32, #tpu.memory_space<hbm>> -> memref<2x384xi32, #tpu.memory_space<hbm>>
          tpu.wait_dma2 semaphore(%run_scoped3A_388 : memref<!tpu.dma_semaphore, #tpu.memory_space<semaphore_mem>>) src(%dma_wait3A_404 : memref<2x384xi32, #tpu.memory_space<hbm>>) dst(%arg14 : memref<2x384xi32, #tpu.memory_space<vmem>>)
          tpu.yield
        }) : () -> ()
        %dma_start3A_345 = arith.constant 1 : i32
        %dma_start3A_346 = arith.constant 0 : i32
        %dma_start3A_347 = tpu.memref_slice %arg14[%dma_start3A_345, %dma_start3A_346] : memref<2x384xi32, #tpu.memory_space<vmem>> -> memref<1x384xi32, #tpu.memory_space<vmem>>
        %dma_start3A_348 = tpu.memref_squeeze %dma_start3A_347 : memref<1x384xi32, #tpu.memory_space<vmem>> -> memref<384xi32, #tpu.memory_space<vmem>>
        %dma_start3A_349 = arith.constant 0 : i32
        %dma_start3A_350 = arith.constant 0 : i32
        %dma_start3A_351 = tpu.memref_slice %arg12[%dma_start3A_349, %dma_start3A_350] : memref<100096x16xf32, #tpu.memory_space<vmem_shared>> -> memref<100096x16xf32, #tpu.memory_space<vmem_shared>>
        tpu.enqueue_indirect_dma source(%arg17 : memref<384x16xf32, #tpu.memory_space<vmem>>) target(%dma_start3A_351 : memref<100096x16xf32, #tpu.memory_space<vmem_shared>>) offsets(%dma_start3A_348 : memref<384xi32, #tpu.memory_space<vmem>>) semaphore(%arg26 : memref<!tpu.dma_semaphore, #tpu.memory_space<semaphore_mem>>) {add = true}
        %mul3A_352 = arith.constant 4 : i32
        %mul3A_353 = arith.muli %scan3A_317, %mul3A_352 : i32
        %add3A_354 = arith.constant 2 : i32
        %add3A_355 = arith.addi %mul3A_353, %add3A_354 : i32
        %ge3A_356 = arith.constant 4 : i32
        %ge3A_357 = arith.cmpi sge, %add3A_355, %ge3A_356 : i32
        %convert_element_type3A_358 = arith.extui %ge3A_357 : i1 to i32
        %cond3A_359 = arith.constant 0 : i32
        %cond3A_360 = arith.cmpi ne, %convert_element_type3A_358, %cond3A_359 : i32
        scf.if %cond3A_360 {
          %dma_wait3A_388 = arith.constant 1 : i32
          %dma_wait3A_389 = arith.constant 0 : i32
          %dma_wait3A_390 = tpu.memref_slice %arg15[%dma_wait3A_388, %dma_wait3A_389] : memref<2x384xi32, #tpu.memory_space<vmem>> -> memref<1x384xi32, #tpu.memory_space<vmem>>
          %dma_wait3A_391 = tpu.memref_squeeze %dma_wait3A_390 : memref<1x384xi32, #tpu.memory_space<vmem>> -> memref<384xi32, #tpu.memory_space<vmem>>
          %dma_wait3A_392 = arith.constant 0 : i32
          %dma_wait3A_393 = arith.constant 0 : i32
          %dma_wait3A_394 = tpu.memref_slice %arg12[%dma_wait3A_392, %dma_wait3A_393] : memref<100096x16xf32, #tpu.memory_space<vmem_shared>> -> memref<100096x16xf32, #tpu.memory_space<vmem_shared>>
          tpu.wait_indirect_dma semaphore(%arg27 : memref<!tpu.dma_semaphore, #tpu.memory_space<semaphore_mem>>) src(%arg17 : memref<384x16xf32, #tpu.memory_space<vmem>>) dst(%dma_wait3A_394 : memref<100096x16xf32, #tpu.memory_space<vmem_shared>>)
        } else {
        }
        %add3A_361 = arith.addi %mul3A_2, %add3A_355 : i32
        %run_scoped3A_362 = arith.constant 0 : i32
        "tpu.region"() ({
          %run_scoped3A_388 = tpu.sem_alloc : memref<!tpu.dma_semaphore, #tpu.memory_space<semaphore_mem>>
          %dma_start3A_389 = arith.constant 0 : i32
          %dma_start3A_390 = arith.constant 0 : i32
          %dma_start3A_391 = tpu.memref_slice %arg4[%run_scoped3A_362, %add3A_361, %dma_start3A_389, %dma_start3A_390] : memref<4x3200x2x384xi32, #tpu.memory_space<hbm>> -> memref<1x1x2x384xi32, #tpu.memory_space<hbm>>
          %dma_start3A_392 = tpu.memref_squeeze %dma_start3A_391 : memref<1x1x2x384xi32, #tpu.memory_space<hbm>> -> memref<2x384xi32, #tpu.memory_space<hbm>>
          %dma_start3A_393 = arith.constant 0 : i32
          %dma_start3A_394 = arith.constant 0 : i32
          %dma_start3A_395 = tpu.memref_slice %arg4[%run_scoped3A_362, %add3A_361, %dma_start3A_393, %dma_start3A_394] : memref<4x3200x2x384xi32, #tpu.memory_space<hbm>> -> memref<1x1x2x384xi32, #tpu.memory_space<hbm>>
          %dma_start3A_396 = tpu.memref_squeeze %dma_start3A_395 : memref<1x1x2x384xi32, #tpu.memory_space<hbm>> -> memref<2x384xi32, #tpu.memory_space<hbm>>
          tpu.enqueue_dma source(%dma_start3A_396 : memref<2x384xi32, #tpu.memory_space<hbm>>) target(%arg15 : memref<2x384xi32, #tpu.memory_space<vmem>>) target_semaphore(%run_scoped3A_388 : memref<!tpu.dma_semaphore, #tpu.memory_space<semaphore_mem>>)
          %dma_wait3A_397 = arith.constant 0 : i32
          %dma_wait3A_398 = arith.constant 0 : i32
          %dma_wait3A_399 = tpu.memref_slice %arg4[%run_scoped3A_362, %add3A_361, %dma_wait3A_397, %dma_wait3A_398] : memref<4x3200x2x384xi32, #tpu.memory_space<hbm>> -> memref<1x1x2x384xi32, #tpu.memory_space<hbm>>
          %dma_wait3A_400 = tpu.memref_squeeze %dma_wait3A_399 : memref<1x1x2x384xi32, #tpu.memory_space<hbm>> -> memref<2x384xi32, #tpu.memory_space<hbm>>
          %dma_wait3A_401 = arith.constant 0 : i32
          %dma_wait3A_402 = arith.constant 0 : i32
          %dma_wait3A_403 = tpu.memref_slice %arg4[%run_scoped3A_362, %add3A_361, %dma_wait3A_401, %dma_wait3A_402] : memref<4x3200x2x384xi32, #tpu.memory_space<hbm>> -> memref<1x1x2x384xi32, #tpu.memory_space<hbm>>
          %dma_wait3A_404 = tpu.memref_squeeze %dma_wait3A_403 : memref<1x1x2x384xi32, #tpu.memory_space<hbm>> -> memref<2x384xi32, #tpu.memory_space<hbm>>
          tpu.wait_dma2 semaphore(%run_scoped3A_388 : memref<!tpu.dma_semaphore, #tpu.memory_space<semaphore_mem>>) src(%dma_wait3A_404 : memref<2x384xi32, #tpu.memory_space<hbm>>) dst(%arg15 : memref<2x384xi32, #tpu.memory_space<vmem>>)
          tpu.yield
        }) : () -> ()
        %dma_start3A_363 = arith.constant 1 : i32
        %dma_start3A_364 = arith.constant 0 : i32
        %dma_start3A_365 = tpu.memref_slice %arg15[%dma_start3A_363, %dma_start3A_364] : memref<2x384xi32, #tpu.memory_space<vmem>> -> memref<1x384xi32, #tpu.memory_space<vmem>>
        %dma_start3A_366 = tpu.memref_squeeze %dma_start3A_365 : memref<1x384xi32, #tpu.memory_space<vmem>> -> memref<384xi32, #tpu.memory_space<vmem>>
        %dma_start3A_367 = arith.constant 0 : i32
        %dma_start3A_368 = arith.constant 0 : i32
        %dma_start3A_369 = tpu.memref_slice %arg12[%dma_start3A_367, %dma_start3A_368] : memref<100096x16xf32, #tpu.memory_space<vmem_shared>> -> memref<100096x16xf32, #tpu.memory_space<vmem_shared>>
        tpu.enqueue_indirect_dma source(%arg17 : memref<384x16xf32, #tpu.memory_space<vmem>>) target(%dma_start3A_369 : memref<100096x16xf32, #tpu.memory_space<vmem_shared>>) offsets(%dma_start3A_366 : memref<384xi32, #tpu.memory_space<vmem>>) semaphore(%arg27 : memref<!tpu.dma_semaphore, #tpu.memory_space<semaphore_mem>>) {add = true}
        %mul3A_370 = arith.constant 4 : i32
        %mul3A_371 = arith.muli %scan3A_317, %mul3A_370 : i32
        %add3A_372 = arith.constant 3 : i32
        %add3A_373 = arith.addi %mul3A_371, %add3A_372 : i32
        %ge3A_374 = arith.constant 4 : i32
        %ge3A_375 = arith.cmpi sge, %add3A_373, %ge3A_374 : i32
        %convert_element_type3A_376 = arith.extui %ge3A_375 : i1 to i32
        %cond3A_377 = arith.constant 0 : i32
        %cond3A_378 = arith.cmpi ne, %convert_element_type3A_376, %cond3A_377 : i32
        scf.if %cond3A_378 {
          %dma_wait3A_388 = arith.constant 1 : i32
          %dma_wait3A_389 = arith.constant 0 : i32
          %dma_wait3A_390 = tpu.memref_slice %arg16[%dma_wait3A_388, %dma_wait3A_389] : memref<2x384xi32, #tpu.memory_space<vmem>> -> memref<1x384xi32, #tpu.memory_space<vmem>>
          %dma_wait3A_391 = tpu.memref_squeeze %dma_wait3A_390 : memref<1x384xi32, #tpu.memory_space<vmem>> -> memref<384xi32, #tpu.memory_space<vmem>>
          %dma_wait3A_392 = arith.constant 0 : i32
          %dma_wait3A_393 = arith.constant 0 : i32
          %dma_wait3A_394 = tpu.memref_slice %arg12[%dma_wait3A_392, %dma_wait3A_393] : memref<100096x16xf32, #tpu.memory_space<vmem_shared>> -> memref<100096x16xf32, #tpu.memory_space<vmem_shared>>
          tpu.wait_indirect_dma semaphore(%arg28 : memref<!tpu.dma_semaphore, #tpu.memory_space<semaphore_mem>>) src(%arg17 : memref<384x16xf32, #tpu.memory_space<vmem>>) dst(%dma_wait3A_394 : memref<100096x16xf32, #tpu.memory_space<vmem_shared>>)
        } else {
        }
        %add3A_379 = arith.addi %mul3A_2, %add3A_373 : i32
        %run_scoped3A_380 = arith.constant 0 : i32
        "tpu.region"() ({
          %run_scoped3A_388 = tpu.sem_alloc : memref<!tpu.dma_semaphore, #tpu.memory_space<semaphore_mem>>
          %dma_start3A_389 = arith.constant 0 : i32
          %dma_start3A_390 = arith.constant 0 : i32
          %dma_start3A_391 = tpu.memref_slice %arg4[%run_scoped3A_380, %add3A_379, %dma_start3A_389, %dma_start3A_390] : memref<4x3200x2x384xi32, #tpu.memory_space<hbm>> -> memref<1x1x2x384xi32, #tpu.memory_space<hbm>>
          %dma_start3A_392 = tpu.memref_squeeze %dma_start3A_391 : memref<1x1x2x384xi32, #tpu.memory_space<hbm>> -> memref<2x384xi32, #tpu.memory_space<hbm>>
          %dma_start3A_393 = arith.constant 0 : i32
          %dma_start3A_394 = arith.constant 0 : i32
          %dma_start3A_395 = tpu.memref_slice %arg4[%run_scoped3A_380, %add3A_379, %dma_start3A_393, %dma_start3A_394] : memref<4x3200x2x384xi32, #tpu.memory_space<hbm>> -> memref<1x1x2x384xi32, #tpu.memory_space<hbm>>
          %dma_start3A_396 = tpu.memref_squeeze %dma_start3A_395 : memref<1x1x2x384xi32, #tpu.memory_space<hbm>> -> memref<2x384xi32, #tpu.memory_space<hbm>>
          tpu.enqueue_dma source(%dma_start3A_396 : memref<2x384xi32, #tpu.memory_space<hbm>>) target(%arg16 : memref<2x384xi32, #tpu.memory_space<vmem>>) target_semaphore(%run_scoped3A_388 : memref<!tpu.dma_semaphore, #tpu.memory_space<semaphore_mem>>)
          %dma_wait3A_397 = arith.constant 0 : i32
          %dma_wait3A_398 = arith.constant 0 : i32
          %dma_wait3A_399 = tpu.memref_slice %arg4[%run_scoped3A_380, %add3A_379, %dma_wait3A_397, %dma_wait3A_398] : memref<4x3200x2x384xi32, #tpu.memory_space<hbm>> -> memref<1x1x2x384xi32, #tpu.memory_space<hbm>>
          %dma_wait3A_400 = tpu.memref_squeeze %dma_wait3A_399 : memref<1x1x2x384xi32, #tpu.memory_space<hbm>> -> memref<2x384xi32, #tpu.memory_space<hbm>>
          %dma_wait3A_401 = arith.constant 0 : i32
          %dma_wait3A_402 = arith.constant 0 : i32
          %dma_wait3A_403 = tpu.memref_slice %arg4[%run_scoped3A_380, %add3A_379, %dma_wait3A_401, %dma_wait3A_402] : memref<4x3200x2x384xi32, #tpu.memory_space<hbm>> -> memref<1x1x2x384xi32, #tpu.memory_space<hbm>>
          %dma_wait3A_404 = tpu.memref_squeeze %dma_wait3A_403 : memref<1x1x2x384xi32, #tpu.memory_space<hbm>> -> memref<2x384xi32, #tpu.memory_space<hbm>>
          tpu.wait_dma2 semaphore(%run_scoped3A_388 : memref<!tpu.dma_semaphore, #tpu.memory_space<semaphore_mem>>) src(%dma_wait3A_404 : memref<2x384xi32, #tpu.memory_space<hbm>>) dst(%arg16 : memref<2x384xi32, #tpu.memory_space<vmem>>)
          tpu.yield
        }) : () -> ()
        %dma_start3A_381 = arith.constant 1 : i32
        %dma_start3A_382 = arith.constant 0 : i32
        %dma_start3A_383 = tpu.memref_slice %arg16[%dma_start3A_381, %dma_start3A_382] : memref<2x384xi32, #tpu.memory_space<vmem>> -> memref<1x384xi32, #tpu.memory_space<vmem>>
        %dma_start3A_384 = tpu.memref_squeeze %dma_start3A_383 : memref<1x384xi32, #tpu.memory_space<vmem>> -> memref<384xi32, #tpu.memory_space<vmem>>
        %dma_start3A_385 = arith.constant 0 : i32
        %dma_start3A_386 = arith.constant 0 : i32
        %dma_start3A_387 = tpu.memref_slice %arg12[%dma_start3A_385, %dma_start3A_386] : memref<100096x16xf32, #tpu.memory_space<vmem_shared>> -> memref<100096x16xf32, #tpu.memory_space<vmem_shared>>
        tpu.enqueue_indirect_dma source(%arg17 : memref<384x16xf32, #tpu.memory_space<vmem>>) target(%dma_start3A_387 : memref<100096x16xf32, #tpu.memory_space<vmem_shared>>) offsets(%dma_start3A_384 : memref<384xi32, #tpu.memory_space<vmem>>) semaphore(%arg28 : memref<!tpu.dma_semaphore, #tpu.memory_space<semaphore_mem>>) {add = true}
      }
      %scan3A_287 = arith.constant 50 : i32
      %dma_wait3A_288 = arith.constant 1 : i32
      %dma_wait3A_289 = arith.constant 0 : i32
      %dma_wait3A_290 = tpu.memref_slice %arg13[%dma_wait3A_288, %dma_wait3A_289] : memref<2x384xi32, #tpu.memory_space<vmem>> -> memref<1x384xi32, #tpu.memory_space<vmem>>
      %dma_wait3A_291 = tpu.memref_squeeze %dma_wait3A_290 : memref<1x384xi32, #tpu.memory_space<vmem>> -> memref<384xi32, #tpu.memory_space<vmem>>
      %dma_wait3A_292 = arith.constant 0 : i32
      %dma_wait3A_293 = arith.constant 0 : i32
      %dma_wait3A_294 = tpu.memref_slice %arg12[%dma_wait3A_292, %dma_wait3A_293] : memref<100096x16xf32, #tpu.memory_space<vmem_shared>> -> memref<100096x16xf32, #tpu.memory_space<vmem_shared>>
      tpu.wait_indirect_dma semaphore(%arg25 : memref<!tpu.dma_semaphore, #tpu.memory_space<semaphore_mem>>) src(%arg17 : memref<384x16xf32, #tpu.memory_space<vmem>>) dst(%dma_wait3A_294 : memref<100096x16xf32, #tpu.memory_space<vmem_shared>>)
      %dma_wait3A_295 = arith.constant 1 : i32
      %dma_wait3A_296 = arith.constant 0 : i32
      %dma_wait3A_297 = tpu.memref_slice %arg14[%dma_wait3A_295, %dma_wait3A_296] : memref<2x384xi32, #tpu.memory_space<vmem>> -> memref<1x384xi32, #tpu.memory_space<vmem>>
      %dma_wait3A_298 = tpu.memref_squeeze %dma_wait3A_297 : memref<1x384xi32, #tpu.memory_space<vmem>> -> memref<384xi32, #tpu.memory_space<vmem>>
      %dma_wait3A_299 = arith.constant 0 : i32
      %dma_wait3A_300 = arith.constant 0 : i32
      %dma_wait3A_301 = tpu.memref_slice %arg12[%dma_wait3A_299, %dma_wait3A_300] : memref<100096x16xf32, #tpu.memory_space<vmem_shared>> -> memref<100096x16xf32, #tpu.memory_space<vmem_shared>>
      tpu.wait_indirect_dma semaphore(%arg26 : memref<!tpu.dma_semaphore, #tpu.memory_space<semaphore_mem>>) src(%arg17 : memref<384x16xf32, #tpu.memory_space<vmem>>) dst(%dma_wait3A_301 : memref<100096x16xf32, #tpu.memory_space<vmem_shared>>)
      %dma_wait3A_302 = arith.constant 1 : i32
      %dma_wait3A_303 = arith.constant 0 : i32
      %dma_wait3A_304 = tpu.memref_slice %arg15[%dma_wait3A_302, %dma_wait3A_303] : memref<2x384xi32, #tpu.memory_space<vmem>> -> memref<1x384xi32, #tpu.memory_space<vmem>>
      %dma_wait3A_305 = tpu.memref_squeeze %dma_wait3A_304 : memref<1x384xi32, #tpu.memory_space<vmem>> -> memref<384xi32, #tpu.memory_space<vmem>>
      %dma_wait3A_306 = arith.constant 0 : i32
      %dma_wait3A_307 = arith.constant 0 : i32
      %dma_wait3A_308 = tpu.memref_slice %arg12[%dma_wait3A_306, %dma_wait3A_307] : memref<100096x16xf32, #tpu.memory_space<vmem_shared>> -> memref<100096x16xf32, #tpu.memory_space<vmem_shared>>
      tpu.wait_indirect_dma semaphore(%arg27 : memref<!tpu.dma_semaphore, #tpu.memory_space<semaphore_mem>>) src(%arg17 : memref<384x16xf32, #tpu.memory_space<vmem>>) dst(%dma_wait3A_308 : memref<100096x16xf32, #tpu.memory_space<vmem_shared>>)
      %dma_wait3A_309 = arith.constant 1 : i32
      %dma_wait3A_310 = arith.constant 0 : i32
      %dma_wait3A_311 = tpu.memref_slice %arg16[%dma_wait3A_309, %dma_wait3A_310] : memref<2x384xi32, #tpu.memory_space<vmem>> -> memref<1x384xi32, #tpu.memory_space<vmem>>
      %dma_wait3A_312 = tpu.memref_squeeze %dma_wait3A_311 : memref<1x384xi32, #tpu.memory_space<vmem>> -> memref<384xi32, #tpu.memory_space<vmem>>
      %dma_wait3A_313 = arith.constant 0 : i32
      %dma_wait3A_314 = arith.constant 0 : i32
      %dma_wait3A_315 = tpu.memref_slice %arg12[%dma_wait3A_313, %dma_wait3A_314] : memref<100096x16xf32, #tpu.memory_space<vmem_shared>> -> memref<100096x16xf32, #tpu.memory_space<vmem_shared>>
      tpu.wait_indirect_dma semaphore(%arg28 : memref<!tpu.dma_semaphore, #tpu.memory_space<semaphore_mem>>) src(%arg17 : memref<384x16xf32, #tpu.memory_space<vmem>>) dst(%dma_wait3A_315 : memref<100096x16xf32, #tpu.memory_space<vmem_shared>>)
      %barrier3A_316 = arith.constant 0 : index
      tpu.barrier barrier_id(%barrier3A_316)
      "tpu.region"() ({
        %run_scoped3A = tpu.sem_alloc : memref<!tpu.dma_semaphore, #tpu.memory_space<semaphore_mem>>
        %dma_start3A_317 = arith.constant 0 : i32
        %dma_start3A_318 = tpu.memref_slice %arg10[%mul3A_0, %dma_start3A_317] : memref<100096x16xf32, #tpu.memory_space<hbm>> -> memref<6256x16xf32, #tpu.memory_space<hbm>>
        %dma_start3A_319 = arith.constant 0 : i32
        %dma_start3A_320 = tpu.memref_slice %arg12[%mul3A_0, %dma_start3A_319] : memref<100096x16xf32, #tpu.memory_space<vmem_shared>> -> memref<6256x16xf32, #tpu.memory_space<vmem_shared>>
        tpu.enqueue_dma source(%dma_start3A_320 : memref<6256x16xf32, #tpu.memory_space<vmem_shared>>) target(%dma_start3A_318 : memref<6256x16xf32, #tpu.memory_space<hbm>>) target_semaphore(%run_scoped3A : memref<!tpu.dma_semaphore, #tpu.memory_space<semaphore_mem>>)
        %dma_wait3A_321 = arith.constant 0 : i32
        %dma_wait3A_322 = tpu.memref_slice %arg10[%mul3A_0, %dma_wait3A_321] : memref<100096x16xf32, #tpu.memory_space<hbm>> -> memref<6256x16xf32, #tpu.memory_space<hbm>>
        %dma_wait3A_323 = arith.constant 0 : i32
        %dma_wait3A_324 = tpu.memref_slice %arg12[%mul3A_0, %dma_wait3A_323] : memref<100096x16xf32, #tpu.memory_space<vmem_shared>> -> memref<6256x16xf32, #tpu.memory_space<vmem_shared>>
        tpu.wait_dma2 semaphore(%run_scoped3A : memref<!tpu.dma_semaphore, #tpu.memory_space<semaphore_mem>>) src(%dma_wait3A_324 : memref<6256x16xf32, #tpu.memory_space<vmem_shared>>) dst(%dma_wait3A_322 : memref<6256x16xf32, #tpu.memory_space<hbm>>)
        tpu.yield
      }) : () -> ()
    } else {
    }
    %eq3A_276 = arith.constant 1 : i32
    %eq3A_277 = arith.cmpi eq, %arg0, %eq3A_276 : i32
    %convert_element_type3A_278 = arith.extui %eq3A_277 : i1 to i32
    %cond3A_279 = arith.constant 0 : i32
    %cond3A_280 = arith.cmpi ne, %convert_element_type3A_278, %cond3A_279 : i32
    scf.if %cond3A_280 {
      "tpu.region"() ({
        %run_scoped3A = tpu.sem_alloc : memref<!tpu.dma_semaphore, #tpu.memory_space<semaphore_mem>>
        tpu.enqueue_dma source(%arg7 : memref<384x16xf32, #tpu.memory_space<hbm>>) target(%arg17 : memref<384x16xf32, #tpu.memory_space<vmem>>) target_semaphore(%run_scoped3A : memref<!tpu.dma_semaphore, #tpu.memory_space<semaphore_mem>>)
        tpu.wait_dma2 semaphore(%run_scoped3A : memref<!tpu.dma_semaphore, #tpu.memory_space<semaphore_mem>>) src(%arg7 : memref<384x16xf32, #tpu.memory_space<hbm>>) dst(%arg17 : memref<384x16xf32, #tpu.memory_space<vmem>>)
        tpu.yield
      }) : () -> ()
      "tpu.region"() ({
        %run_scoped3A = tpu.sem_alloc : memref<!tpu.dma_semaphore, #tpu.memory_space<semaphore_mem>>
        %dma_start3A_317 = arith.constant 0 : i32
        %dma_start3A_318 = tpu.memref_slice %arg12[%mul3A_0, %dma_start3A_317] : memref<100096x16xf32, #tpu.memory_space<vmem_shared>> -> memref<6256x16xf32, #tpu.memory_space<vmem_shared>>
        tpu.enqueue_dma source(%arg6 : memref<6256x16xf32, #tpu.memory_space<hbm>>) target(%dma_start3A_318 : memref<6256x16xf32, #tpu.memory_space<vmem_shared>>) target_semaphore(%run_scoped3A : memref<!tpu.dma_semaphore, #tpu.memory_space<semaphore_mem>>)
        %dma_wait3A_319 = arith.constant 0 : i32
        %dma_wait3A_320 = tpu.memref_slice %arg12[%mul3A_0, %dma_wait3A_319] : memref<100096x16xf32, #tpu.memory_space<vmem_shared>> -> memref<6256x16xf32, #tpu.memory_space<vmem_shared>>
        tpu.wait_dma2 semaphore(%run_scoped3A : memref<!tpu.dma_semaphore, #tpu.memory_space<semaphore_mem>>) src(%arg6 : memref<6256x16xf32, #tpu.memory_space<hbm>>) dst(%dma_wait3A_320 : memref<6256x16xf32, #tpu.memory_space<vmem_shared>>)
        tpu.yield
      }) : () -> ()
      %barrier3A_281 = arith.constant 0 : index
      tpu.barrier barrier_id(%barrier3A_281)
      %scan3A_282 = arith.constant 0 : i32
      %scan3A_283 = arith.constant 0 : i32
      %scan3A_284 = arith.constant 50 : i32
      %scan3A_285 = arith.addi %scan3A_283, %scan3A_284 : i32
      %scan3A_286 = arith.constant 1 : i32
      scf.for %scan3A_317 = %scan3A_283 to %scan3A_285 step %scan3A_286  : i32 {
        %mul3A_318 = arith.constant 4 : i32
        %mul3A_319 = arith.muli %scan3A_317, %mul3A_318 : i32
        %add3A_320 = arith.constant 0 : i32
        %add3A_321 = arith.addi %mul3A_319, %add3A_320 : i32
        %ge3A = arith.constant 4 : i32
        %ge3A_322 = arith.cmpi sge, %add3A_321, %ge3A : i32
        %convert_element_type3A_323 = arith.extui %ge3A_322 : i1 to i32
        %cond3A_324 = arith.constant 0 : i32
        %cond3A_325 = arith.cmpi ne, %convert_element_type3A_323, %cond3A_324 : i32
        scf.if %cond3A_325 {
          %dma_wait3A_388 = arith.constant 1 : i32
          %dma_wait3A_389 = arith.constant 0 : i32
          %dma_wait3A_390 = tpu.memref_slice %arg13[%dma_wait3A_388, %dma_wait3A_389] : memref<2x384xi32, #tpu.memory_space<vmem>> -> memref<1x384xi32, #tpu.memory_space<vmem>>
          %dma_wait3A_391 = tpu.memref_squeeze %dma_wait3A_390 : memref<1x384xi32, #tpu.memory_space<vmem>> -> memref<384xi32, #tpu.memory_space<vmem>>
          %dma_wait3A_392 = arith.constant 0 : i32
          %dma_wait3A_393 = arith.constant 0 : i32
          %dma_wait3A_394 = tpu.memref_slice %arg12[%dma_wait3A_392, %dma_wait3A_393] : memref<100096x16xf32, #tpu.memory_space<vmem_shared>> -> memref<100096x16xf32, #tpu.memory_space<vmem_shared>>
          tpu.wait_indirect_dma semaphore(%arg25 : memref<!tpu.dma_semaphore, #tpu.memory_space<semaphore_mem>>) src(%arg17 : memref<384x16xf32, #tpu.memory_space<vmem>>) dst(%dma_wait3A_394 : memref<100096x16xf32, #tpu.memory_space<vmem_shared>>)
        } else {
        }
        %add3A_326 = arith.addi %mul3A_2, %add3A_321 : i32
        %run_scoped3A = arith.constant 0 : i32
        "tpu.region"() ({
          %run_scoped3A_388 = tpu.sem_alloc : memref<!tpu.dma_semaphore, #tpu.memory_space<semaphore_mem>>
          %dma_start3A_389 = arith.constant 0 : i32
          %dma_start3A_390 = arith.constant 0 : i32
          %dma_start3A_391 = tpu.memref_slice %arg5[%run_scoped3A, %add3A_326, %dma_start3A_389, %dma_start3A_390] : memref<4x3200x2x384xi32, #tpu.memory_space<hbm>> -> memref<1x1x2x384xi32, #tpu.memory_space<hbm>>
          %dma_start3A_392 = tpu.memref_squeeze %dma_start3A_391 : memref<1x1x2x384xi32, #tpu.memory_space<hbm>> -> memref<2x384xi32, #tpu.memory_space<hbm>>
          %dma_start3A_393 = arith.constant 0 : i32
          %dma_start3A_394 = arith.constant 0 : i32
          %dma_start3A_395 = tpu.memref_slice %arg5[%run_scoped3A, %add3A_326, %dma_start3A_393, %dma_start3A_394] : memref<4x3200x2x384xi32, #tpu.memory_space<hbm>> -> memref<1x1x2x384xi32, #tpu.memory_space<hbm>>
          %dma_start3A_396 = tpu.memref_squeeze %dma_start3A_395 : memref<1x1x2x384xi32, #tpu.memory_space<hbm>> -> memref<2x384xi32, #tpu.memory_space<hbm>>
          tpu.enqueue_dma source(%dma_start3A_396 : memref<2x384xi32, #tpu.memory_space<hbm>>) target(%arg13 : memref<2x384xi32, #tpu.memory_space<vmem>>) target_semaphore(%run_scoped3A_388 : memref<!tpu.dma_semaphore, #tpu.memory_space<semaphore_mem>>)
          %dma_wait3A_397 = arith.constant 0 : i32
          %dma_wait3A_398 = arith.constant 0 : i32
          %dma_wait3A_399 = tpu.memref_slice %arg5[%run_scoped3A, %add3A_326, %dma_wait3A_397, %dma_wait3A_398] : memref<4x3200x2x384xi32, #tpu.memory_space<hbm>> -> memref<1x1x2x384xi32, #tpu.memory_space<hbm>>
          %dma_wait3A_400 = tpu.memref_squeeze %dma_wait3A_399 : memref<1x1x2x384xi32, #tpu.memory_space<hbm>> -> memref<2x384xi32, #tpu.memory_space<hbm>>
          %dma_wait3A_401 = arith.constant 0 : i32
          %dma_wait3A_402 = arith.constant 0 : i32
          %dma_wait3A_403 = tpu.memref_slice %arg5[%run_scoped3A, %add3A_326, %dma_wait3A_401, %dma_wait3A_402] : memref<4x3200x2x384xi32, #tpu.memory_space<hbm>> -> memref<1x1x2x384xi32, #tpu.memory_space<hbm>>
          %dma_wait3A_404 = tpu.memref_squeeze %dma_wait3A_403 : memref<1x1x2x384xi32, #tpu.memory_space<hbm>> -> memref<2x384xi32, #tpu.memory_space<hbm>>
          tpu.wait_dma2 semaphore(%run_scoped3A_388 : memref<!tpu.dma_semaphore, #tpu.memory_space<semaphore_mem>>) src(%dma_wait3A_404 : memref<2x384xi32, #tpu.memory_space<hbm>>) dst(%arg13 : memref<2x384xi32, #tpu.memory_space<vmem>>)
          tpu.yield
        }) : () -> ()
        %dma_start3A_327 = arith.constant 1 : i32
        %dma_start3A_328 = arith.constant 0 : i32
        %dma_start3A_329 = tpu.memref_slice %arg13[%dma_start3A_327, %dma_start3A_328] : memref<2x384xi32, #tpu.memory_space<vmem>> -> memref<1x384xi32, #tpu.memory_space<vmem>>
        %dma_start3A_330 = tpu.memref_squeeze %dma_start3A_329 : memref<1x384xi32, #tpu.memory_space<vmem>> -> memref<384xi32, #tpu.memory_space<vmem>>
        %dma_start3A_331 = arith.constant 0 : i32
        %dma_start3A_332 = arith.constant 0 : i32
        %dma_start3A_333 = tpu.memref_slice %arg12[%dma_start3A_331, %dma_start3A_332] : memref<100096x16xf32, #tpu.memory_space<vmem_shared>> -> memref<100096x16xf32, #tpu.memory_space<vmem_shared>>
        tpu.enqueue_indirect_dma source(%arg17 : memref<384x16xf32, #tpu.memory_space<vmem>>) target(%dma_start3A_333 : memref<100096x16xf32, #tpu.memory_space<vmem_shared>>) offsets(%dma_start3A_330 : memref<384xi32, #tpu.memory_space<vmem>>) semaphore(%arg25 : memref<!tpu.dma_semaphore, #tpu.memory_space<semaphore_mem>>) {add = true}
        %mul3A_334 = arith.constant 4 : i32
        %mul3A_335 = arith.muli %scan3A_317, %mul3A_334 : i32
        %add3A_336 = arith.constant 1 : i32
        %add3A_337 = arith.addi %mul3A_335, %add3A_336 : i32
        %ge3A_338 = arith.constant 4 : i32
        %ge3A_339 = arith.cmpi sge, %add3A_337, %ge3A_338 : i32
        %convert_element_type3A_340 = arith.extui %ge3A_339 : i1 to i32
        %cond3A_341 = arith.constant 0 : i32
        %cond3A_342 = arith.cmpi ne, %convert_element_type3A_340, %cond3A_341 : i32
        scf.if %cond3A_342 {
          %dma_wait3A_388 = arith.constant 1 : i32
          %dma_wait3A_389 = arith.constant 0 : i32
          %dma_wait3A_390 = tpu.memref_slice %arg14[%dma_wait3A_388, %dma_wait3A_389] : memref<2x384xi32, #tpu.memory_space<vmem>> -> memref<1x384xi32, #tpu.memory_space<vmem>>
          %dma_wait3A_391 = tpu.memref_squeeze %dma_wait3A_390 : memref<1x384xi32, #tpu.memory_space<vmem>> -> memref<384xi32, #tpu.memory_space<vmem>>
          %dma_wait3A_392 = arith.constant 0 : i32
          %dma_wait3A_393 = arith.constant 0 : i32
          %dma_wait3A_394 = tpu.memref_slice %arg12[%dma_wait3A_392, %dma_wait3A_393] : memref<100096x16xf32, #tpu.memory_space<vmem_shared>> -> memref<100096x16xf32, #tpu.memory_space<vmem_shared>>
          tpu.wait_indirect_dma semaphore(%arg26 : memref<!tpu.dma_semaphore, #tpu.memory_space<semaphore_mem>>) src(%arg17 : memref<384x16xf32, #tpu.memory_space<vmem>>) dst(%dma_wait3A_394 : memref<100096x16xf32, #tpu.memory_space<vmem_shared>>)
        } else {
        }
        %add3A_343 = arith.addi %mul3A_2, %add3A_337 : i32
        %run_scoped3A_344 = arith.constant 0 : i32
        "tpu.region"() ({
          %run_scoped3A_388 = tpu.sem_alloc : memref<!tpu.dma_semaphore, #tpu.memory_space<semaphore_mem>>
          %dma_start3A_389 = arith.constant 0 : i32
          %dma_start3A_390 = arith.constant 0 : i32
          %dma_start3A_391 = tpu.memref_slice %arg5[%run_scoped3A_344, %add3A_343, %dma_start3A_389, %dma_start3A_390] : memref<4x3200x2x384xi32, #tpu.memory_space<hbm>> -> memref<1x1x2x384xi32, #tpu.memory_space<hbm>>
          %dma_start3A_392 = tpu.memref_squeeze %dma_start3A_391 : memref<1x1x2x384xi32, #tpu.memory_space<hbm>> -> memref<2x384xi32, #tpu.memory_space<hbm>>
          %dma_start3A_393 = arith.constant 0 : i32
          %dma_start3A_394 = arith.constant 0 : i32
          %dma_start3A_395 = tpu.memref_slice %arg5[%run_scoped3A_344, %add3A_343, %dma_start3A_393, %dma_start3A_394] : memref<4x3200x2x384xi32, #tpu.memory_space<hbm>> -> memref<1x1x2x384xi32, #tpu.memory_space<hbm>>
          %dma_start3A_396 = tpu.memref_squeeze %dma_start3A_395 : memref<1x1x2x384xi32, #tpu.memory_space<hbm>> -> memref<2x384xi32, #tpu.memory_space<hbm>>
          tpu.enqueue_dma source(%dma_start3A_396 : memref<2x384xi32, #tpu.memory_space<hbm>>) target(%arg14 : memref<2x384xi32, #tpu.memory_space<vmem>>) target_semaphore(%run_scoped3A_388 : memref<!tpu.dma_semaphore, #tpu.memory_space<semaphore_mem>>)
          %dma_wait3A_397 = arith.constant 0 : i32
          %dma_wait3A_398 = arith.constant 0 : i32
          %dma_wait3A_399 = tpu.memref_slice %arg5[%run_scoped3A_344, %add3A_343, %dma_wait3A_397, %dma_wait3A_398] : memref<4x3200x2x384xi32, #tpu.memory_space<hbm>> -> memref<1x1x2x384xi32, #tpu.memory_space<hbm>>
          %dma_wait3A_400 = tpu.memref_squeeze %dma_wait3A_399 : memref<1x1x2x384xi32, #tpu.memory_space<hbm>> -> memref<2x384xi32, #tpu.memory_space<hbm>>
          %dma_wait3A_401 = arith.constant 0 : i32
          %dma_wait3A_402 = arith.constant 0 : i32
          %dma_wait3A_403 = tpu.memref_slice %arg5[%run_scoped3A_344, %add3A_343, %dma_wait3A_401, %dma_wait3A_402] : memref<4x3200x2x384xi32, #tpu.memory_space<hbm>> -> memref<1x1x2x384xi32, #tpu.memory_space<hbm>>
          %dma_wait3A_404 = tpu.memref_squeeze %dma_wait3A_403 : memref<1x1x2x384xi32, #tpu.memory_space<hbm>> -> memref<2x384xi32, #tpu.memory_space<hbm>>
          tpu.wait_dma2 semaphore(%run_scoped3A_388 : memref<!tpu.dma_semaphore, #tpu.memory_space<semaphore_mem>>) src(%dma_wait3A_404 : memref<2x384xi32, #tpu.memory_space<hbm>>) dst(%arg14 : memref<2x384xi32, #tpu.memory_space<vmem>>)
          tpu.yield
        }) : () -> ()
        %dma_start3A_345 = arith.constant 1 : i32
        %dma_start3A_346 = arith.constant 0 : i32
        %dma_start3A_347 = tpu.memref_slice %arg14[%dma_start3A_345, %dma_start3A_346] : memref<2x384xi32, #tpu.memory_space<vmem>> -> memref<1x384xi32, #tpu.memory_space<vmem>>
        %dma_start3A_348 = tpu.memref_squeeze %dma_start3A_347 : memref<1x384xi32, #tpu.memory_space<vmem>> -> memref<384xi32, #tpu.memory_space<vmem>>
        %dma_start3A_349 = arith.constant 0 : i32
        %dma_start3A_350 = arith.constant 0 : i32
        %dma_start3A_351 = tpu.memref_slice %arg12[%dma_start3A_349, %dma_start3A_350] : memref<100096x16xf32, #tpu.memory_space<vmem_shared>> -> memref<100096x16xf32, #tpu.memory_space<vmem_shared>>
        tpu.enqueue_indirect_dma source(%arg17 : memref<384x16xf32, #tpu.memory_space<vmem>>) target(%dma_start3A_351 : memref<100096x16xf32, #tpu.memory_space<vmem_shared>>) offsets(%dma_start3A_348 : memref<384xi32, #tpu.memory_space<vmem>>) semaphore(%arg26 : memref<!tpu.dma_semaphore, #tpu.memory_space<semaphore_mem>>) {add = true}
        %mul3A_352 = arith.constant 4 : i32
        %mul3A_353 = arith.muli %scan3A_317, %mul3A_352 : i32
        %add3A_354 = arith.constant 2 : i32
        %add3A_355 = arith.addi %mul3A_353, %add3A_354 : i32
        %ge3A_356 = arith.constant 4 : i32
        %ge3A_357 = arith.cmpi sge, %add3A_355, %ge3A_356 : i32
        %convert_element_type3A_358 = arith.extui %ge3A_357 : i1 to i32
        %cond3A_359 = arith.constant 0 : i32
        %cond3A_360 = arith.cmpi ne, %convert_element_type3A_358, %cond3A_359 : i32
        scf.if %cond3A_360 {
          %dma_wait3A_388 = arith.constant 1 : i32
          %dma_wait3A_389 = arith.constant 0 : i32
          %dma_wait3A_390 = tpu.memref_slice %arg15[%dma_wait3A_388, %dma_wait3A_389] : memref<2x384xi32, #tpu.memory_space<vmem>> -> memref<1x384xi32, #tpu.memory_space<vmem>>
          %dma_wait3A_391 = tpu.memref_squeeze %dma_wait3A_390 : memref<1x384xi32, #tpu.memory_space<vmem>> -> memref<384xi32, #tpu.memory_space<vmem>>
          %dma_wait3A_392 = arith.constant 0 : i32
          %dma_wait3A_393 = arith.constant 0 : i32
          %dma_wait3A_394 = tpu.memref_slice %arg12[%dma_wait3A_392, %dma_wait3A_393] : memref<100096x16xf32, #tpu.memory_space<vmem_shared>> -> memref<100096x16xf32, #tpu.memory_space<vmem_shared>>
          tpu.wait_indirect_dma semaphore(%arg27 : memref<!tpu.dma_semaphore, #tpu.memory_space<semaphore_mem>>) src(%arg17 : memref<384x16xf32, #tpu.memory_space<vmem>>) dst(%dma_wait3A_394 : memref<100096x16xf32, #tpu.memory_space<vmem_shared>>)
        } else {
        }
        %add3A_361 = arith.addi %mul3A_2, %add3A_355 : i32
        %run_scoped3A_362 = arith.constant 0 : i32
        "tpu.region"() ({
          %run_scoped3A_388 = tpu.sem_alloc : memref<!tpu.dma_semaphore, #tpu.memory_space<semaphore_mem>>
          %dma_start3A_389 = arith.constant 0 : i32
          %dma_start3A_390 = arith.constant 0 : i32
          %dma_start3A_391 = tpu.memref_slice %arg5[%run_scoped3A_362, %add3A_361, %dma_start3A_389, %dma_start3A_390] : memref<4x3200x2x384xi32, #tpu.memory_space<hbm>> -> memref<1x1x2x384xi32, #tpu.memory_space<hbm>>
          %dma_start3A_392 = tpu.memref_squeeze %dma_start3A_391 : memref<1x1x2x384xi32, #tpu.memory_space<hbm>> -> memref<2x384xi32, #tpu.memory_space<hbm>>
          %dma_start3A_393 = arith.constant 0 : i32
          %dma_start3A_394 = arith.constant 0 : i32
          %dma_start3A_395 = tpu.memref_slice %arg5[%run_scoped3A_362, %add3A_361, %dma_start3A_393, %dma_start3A_394] : memref<4x3200x2x384xi32, #tpu.memory_space<hbm>> -> memref<1x1x2x384xi32, #tpu.memory_space<hbm>>
          %dma_start3A_396 = tpu.memref_squeeze %dma_start3A_395 : memref<1x1x2x384xi32, #tpu.memory_space<hbm>> -> memref<2x384xi32, #tpu.memory_space<hbm>>
          tpu.enqueue_dma source(%dma_start3A_396 : memref<2x384xi32, #tpu.memory_space<hbm>>) target(%arg15 : memref<2x384xi32, #tpu.memory_space<vmem>>) target_semaphore(%run_scoped3A_388 : memref<!tpu.dma_semaphore, #tpu.memory_space<semaphore_mem>>)
          %dma_wait3A_397 = arith.constant 0 : i32
          %dma_wait3A_398 = arith.constant 0 : i32
          %dma_wait3A_399 = tpu.memref_slice %arg5[%run_scoped3A_362, %add3A_361, %dma_wait3A_397, %dma_wait3A_398] : memref<4x3200x2x384xi32, #tpu.memory_space<hbm>> -> memref<1x1x2x384xi32, #tpu.memory_space<hbm>>
          %dma_wait3A_400 = tpu.memref_squeeze %dma_wait3A_399 : memref<1x1x2x384xi32, #tpu.memory_space<hbm>> -> memref<2x384xi32, #tpu.memory_space<hbm>>
          %dma_wait3A_401 = arith.constant 0 : i32
          %dma_wait3A_402 = arith.constant 0 : i32
          %dma_wait3A_403 = tpu.memref_slice %arg5[%run_scoped3A_362, %add3A_361, %dma_wait3A_401, %dma_wait3A_402] : memref<4x3200x2x384xi32, #tpu.memory_space<hbm>> -> memref<1x1x2x384xi32, #tpu.memory_space<hbm>>
          %dma_wait3A_404 = tpu.memref_squeeze %dma_wait3A_403 : memref<1x1x2x384xi32, #tpu.memory_space<hbm>> -> memref<2x384xi32, #tpu.memory_space<hbm>>
          tpu.wait_dma2 semaphore(%run_scoped3A_388 : memref<!tpu.dma_semaphore, #tpu.memory_space<semaphore_mem>>) src(%dma_wait3A_404 : memref<2x384xi32, #tpu.memory_space<hbm>>) dst(%arg15 : memref<2x384xi32, #tpu.memory_space<vmem>>)
          tpu.yield
        }) : () -> ()
        %dma_start3A_363 = arith.constant 1 : i32
        %dma_start3A_364 = arith.constant 0 : i32
        %dma_start3A_365 = tpu.memref_slice %arg15[%dma_start3A_363, %dma_start3A_364] : memref<2x384xi32, #tpu.memory_space<vmem>> -> memref<1x384xi32, #tpu.memory_space<vmem>>
        %dma_start3A_366 = tpu.memref_squeeze %dma_start3A_365 : memref<1x384xi32, #tpu.memory_space<vmem>> -> memref<384xi32, #tpu.memory_space<vmem>>
        %dma_start3A_367 = arith.constant 0 : i32
        %dma_start3A_368 = arith.constant 0 : i32
        %dma_start3A_369 = tpu.memref_slice %arg12[%dma_start3A_367, %dma_start3A_368] : memref<100096x16xf32, #tpu.memory_space<vmem_shared>> -> memref<100096x16xf32, #tpu.memory_space<vmem_shared>>
        tpu.enqueue_indirect_dma source(%arg17 : memref<384x16xf32, #tpu.memory_space<vmem>>) target(%dma_start3A_369 : memref<100096x16xf32, #tpu.memory_space<vmem_shared>>) offsets(%dma_start3A_366 : memref<384xi32, #tpu.memory_space<vmem>>) semaphore(%arg27 : memref<!tpu.dma_semaphore, #tpu.memory_space<semaphore_mem>>) {add = true}
        %mul3A_370 = arith.constant 4 : i32
        %mul3A_371 = arith.muli %scan3A_317, %mul3A_370 : i32
        %add3A_372 = arith.constant 3 : i32
        %add3A_373 = arith.addi %mul3A_371, %add3A_372 : i32
        %ge3A_374 = arith.constant 4 : i32
        %ge3A_375 = arith.cmpi sge, %add3A_373, %ge3A_374 : i32
        %convert_element_type3A_376 = arith.extui %ge3A_375 : i1 to i32
        %cond3A_377 = arith.constant 0 : i32
        %cond3A_378 = arith.cmpi ne, %convert_element_type3A_376, %cond3A_377 : i32
        scf.if %cond3A_378 {
          %dma_wait3A_388 = arith.constant 1 : i32
          %dma_wait3A_389 = arith.constant 0 : i32
          %dma_wait3A_390 = tpu.memref_slice %arg16[%dma_wait3A_388, %dma_wait3A_389] : memref<2x384xi32, #tpu.memory_space<vmem>> -> memref<1x384xi32, #tpu.memory_space<vmem>>
          %dma_wait3A_391 = tpu.memref_squeeze %dma_wait3A_390 : memref<1x384xi32, #tpu.memory_space<vmem>> -> memref<384xi32, #tpu.memory_space<vmem>>
          %dma_wait3A_392 = arith.constant 0 : i32
          %dma_wait3A_393 = arith.constant 0 : i32
          %dma_wait3A_394 = tpu.memref_slice %arg12[%dma_wait3A_392, %dma_wait3A_393] : memref<100096x16xf32, #tpu.memory_space<vmem_shared>> -> memref<100096x16xf32, #tpu.memory_space<vmem_shared>>
          tpu.wait_indirect_dma semaphore(%arg28 : memref<!tpu.dma_semaphore, #tpu.memory_space<semaphore_mem>>) src(%arg17 : memref<384x16xf32, #tpu.memory_space<vmem>>) dst(%dma_wait3A_394 : memref<100096x16xf32, #tpu.memory_space<vmem_shared>>)
        } else {
        }
        %add3A_379 = arith.addi %mul3A_2, %add3A_373 : i32
        %run_scoped3A_380 = arith.constant 0 : i32
        "tpu.region"() ({
          %run_scoped3A_388 = tpu.sem_alloc : memref<!tpu.dma_semaphore, #tpu.memory_space<semaphore_mem>>
          %dma_start3A_389 = arith.constant 0 : i32
          %dma_start3A_390 = arith.constant 0 : i32
          %dma_start3A_391 = tpu.memref_slice %arg5[%run_scoped3A_380, %add3A_379, %dma_start3A_389, %dma_start3A_390] : memref<4x3200x2x384xi32, #tpu.memory_space<hbm>> -> memref<1x1x2x384xi32, #tpu.memory_space<hbm>>
          %dma_start3A_392 = tpu.memref_squeeze %dma_start3A_391 : memref<1x1x2x384xi32, #tpu.memory_space<hbm>> -> memref<2x384xi32, #tpu.memory_space<hbm>>
          %dma_start3A_393 = arith.constant 0 : i32
          %dma_start3A_394 = arith.constant 0 : i32
          %dma_start3A_395 = tpu.memref_slice %arg5[%run_scoped3A_380, %add3A_379, %dma_start3A_393, %dma_start3A_394] : memref<4x3200x2x384xi32, #tpu.memory_space<hbm>> -> memref<1x1x2x384xi32, #tpu.memory_space<hbm>>
          %dma_start3A_396 = tpu.memref_squeeze %dma_start3A_395 : memref<1x1x2x384xi32, #tpu.memory_space<hbm>> -> memref<2x384xi32, #tpu.memory_space<hbm>>
          tpu.enqueue_dma source(%dma_start3A_396 : memref<2x384xi32, #tpu.memory_space<hbm>>) target(%arg16 : memref<2x384xi32, #tpu.memory_space<vmem>>) target_semaphore(%run_scoped3A_388 : memref<!tpu.dma_semaphore, #tpu.memory_space<semaphore_mem>>)
          %dma_wait3A_397 = arith.constant 0 : i32
          %dma_wait3A_398 = arith.constant 0 : i32
          %dma_wait3A_399 = tpu.memref_slice %arg5[%run_scoped3A_380, %add3A_379, %dma_wait3A_397, %dma_wait3A_398] : memref<4x3200x2x384xi32, #tpu.memory_space<hbm>> -> memref<1x1x2x384xi32, #tpu.memory_space<hbm>>
          %dma_wait3A_400 = tpu.memref_squeeze %dma_wait3A_399 : memref<1x1x2x384xi32, #tpu.memory_space<hbm>> -> memref<2x384xi32, #tpu.memory_space<hbm>>
          %dma_wait3A_401 = arith.constant 0 : i32
          %dma_wait3A_402 = arith.constant 0 : i32
          %dma_wait3A_403 = tpu.memref_slice %arg5[%run_scoped3A_380, %add3A_379, %dma_wait3A_401, %dma_wait3A_402] : memref<4x3200x2x384xi32, #tpu.memory_space<hbm>> -> memref<1x1x2x384xi32, #tpu.memory_space<hbm>>
          %dma_wait3A_404 = tpu.memref_squeeze %dma_wait3A_403 : memref<1x1x2x384xi32, #tpu.memory_space<hbm>> -> memref<2x384xi32, #tpu.memory_space<hbm>>
          tpu.wait_dma2 semaphore(%run_scoped3A_388 : memref<!tpu.dma_semaphore, #tpu.memory_space<semaphore_mem>>) src(%dma_wait3A_404 : memref<2x384xi32, #tpu.memory_space<hbm>>) dst(%arg16 : memref<2x384xi32, #tpu.memory_space<vmem>>)
          tpu.yield
        }) : () -> ()
        %dma_start3A_381 = arith.constant 1 : i32
        %dma_start3A_382 = arith.constant 0 : i32
        %dma_start3A_383 = tpu.memref_slice %arg16[%dma_start3A_381, %dma_start3A_382] : memref<2x384xi32, #tpu.memory_space<vmem>> -> memref<1x384xi32, #tpu.memory_space<vmem>>
        %dma_start3A_384 = tpu.memref_squeeze %dma_start3A_383 : memref<1x384xi32, #tpu.memory_space<vmem>> -> memref<384xi32, #tpu.memory_space<vmem>>
        %dma_start3A_385 = arith.constant 0 : i32
        %dma_start3A_386 = arith.constant 0 : i32
        %dma_start3A_387 = tpu.memref_slice %arg12[%dma_start3A_385, %dma_start3A_386] : memref<100096x16xf32, #tpu.memory_space<vmem_shared>> -> memref<100096x16xf32, #tpu.memory_space<vmem_shared>>
        tpu.enqueue_indirect_dma source(%arg17 : memref<384x16xf32, #tpu.memory_space<vmem>>) target(%dma_start3A_387 : memref<100096x16xf32, #tpu.memory_space<vmem_shared>>) offsets(%dma_start3A_384 : memref<384xi32, #tpu.memory_space<vmem>>) semaphore(%arg28 : memref<!tpu.dma_semaphore, #tpu.memory_space<semaphore_mem>>) {add = true}
      }
      %scan3A_287 = arith.constant 50 : i32
      %dma_wait3A_288 = arith.constant 1 : i32
      %dma_wait3A_289 = arith.constant 0 : i32
      %dma_wait3A_290 = tpu.memref_slice %arg13[%dma_wait3A_288, %dma_wait3A_289] : memref<2x384xi32, #tpu.memory_space<vmem>> -> memref<1x384xi32, #tpu.memory_space<vmem>>
      %dma_wait3A_291 = tpu.memref_squeeze %dma_wait3A_290 : memref<1x384xi32, #tpu.memory_space<vmem>> -> memref<384xi32, #tpu.memory_space<vmem>>
      %dma_wait3A_292 = arith.constant 0 : i32
      %dma_wait3A_293 = arith.constant 0 : i32
      %dma_wait3A_294 = tpu.memref_slice %arg12[%dma_wait3A_292, %dma_wait3A_293] : memref<100096x16xf32, #tpu.memory_space<vmem_shared>> -> memref<100096x16xf32, #tpu.memory_space<vmem_shared>>
      tpu.wait_indirect_dma semaphore(%arg25 : memref<!tpu.dma_semaphore, #tpu.memory_space<semaphore_mem>>) src(%arg17 : memref<384x16xf32, #tpu.memory_space<vmem>>) dst(%dma_wait3A_294 : memref<100096x16xf32, #tpu.memory_space<vmem_shared>>)
      %dma_wait3A_295 = arith.constant 1 : i32
      %dma_wait3A_296 = arith.constant 0 : i32
      %dma_wait3A_297 = tpu.memref_slice %arg14[%dma_wait3A_295, %dma_wait3A_296] : memref<2x384xi32, #tpu.memory_space<vmem>> -> memref<1x384xi32, #tpu.memory_space<vmem>>
      %dma_wait3A_298 = tpu.memref_squeeze %dma_wait3A_297 : memref<1x384xi32, #tpu.memory_space<vmem>> -> memref<384xi32, #tpu.memory_space<vmem>>
      %dma_wait3A_299 = arith.constant 0 : i32
      %dma_wait3A_300 = arith.constant 0 : i32
      %dma_wait3A_301 = tpu.memref_slice %arg12[%dma_wait3A_299, %dma_wait3A_300] : memref<100096x16xf32, #tpu.memory_space<vmem_shared>> -> memref<100096x16xf32, #tpu.memory_space<vmem_shared>>
      tpu.wait_indirect_dma semaphore(%arg26 : memref<!tpu.dma_semaphore, #tpu.memory_space<semaphore_mem>>) src(%arg17 : memref<384x16xf32, #tpu.memory_space<vmem>>) dst(%dma_wait3A_301 : memref<100096x16xf32, #tpu.memory_space<vmem_shared>>)
      %dma_wait3A_302 = arith.constant 1 : i32
      %dma_wait3A_303 = arith.constant 0 : i32
      %dma_wait3A_304 = tpu.memref_slice %arg15[%dma_wait3A_302, %dma_wait3A_303] : memref<2x384xi32, #tpu.memory_space<vmem>> -> memref<1x384xi32, #tpu.memory_space<vmem>>
      %dma_wait3A_305 = tpu.memref_squeeze %dma_wait3A_304 : memref<1x384xi32, #tpu.memory_space<vmem>> -> memref<384xi32, #tpu.memory_space<vmem>>
      %dma_wait3A_306 = arith.constant 0 : i32
      %dma_wait3A_307 = arith.constant 0 : i32
      %dma_wait3A_308 = tpu.memref_slice %arg12[%dma_wait3A_306, %dma_wait3A_307] : memref<100096x16xf32, #tpu.memory_space<vmem_shared>> -> memref<100096x16xf32, #tpu.memory_space<vmem_shared>>
      tpu.wait_indirect_dma semaphore(%arg27 : memref<!tpu.dma_semaphore, #tpu.memory_space<semaphore_mem>>) src(%arg17 : memref<384x16xf32, #tpu.memory_space<vmem>>) dst(%dma_wait3A_308 : memref<100096x16xf32, #tpu.memory_space<vmem_shared>>)
      %dma_wait3A_309 = arith.constant 1 : i32
      %dma_wait3A_310 = arith.constant 0 : i32
      %dma_wait3A_311 = tpu.memref_slice %arg16[%dma_wait3A_309, %dma_wait3A_310] : memref<2x384xi32, #tpu.memory_space<vmem>> -> memref<1x384xi32, #tpu.memory_space<vmem>>
      %dma_wait3A_312 = tpu.memref_squeeze %dma_wait3A_311 : memref<1x384xi32, #tpu.memory_space<vmem>> -> memref<384xi32, #tpu.memory_space<vmem>>
      %dma_wait3A_313 = arith.constant 0 : i32
      %dma_wait3A_314 = arith.constant 0 : i32
      %dma_wait3A_315 = tpu.memref_slice %arg12[%dma_wait3A_313, %dma_wait3A_314] : memref<100096x16xf32, #tpu.memory_space<vmem_shared>> -> memref<100096x16xf32, #tpu.memory_space<vmem_shared>>
      tpu.wait_indirect_dma semaphore(%arg28 : memref<!tpu.dma_semaphore, #tpu.memory_space<semaphore_mem>>) src(%arg17 : memref<384x16xf32, #tpu.memory_space<vmem>>) dst(%dma_wait3A_315 : memref<100096x16xf32, #tpu.memory_space<vmem_shared>>)
      %barrier3A_316 = arith.constant 0 : index
      tpu.barrier barrier_id(%barrier3A_316)
      "tpu.region"() ({
        %run_scoped3A = tpu.sem_alloc : memref<!tpu.dma_semaphore, #tpu.memory_space<semaphore_mem>>
        %dma_start3A_317 = arith.constant 0 : i32
        %dma_start3A_318 = tpu.memref_slice %arg11[%mul3A_0, %dma_start3A_317] : memref<100096x16xf32, #tpu.memory_space<hbm>> -> memref<6256x16xf32, #tpu.memory_space<hbm>>
        %dma_start3A_319 = arith.constant 0 : i32
        %dma_start3A_320 = tpu.memref_slice %arg12[%mul3A_0, %dma_start3A_319] : memref<100096x16xf32, #tpu.memory_space<vmem_shared>> -> memref<6256x16xf32, #tpu.memory_space<vmem_shared>>
        tpu.enqueue_dma source(%dma_start3A_320 : memref<6256x16xf32, #tpu.memory_space<vmem_shared>>) target(%dma_start3A_318 : memref<6256x16xf32, #tpu.memory_space<hbm>>) target_semaphore(%run_scoped3A : memref<!tpu.dma_semaphore, #tpu.memory_space<semaphore_mem>>)
        %dma_wait3A_321 = arith.constant 0 : i32
        %dma_wait3A_322 = tpu.memref_slice %arg11[%mul3A_0, %dma_wait3A_321] : memref<100096x16xf32, #tpu.memory_space<hbm>> -> memref<6256x16xf32, #tpu.memory_space<hbm>>
        %dma_wait3A_323 = arith.constant 0 : i32
        %dma_wait3A_324 = tpu.memref_slice %arg12[%mul3A_0, %dma_wait3A_323] : memref<100096x16xf32, #tpu.memory_space<vmem_shared>> -> memref<6256x16xf32, #tpu.memory_space<vmem_shared>>
        tpu.wait_dma2 semaphore(%run_scoped3A : memref<!tpu.dma_semaphore, #tpu.memory_space<semaphore_mem>>) src(%dma_wait3A_324 : memref<6256x16xf32, #tpu.memory_space<vmem_shared>>) dst(%dma_wait3A_322 : memref<6256x16xf32, #tpu.memory_space<hbm>>)
        tpu.yield
      }) : () -> ()
    } else {
    }
    return
  }
}

module attributes {stable_mosaic.version = 14 : i64} {
  func.func @_mm_body(%arg0: i32, %arg1: memref<2000x64xf32, #tpu.memory_space<vmem>>, %arg2: memref<64x64xf32, #tpu.memory_space<vmem>>, %arg3: memref<2000x64xf32, #tpu.memory_space<vmem>>) attributes {dimension_semantics = [#tpu.dimension_semantics<arbitrary>], iteration_bounds = array<i64: 50>, scalar_prefetch = 0 : i64, scratch_operands = 0 : i64, tpu.core_type = #tpu.core_type<tc>, window_params = [{transform_indices = @transform_0, window_bounds = array<i64: 2000, 64>}, {pipeline_mode = #tpu.pipeline_mode<synchronous>, transform_indices = @transform_1, window_bounds = array<i64: 64, 64>}, {transform_indices = @transform_2, window_bounds = array<i64: 2000, 64>}]} {
    %get3A = arith.constant 0 : index
    %get3A_0 = arith.constant 0 : index
    %get3A_1 = vector.load %arg1[%get3A, %get3A_0] : memref<2000x64xf32, #tpu.memory_space<vmem>>, vector<2000x64xf32>
    %get3A_2 = arith.constant 0 : index
    %get3A_3 = arith.constant 0 : index
    %get3A_4 = vector.load %arg2[%get3A_2, %get3A_3] : memref<64x64xf32, #tpu.memory_space<vmem>>, vector<64x64xf32>
    %dot_general3A = arith.constant dense<0.000000e+00> : vector<2000x64xf32>
    %dot_general3A_5 = tpu.matmul %get3A_1, %get3A_4, %dot_general3A {dimension_numbers = #tpu.dot_dimension_numbers<[1], [0], [0], [1], [0, 0, 1, 1], [], []>, transpose_lhs_hint = false} : vector<2000x64xf32>, vector<64x64xf32>, vector<2000x64xf32> -> vector<2000x64xf32>
    %swap3A = arith.constant 0 : index
    %swap3A_6 = arith.constant 0 : index
    %swap3A_7 = vector.load %arg3[%swap3A, %swap3A_6] : memref<2000x64xf32, #tpu.memory_space<vmem>>, vector<2000x64xf32>
    tpu.vector_store %arg3[%swap3A, %swap3A_6], %dot_general3A_5 {strides = array<i32>} : memref<2000x64xf32, #tpu.memory_space<vmem>>, vector<2000x64xf32>,
    return
  }
  func.func @transform_0(%arg0: i32) -> (i32, i32) {
    %c0_i32 = arith.constant 0 : i32
    %c0_i32_0 = arith.constant 0 : i32
    return %arg0, %c0_i32 : i32, i32
  }
  func.func @transform_1(%arg0: i32) -> (i32, i32) {
    %c0_i32 = arith.constant 0 : i32
    %c0_i32_0 = arith.constant 0 : i32
    %c0_i32_1 = arith.constant 0 : i32
    return %c0_i32, %c0_i32_0 : i32, i32
  }
  func.func @transform_2(%arg0: i32) -> (i32, i32) {
    %c0_i32 = arith.constant 0 : i32
    %c0_i32_0 = arith.constant 0 : i32
    return %arg0, %c0_i32 : i32, i32
  }
}

module attributes {stable_mosaic.version = 14 : i64} {
  func.func @_post_body(%arg0: i32, %arg1: memref<4x2000x16xf32, #tpu.memory_space<vmem>>, %arg2: memref<2000x16xf32, #tpu.memory_space<vmem>>, %arg3: memref<2000x64xf32, #tpu.memory_space<vmem>>, %arg4: memref<64x64xf32, #tpu.memory_space<vmem>>, %arg5: memref<1x64xf32, #tpu.memory_space<vmem>>, %arg6: memref<2000x64xf32, #tpu.memory_space<vmem>>) attributes {dimension_semantics = [#tpu.dimension_semantics<arbitrary>], iteration_bounds = array<i64: 50>, scalar_prefetch = 0 : i64, scratch_operands = 0 : i64, tpu.core_type = #tpu.core_type<tc>, window_params = [{transform_indices = @transform_0, window_bounds = array<i64: 4, 2000, 16>}, {transform_indices = @transform_1, window_bounds = array<i64: 2000, 16>}, {transform_indices = @transform_2, window_bounds = array<i64: 2000, 64>}, {pipeline_mode = #tpu.pipeline_mode<synchronous>, transform_indices = @transform_3, window_bounds = array<i64: 64, 64>}, {pipeline_mode = #tpu.pipeline_mode<synchronous>, transform_indices = @transform_4, window_bounds = array<i64: 1, 64>}, {transform_indices = @transform_5, window_bounds = array<i64: 2000, 64>}]} {
    %get3A = arith.constant 0 : index
    %get3A_0 = arith.constant 0 : index
    %get3A_1 = arith.constant 0 : index
    %get3A_2 = vector.load %arg1[%get3A, %get3A_0, %get3A_1] : memref<4x2000x16xf32, #tpu.memory_space<vmem>>, vector<4x2000x16xf32>
    %slice3A = vector.extract_strided_slice %get3A_2 {offsets = [0, 0, 0], sizes = [1, 2000, 16], strides = [1, 1, 1]} : vector<4x2000x16xf32> to vector<1x2000x16xf32>
    %squeeze3A = vector.shape_cast %slice3A : vector<1x2000x16xf32> to vector<2000x16xf32>
    %slice3A_3 = vector.extract_strided_slice %get3A_2 {offsets = [1, 0, 0], sizes = [1, 2000, 16], strides = [1, 1, 1]} : vector<4x2000x16xf32> to vector<1x2000x16xf32>
    %squeeze3A_4 = vector.shape_cast %slice3A_3 : vector<1x2000x16xf32> to vector<2000x16xf32>
    %slice3A_5 = vector.extract_strided_slice %get3A_2 {offsets = [2, 0, 0], sizes = [1, 2000, 16], strides = [1, 1, 1]} : vector<4x2000x16xf32> to vector<1x2000x16xf32>
    %squeeze3A_6 = vector.shape_cast %slice3A_5 : vector<1x2000x16xf32> to vector<2000x16xf32>
    %slice3A_7 = vector.extract_strided_slice %get3A_2 {offsets = [3, 0, 0], sizes = [1, 2000, 16], strides = [1, 1, 1]} : vector<4x2000x16xf32> to vector<1x2000x16xf32>
    %squeeze3A_8 = vector.shape_cast %slice3A_7 : vector<1x2000x16xf32> to vector<2000x16xf32>
    %concatenate3A = tpu.concatenate %squeeze3A, %squeeze3A_4, %squeeze3A_6, %squeeze3A_8 in 1 : vector<2000x16xf32>, vector<2000x16xf32>, vector<2000x16xf32>, vector<2000x16xf32> -> vector<2000x64xf32>
    %get3A_9 = arith.constant 0 : index
    %get3A_10 = arith.constant 0 : index
    %get3A_11 = vector.load %arg2[%get3A_9, %get3A_10] : memref<2000x16xf32, #tpu.memory_space<vmem>>, vector<2000x16xf32>
    %slice3A_12 = vector.extract_strided_slice %get3A_11 {offsets = [0, 0], sizes = [2000, 1], strides = [1, 1]} : vector<2000x16xf32> to vector<2000x1xf32>
    %max3A = arith.constant 1.000000e+00 : f32
    %max3A_13 = vector.broadcast %max3A : f32 to vector<2000x1xf32>
    %max3A_14 = arith.maximumf %slice3A_12, %max3A_13 : vector<2000x1xf32>
    %div3A = vector.broadcast %max3A_14 : vector<2000x1xf32> to vector<2000x64xf32>
    %div3A_15 = arith.divf %concatenate3A, %div3A : vector<2000x64xf32>
    %get3A_16 = arith.constant 0 : index
    %get3A_17 = arith.constant 0 : index
    %get3A_18 = vector.load %arg5[%get3A_16, %get3A_17] : memref<1x64xf32, #tpu.memory_space<vmem>>, vector<1x64xf32>
    %add3A = vector.broadcast %get3A_18 : vector<1x64xf32> to vector<2000x64xf32>
    %add3A_19 = arith.addf %div3A_15, %add3A : vector<2000x64xf32>
    %get3A_20 = arith.constant 0 : index
    %get3A_21 = arith.constant 0 : index
    %get3A_22 = vector.load %arg3[%get3A_20, %get3A_21] : memref<2000x64xf32, #tpu.memory_space<vmem>>, vector<2000x64xf32>
    %get3A_23 = arith.constant 0 : index
    %get3A_24 = arith.constant 0 : index
    %get3A_25 = vector.load %arg4[%get3A_23, %get3A_24] : memref<64x64xf32, #tpu.memory_space<vmem>>, vector<64x64xf32>
    %dot_general3A = arith.constant dense<0.000000e+00> : vector<2000x64xf32>
    %dot_general3A_26 = tpu.matmul %get3A_22, %get3A_25, %dot_general3A {dimension_numbers = #tpu.dot_dimension_numbers<[1], [0], [0], [1], [0, 0, 1, 1], [], []>, transpose_lhs_hint = false} : vector<2000x64xf32>, vector<64x64xf32>, vector<2000x64xf32> -> vector<2000x64xf32>
    %add3A_27 = arith.addf %add3A_19, %dot_general3A_26 : vector<2000x64xf32>
    %max3A_28 = arith.constant 0.000000e+00 : f32
    %max3A_29 = vector.broadcast %max3A_28 : f32 to vector<2000x64xf32>
    %max3A_30 = arith.maximumf %add3A_27, %max3A_29 : vector<2000x64xf32>
    %swap3A = arith.constant 0 : index
    %swap3A_31 = arith.constant 0 : index
    %swap3A_32 = vector.load %arg6[%swap3A, %swap3A_31] : memref<2000x64xf32, #tpu.memory_space<vmem>>, vector<2000x64xf32>
    tpu.vector_store %arg6[%swap3A, %swap3A_31], %max3A_30 {strides = array<i32>} : memref<2000x64xf32, #tpu.memory_space<vmem>>, vector<2000x64xf32>,
    return
  }
  func.func @transform_0(%arg0: i32) -> (i32, i32, i32) {
    %c0_i32 = arith.constant 0 : i32
    %c0_i32_0 = arith.constant 0 : i32
    %c0_i32_1 = arith.constant 0 : i32
    return %c0_i32, %arg0, %c0_i32_0 : i32, i32, i32
  }
  func.func @transform_1(%arg0: i32) -> (i32, i32) {
    %c0_i32 = arith.constant 0 : i32
    %c0_i32_0 = arith.constant 0 : i32
    return %arg0, %c0_i32 : i32, i32
  }
  func.func @transform_2(%arg0: i32) -> (i32, i32) {
    %c0_i32 = arith.constant 0 : i32
    %c0_i32_0 = arith.constant 0 : i32
    return %arg0, %c0_i32 : i32, i32
  }
  func.func @transform_3(%arg0: i32) -> (i32, i32) {
    %c0_i32 = arith.constant 0 : i32
    %c0_i32_0 = arith.constant 0 : i32
    %c0_i32_1 = arith.constant 0 : i32
    return %c0_i32, %c0_i32_0 : i32, i32
  }
  func.func @transform_4(%arg0: i32) -> (i32, i32) {
    %c0_i32 = arith.constant 0 : i32
    %c0_i32_0 = arith.constant 0 : i32
    %c0_i32_1 = arith.constant 0 : i32
    return %c0_i32, %c0_i32_0 : i32, i32
  }
  func.func @transform_5(%arg0: i32) -> (i32, i32) {
    %c0_i32 = arith.constant 0 : i32
    %c0_i32_0 = arith.constant 0 : i32
    return %arg0, %c0_i32 : i32, i32
  }
}

module attributes {stable_mosaic.version = 14 : i64} {
  func.func @_post_body(%arg0: i32, %arg1: memref<4x2000x16xf32, #tpu.memory_space<vmem>>, %arg2: memref<2000x16xf32, #tpu.memory_space<vmem>>, %arg3: memref<2000x64xf32, #tpu.memory_space<vmem>>, %arg4: memref<64x64xf32, #tpu.memory_space<vmem>>, %arg5: memref<1x64xf32, #tpu.memory_space<vmem>>, %arg6: memref<2000x64xf32, #tpu.memory_space<vmem>>) attributes {dimension_semantics = [#tpu.dimension_semantics<arbitrary>], iteration_bounds = array<i64: 50>, scalar_prefetch = 0 : i64, scratch_operands = 0 : i64, tpu.core_type = #tpu.core_type<tc>, window_params = [{transform_indices = @transform_0, window_bounds = array<i64: 4, 2000, 16>}, {transform_indices = @transform_1, window_bounds = array<i64: 2000, 16>}, {transform_indices = @transform_2, window_bounds = array<i64: 2000, 64>}, {pipeline_mode = #tpu.pipeline_mode<synchronous>, transform_indices = @transform_3, window_bounds = array<i64: 64, 64>}, {pipeline_mode = #tpu.pipeline_mode<synchronous>, transform_indices = @transform_4, window_bounds = array<i64: 1, 64>}, {transform_indices = @transform_5, window_bounds = array<i64: 2000, 64>}]} {
    %get3A = arith.constant 0 : index
    %get3A_0 = arith.constant 0 : index
    %get3A_1 = arith.constant 0 : index
    %get3A_2 = vector.load %arg1[%get3A, %get3A_0, %get3A_1] : memref<4x2000x16xf32, #tpu.memory_space<vmem>>, vector<4x2000x16xf32>
    %slice3A = vector.extract_strided_slice %get3A_2 {offsets = [0, 0, 0], sizes = [1, 2000, 16], strides = [1, 1, 1]} : vector<4x2000x16xf32> to vector<1x2000x16xf32>
    %squeeze3A = vector.shape_cast %slice3A : vector<1x2000x16xf32> to vector<2000x16xf32>
    %slice3A_3 = vector.extract_strided_slice %get3A_2 {offsets = [1, 0, 0], sizes = [1, 2000, 16], strides = [1, 1, 1]} : vector<4x2000x16xf32> to vector<1x2000x16xf32>
    %squeeze3A_4 = vector.shape_cast %slice3A_3 : vector<1x2000x16xf32> to vector<2000x16xf32>
    %slice3A_5 = vector.extract_strided_slice %get3A_2 {offsets = [2, 0, 0], sizes = [1, 2000, 16], strides = [1, 1, 1]} : vector<4x2000x16xf32> to vector<1x2000x16xf32>
    %squeeze3A_6 = vector.shape_cast %slice3A_5 : vector<1x2000x16xf32> to vector<2000x16xf32>
    %slice3A_7 = vector.extract_strided_slice %get3A_2 {offsets = [3, 0, 0], sizes = [1, 2000, 16], strides = [1, 1, 1]} : vector<4x2000x16xf32> to vector<1x2000x16xf32>
    %squeeze3A_8 = vector.shape_cast %slice3A_7 : vector<1x2000x16xf32> to vector<2000x16xf32>
    %concatenate3A = tpu.concatenate %squeeze3A, %squeeze3A_4, %squeeze3A_6, %squeeze3A_8 in 1 : vector<2000x16xf32>, vector<2000x16xf32>, vector<2000x16xf32>, vector<2000x16xf32> -> vector<2000x64xf32>
    %get3A_9 = arith.constant 0 : index
    %get3A_10 = arith.constant 0 : index
    %get3A_11 = vector.load %arg2[%get3A_9, %get3A_10] : memref<2000x16xf32, #tpu.memory_space<vmem>>, vector<2000x16xf32>
    %slice3A_12 = vector.extract_strided_slice %get3A_11 {offsets = [0, 0], sizes = [2000, 1], strides = [1, 1]} : vector<2000x16xf32> to vector<2000x1xf32>
    %max3A = arith.constant 1.000000e+00 : f32
    %max3A_13 = vector.broadcast %max3A : f32 to vector<2000x1xf32>
    %max3A_14 = arith.maximumf %slice3A_12, %max3A_13 : vector<2000x1xf32>
    %div3A = vector.broadcast %max3A_14 : vector<2000x1xf32> to vector<2000x64xf32>
    %div3A_15 = arith.divf %concatenate3A, %div3A : vector<2000x64xf32>
    %get3A_16 = arith.constant 0 : index
    %get3A_17 = arith.constant 0 : index
    %get3A_18 = vector.load %arg5[%get3A_16, %get3A_17] : memref<1x64xf32, #tpu.memory_space<vmem>>, vector<1x64xf32>
    %add3A = vector.broadcast %get3A_18 : vector<1x64xf32> to vector<2000x64xf32>
    %add3A_19 = arith.addf %div3A_15, %add3A : vector<2000x64xf32>
    %get3A_20 = arith.constant 0 : index
    %get3A_21 = arith.constant 0 : index
    %get3A_22 = vector.load %arg3[%get3A_20, %get3A_21] : memref<2000x64xf32, #tpu.memory_space<vmem>>, vector<2000x64xf32>
    %get3A_23 = arith.constant 0 : index
    %get3A_24 = arith.constant 0 : index
    %get3A_25 = vector.load %arg4[%get3A_23, %get3A_24] : memref<64x64xf32, #tpu.memory_space<vmem>>, vector<64x64xf32>
    %dot_general3A = arith.constant dense<0.000000e+00> : vector<2000x64xf32>
    %dot_general3A_26 = tpu.matmul %get3A_22, %get3A_25, %dot_general3A {dimension_numbers = #tpu.dot_dimension_numbers<[1], [0], [0], [1], [0, 0, 1, 1], [], []>, transpose_lhs_hint = false} : vector<2000x64xf32>, vector<64x64xf32>, vector<2000x64xf32> -> vector<2000x64xf32>
    %add3A_27 = arith.addf %add3A_19, %dot_general3A_26 : vector<2000x64xf32>
    %swap3A = arith.constant 0 : index
    %swap3A_28 = arith.constant 0 : index
    %swap3A_29 = vector.load %arg6[%swap3A, %swap3A_28] : memref<2000x64xf32, #tpu.memory_space<vmem>>, vector<2000x64xf32>
    tpu.vector_store %arg6[%swap3A, %swap3A_28], %add3A_27 {strides = array<i32>} : memref<2000x64xf32, #tpu.memory_space<vmem>>, vector<2000x64xf32>,
    return
  }
  func.func @transform_0(%arg0: i32) -> (i32, i32, i32) {
    %c0_i32 = arith.constant 0 : i32
    %c0_i32_0 = arith.constant 0 : i32
    %c0_i32_1 = arith.constant 0 : i32
    return %c0_i32, %arg0, %c0_i32_0 : i32, i32, i32
  }
  func.func @transform_1(%arg0: i32) -> (i32, i32) {
    %c0_i32 = arith.constant 0 : i32
    %c0_i32_0 = arith.constant 0 : i32
    return %arg0, %c0_i32 : i32, i32
  }
  func.func @transform_2(%arg0: i32) -> (i32, i32) {
    %c0_i32 = arith.constant 0 : i32
    %c0_i32_0 = arith.constant 0 : i32
    return %arg0, %c0_i32 : i32, i32
  }
  func.func @transform_3(%arg0: i32) -> (i32, i32) {
    %c0_i32 = arith.constant 0 : i32
    %c0_i32_0 = arith.constant 0 : i32
    %c0_i32_1 = arith.constant 0 : i32
    return %c0_i32, %c0_i32_0 : i32, i32
  }
  func.func @transform_4(%arg0: i32) -> (i32, i32) {
    %c0_i32 = arith.constant 0 : i32
    %c0_i32_0 = arith.constant 0 : i32
    %c0_i32_1 = arith.constant 0 : i32
    return %c0_i32, %c0_i32_0 : i32, i32
  }
  func.func @transform_5(%arg0: i32) -> (i32, i32) {
    %c0_i32 = arith.constant 0 : i32
    %c0_i32_0 = arith.constant 0 : i32
    return %arg0, %c0_i32 : i32, i32
  }
}

</mosaic_0001>

<sc_bundles>
// kernel: kernel.12.cloned.1.call-start
scs
__scs_entry_jumppad:
0x0: {  	(pc) =	sbr.rel $0x88, $3  }
0x1: {  	(tag) =	ssettag $0x0;
	lr =	simm.s32 $0x1  }
0x2: {  	[smem:$0x3F91] =	sst lr;
	_ =	strace $0xD0000000  }
0x3: {  	_ = 	snop  }
0x4: {  	_ = 	snop  }
0x5: {  	_ = 	snop  }
0x6: {  	_ = 	snop  }
0x7: {  	_ = 	snop  }
__scs_overlays_trampoline_lowered:
0x8: {  	[smem:$0x3FA0] =	sst s0  }
0x9: {  	[smem:$0x3FA1] =	sst s1  }
0xa: {  	[smem:$0x3FA2] =	sst s2  }
0xb: {  	[smem:$0x3FA3] =	sst s3  }
0xc: {  	[smem:$0x3FA4] =	sst s4  }
0xd: {  	[smem:$0x3FA5] =	sst s5  }
0xe: {  	[smem:$0x3FA6] =	sst s6  }
0xf: {  	[smem:$0x3FA7] =	sst s7  }
0x10: {  	[smem:$0x3FA8] =	sst s8  }
0x11: {  	[smem:$0x3FA9] =	sst s9;
	s0 =	simm.s32 @!p0 $0x0  }
0x12: {  	s1 =	sld [smem:$0x3F8F];
	s0 =	simm.s32 @p0 $0x1  }
0x13: {  	[smem:$0x3FAA] =	sst s0;
	s0 =	simm.s32 @!p1 $0x0  }
0x14: {  	s2 =	sld [smem:$0x3F8E];
	s0 =	simm.s32 @p1 $0x1  }
0x15: {  	[smem:$0x3FAB] =	sst s0;
	s0 =	simm.s32 @!p2 $0x0  }
0x16: {  	s3 =	sld [smem:$0x3FDB];
	s0 =	simm.s32 @p2 $0x1  }
0x17: {  	s4 =	simm.s32 $0x1BF5;
	[smem:$0x3FAD] =	sst s0  }
0x18: {  	s0 =	sld [smem:$0x3F90];
	_ =	swait.ge [sflag:s4], $0x0  }
0x19: {  	s7 =	sld [smem:$0x3F91]  }
0x1a: {  	s8 =	sadd.s32 $0xFFFFE003, lr  }
0x1b: {  	s9 =	sadd.s32 $0xFFFFFEF7, lr;
	s5 =	simm.s32 $0xFFFFFFFF;
	p2 =	slt.u32 s8, $0xFFFFF086  }
0x1c: {  	p1 =	slt.u32 s9, $0xF7A;
	s5 =	simm.s32 @!p2 $0x0  }
0x1d: {  	s5 =	simm.s32 @p1 $0x1;
	p0 =	seq.s32 s7, s2  }
0x1e: {  	s7 =	smul.u32 @!p0 $0xF7A, s2;
	p2 =	seq.s32 @!p0 s5, $0x0  }
0x1f: {  	s9 =	smul.u32 $0xF7A, s1;
	s8 =	simm.s32 @!p0 $0x1BF5;
	p2 =	por !p2, p0  }
0x20: {  	[sflag:s8] =	ssyncset.s32 @!p0 $0xFFFFF086;
	s6 =	sadd.s32 @!p0 s3, s7;
	s7 =	simm.s32 @!p0 $0x108  }
0x21: {  	s3 =	sadd.s32 s3, s9;
	s6 =	sadd.s32 @!p0 $0x88, s6;
	s7 =	simm.s32 @p2 $0x1082  }
0x22: {  	[simem:s7], [sflag:s8] =	dma.local @!p0 [hbm:s6], $0xF7A  }
0x23: {  	s9 =	sor.u32 $0xD0000000, s2;
	s6 =	simm.s32 $0x108;
	_ =	swait.ge @!p0 [sflag:s8], $0x0  }
0x24: {  	s3 =	sadd.s32 $0x88, s3;
	s6 =	simm.s32 @!p1 $0x1082;
	[sflag:s4] =	ssyncset.s32 $0xFFFFF086  }
0x25: {  	[simem:s6], [sflag:s4] =	dma.local [hbm:s3], $0xF7A  }
0x26: {  	[smem:$0x3F91] =	sst s1;
	(tag) =	ssettag s2;
	_ =	strace s9  }
0x27: {  	s1 =	sld [smem:$0x3FA1]  }
0x28: {  	s2 =	sld [smem:$0x3FA2]  }
0x29: {  	s4 =	sld [smem:$0x3FA4]  }
0x2a: {  	p0 =	seq.s32 s5, $0x0;
	s5 =	sld [smem:$0x3FA5]  }
0x2b: {  	s6 =	sld [smem:$0x3FA6]  }
0x2c: {  	s7 =	sld [smem:$0x3FA7]  }
0x2d: {  	s3 =	simm.s32 $0x108;
	s8 =	sld [smem:$0x3FA8]  }
0x2e: {  	s3 =	simm.s32 @!p0 $0x1082;
	s9 =	sld [smem:$0x3FA9]  }
0x2f: {  	lr =	sadd.s32 s0, s3;
	s0 =	sld [smem:$0x3FA0]  }
0x30: {  	s3 =	sld [smem:$0x3FA3]  }
0x31: {  	[smem:$0x3FAC] =	sst s10  }
0x32: {  	s10 =	sld [smem:$0x3FAA];
	_ =	sdelay $0x3  }
0x33: {  	p0 =	seq.s32 s10, $0x1;
	s10 =	sld [smem:$0x3FAC];
	_ =	sdelay $0x3  }
0x34: {  	[smem:$0x3FAC] =	sst s10  }
0x35: {  	s10 =	sld [smem:$0x3FAB];
	_ =	sdelay $0x3  }
0x36: {  	p1 =	seq.s32 s10, $0x1;
	s10 =	sld [smem:$0x3FAC];
	_ =	sdelay $0x3  }
0x37: {  	[smem:$0x3FAC] =	sst s10  }
0x38: {  	s10 =	sld [smem:$0x3FAD]  }
0x39: {  	_ = 	snop;
	(pc) =	sbr.ind lr, $3  }
0x3a: {  	_ = 	snop  }
0x3b: {  	_ = 	snop  }
0x3c: {  	p2 =	seq.s32 s10, $0x1;
	s10 =	sld [smem:$0x3FAC]  }
0x3d: {  	_ =	shalt  }
0x3e: {  	_ =	shalt  }
0x3f: {  	_ =	shalt  }
0x40: {  	_ =	shalt  }
0x41: {  	_ =	shalt  }
0x42: {  	_ =	shalt  }
0x43: {  	_ =	shalt  }
0x44: {  	_ =	shalt  }
0x45: {  	_ =	shalt  }
0x46: {  	_ =	shalt  }
0x47: {  	_ =	shalt  }
0x48: {  	_ =	shalt  }
0x49: {  	_ =	shalt  }
0x4a: {  	_ =	shalt  }
0x4b: {  	_ =	shalt  }
0x4c: {  	_ =	shalt  }
0x4d: {  	_ =	shalt  }
0x4e: {  	_ =	shalt  }
0x4f: {  	_ =	shalt  }
0x50: {  	_ =	shalt  }
0x51: {  	_ =	shalt  }
0x52: {  	_ =	shalt  }
0x53: {  	_ =	shalt  }
0x54: {  	_ =	shalt  }
0x55: {  	_ =	shalt  }
0x56: {  	_ =	shalt  }
0x57: {  	_ =	shalt  }
0x58: {  	_ =	shalt  }
0x59: {  	_ =	shalt  }
0x5a: {  	_ =	shalt  }
0x5b: {  	_ =	shalt  }
0x5c: {  	_ =	shalt  }
0x5d: {  	_ =	shalt  }
0x5e: {  	_ =	shalt  }
0x5f: {  	_ =	shalt  }
0x60: {  	_ =	shalt  }
0x61: {  	_ =	shalt  }
0x62: {  	_ =	shalt  }
0x63: {  	_ =	shalt  }
0x64: {  	_ =	shalt  }
0x65: {  	_ =	shalt  }
0x66: {  	_ =	shalt  }
0x67: {  	_ =	shalt  }
0x68: {  	_ =	shalt  }
0x69: {  	_ =	shalt  }
0x6a: {  	_ =	shalt  }
0x6b: {  	_ =	shalt  }
0x6c: {  	_ =	shalt  }
0x6d: {  	_ =	shalt  }
0x6e: {  	_ =	shalt  }
0x6f: {  	_ =	shalt  }
0x70: {  	_ =	shalt  }
0x71: {  	_ =	shalt  }
0x72: {  	_ =	shalt  }
0x73: {  	_ =	shalt  }
0x74: {  	_ =	shalt  }
0x75: {  	_ =	shalt  }
0x76: {  	_ =	shalt  }
0x77: {  	_ =	shalt  }
0x78: {  	_ =	shalt  }
0x79: {  	_ =	shalt  }
0x7a: {  	_ =	shalt  }
0x7b: {  	_ =	shalt  }
0x7c: {  	_ =	shalt  }
0x7d: {  	_ =	shalt  }
0x7e: {  	_ =	shalt  }
0x7f: {  	_ =	shalt  }
0x80: {  	_ =	shalt  }
0x81: {  	_ =	shalt  }
0x82: {  	_ =	shalt  }
0x83: {  	_ =	shalt  }
0x84: {  	_ =	shalt  }
0x85: {  	_ =	shalt  }
0x86: {  	_ =	shalt  }
0x87: {  	_ =	shalt  }
.Lfunc_end0:
.L_simem_size_0:
called_computation_lowered:
.L_overlay_start_0:
0x88: {  	s2 =	sld [smem:$0x3FD9]  }
0x89: {  	s3 =	sld [smem:$0x3FFE];
	_ =	sdelay $0x1  }
0x8a: {  	s1 =	srdreg.scid  }
0x8b: {  	s0 =	sand.u32 $0x1, s1  }
0x8c: {  	s14 =	sshll.u32 s0, $0xA;
	s2 =	sadd.s32 s3, s2  }
0x8d: {  	s2 =	sadd.s32 s2, s14  }
0x8e: {  	[smem:$0x3FB8] =	sst s2  }
0x8f: {  	_ = 	snop  }
0x90: {  	s2 =	sld [smem:$0x3FD0];
	_ =	sdelay $0x2  }
0x91: {  	s15 =	simm.s32 $0xA;
	s4 =	simm.s32 $0x10  }
0x92: {  	[smem:s4], [sflag:s15] =	dma.local [hbm:s2], $0x1  }
0x93: {  	_ =	swait.eq [sflag:s15], $0x1  }
0x94: {  	[sflag:s15] =	ssyncset.done $0x0  }
0x95: {  	s16 =	sld [smem:$0x10];
	[sflag:s15] =	ssyncadd.s32 $0xFFFFFFFF  }
0x96: {  	s17 =	sld [smem:$0x11];
	(tm) =	ssettm $0x1  }
0x97: {  	s18 =	sld [smem:$0x3FFB];
	_ =	sdelay $0x3  }
0x98: {  	_ =	strace s18  }
0x99: {  	s4 =	sld [smem:$0x3FFC];
	_ =	sdelay $0x3  }
0x9a: {  	_ =	strace s4  }
0x9b: {  	s4 =	sld [smem:$0x3FFD];
	_ =	sdelay $0x3  }
0x9c: {  	_ =	strace s4  }
0x9d: {  	_ =	strace $0x8FFFFFFF  }
0x9e: {  	s19 =	sld [smem:$0x3FDB];
	_ =	sdelay $0x1  }
0x9f: {  	s5 =	simm.s32 $_scs_section_size  }
0xa0: {  	s6 =	simm.s32 $_size__tile_overlayer_lowered;
	s7 =	simm.s32 $_tile_overlayer_lowered  }
0xa1: {  	s22 =	simm.s32 $0x1BFF;
	s21 =	sshll.u32 s7, $0x1;
	s4 =	sadd.s32 s5, s19  }
0xa2: {  	s8 =	simm.s32 $0x0;
	s20 =	sshll.u32 s6, $0x1;
	s6 =	sadd.s32 s21, s4  }
0xa3: {  	[timem:s8], [sflag:s22] =	dma.local [hbm:s6], s20  }
0xa4: {  	_ =	swait.ge [sflag:s22], s20  }
0xa5: {  	s5 =	ssub.s32 $0x0, s20;
	[sflag:s22] =	ssyncset.done $0x0  }
0xa6: {  	[sflag:s22] =	ssyncadd.s32 s5;
	_ =	sdelay $0x1  }
0xa7: {  	s23 =	simm.s32 $0x1B8B  }
0xa8: {  	_ =	swait.ge [sflag:s23], $0x1  }
0xa9: {  	[sflag:s23] =	ssyncset.done $0x0  }
0xaa: {  	s25 =	simm.s32 $0x1B8E;
	s24 =	sld [smem:$0x3FFE];
	[sflag:s23] =	ssyncadd.s32 $0xFFFFFFFF  }
0xab: {  	s26 =	simm.s32 $execute0_lowered;
	[smem:$0x3FD2] =	sst s25  }
0xac: {  	s6 =	sshll.u32 s26, $0x1;
	_ =	strace $0x80000046;
	[dreg:$0x1] =	wrdreg $0xFFFFFFFF  }
0xad: {  	s28 =	simm.s32 $_size_execute0_lowered;
	s4 =	sadd.s32 s4, s6;
	[dreg:$0x0] =	wrdreg $0x0  }
0xae: {  	s6 =	sshll.u32 s28, $0x1;
	[dreg:$0x2] =	wrdreg s4  }
0xaf: {  	[dreg:$0x3] =	wrdreg s6  }
0xb0: {  	[dreg:$0x4] =	wrdreg $0xC0  }
0xb1: {  	_ =	task [dreg:s8], $0x5FFFF  }
0xb2: {  	[dreg:$0x1] =	wrdreg $0xFFFFFFFF  }
0xb3: {  	[dreg:$0x0] =	wrdreg $0x60  }
0xb4: {  	[dreg:$0x2] =	wrdreg s24  }
0xb5: {  	[dreg:$0x3] =	wrdreg s17  }
0xb6: {  	[dreg:$0x4] =	wrdreg s16  }
0xb7: {  	[dreg:$0x5] =	wrdreg $0x0  }
0xb8: {  	[dreg:$0x6] =	wrdreg $0x9  }
0xb9: {  	_ =	task.clear_ibuf [dreg:s8], $0x7FFFF;
	_ =	strace $0x90000046  }
0xba: {  	s29 =	simm.s32 $0x9;
	_ =	strace $0x80000048  }
0xbb: {  	_ =	swait.ge [sflag:s29], $0x1  }
0xbc: {  	[sflag:s29] =	ssyncadd.s32 $0xFFFFFFFF  }
0xbd: {  	_ =	strace $0x90000048  }
0xbe: {  	_ =	sfence  }
0xbf: {  	s30 =	sld [smem:$0x0];
	_ =	sdelay $0x2  }
0xc0: {  	s31 =	sshll.u32 s1, $0xD;
	s1 =	sshrl.u32 s1, $0x2  }
0xc1: {  	s3 =	sand.u32 $0x4000, s31;
	s1 =	sadd.s32 s1, s30  }
0xc2: {  	s0 =	sor.u32 s3, s0;
	s1 =	sshll.u32 s1, $0x11  }
0xc3: {  	s0 =	sor.u32 s1, s0  }
0xc4: {  	s0 =	sadd.s32 $0x8F2B, s0  }
0xc5: {  	[sflag:s0] =	ssyncadd.remote.s32 $0x1  }
0xc6: {  	_ =	sfence.sel $0xFFFF  }
0xc7: {  	[dreg:$0x0] =	wrdreg $0xFFFFFFFF;
	(pc) =	sbr.abs _section_cstart, $3  }
0xc8: {  	[dreg:$0x1] =	wrdreg $0xFFFFFFFF  }
0xc9: {  	_ =	task.clear_ibuf [dreg:s8], $0x2FFFF;
	_ =	strace $0x9FFFFFFF  }
0xca: {  	(tm) =	ssettm $0x7FFFFFFF  }
0xcb: {  	_ =	shalt  }
tec
execute0_lowered:
.L_overlay_start_1:
0x0: {  	(tag) =	ssettag $0x1  }
0x1: {  	s0 =	rddreg [dreg:$0x0]  }
0x2: {  	s4 =	rddreg [dreg:$0x1]  }
0x3: {  	s6 =	rddreg [dreg:$0x2]  }
0x4: {  	s1 =	rddreg [dreg:$0x3];
	s2 =	simm.s32 $0x0  }
0x5: {  	s7 =	srdreg.scid;
	s16 =	stileid.u32;
	s30 =	simm.s32 $0x2  }
0x6: {  	s31 =	simm.s32 $0x18880;
	s28 =	simm.s32 $0x18E80;
	s29 =	simm.s32 $0x19180  }
0x7: {  	[smem:$0x7FF] =	sst s2;
	s3 =	sadd.s32 $0x81E000, s0;
	s17 =	sadd.s32 $0x25E200, s0  }
0x8: {  	s5 =	sadd.s32 $0x6200, s0;
	s18 =	sadd.s32 $0x132200, s0;
	s19 =	sadd.s32 $0xC9800, s0  }
0x9: {  	s7 =	sand.u32 $0x1, s7;
	s8 =	smul.u32 $0xC8, s16;
	s9 =	sadd.s32 $0xCCA00, s0  }
0xa: {  	s10 =	smul.u32 $0x18700, s16;
	s11 =	sadd.s32 $0xCCE00, s0;
	s0 =	sadd.s32 $0xFDC00, s0  }
0xb: {  	s23 =	smul.u32 $0x25800, s16;
	_ =	strace $0x80000047;
	[dreg:$0x8] =	wrdreg s9  }
0xc: {  	s24 =	sshll.u32 s16, $0x6;
	[dreg:$0x9] =	wrdreg s11;
	s12 =	smul.u32 $0x4B0000, s7  }
0xd: {  	s21 =	ssub.s32 $0x2, s7;
	[dreg:$0xa] =	wrdreg s0;
	s13 =	smul.u32 $0x30E000, s7  }
0xe: {  	s14 =	sshllo.u32 s7, $0x1;
	s20 =	sor.u32 $0x1C09, s24;
	[dreg:$0x5] =	wrdreg s17  }
0xf: {  	p0 =	seq.s32 s7, $0x1;
	[dreg:$0x6] =	wrdreg s18;
	s25 =	smul.u32 $0x187000, s14  }
0x10: {  	s22 =	sshrl.u32 s21, $0x1;
	s14 =	smul.u32 $0x258000, s14;
	s24 =	sadd.s32 s10, s1  }
0x11: {  	s0 =	ssub.s32 s21, s22;
	s11 =	sadd.s32 s23, s12;
	s13 =	sadd.s32 s10, s13  }
0x12: {  	[dreg:$0x14] =	wrdreg s24;
	s15 =	sshrl.u32 s11, $0x3;
	s13 =	sshrl.u32 s13, $0x3  }
0x13: {  	s12 =	sadd.s32 s10, s25;
	s9 =	sadd.s32 s23, s14;
	s0 =	smax.u32 s0, $0x1  }
0x14: {  	s25 =	smul.u32 $0x4B00, s16;
	s16 =	smov.u32 s20;
	[dreg:$0x16] =	wrdreg s0  }
0x15: {  	s14 =	sor.u32 $0x3, s8;
	s21 =	sadd.s32 s17, s15;
	[dreg:$0xb] =	wrdreg s16  }
0x16: {  	s20 =	sor.u32 $0x600, s11;
	s26 =	sadd.s32 s4, s13;
	[dreg:$0xc] =	wrdreg s21  }
0x17: {  	s12 =	sshrl.u32 s12, $0x3;
	s13 =	sadd.s32 s6, s13;
	[dreg:$0xd] =	wrdreg s26  }
0x18: {  	s22 =	sadd.s32 s18, s15;
	s15 =	sadd.s32 $0x900, s11;
	[dreg:$0xe] =	wrdreg s13  }
0x19: {  	s4 =	sadd.s32 s4, s12;
	s6 =	sadd.s32 s6, s12;
	[dreg:$0x11] =	wrdreg s22  }
0x1a: {  	s12 =	sor.u32 $0x1, s8;
	s13 =	sor.u32 $0x2, s8;
	[dreg:$0xf] =	wrdreg s4  }
0x1b: {  	s21 =	sshrl.u32 s9, $0x3;
	s26 =	sshrl.u32 s10, $0x3;
	[dreg:$0x10] =	wrdreg s6  }
0x1c: {  	s9 =	smul.u32 $0x60, s14;
	s23 =	sadd.s32 s17, s21;
	[dreg:$0x15] =	wrdreg s26  }
0x1d: {  	s24 =	sadd.s32 s17, s25;
	s8 =	sadd.s32 s18, s21;
	[dreg:$0x12] =	wrdreg s23  }
0x1e: {  	s25 =	sadd.s32 s18, s25;
	[dreg:$0x13] =	wrdreg s8;
	s14 =	sadd.s32 s17, s9  }
0x1f: {  	s4 =	smul.u32 $0x60, s12;
	s0 =	sadd.s32 s18, s9;
	[dreg:$0x1b] =	wrdreg s14  }
0x20: {  	s6 =	smul.u32 $0x60, s13;
	s9 =	sadd.s32 $0xC00, s11;
	[dreg:$0x1c] =	wrdreg s0  }
0x21: {  	s21 =	sor.u32 $0x300, s11;
	s10 =	sadd.s32 s17, s4;
	[smem:$0x7F5] =	sst s9  }
0x22: {  	s8 =	sadd.s32 $0x258C00, s11;
	s4 =	sadd.s32 s18, s4;
	[dreg:$0x17] =	wrdreg s10  }
0x23: {  	s12 =	sadd.s32 s17, s6;
	s13 =	sadd.s32 s18, s6;
	[dreg:$0x18] =	wrdreg s4  }
0x24: {  	s0 =	sshrl.u32 s15, $0x3;
	s6 =	sshrl.u32 s21, $0x3;
	[dreg:$0x19] =	wrdreg s12  }
0x25: {  	s9 =	simm.s32 $0x6;
	[dreg:$0x1a] =	wrdreg s13;
	s4 =	sshrl.u32 s20, $0x3  }
0x26: {  	s22 =	sadd.s32 s0, s17;
	s0 =	sadd.s32 s0, s18;
	s7 =	sadd.s32 s6, s18  }
0x27: {  	s10 =	sadd.s32 $0x258900, s11;
	s12 =	sadd.s32 $0x258600, s11;
	[dreg:$0x1d] =	wrdreg s22  }
0x28: {  	s13 =	sadd.s32 $0x258300, s11;
	s11 =	simm.s32 $0x18B80;
	[dreg:$0x1e] =	wrdreg s0  }
0x29: {  	s23 =	sadd.s32 s4, s17;
	s26 =	sadd.s32 s4, s18;
	s4 =	sadd.s32 s6, s17  }
0x2a: {  	[smem:$0x7F4] =	sst s7;
	s0 =	sshrl.u32 s8, $0x3;
	s6 =	sshrl.u32 s12, $0x3  }
0x2b: {  	s7 =	sshrl.u32 s13, $0x3;
	s8 =	simm.s32 $0x1AB00;
	[dreg:$0x1f] =	wrdreg s23  }
0x2c: {  	s12 =	simm.s32 $0x18D00;
	s13 =	simm.s32 $0x7;
	[smem:$0x7F2] =	sst s26  }
0x2d: {  	[smem:$0x7F3] =	sst s4;
	s4 =	sshrl.u32 s10, $0x3;
	s14 =	sadd.s32 s0, s17  }
0x2e: {  	s0 =	sadd.s32 s0, s18;
	s21 =	sadd.s32 s6, s17;
	[smem:$0x7F6] =	sst s14  }
0x2f: {  	s22 =	sadd.s32 s6, s18;
	s23 =	sadd.s32 s7, s17;
	[smem:$0x7F7] =	sst s0  }
0x30: {  	s26 =	sadd.s32 s7, s18;
	s6 =	simm.s32 $0x3;
	[smem:$0x7FA] =	sst s21  }
0x31: {  	s10 =	simm.s32 $0x0;
	s15 =	sadd.s32 s4, s17;
	[smem:$0x7FB] =	sst s22  }
0x32: {  	s20 =	sadd.s32 s4, s18;
	[smem:$0x7FC] =	sst s23;
	s17 =	smov.u32 s19  }
.Ltmp0:
0x33: {  	[smem:$0x7FD] =	sst s26;
	s18 =	simm.s32 $0x9;
	(pc) =	sbr.rel .LBB2_1-.Ltmp0, $4  }
0x34: {  	s19 =	simm.s32 $0x18700;
	s21 =	simm.s32 $0x180;
	s22 =	simm.s32 $0x19300  }
0x35: {  	s23 =	simm.s32 $0x18A00;
	s0 =	simm.s32 $0x19000;
	[smem:$0x7F8] =	sst s15  }
0x36: {  	s4 =	simm.s32 $0x4;
	s26 =	simm.s32 $0x5;
	[smem:$0x7F9] =	sst s20  }
0x37: {  	s14 =	simm.s32 $0x8;
	s20 =	simm.s32 $0x1;
	[dreg:$0x7] =	wrdreg s17  }
.LBB2_19:
0x38: {  	[spmem:s1] =	stream.indirect.scatter.add.f32 [tilespmem:s22], [sflag:$0x8], $0x10, s29, s21, $0xb8;
	[tilespmem:$0x1F300] =	vst v63  }
0x39: {  	s15 =	rddreg [dreg:$0xa]  }
0x3a: {  	s10 =	sld [smem:$0x7F0]  }
.LBB2_20:
0x3b: {  	_ =	swait.ge [sflag:s26], $0x1800  }
0x3c: {  	[sflag:s26] =	ssyncset.done $0x0  }
0x3d: {  	[sflag:s26] =	ssyncadd.s32 $0xFFFFE800  }
0x3e: {  	_ =	swait.ge [sflag:s9], $0x1800  }
0x3f: {  	[sflag:s9] =	ssyncset.done $0x0  }
0x40: {  	[sflag:s9] =	ssyncadd.s32 $0xFFFFE800  }
0x41: {  	_ =	swait.ge [sflag:s13], $0x1800  }
0x42: {  	[sflag:s13] =	ssyncset.done $0x0  }
0x43: {  	[sflag:s13] =	ssyncadd.s32 $0xFFFFE800  }
0x44: {  	_ =	swait.ge [sflag:s14], $0x1800  }
0x45: {  	[sflag:s14] =	ssyncset.done $0x0  }
0x46: {  	[sflag:s14] =	ssyncadd.s32 $0xFFFFE800  }
0x47: {  	s7 =	rddreg [dreg:$0x15];
	[bflag:$0x0] =	sbarrier.arrive $0xFFFF  }
0x48: {  	s7 =	sadd.s32 s15, s7;
	s15 =	sld [smem:$0x7F1];
	_ =	sdelay $0x2  }
0x49: {  	[hbm:s7], [sflag:s16] =	dma.local [spmem:s15], $0x30E0  }
0x4a: {  	_ =	swait.ge [sflag:s18], $0x30E0  }
0x4b: {  	s10 =	sadd.s32 $0x1, s10;
	s15 =	rddreg [dreg:$0x16]  }
0x4c: {  	p1 =	sne.s32 s10, s15  }
.Ltmp1:
0x4d: {  	_ = 	snop;
	(pc) =	sbr.rel @!p1 .LBB2_21-.Ltmp1, $3  }
0x4e: {  	_ =	sdelay $0x1  }
0x4f: {  	[sflag:s18] =	ssyncset.done $0x0  }
0x50: {  	[sflag:s18] =	ssyncadd.s32 $0xFFFFCF20  }
.LBB2_1:
0x51: {  	s7 =	rddreg [dreg:$0x14]  }
0x52: {  	[smem:$0x7F0] =	sst s10;
	s7 =	sshrl.u32 s7, $0x3  }
0x53: {  	[smem:$0x7F1] =	sst s7  }
0x54: {  	[spmem:s7], [sflag:s16] =	dma.local [hbm:s17], $0x30E0  }
0x55: {  	_ =	swait.ge [sflag:s18], $0x30E0  }
0x56: {  	[sflag:s18] =	ssyncset.done $0x0  }
0x57: {  	[sflag:s18] =	ssyncadd.s32 $0xFFFFCF20  }
0x58: {  	[bflag:$0x0] =	sbarrier.arrive $0xFFFF  }
0x59: {  	s17 =	rddreg [dreg:$0xc]  }
0x5a: {  	s15 =	simm.s32 $0x0;
	s16 =	sld [smem:$0x7F5]  }
0x5b: {  	[tilespmem:s19], [sflag:$0x1] =	stream.linear.gather [hbm4b:s17+s2], $0x300, $0x38;
	[tilespmem:$0x1F300] =	vst v63  }
.LBB2_2:
0x5c: {  	_ =	swait.ge [sflag:s20], $0x300  }
0x5d: {  	p1 =	seq.s32 s15, $0x0;
	[sflag:s20] =	ssyncset.done $0x0  }
0x5e: {  	s17 =	simm.s32 @!p1 $0x3;
	[sflag:s20] =	ssyncadd.s32 $0xFFFFFD00  }
0x5f: {  	[tilespmem:s22], [sflag:$0x1] =	stream.indirect.gather [hbm4b:s3+s21], $0x10, s19, s21, $0xb8;
	[tilespmem:$0x1F300] =	vst v63  }
0x60: {  	_ =	swait.ge @!p1 [sflag:s17], $0x1800  }
0x61: {  	s7 =	simm.s32 @!p1 $0x18E80;
	[sflag:s17] =	ssyncset.done @!p1 $0x0  }
0x62: {  	s10 =	simm.s32 @!p1 $0x1C300;
	[sflag:s17] =	ssyncadd.s32 @!p1 $0xFFFFE800;
	s17 =	simm.s32 @!p1 $0x180  }
0x63: {  	[spmem:s1] =	stream.indirect.scatter.add.f32 @!p1 [tilespmem:s10], [sflag:$0x7], $0x10, s7, s17, $0xb8;
	[tilespmem:$0x1F300] =	vst v63  }
0x64: {  	s7 =	simm.s32 @!p1 $0x6  }
0x65: {  	_ =	swait.ge @!p1 [sflag:s7], $0x1800  }
0x66: {  	s10 =	sld [smem:$0x7F3];
	_ =	sdelay $0x1  }
0x67: {  	[sflag:s7] =	ssyncset.done @!p1 $0x0  }
0x68: {  	[sflag:s7] =	ssyncadd.s32 @!p1 $0xFFFFE800;
	s7 =	sadd.s32 s15, s10  }
0x69: {  	[tilespmem:s23], [sflag:$0x2] =	stream.linear.gather [hbm4b:s7+s2], $0x300, $0x38;
	[tilespmem:$0x1F300] =	vst v63  }
0x6a: {  	_ =	swait.ge [sflag:s30], $0x300  }
0x6b: {  	[sflag:s30] =	ssyncset.done $0x0  }
0x6c: {  	s7 =	simm.s32 @!p1 $0x4;
	[sflag:s30] =	ssyncadd.s32 $0xFFFFFD00  }
0x6d: {  	[tilespmem:s8], [sflag:$0x2] =	stream.indirect.gather [hbm4b:s3+s21], $0x10, s23, s21, $0xb8;
	[tilespmem:$0x1F300] =	vst v63  }
0x6e: {  	_ =	swait.ge @!p1 [sflag:s7], $0x1800  }
0x6f: {  	[sflag:s7] =	ssyncset.done @!p1 $0x0  }
0x70: {  	s10 =	simm.s32 @!p1 $0x1DB00;
	[sflag:s7] =	ssyncadd.s32 @!p1 $0xFFFFE800;
	s7 =	simm.s32 @!p1 $0x19180  }
0x71: {  	[spmem:s1] =	stream.indirect.scatter.add.f32 @!p1 [tilespmem:s10], [sflag:$0x8], $0x10, s7, s17, $0xb8;
	[tilespmem:$0x1F300] =	vst v63  }
0x72: {  	s7 =	simm.s32 @!p1 $0x7  }
0x73: {  	_ =	swait.ge @!p1 [sflag:s7], $0x1800  }
0x74: {  	[sflag:s7] =	ssyncset.done @!p1 $0x0;
	s10 =	rddreg [dreg:$0x1f]  }
0x75: {  	[sflag:s7] =	ssyncadd.s32 @!p1 $0xFFFFE800;
	s7 =	sadd.s32 s15, s10  }
0x76: {  	[tilespmem:s12], [sflag:$0x3] =	stream.linear.gather [hbm4b:s7+s2], $0x300, $0x38;
	[tilespmem:$0x1F300] =	vst v63  }
0x77: {  	_ =	swait.ge [sflag:s6], $0x300  }
0x78: {  	[sflag:s6] =	ssyncset.done $0x0  }
0x79: {  	s17 =	simm.s32 $0x1C300;
	[sflag:s6] =	ssyncadd.s32 $0xFFFFFD00  }
0x7a: {  	[tilespmem:s17], [sflag:$0x3] =	stream.indirect.gather [hbm4b:s3+s21], $0x10, s12, s21, $0xb8;
	[tilespmem:$0x1F300] =	vst v63  }
0x7b: {  	_ =	swait.ge [sflag:s20], $0x1800  }
0x7c: {  	[sflag:s20] =	ssyncset.done $0x0  }
0x7d: {  	s7 =	simm.s32 @!p1 $0x8;
	[sflag:s20] =	ssyncadd.s32 $0xFFFFE800  }
0x7e: {  	[spmem:s1] =	stream.indirect.scatter.add.f32 [tilespmem:s22], [sflag:$0x5], $0x10, s31, s21, $0xb8;
	[tilespmem:$0x1F300] =	vst v63  }
0x7f: {  	_ =	swait.ge @!p1 [sflag:s7], $0x1800  }
0x80: {  	[sflag:s7] =	ssyncset.done @!p1 $0x0;
	s10 =	rddreg [dreg:$0x1d]  }
0x81: {  	[sflag:s7] =	ssyncadd.s32 @!p1 $0xFFFFE800;
	s7 =	sadd.s32 s15, s10  }
0x82: {  	[tilespmem:s0], [sflag:$0x4] =	stream.linear.gather [hbm4b:s7+s2], $0x300, $0x38;
	[tilespmem:$0x1F300] =	vst v63  }
0x83: {  	_ =	swait.ge [sflag:s4], $0x300  }
0x84: {  	[sflag:s4] =	ssyncset.done $0x0  }
0x85: {  	s17 =	simm.s32 $0x1DB00;
	[sflag:s4] =	ssyncadd.s32 $0xFFFFFD00  }
0x86: {  	[tilespmem:s17], [sflag:$0x4] =	stream.indirect.gather [hbm4b:s3+s21], $0x10, s0, s21, $0xb8;
	[tilespmem:$0x1F300] =	vst v63  }
0x87: {  	_ =	swait.ge [sflag:s30], $0x1800  }
0x88: {  	p1 =	seq.s32 s15, $0x4980;
	[sflag:s30] =	ssyncset.done $0x0  }
.Ltmp2:
0x89: {  	[sflag:s30] =	ssyncadd.s32 $0xFFFFE800;
	(pc) =	sbr.rel @p1 .LBB2_4-.Ltmp2, $4  }
0x8a: {  	[spmem:s1] =	stream.indirect.scatter.add.f32 [tilespmem:s8], [sflag:$0x6], $0x10, s11, s21, $0xb8;
	[tilespmem:$0x1F300] =	vst v63  }
0x8b: {  	_ =	swait.ge [sflag:s26], $0x1800  }
0x8c: {  	[sflag:s26] =	ssyncset.done $0x0  }
0x8d: {  	[sflag:s26] =	ssyncadd.s32 $0xFFFFE800  }
.Ltmp3:
0x8e: {  	(pc) =	sbr.rel .LBB2_2-.Ltmp3, $4  }
0x8f: {  	_ = 	snop  }
0x90: {  	s7 =	sshrl.u32 s16, $0x3;
	s10 =	rddreg [dreg:$0x5]  }
0x91: {  	s16 =	sadd.s32 $0xC00, s16;
	s15 =	sadd.s32 $0x180, s15;
	s7 =	sadd.s32 s10, s7  }
0x92: {  	[tilespmem:s19], [sflag:$0x1] =	stream.linear.gather [hbm4b:s7+s2], $0x300, $0x38;
	[tilespmem:$0x1F300] =	vst v63  }
.LBB2_4:
0x93: {  	_ =	swait.ge [sflag:s6], $0x1800  }
0x94: {  	[sflag:s6] =	ssyncset.done $0x0  }
0x95: {  	s7 =	simm.s32 $0x1C300;
	[sflag:s6] =	ssyncadd.s32 $0xFFFFE800  }
0x96: {  	[spmem:s1] =	stream.indirect.scatter.add.f32 [tilespmem:s7], [sflag:$0x7], $0x10, s28, s21, $0xb8;
	[tilespmem:$0x1F300] =	vst v63  }
0x97: {  	_ =	swait.ge [sflag:s4], $0x1800  }
0x98: {  	[sflag:s4] =	ssyncset.done $0x0  }
0x99: {  	s16 =	simm.s32 $0x1DB00;
	[sflag:s4] =	ssyncadd.s32 $0xFFFFE800  }
0x9a: {  	[spmem:s1] =	stream.indirect.scatter.add.f32 [tilespmem:s16], [sflag:$0x8], $0x10, s29, s21, $0xb8;
	[tilespmem:$0x1F300] =	vst v63  }
0x9b: {  	_ =	swait.ge [sflag:s9], $0x1800  }
0x9c: {  	[sflag:s9] =	ssyncset.done $0x0  }
0x9d: {  	[sflag:s9] =	ssyncadd.s32 $0xFFFFE800  }
0x9e: {  	_ =	swait.ge [sflag:s13], $0x1800  }
0x9f: {  	[sflag:s13] =	ssyncset.done $0x0  }
0xa0: {  	[sflag:s13] =	ssyncadd.s32 $0xFFFFE800  }
0xa1: {  	_ =	swait.ge [sflag:s14], $0x1800  }
0xa2: {  	[sflag:s14] =	ssyncset.done $0x0  }
0xa3: {  	[sflag:s14] =	ssyncadd.s32 $0xFFFFE800  }
0xa4: {  	[bflag:$0x0] =	sbarrier.arrive $0xFFFF  }
0xa5: {  	s15 =	sld [smem:$0x7F1]  }
0xa6: {  	s10 =	rddreg [dreg:$0xb]  }
0xa7: {  	s17 =	rddreg [dreg:$0xd]  }
0xa8: {  	[hbm:s17], [sflag:s10] =	dma.local [spmem:s15], $0x30E0  }
0xa9: {  	_ =	swait.ge [sflag:s18], $0x30E0  }
0xaa: {  	[sflag:s18] =	ssyncset.done $0x0  }
0xab: {  	s16 =	rddreg [dreg:$0x7];
	[sflag:s18] =	ssyncadd.s32 $0xFFFFCF20  }
0xac: {  	[spmem:s15], [sflag:s10] =	dma.local [hbm:s16], $0x30E0  }
0xad: {  	_ =	swait.ge [sflag:s18], $0x30E0  }
0xae: {  	[sflag:s18] =	ssyncset.done $0x0  }
0xaf: {  	[sflag:s18] =	ssyncadd.s32 $0xFFFFCF20  }
0xb0: {  	[bflag:$0x0] =	sbarrier.arrive $0xFFFF  }
0xb1: {  	s17 =	rddreg [dreg:$0x11]  }
0xb2: {  	s15 =	simm.s32 $0x0;
	s16 =	sld [smem:$0x7F5]  }
0xb3: {  	[tilespmem:s19], [sflag:$0x1] =	stream.linear.gather [hbm4b:s17+s15], $0x300, $0x38;
	[tilespmem:$0x1F300] =	vst v63  }
.LBB2_5:
0xb4: {  	_ =	swait.ge [sflag:s20], $0x300  }
0xb5: {  	p1 =	seq.s32 s15, $0x0;
	[sflag:s20] =	ssyncset.done $0x0  }
0xb6: {  	s7 =	simm.s32 @!p1 $0x3;
	[sflag:s20] =	ssyncadd.s32 $0xFFFFFD00  }
0xb7: {  	[tilespmem:s22], [sflag:$0x1] =	stream.indirect.gather [hbm4b:s5+s21], $0x10, s19, s21, $0xb8;
	[tilespmem:$0x1F300] =	vst v63  }
0xb8: {  	_ =	swait.ge @!p1 [sflag:s7], $0x1800  }
0xb9: {  	s10 =	simm.s32 @!p1 $0x18E80;
	[sflag:s7] =	ssyncset.done @!p1 $0x0  }
0xba: {  	s17 =	simm.s32 @!p1 $0x1C300;
	[sflag:s7] =	ssyncadd.s32 @!p1 $0xFFFFE800;
	s7 =	simm.s32 @!p1 $0x180  }
0xbb: {  	[spmem:s1] =	stream.indirect.scatter.add.f32 @!p1 [tilespmem:s17], [sflag:$0x7], $0x10, s10, s7, $0xb8;
	[tilespmem:$0x1F300] =	vst v63  }
0xbc: {  	s10 =	simm.s32 @!p1 $0x6  }
0xbd: {  	_ =	swait.ge @!p1 [sflag:s10], $0x1800  }
0xbe: {  	s17 =	sld [smem:$0x7F4];
	_ =	sdelay $0x1  }
0xbf: {  	[sflag:s10] =	ssyncset.done @!p1 $0x0  }
0xc0: {  	[sflag:s10] =	ssyncadd.s32 @!p1 $0xFFFFE800;
	s10 =	sadd.s32 s15, s17  }
0xc1: {  	[tilespmem:s23], [sflag:$0x2] =	stream.linear.gather [hbm4b:s10+s2], $0x300, $0x38;
	[tilespmem:$0x1F300] =	vst v63  }
0xc2: {  	_ =	swait.ge [sflag:s30], $0x300  }
0xc3: {  	[sflag:s30] =	ssyncset.done $0x0  }
0xc4: {  	s10 =	simm.s32 @!p1 $0x4;
	[sflag:s30] =	ssyncadd.s32 $0xFFFFFD00  }
0xc5: {  	[tilespmem:s8], [sflag:$0x2] =	stream.indirect.gather [hbm4b:s5+s21], $0x10, s23, s21, $0xb8;
	[tilespmem:$0x1F300] =	vst v63  }
0xc6: {  	_ =	swait.ge @!p1 [sflag:s10], $0x1800  }
0xc7: {  	[sflag:s10] =	ssyncset.done @!p1 $0x0  }
0xc8: {  	s17 =	simm.s32 @!p1 $0x1DB00;
	[sflag:s10] =	ssyncadd.s32 @!p1 $0xFFFFE800;
	s10 =	simm.s32 @!p1 $0x19180  }
0xc9: {  	[spmem:s1] =	stream.indirect.scatter.add.f32 @!p1 [tilespmem:s17], [sflag:$0x8], $0x10, s10, s7, $0xb8;
	[tilespmem:$0x1F300] =	vst v63  }
0xca: {  	s7 =	simm.s32 @!p1 $0x7  }
0xcb: {  	_ =	swait.ge @!p1 [sflag:s7], $0x1800  }
0xcc: {  	s10 =	sld [smem:$0x7F2];
	_ =	sdelay $0x1  }
0xcd: {  	[sflag:s7] =	ssyncset.done @!p1 $0x0  }
0xce: {  	[sflag:s7] =	ssyncadd.s32 @!p1 $0xFFFFE800;
	s7 =	sadd.s32 s15, s10  }
0xcf: {  	[tilespmem:s12], [sflag:$0x3] =	stream.linear.gather [hbm4b:s7+s2], $0x300, $0x38;
	[tilespmem:$0x1F300] =	vst v63  }
0xd0: {  	_ =	swait.ge [sflag:s6], $0x300  }
0xd1: {  	[sflag:s6] =	ssyncset.done $0x0  }
0xd2: {  	s17 =	simm.s32 $0x1C300;
	[sflag:s6] =	ssyncadd.s32 $0xFFFFFD00  }
0xd3: {  	[tilespmem:s17], [sflag:$0x3] =	stream.indirect.gather [hbm4b:s5+s21], $0x10, s12, s21, $0xb8;
	[tilespmem:$0x1F300] =	vst v63  }
0xd4: {  	_ =	swait.ge [sflag:s20], $0x1800  }
0xd5: {  	[sflag:s20] =	ssyncset.done $0x0  }
0xd6: {  	s7 =	simm.s32 @!p1 $0x8;
	[sflag:s20] =	ssyncadd.s32 $0xFFFFE800  }
0xd7: {  	[spmem:s1] =	stream.indirect.scatter.add.f32 [tilespmem:s22], [sflag:$0x5], $0x10, s31, s21, $0xb8;
	[tilespmem:$0x1F300] =	vst v63  }
0xd8: {  	_ =	swait.ge @!p1 [sflag:s7], $0x1800  }
0xd9: {  	[sflag:s7] =	ssyncset.done @!p1 $0x0;
	s10 =	rddreg [dreg:$0x1e]  }
0xda: {  	[sflag:s7] =	ssyncadd.s32 @!p1 $0xFFFFE800;
	s7 =	sadd.s32 s15, s10  }
0xdb: {  	[tilespmem:s0], [sflag:$0x4] =	stream.linear.gather [hbm4b:s7+s2], $0x300, $0x38;
	[tilespmem:$0x1F300] =	vst v63  }
0xdc: {  	_ =	swait.ge [sflag:s4], $0x300  }
0xdd: {  	[sflag:s4] =	ssyncset.done $0x0  }
0xde: {  	s17 =	simm.s32 $0x1DB00;
	[sflag:s4] =	ssyncadd.s32 $0xFFFFFD00  }
0xdf: {  	[tilespmem:s17], [sflag:$0x4] =	stream.indirect.gather [hbm4b:s5+s21], $0x10, s0, s21, $0xb8;
	[tilespmem:$0x1F300] =	vst v63  }
0xe0: {  	_ =	swait.ge [sflag:s30], $0x1800  }
0xe1: {  	p1 =	seq.s32 s15, $0x4980;
	[sflag:s30] =	ssyncset.done $0x0  }
.Ltmp4:
0xe2: {  	[sflag:s30] =	ssyncadd.s32 $0xFFFFE800;
	(pc) =	sbr.rel @p1 .LBB2_7-.Ltmp4, $4  }
0xe3: {  	[spmem:s1] =	stream.indirect.scatter.add.f32 [tilespmem:s8], [sflag:$0x6], $0x10, s11, s21, $0xb8;
	[tilespmem:$0x1F300] =	vst v63  }
0xe4: {  	_ =	swait.ge [sflag:s26], $0x1800  }
0xe5: {  	[sflag:s26] =	ssyncset.done $0x0  }
0xe6: {  	[sflag:s26] =	ssyncadd.s32 $0xFFFFE800  }
.Ltmp5:
0xe7: {  	(pc) =	sbr.rel .LBB2_5-.Ltmp5, $4  }
0xe8: {  	_ = 	snop  }
0xe9: {  	s7 =	sshrl.u32 s16, $0x3;
	s10 =	rddreg [dreg:$0x6]  }
0xea: {  	s16 =	sadd.s32 $0xC00, s16;
	s15 =	sadd.s32 $0x180, s15;
	s7 =	sadd.s32 s10, s7  }
0xeb: {  	[tilespmem:s19], [sflag:$0x1] =	stream.linear.gather [hbm4b:s7+s2], $0x300, $0x38;
	[tilespmem:$0x1F300] =	vst v63  }
.LBB2_7:
0xec: {  	_ =	swait.ge [sflag:s6], $0x1800  }
0xed: {  	[sflag:s6] =	ssyncset.done $0x0  }
0xee: {  	s7 =	simm.s32 $0x1C300;
	[sflag:s6] =	ssyncadd.s32 $0xFFFFE800  }
0xef: {  	[spmem:s1] =	stream.indirect.scatter.add.f32 [tilespmem:s7], [sflag:$0x7], $0x10, s28, s21, $0xb8;
	[tilespmem:$0x1F300] =	vst v63  }
0xf0: {  	_ =	swait.ge [sflag:s4], $0x1800  }
0xf1: {  	[sflag:s4] =	ssyncset.done $0x0  }
0xf2: {  	s15 =	simm.s32 $0x1DB00;
	[sflag:s4] =	ssyncadd.s32 $0xFFFFE800  }
0xf3: {  	[spmem:s1] =	stream.indirect.scatter.add.f32 [tilespmem:s15], [sflag:$0x8], $0x10, s29, s21, $0xb8;
	[tilespmem:$0x1F300] =	vst v63  }
0xf4: {  	_ =	swait.ge [sflag:s9], $0x1800  }
0xf5: {  	[sflag:s9] =	ssyncset.done $0x0  }
0xf6: {  	[sflag:s9] =	ssyncadd.s32 $0xFFFFE800  }
0xf7: {  	_ =	swait.ge [sflag:s13], $0x1800  }
0xf8: {  	[sflag:s13] =	ssyncset.done $0x0  }
0xf9: {  	[sflag:s13] =	ssyncadd.s32 $0xFFFFE800  }
0xfa: {  	_ =	swait.ge [sflag:s14], $0x1800  }
0xfb: {  	[sflag:s14] =	ssyncset.done $0x0  }
0xfc: {  	[sflag:s14] =	ssyncadd.s32 $0xFFFFE800  }
0xfd: {  	[bflag:$0x0] =	sbarrier.arrive $0xFFFF  }
0xfe: {  	s15 =	sld [smem:$0x7F1]  }
0xff: {  	s16 =	rddreg [dreg:$0xb]  }
0x100: {  	s10 =	rddreg [dreg:$0xe]  }
0x101: {  	[hbm:s10], [sflag:s16] =	dma.local [spmem:s15], $0x30E0  }
0x102: {  	_ =	swait.ge [sflag:s18], $0x30E0  }
0x103: {  	[sflag:s18] =	ssyncset.done $0x0  }
0x104: {  	s17 =	rddreg [dreg:$0x7];
	[sflag:s18] =	ssyncadd.s32 $0xFFFFCF20  }
0x105: {  	[spmem:s15], [sflag:s16] =	dma.local [hbm:s17], $0x30E0  }
0x106: {  	_ =	swait.ge [sflag:s18], $0x30E0  }
0x107: {  	[sflag:s18] =	ssyncset.done $0x0  }
0x108: {  	[sflag:s18] =	ssyncadd.s32 $0xFFFFCF20  }
0x109: {  	[bflag:$0x0] =	sbarrier.arrive $0xFFFF  }
0x10a: {  	s15 =	simm.s32 $0x0;
	s16 =	rddreg [dreg:$0x12]  }
0x10b: {  	[tilespmem:s19], [sflag:$0x1] =	stream.linear.gather [hbm4b:s16+s15], $0x300, $0x38;
	[tilespmem:$0x1F300] =	vst v63  }
.LBB2_8:
0x10c: {  	_ =	swait.ge [sflag:s20], $0x300  }
0x10d: {  	p1 =	seq.s32 s15, $0x0;
	[sflag:s20] =	ssyncset.done $0x0  }
0x10e: {  	s7 =	simm.s32 @!p1 $0x3;
	[sflag:s20] =	ssyncadd.s32 $0xFFFFFD00  }
0x10f: {  	[tilespmem:s22], [sflag:$0x1] =	stream.indirect.gather [hbm4b:s3+s21], $0x10, s19, s21, $0xb8;
	[tilespmem:$0x1F300] =	vst v63  }
0x110: {  	_ =	swait.ge @!p1 [sflag:s7], $0x1800  }
0x111: {  	s10 =	simm.s32 @!p1 $0x18E80;
	[sflag:s7] =	ssyncset.done @!p1 $0x0  }
0x112: {  	s16 =	simm.s32 @!p1 $0x1C300;
	[sflag:s7] =	ssyncadd.s32 @!p1 $0xFFFFE800;
	s7 =	simm.s32 @!p1 $0x180  }
0x113: {  	[spmem:s1] =	stream.indirect.scatter.add.f32 @!p1 [tilespmem:s16], [sflag:$0x7], $0x10, s10, s7, $0xb8;
	[tilespmem:$0x1F300] =	vst v63  }
0x114: {  	s10 =	simm.s32 @!p1 $0x6  }
0x115: {  	_ =	swait.ge @!p1 [sflag:s10], $0x1800  }
0x116: {  	s16 =	sld [smem:$0x7FC];
	_ =	sdelay $0x1  }
0x117: {  	[sflag:s10] =	ssyncset.done @!p1 $0x0  }
0x118: {  	[sflag:s10] =	ssyncadd.s32 @!p1 $0xFFFFE800;
	s10 =	sadd.s32 s15, s16  }
0x119: {  	[tilespmem:s23], [sflag:$0x2] =	stream.linear.gather [hbm4b:s10+s2], $0x300, $0x38;
	[tilespmem:$0x1F300] =	vst v63  }
0x11a: {  	_ =	swait.ge [sflag:s30], $0x300  }
0x11b: {  	[sflag:s30] =	ssyncset.done $0x0  }
0x11c: {  	s10 =	simm.s32 @!p1 $0x4;
	[sflag:s30] =	ssyncadd.s32 $0xFFFFFD00  }
0x11d: {  	[tilespmem:s8], [sflag:$0x2] =	stream.indirect.gather [hbm4b:s3+s21], $0x10, s23, s21, $0xb8;
	[tilespmem:$0x1F300] =	vst v63  }
0x11e: {  	_ =	swait.ge @!p1 [sflag:s10], $0x1800  }
0x11f: {  	[sflag:s10] =	ssyncset.done @!p1 $0x0  }
0x120: {  	s16 =	simm.s32 @!p1 $0x1DB00;
	[sflag:s10] =	ssyncadd.s32 @!p1 $0xFFFFE800;
	s10 =	simm.s32 @!p1 $0x19180  }
0x121: {  	[spmem:s1] =	stream.indirect.scatter.add.f32 @!p1 [tilespmem:s16], [sflag:$0x8], $0x10, s10, s7, $0xb8;
	[tilespmem:$0x1F300] =	vst v63  }
0x122: {  	s7 =	simm.s32 @!p1 $0x7  }
0x123: {  	_ =	swait.ge @!p1 [sflag:s7], $0x1800  }
0x124: {  	s10 =	sld [smem:$0x7FA];
	_ =	sdelay $0x1  }
0x125: {  	[sflag:s7] =	ssyncset.done @!p1 $0x0  }
0x126: {  	[sflag:s7] =	ssyncadd.s32 @!p1 $0xFFFFE800;
	s7 =	sadd.s32 s15, s10  }
0x127: {  	[tilespmem:s12], [sflag:$0x3] =	stream.linear.gather [hbm4b:s7+s2], $0x300, $0x38;
	[tilespmem:$0x1F300] =	vst v63  }
0x128: {  	_ =	swait.ge [sflag:s6], $0x300  }
0x129: {  	[sflag:s6] =	ssyncset.done $0x0  }
0x12a: {  	s16 =	simm.s32 $0x1C300;
	[sflag:s6] =	ssyncadd.s32 $0xFFFFFD00  }
0x12b: {  	[tilespmem:s16], [sflag:$0x3] =	stream.indirect.gather [hbm4b:s3+s21], $0x10, s12, s21, $0xb8;
	[tilespmem:$0x1F300] =	vst v63  }
0x12c: {  	_ =	swait.ge [sflag:s20], $0x1800  }
0x12d: {  	[sflag:s20] =	ssyncset.done $0x0  }
0x12e: {  	s7 =	simm.s32 @!p1 $0x8;
	[sflag:s20] =	ssyncadd.s32 $0xFFFFE800  }
0x12f: {  	[spmem:s1] =	stream.indirect.scatter.add.f32 [tilespmem:s22], [sflag:$0x5], $0x10, s31, s21, $0xb8;
	[tilespmem:$0x1F300] =	vst v63  }
0x130: {  	_ =	swait.ge @!p1 [sflag:s7], $0x1800  }
0x131: {  	s10 =	sld [smem:$0x7F8];
	_ =	sdelay $0x1  }
0x132: {  	[sflag:s7] =	ssyncset.done @!p1 $0x0  }
0x133: {  	[sflag:s7] =	ssyncadd.s32 @!p1 $0xFFFFE800;
	s7 =	sadd.s32 s15, s10  }
0x134: {  	[tilespmem:s0], [sflag:$0x4] =	stream.linear.gather [hbm4b:s7+s2], $0x300, $0x38;
	[tilespmem:$0x1F300] =	vst v63  }
0x135: {  	_ =	swait.ge [sflag:s4], $0x300  }
0x136: {  	[sflag:s4] =	ssyncset.done $0x0  }
0x137: {  	s16 =	simm.s32 $0x1DB00;
	[sflag:s4] =	ssyncadd.s32 $0xFFFFFD00  }
0x138: {  	[tilespmem:s16], [sflag:$0x4] =	stream.indirect.gather [hbm4b:s3+s21], $0x10, s0, s21, $0xb8;
	[tilespmem:$0x1F300] =	vst v63  }
0x139: {  	_ =	swait.ge [sflag:s30], $0x1800  }
0x13a: {  	p1 =	seq.s32 s15, $0x4980;
	[sflag:s30] =	ssyncset.done $0x0  }
.Ltmp6:
0x13b: {  	[sflag:s30] =	ssyncadd.s32 $0xFFFFE800;
	(pc) =	sbr.rel @p1 .LBB2_10-.Ltmp6, $4  }
0x13c: {  	[spmem:s1] =	stream.indirect.scatter.add.f32 [tilespmem:s8], [sflag:$0x6], $0x10, s11, s21, $0xb8;
	[tilespmem:$0x1F300] =	vst v63  }
0x13d: {  	_ =	swait.ge [sflag:s26], $0x1800  }
0x13e: {  	[sflag:s26] =	ssyncset.done $0x0  }
0x13f: {  	[sflag:s26] =	ssyncadd.s32 $0xFFFFE800  }
.Ltmp7:
0x140: {  	s7 =	sld [smem:$0x7F6];
	(pc) =	sbr.rel .LBB2_8-.Ltmp7, $3  }
0x141: {  	_ =	sdelay $0x1  }
0x142: {  	s7 =	sadd.s32 s15, s7;
	s15 =	sadd.s32 $0x180, s15  }
0x143: {  	[tilespmem:s19], [sflag:$0x1] =	stream.linear.gather [hbm4b:s7+s2], $0x300, $0x38;
	[tilespmem:$0x1F300] =	vst v63  }
.LBB2_10:
0x144: {  	_ =	swait.ge [sflag:s6], $0x1800  }
0x145: {  	[sflag:s6] =	ssyncset.done $0x0  }
0x146: {  	s7 =	simm.s32 $0x1C300;
	[sflag:s6] =	ssyncadd.s32 $0xFFFFE800  }
0x147: {  	[spmem:s1] =	stream.indirect.scatter.add.f32 [tilespmem:s7], [sflag:$0x7], $0x10, s28, s21, $0xb8;
	[tilespmem:$0x1F300] =	vst v63  }
0x148: {  	_ =	swait.ge [sflag:s4], $0x1800  }
0x149: {  	[sflag:s4] =	ssyncset.done $0x0  }
0x14a: {  	s15 =	simm.s32 $0x1DB00;
	[sflag:s4] =	ssyncadd.s32 $0xFFFFE800  }
0x14b: {  	[spmem:s1] =	stream.indirect.scatter.add.f32 [tilespmem:s15], [sflag:$0x8], $0x10, s29, s21, $0xb8;
	[tilespmem:$0x1F300] =	vst v63  }
0x14c: {  	_ =	swait.ge [sflag:s9], $0x1800  }
0x14d: {  	[sflag:s9] =	ssyncset.done $0x0  }
0x14e: {  	[sflag:s9] =	ssyncadd.s32 $0xFFFFE800  }
0x14f: {  	_ =	swait.ge [sflag:s13], $0x1800  }
0x150: {  	[sflag:s13] =	ssyncset.done $0x0  }
0x151: {  	[sflag:s13] =	ssyncadd.s32 $0xFFFFE800  }
0x152: {  	_ =	swait.ge [sflag:s14], $0x1800  }
0x153: {  	[sflag:s14] =	ssyncset.done $0x0  }
0x154: {  	[sflag:s14] =	ssyncadd.s32 $0xFFFFE800  }
0x155: {  	[bflag:$0x0] =	sbarrier.arrive $0xFFFF  }
0x156: {  	s15 =	sld [smem:$0x7F1]  }
0x157: {  	s16 =	rddreg [dreg:$0xb]  }
0x158: {  	s10 =	rddreg [dreg:$0xf]  }
0x159: {  	[hbm:s10], [sflag:s16] =	dma.local [spmem:s15], $0x30E0  }
0x15a: {  	_ =	swait.ge [sflag:s18], $0x30E0  }
0x15b: {  	[sflag:s18] =	ssyncset.done $0x0  }
0x15c: {  	[sflag:s18] =	ssyncadd.s32 $0xFFFFCF20  }
0x15d: {  	[spmem:s15], [sflag:s16] =	dma.local [hbm:s17], $0x30E0  }
0x15e: {  	_ =	swait.ge [sflag:s18], $0x30E0  }
0x15f: {  	[sflag:s18] =	ssyncset.done $0x0  }
0x160: {  	[sflag:s18] =	ssyncadd.s32 $0xFFFFCF20  }
0x161: {  	[bflag:$0x0] =	sbarrier.arrive $0xFFFF  }
0x162: {  	s15 =	simm.s32 $0x0;
	s16 =	rddreg [dreg:$0x13]  }
0x163: {  	[tilespmem:s19], [sflag:$0x1] =	stream.linear.gather [hbm4b:s16+s15], $0x300, $0x38;
	[tilespmem:$0x1F300] =	vst v63  }
.LBB2_11:
0x164: {  	_ =	swait.ge [sflag:s20], $0x300  }
0x165: {  	p1 =	seq.s32 s15, $0x0;
	[sflag:s20] =	ssyncset.done $0x0  }
0x166: {  	s7 =	simm.s32 @!p1 $0x3;
	[sflag:s20] =	ssyncadd.s32 $0xFFFFFD00  }
0x167: {  	[tilespmem:s22], [sflag:$0x1] =	stream.indirect.gather [hbm4b:s5+s21], $0x10, s19, s21, $0xb8;
	[tilespmem:$0x1F300] =	vst v63  }
0x168: {  	_ =	swait.ge @!p1 [sflag:s7], $0x1800  }
0x169: {  	s10 =	simm.s32 @!p1 $0x18E80;
	[sflag:s7] =	ssyncset.done @!p1 $0x0  }
0x16a: {  	s16 =	simm.s32 @!p1 $0x1C300;
	[sflag:s7] =	ssyncadd.s32 @!p1 $0xFFFFE800;
	s7 =	simm.s32 @!p1 $0x180  }
0x16b: {  	[spmem:s1] =	stream.indirect.scatter.add.f32 @!p1 [tilespmem:s16], [sflag:$0x7], $0x10, s10, s7, $0xb8;
	[tilespmem:$0x1F300] =	vst v63  }
0x16c: {  	s10 =	simm.s32 @!p1 $0x6  }
0x16d: {  	_ =	swait.ge @!p1 [sflag:s10], $0x1800  }
0x16e: {  	s16 =	sld [smem:$0x7FD];
	_ =	sdelay $0x1  }
0x16f: {  	[sflag:s10] =	ssyncset.done @!p1 $0x0  }
0x170: {  	[sflag:s10] =	ssyncadd.s32 @!p1 $0xFFFFE800;
	s10 =	sadd.s32 s15, s16  }
0x171: {  	[tilespmem:s23], [sflag:$0x2] =	stream.linear.gather [hbm4b:s10+s2], $0x300, $0x38;
	[tilespmem:$0x1F300] =	vst v63  }
0x172: {  	_ =	swait.ge [sflag:s30], $0x300  }
0x173: {  	[sflag:s30] =	ssyncset.done $0x0  }
0x174: {  	s10 =	simm.s32 @!p1 $0x4;
	[sflag:s30] =	ssyncadd.s32 $0xFFFFFD00  }
0x175: {  	[tilespmem:s8], [sflag:$0x2] =	stream.indirect.gather [hbm4b:s5+s21], $0x10, s23, s21, $0xb8;
	[tilespmem:$0x1F300] =	vst v63  }
0x176: {  	_ =	swait.ge @!p1 [sflag:s10], $0x1800  }
0x177: {  	[sflag:s10] =	ssyncset.done @!p1 $0x0  }
0x178: {  	s16 =	simm.s32 @!p1 $0x1DB00;
	[sflag:s10] =	ssyncadd.s32 @!p1 $0xFFFFE800;
	s10 =	simm.s32 @!p1 $0x19180  }
0x179: {  	[spmem:s1] =	stream.indirect.scatter.add.f32 @!p1 [tilespmem:s16], [sflag:$0x8], $0x10, s10, s7, $0xb8;
	[tilespmem:$0x1F300] =	vst v63  }
0x17a: {  	s7 =	simm.s32 @!p1 $0x7  }
0x17b: {  	_ =	swait.ge @!p1 [sflag:s7], $0x1800  }
0x17c: {  	s10 =	sld [smem:$0x7FB];
	_ =	sdelay $0x1  }
0x17d: {  	[sflag:s7] =	ssyncset.done @!p1 $0x0  }
0x17e: {  	[sflag:s7] =	ssyncadd.s32 @!p1 $0xFFFFE800;
	s7 =	sadd.s32 s15, s10  }
0x17f: {  	[tilespmem:s12], [sflag:$0x3] =	stream.linear.gather [hbm4b:s7+s2], $0x300, $0x38;
	[tilespmem:$0x1F300] =	vst v63  }
0x180: {  	_ =	swait.ge [sflag:s6], $0x300  }
0x181: {  	[sflag:s6] =	ssyncset.done $0x0  }
0x182: {  	s16 =	simm.s32 $0x1C300;
	[sflag:s6] =	ssyncadd.s32 $0xFFFFFD00  }
0x183: {  	[tilespmem:s16], [sflag:$0x3] =	stream.indirect.gather [hbm4b:s5+s21], $0x10, s12, s21, $0xb8;
	[tilespmem:$0x1F300] =	vst v63  }
0x184: {  	_ =	swait.ge [sflag:s20], $0x1800  }
0x185: {  	[sflag:s20] =	ssyncset.done $0x0  }
0x186: {  	s7 =	simm.s32 @!p1 $0x8;
	[sflag:s20] =	ssyncadd.s32 $0xFFFFE800  }
0x187: {  	[spmem:s1] =	stream.indirect.scatter.add.f32 [tilespmem:s22], [sflag:$0x5], $0x10, s31, s21, $0xb8;
	[tilespmem:$0x1F300] =	vst v63  }
0x188: {  	_ =	swait.ge @!p1 [sflag:s7], $0x1800  }
0x189: {  	s10 =	sld [smem:$0x7F9];
	_ =	sdelay $0x1  }
0x18a: {  	[sflag:s7] =	ssyncset.done @!p1 $0x0  }
0x18b: {  	[sflag:s7] =	ssyncadd.s32 @!p1 $0xFFFFE800;
	s7 =	sadd.s32 s15, s10  }
0x18c: {  	[tilespmem:s0], [sflag:$0x4] =	stream.linear.gather [hbm4b:s7+s2], $0x300, $0x38;
	[tilespmem:$0x1F300] =	vst v63  }
0x18d: {  	_ =	swait.ge [sflag:s4], $0x300  }
0x18e: {  	[sflag:s4] =	ssyncset.done $0x0  }
0x18f: {  	s16 =	simm.s32 $0x1DB00;
	[sflag:s4] =	ssyncadd.s32 $0xFFFFFD00  }
0x190: {  	[tilespmem:s16], [sflag:$0x4] =	stream.indirect.gather [hbm4b:s5+s21], $0x10, s0, s21, $0xb8;
	[tilespmem:$0x1F300] =	vst v63  }
0x191: {  	_ =	swait.ge [sflag:s30], $0x1800  }
0x192: {  	p1 =	seq.s32 s15, $0x4980;
	[sflag:s30] =	ssyncset.done $0x0  }
.Ltmp8:
0x193: {  	[sflag:s30] =	ssyncadd.s32 $0xFFFFE800;
	(pc) =	sbr.rel @p1 .LBB2_13-.Ltmp8, $4  }
0x194: {  	[spmem:s1] =	stream.indirect.scatter.add.f32 [tilespmem:s8], [sflag:$0x6], $0x10, s11, s21, $0xb8;
	[tilespmem:$0x1F300] =	vst v63  }
0x195: {  	_ =	swait.ge [sflag:s26], $0x1800  }
0x196: {  	[sflag:s26] =	ssyncset.done $0x0  }
0x197: {  	[sflag:s26] =	ssyncadd.s32 $0xFFFFE800  }
.Ltmp9:
0x198: {  	s7 =	sld [smem:$0x7F7];
	(pc) =	sbr.rel .LBB2_11-.Ltmp9, $3  }
0x199: {  	_ =	sdelay $0x1  }
0x19a: {  	s7 =	sadd.s32 s15, s7;
	s15 =	sadd.s32 $0x180, s15  }
0x19b: {  	[tilespmem:s19], [sflag:$0x1] =	stream.linear.gather [hbm4b:s7+s2], $0x300, $0x38;
	[tilespmem:$0x1F300] =	vst v63  }
.LBB2_13:
0x19c: {  	_ =	swait.ge [sflag:s6], $0x1800  }
0x19d: {  	[sflag:s6] =	ssyncset.done $0x0  }
0x19e: {  	s7 =	simm.s32 $0x1C300;
	[sflag:s6] =	ssyncadd.s32 $0xFFFFE800  }
0x19f: {  	[spmem:s1] =	stream.indirect.scatter.add.f32 [tilespmem:s7], [sflag:$0x7], $0x10, s28, s21, $0xb8;
	[tilespmem:$0x1F300] =	vst v63  }
0x1a0: {  	_ =	swait.ge [sflag:s4], $0x1800  }
0x1a1: {  	[sflag:s4] =	ssyncset.done $0x0  }
0x1a2: {  	s10 =	simm.s32 $0x1DB00;
	[sflag:s4] =	ssyncadd.s32 $0xFFFFE800  }
0x1a3: {  	[spmem:s1] =	stream.indirect.scatter.add.f32 [tilespmem:s10], [sflag:$0x8], $0x10, s29, s21, $0xb8;
	[tilespmem:$0x1F300] =	vst v63  }
0x1a4: {  	_ =	swait.ge [sflag:s9], $0x1800  }
0x1a5: {  	[sflag:s9] =	ssyncset.done $0x0  }
0x1a6: {  	[sflag:s9] =	ssyncadd.s32 $0xFFFFE800  }
0x1a7: {  	_ =	swait.ge [sflag:s13], $0x1800  }
0x1a8: {  	[sflag:s13] =	ssyncset.done $0x0  }
0x1a9: {  	[sflag:s13] =	ssyncadd.s32 $0xFFFFE800  }
0x1aa: {  	_ =	swait.ge [sflag:s14], $0x1800  }
0x1ab: {  	[sflag:s14] =	ssyncset.done $0x0  }
0x1ac: {  	[sflag:s14] =	ssyncadd.s32 $0xFFFFE800  }
0x1ad: {  	[bflag:$0x0] =	sbarrier.arrive $0xFFFF  }
0x1ae: {  	s10 =	sld [smem:$0x7F1]  }
0x1af: {  	s16 =	rddreg [dreg:$0xb]  }
0x1b0: {  	s15 =	rddreg [dreg:$0x10]  }
0x1b1: {  	[hbm:s15], [sflag:s16] =	dma.local [spmem:s10], $0x30E0  }
0x1b2: {  	_ =	swait.ge [sflag:s18], $0x30E0  }
0x1b3: {  	[sflag:s18] =	ssyncset.done $0x0  }
0x1b4: {  	s15 =	rddreg [dreg:$0x8];
	[sflag:s18] =	ssyncadd.s32 $0xFFFFCF20  }
0x1b5: {  	[tilespmem:s22], [sflag:$0x9] =	stream.linear.gather [hbm4b:s15+s2], $0x1800, $0x38;
	[tilespmem:$0x1F300] =	vst v63  }
0x1b6: {  	_ =	swait.ge [sflag:s18], $0x1800  }
0x1b7: {  	[sflag:s18] =	ssyncset.done $0x0  }
0x1b8: {  	[sflag:s18] =	ssyncadd.s32 $0xFFFFE800  }
0x1b9: {  	[spmem:s10], [sflag:s16] =	dma.local [hbm:s17], $0x30E0  }
.Ltmp10:
0x1ba: {  	_ =	swait.ge [sflag:s18], $0x30E0;
	(pc) =	sbr.rel @!p0 .LBB2_14-.Ltmp10, $3  }
0x1bb: {  	[sflag:s18] =	ssyncset.done $0x0  }
0x1bc: {  	[sflag:s18] =	ssyncadd.s32 $0xFFFFCF20  }
0x1bd: {  	[bflag:$0x0] =	sbarrier.arrive $0xFFFF;
	_ =	sdelay $0x1  }
0x1be: {  	[tilespmem:s19], [sflag:$0x9] =	stream.linear.gather [hbm4b:s25+s2], $0x300, $0x38;
	[tilespmem:$0x1F300] =	vst v63  }
0x1bf: {  	_ =	swait.ge [sflag:s18], $0x300  }
0x1c0: {  	[sflag:s18] =	ssyncset.done $0x0  }
0x1c1: {  	[sflag:s18] =	ssyncadd.s32 $0xFFFFFD00  }
0x1c2: {  	[spmem:s1] =	stream.indirect.scatter.add.f32 [tilespmem:s22], [sflag:$0x5], $0x10, s31, s21, $0xb8;
	[tilespmem:$0x1F300] =	vst v63  }
0x1c3: {  	s7 =	rddreg [dreg:$0x18]  }
0x1c4: {  	[tilespmem:s23], [sflag:$0x9] =	stream.linear.gather [hbm4b:s7+s2], $0x300, $0x38;
	[tilespmem:$0x1F300] =	vst v63  }
0x1c5: {  	_ =	swait.ge [sflag:s18], $0x300  }
0x1c6: {  	[sflag:s18] =	ssyncset.done $0x0  }
0x1c7: {  	[sflag:s18] =	ssyncadd.s32 $0xFFFFFD00  }
0x1c8: {  	[spmem:s1] =	stream.indirect.scatter.add.f32 [tilespmem:s22], [sflag:$0x6], $0x10, s11, s21, $0xb8;
	[tilespmem:$0x1F300] =	vst v63  }
0x1c9: {  	s15 =	rddreg [dreg:$0x1a]  }
0x1ca: {  	[tilespmem:s12], [sflag:$0x9] =	stream.linear.gather [hbm4b:s15+s2], $0x300, $0x38;
	[tilespmem:$0x1F300] =	vst v63  }
0x1cb: {  	_ =	swait.ge [sflag:s18], $0x300  }
0x1cc: {  	[sflag:s18] =	ssyncset.done $0x0  }
0x1cd: {  	[sflag:s18] =	ssyncadd.s32 $0xFFFFFD00  }
0x1ce: {  	[spmem:s1] =	stream.indirect.scatter.add.f32 [tilespmem:s22], [sflag:$0x7], $0x10, s28, s21, $0xb8;
	[tilespmem:$0x1F300] =	vst v63  }
0x1cf: {  	s10 =	rddreg [dreg:$0x1c]  }
0x1d0: {  	[tilespmem:s0], [sflag:$0x9] =	stream.linear.gather [hbm4b:s10+s2], $0x300, $0x38;
	[tilespmem:$0x1F300] =	vst v63  }
0x1d1: {  	_ =	swait.ge [sflag:s18], $0x300  }
0x1d2: {  	[sflag:s18] =	ssyncset.done $0x0  }
0x1d3: {  	[sflag:s18] =	ssyncadd.s32 $0xFFFFFD00  }
0x1d4: {  	[spmem:s1] =	stream.indirect.scatter.add.f32 [tilespmem:s22], [sflag:$0x8], $0x10, s29, s21, $0xb8;
	[tilespmem:$0x1F300] =	vst v63  }
0x1d5: {  	_ =	swait.ge [sflag:s26], $0x1800  }
0x1d6: {  	s7 =	sadd.s32 $0xFFFFB680, s25;
	[sflag:s26] =	ssyncset.done $0x0  }
0x1d7: {  	s10 =	sadd.s32 $0x4B00, s7;
	[sflag:s26] =	ssyncadd.s32 $0xFFFFE800  }
0x1d8: {  	[tilespmem:s19], [sflag:$0x9] =	stream.linear.gather [hbm4b:s10+s2], $0x300, $0x38;
	[tilespmem:$0x1F300] =	vst v63  }
0x1d9: {  	_ =	swait.ge [sflag:s18], $0x300  }
0x1da: {  	[sflag:s18] =	ssyncset.done $0x0  }
0x1db: {  	[sflag:s18] =	ssyncadd.s32 $0xFFFFFD00  }
0x1dc: {  	[spmem:s1] =	stream.indirect.scatter.add.f32 [tilespmem:s22], [sflag:$0x5], $0x10, s31, s21, $0xb8;
	[tilespmem:$0x1F300] =	vst v63  }
0x1dd: {  	_ =	swait.ge [sflag:s9], $0x1800  }
0x1de: {  	[sflag:s9] =	ssyncset.done $0x0  }
0x1df: {  	s15 =	sadd.s32 $0x4B60, s7;
	[sflag:s9] =	ssyncadd.s32 $0xFFFFE800  }
0x1e0: {  	[tilespmem:s23], [sflag:$0x9] =	stream.linear.gather [hbm4b:s15+s2], $0x300, $0x38;
	[tilespmem:$0x1F300] =	vst v63  }
0x1e1: {  	_ =	swait.ge [sflag:s18], $0x300  }
0x1e2: {  	[sflag:s18] =	ssyncset.done $0x0  }
0x1e3: {  	[sflag:s18] =	ssyncadd.s32 $0xFFFFFD00  }
0x1e4: {  	[spmem:s1] =	stream.indirect.scatter.add.f32 [tilespmem:s22], [sflag:$0x6], $0x10, s11, s21, $0xb8;
	[tilespmem:$0x1F300] =	vst v63  }
0x1e5: {  	_ =	swait.ge [sflag:s13], $0x1800  }
0x1e6: {  	[sflag:s13] =	ssyncset.done $0x0  }
0x1e7: {  	s15 =	sadd.s32 $0x4BC0, s7;
	[sflag:s13] =	ssyncadd.s32 $0xFFFFE800  }
0x1e8: {  	[tilespmem:s12], [sflag:$0x9] =	stream.linear.gather [hbm4b:s15+s2], $0x300, $0x38;
	[tilespmem:$0x1F300] =	vst v63  }
0x1e9: {  	_ =	swait.ge [sflag:s18], $0x300  }
0x1ea: {  	[sflag:s18] =	ssyncset.done $0x0  }
0x1eb: {  	[sflag:s18] =	ssyncadd.s32 $0xFFFFFD00  }
0x1ec: {  	[spmem:s1] =	stream.indirect.scatter.add.f32 [tilespmem:s22], [sflag:$0x7], $0x10, s28, s21, $0xb8;
	[tilespmem:$0x1F300] =	vst v63  }
0x1ed: {  	_ =	swait.ge [sflag:s14], $0x1800  }
0x1ee: {  	[sflag:s14] =	ssyncset.done $0x0  }
0x1ef: {  	s7 =	sadd.s32 $0x4C20, s7;
	[sflag:s14] =	ssyncadd.s32 $0xFFFFE800  }
0x1f0: {  	[tilespmem:s0], [sflag:$0x9] =	stream.linear.gather [hbm4b:s7+s2], $0x300, $0x38;
	[tilespmem:$0x1F300] =	vst v63  }
0x1f1: {  	_ =	swait.ge [sflag:s18], $0x300  }
0x1f2: {  	[sflag:s18] =	ssyncset.done $0x0  }
0x1f3: {  	s15 =	simm.s32 $0xFFFFB800;
	[sflag:s18] =	ssyncadd.s32 $0xFFFFFD00  }
.LBB2_18:
0x1f4: {  	[spmem:s1] =	stream.indirect.scatter.add.f32 [tilespmem:s22], [sflag:$0x8], $0x10, s29, s21, $0xb8;
	[tilespmem:$0x1F300] =	vst v63  }
0x1f5: {  	s7 =	smov.u32 s15  }
0x1f6: {  	p1 =	sne.s32 s15, $0xFFFFFE80;
	s15 =	sadd.s32 $0x180, s15;
	_ =	swait.ge [sflag:s26], $0x1800  }
0x1f7: {  	s7 =	sadd.s32 s7, s25;
	[sflag:s26] =	ssyncset.done $0x0  }
0x1f8: {  	s10 =	sadd.s32 $0x4B00, s7;
	[sflag:s26] =	ssyncadd.s32 $0xFFFFE800  }
0x1f9: {  	[tilespmem:s19], [sflag:$0x9] =	stream.linear.gather [hbm4b:s10+s2], $0x300, $0x38;
	[tilespmem:$0x1F300] =	vst v63  }
0x1fa: {  	_ =	swait.ge [sflag:s18], $0x300  }
0x1fb: {  	[sflag:s18] =	ssyncset.done $0x0  }
0x1fc: {  	[sflag:s18] =	ssyncadd.s32 $0xFFFFFD00  }
0x1fd: {  	[spmem:s1] =	stream.indirect.scatter.add.f32 [tilespmem:s22], [sflag:$0x5], $0x10, s31, s21, $0xb8;
	[tilespmem:$0x1F300] =	vst v63  }
0x1fe: {  	_ =	swait.ge [sflag:s9], $0x1800  }
0x1ff: {  	[sflag:s9] =	ssyncset.done $0x0  }
0x200: {  	s10 =	sadd.s32 $0x4B60, s7;
	[sflag:s9] =	ssyncadd.s32 $0xFFFFE800  }
0x201: {  	[tilespmem:s23], [sflag:$0x9] =	stream.linear.gather [hbm4b:s10+s2], $0x300, $0x38;
	[tilespmem:$0x1F300] =	vst v63  }
0x202: {  	_ =	swait.ge [sflag:s18], $0x300  }
0x203: {  	[sflag:s18] =	ssyncset.done $0x0  }
0x204: {  	[sflag:s18] =	ssyncadd.s32 $0xFFFFFD00  }
0x205: {  	[spmem:s1] =	stream.indirect.scatter.add.f32 [tilespmem:s22], [sflag:$0x6], $0x10, s11, s21, $0xb8;
	[tilespmem:$0x1F300] =	vst v63  }
0x206: {  	_ =	swait.ge [sflag:s13], $0x1800  }
0x207: {  	[sflag:s13] =	ssyncset.done $0x0  }
0x208: {  	s10 =	sadd.s32 $0x4BC0, s7;
	[sflag:s13] =	ssyncadd.s32 $0xFFFFE800  }
0x209: {  	[tilespmem:s12], [sflag:$0x9] =	stream.linear.gather [hbm4b:s10+s2], $0x300, $0x38;
	[tilespmem:$0x1F300] =	vst v63  }
0x20a: {  	_ =	swait.ge [sflag:s18], $0x300  }
0x20b: {  	[sflag:s18] =	ssyncset.done $0x0  }
0x20c: {  	[sflag:s18] =	ssyncadd.s32 $0xFFFFFD00  }
0x20d: {  	[spmem:s1] =	stream.indirect.scatter.add.f32 [tilespmem:s22], [sflag:$0x7], $0x10, s28, s21, $0xb8;
	[tilespmem:$0x1F300] =	vst v63  }
0x20e: {  	_ =	swait.ge [sflag:s14], $0x1800  }
0x20f: {  	[sflag:s14] =	ssyncset.done $0x0  }
.Ltmp11:
0x210: {  	s7 =	sadd.s32 $0x4C20, s7;
	[sflag:s14] =	ssyncadd.s32 $0xFFFFE800;
	(pc) =	sbr.rel @p1 .LBB2_18-.Ltmp11, $4  }
0x211: {  	[tilespmem:s0], [sflag:$0x9] =	stream.linear.gather [hbm4b:s7+s2], $0x300, $0x38;
	[tilespmem:$0x1F300] =	vst v63  }
0x212: {  	_ =	swait.ge [sflag:s18], $0x300  }
0x213: {  	[sflag:s18] =	ssyncset.done $0x0  }
0x214: {  	[sflag:s18] =	ssyncadd.s32 $0xFFFFFD00  }
.Ltmp12:
0x215: {  	_ = 	snop;
	(pc) =	sbr.rel .LBB2_19-.Ltmp12, $1  }
0x216: {  	_ =	sdelay $0x3  }
.LBB2_14:
0x217: {  	[tilespmem:s19], [sflag:$0x9] =	stream.linear.gather [hbm4b:s24+s2], $0x300, $0x38;
	[tilespmem:$0x1F300] =	vst v63  }
0x218: {  	_ =	swait.ge [sflag:s18], $0x300  }
0x219: {  	[sflag:s18] =	ssyncset.done $0x0  }
0x21a: {  	[sflag:s18] =	ssyncadd.s32 $0xFFFFFD00  }
0x21b: {  	[spmem:s1] =	stream.indirect.scatter.add.f32 [tilespmem:s22], [sflag:$0x5], $0x10, s31, s21, $0xb8;
	[tilespmem:$0x1F300] =	vst v63  }
0x21c: {  	s7 =	rddreg [dreg:$0x17]  }
0x21d: {  	[tilespmem:s23], [sflag:$0x9] =	stream.linear.gather [hbm4b:s7+s2], $0x300, $0x38;
	[tilespmem:$0x1F300] =	vst v63  }
0x21e: {  	_ =	swait.ge [sflag:s18], $0x300  }
0x21f: {  	[sflag:s18] =	ssyncset.done $0x0  }
0x220: {  	[sflag:s18] =	ssyncadd.s32 $0xFFFFFD00  }
0x221: {  	[spmem:s1] =	stream.indirect.scatter.add.f32 [tilespmem:s22], [sflag:$0x6], $0x10, s11, s21, $0xb8;
	[tilespmem:$0x1F300] =	vst v63  }
0x222: {  	s15 =	rddreg [dreg:$0x19]  }
0x223: {  	[tilespmem:s12], [sflag:$0x9] =	stream.linear.gather [hbm4b:s15+s2], $0x300, $0x38;
	[tilespmem:$0x1F300] =	vst v63  }
0x224: {  	_ =	swait.ge [sflag:s18], $0x300  }
0x225: {  	[sflag:s18] =	ssyncset.done $0x0  }
0x226: {  	[sflag:s18] =	ssyncadd.s32 $0xFFFFFD00  }
0x227: {  	[spmem:s1] =	stream.indirect.scatter.add.f32 [tilespmem:s22], [sflag:$0x7], $0x10, s28, s21, $0xb8;
	[tilespmem:$0x1F300] =	vst v63  }
0x228: {  	s10 =	rddreg [dreg:$0x1b]  }
0x229: {  	[tilespmem:s0], [sflag:$0x9] =	stream.linear.gather [hbm4b:s10+s2], $0x300, $0x38;
	[tilespmem:$0x1F300] =	vst v63  }
0x22a: {  	_ =	swait.ge [sflag:s18], $0x300  }
0x22b: {  	[sflag:s18] =	ssyncset.done $0x0  }
0x22c: {  	[sflag:s18] =	ssyncadd.s32 $0xFFFFFD00  }
0x22d: {  	[spmem:s1] =	stream.indirect.scatter.add.f32 [tilespmem:s22], [sflag:$0x8], $0x10, s29, s21, $0xb8;
	[tilespmem:$0x1F300] =	vst v63  }
0x22e: {  	_ =	swait.ge [sflag:s26], $0x1800  }
0x22f: {  	s7 =	sadd.s32 $0xFFFFB680, s24;
	[sflag:s26] =	ssyncset.done $0x0  }
0x230: {  	s10 =	sadd.s32 $0x4B00, s7;
	[sflag:s26] =	ssyncadd.s32 $0xFFFFE800  }
0x231: {  	[tilespmem:s19], [sflag:$0x9] =	stream.linear.gather [hbm4b:s10+s2], $0x300, $0x38;
	[tilespmem:$0x1F300] =	vst v63  }
0x232: {  	_ =	swait.ge [sflag:s18], $0x300  }
0x233: {  	[sflag:s18] =	ssyncset.done $0x0  }
0x234: {  	[sflag:s18] =	ssyncadd.s32 $0xFFFFFD00  }
0x235: {  	[spmem:s1] =	stream.indirect.scatter.add.f32 [tilespmem:s22], [sflag:$0x5], $0x10, s31, s21, $0xb8;
	[tilespmem:$0x1F300] =	vst v63  }
0x236: {  	_ =	swait.ge [sflag:s9], $0x1800  }
0x237: {  	[sflag:s9] =	ssyncset.done $0x0  }
0x238: {  	s15 =	sadd.s32 $0x4B60, s7;
	[sflag:s9] =	ssyncadd.s32 $0xFFFFE800  }
0x239: {  	[tilespmem:s23], [sflag:$0x9] =	stream.linear.gather [hbm4b:s15+s2], $0x300, $0x38;
	[tilespmem:$0x1F300] =	vst v63  }
0x23a: {  	_ =	swait.ge [sflag:s18], $0x300  }
0x23b: {  	[sflag:s18] =	ssyncset.done $0x0  }
0x23c: {  	[sflag:s18] =	ssyncadd.s32 $0xFFFFFD00  }
0x23d: {  	[spmem:s1] =	stream.indirect.scatter.add.f32 [tilespmem:s22], [sflag:$0x6], $0x10, s11, s21, $0xb8;
	[tilespmem:$0x1F300] =	vst v63  }
0x23e: {  	_ =	swait.ge [sflag:s13], $0x1800  }
0x23f: {  	[sflag:s13] =	ssyncset.done $0x0  }
0x240: {  	s15 =	sadd.s32 $0x4BC0, s7;
	[sflag:s13] =	ssyncadd.s32 $0xFFFFE800  }
0x241: {  	[tilespmem:s12], [sflag:$0x9] =	stream.linear.gather [hbm4b:s15+s2], $0x300, $0x38;
	[tilespmem:$0x1F300] =	vst v63  }
0x242: {  	_ =	swait.ge [sflag:s18], $0x300  }
0x243: {  	[sflag:s18] =	ssyncset.done $0x0  }
0x244: {  	[sflag:s18] =	ssyncadd.s32 $0xFFFFFD00  }
0x245: {  	[spmem:s1] =	stream.indirect.scatter.add.f32 [tilespmem:s22], [sflag:$0x7], $0x10, s28, s21, $0xb8;
	[tilespmem:$0x1F300] =	vst v63  }
0x246: {  	_ =	swait.ge [sflag:s14], $0x1800  }
0x247: {  	[sflag:s14] =	ssyncset.done $0x0  }
0x248: {  	s7 =	sadd.s32 $0x4C20, s7;
	[sflag:s14] =	ssyncadd.s32 $0xFFFFE800  }
0x249: {  	[tilespmem:s0], [sflag:$0x9] =	stream.linear.gather [hbm4b:s7+s2], $0x300, $0x38;
	[tilespmem:$0x1F300] =	vst v63  }
0x24a: {  	_ =	swait.ge [sflag:s18], $0x300  }
0x24b: {  	[sflag:s18] =	ssyncset.done $0x0  }
0x24c: {  	s15 =	simm.s32 $0xFFFFB800;
	[sflag:s18] =	ssyncadd.s32 $0xFFFFFD00  }
.LBB2_15:
0x24d: {  	[spmem:s1] =	stream.indirect.scatter.add.f32 [tilespmem:s22], [sflag:$0x8], $0x10, s29, s21, $0xb8;
	[tilespmem:$0x1F300] =	vst v63  }
0x24e: {  	s7 =	smov.u32 s15  }
0x24f: {  	p1 =	seq.s32 s15, $0xFFFFFE80;
	s15 =	sadd.s32 $0x180, s15;
	_ =	swait.ge [sflag:s26], $0x1800  }
0x250: {  	s7 =	sadd.s32 s7, s24;
	[sflag:s26] =	ssyncset.done $0x0  }
0x251: {  	s10 =	sadd.s32 $0x4B00, s7;
	[sflag:s26] =	ssyncadd.s32 $0xFFFFE800  }
0x252: {  	[tilespmem:s19], [sflag:$0x9] =	stream.linear.gather [hbm4b:s10+s2], $0x300, $0x38;
	[tilespmem:$0x1F300] =	vst v63  }
0x253: {  	_ =	swait.ge [sflag:s18], $0x300  }
0x254: {  	[sflag:s18] =	ssyncset.done $0x0  }
0x255: {  	[sflag:s18] =	ssyncadd.s32 $0xFFFFFD00  }
0x256: {  	[spmem:s1] =	stream.indirect.scatter.add.f32 [tilespmem:s22], [sflag:$0x5], $0x10, s31, s21, $0xb8;
	[tilespmem:$0x1F300] =	vst v63  }
0x257: {  	_ =	swait.ge [sflag:s9], $0x1800  }
0x258: {  	[sflag:s9] =	ssyncset.done $0x0  }
0x259: {  	s10 =	sadd.s32 $0x4B60, s7;
	[sflag:s9] =	ssyncadd.s32 $0xFFFFE800  }
0x25a: {  	[tilespmem:s23], [sflag:$0x9] =	stream.linear.gather [hbm4b:s10+s2], $0x300, $0x38;
	[tilespmem:$0x1F300] =	vst v63  }
0x25b: {  	_ =	swait.ge [sflag:s18], $0x300  }
0x25c: {  	[sflag:s18] =	ssyncset.done $0x0  }
0x25d: {  	[sflag:s18] =	ssyncadd.s32 $0xFFFFFD00  }
0x25e: {  	[spmem:s1] =	stream.indirect.scatter.add.f32 [tilespmem:s22], [sflag:$0x6], $0x10, s11, s21, $0xb8;
	[tilespmem:$0x1F300] =	vst v63  }
0x25f: {  	_ =	swait.ge [sflag:s13], $0x1800  }
0x260: {  	[sflag:s13] =	ssyncset.done $0x0  }
0x261: {  	s10 =	sadd.s32 $0x4BC0, s7;
	[sflag:s13] =	ssyncadd.s32 $0xFFFFE800  }
0x262: {  	[tilespmem:s12], [sflag:$0x9] =	stream.linear.gather [hbm4b:s10+s2], $0x300, $0x38;
	[tilespmem:$0x1F300] =	vst v63  }
0x263: {  	_ =	swait.ge [sflag:s18], $0x300  }
0x264: {  	[sflag:s18] =	ssyncset.done $0x0  }
0x265: {  	[sflag:s18] =	ssyncadd.s32 $0xFFFFFD00  }
0x266: {  	[spmem:s1] =	stream.indirect.scatter.add.f32 [tilespmem:s22], [sflag:$0x7], $0x10, s28, s21, $0xb8;
	[tilespmem:$0x1F300] =	vst v63  }
0x267: {  	_ =	swait.ge [sflag:s14], $0x1800  }
0x268: {  	[sflag:s14] =	ssyncset.done $0x0  }
.Ltmp13:
0x269: {  	s7 =	sadd.s32 $0x4C20, s7;
	[sflag:s14] =	ssyncadd.s32 $0xFFFFE800;
	(pc) =	sbr.rel @!p1 .LBB2_15-.Ltmp13, $4  }
0x26a: {  	[tilespmem:s0], [sflag:$0x9] =	stream.linear.gather [hbm4b:s7+s2], $0x300, $0x38;
	[tilespmem:$0x1F300] =	vst v63  }
0x26b: {  	_ =	swait.ge [sflag:s18], $0x300  }
0x26c: {  	[sflag:s18] =	ssyncset.done $0x0  }
0x26d: {  	[sflag:s18] =	ssyncadd.s32 $0xFFFFFD00  }
.Ltmp14:
0x26e: {  	(pc) =	sbr.rel .LBB2_20-.Ltmp14, $4  }
0x26f: {  	_ = 	snop  }
0x270: {  	[spmem:s1] =	stream.indirect.scatter.add.f32 [tilespmem:s22], [sflag:$0x8], $0x10, s29, s21, $0xb8;
	[tilespmem:$0x1F300] =	vst v63  }
0x271: {  	s15 =	rddreg [dreg:$0x9]  }
0x272: {  	s10 =	sld [smem:$0x7F0]  }
.LBB2_21:
0x273: {  	_ =	sfence.sel $0x180000  }
0x274: {  	[bflag:$0x0] =	sbarrier.arrive $0xFFFF  }
0x275: {  	_ =	strace $0x90000047  }
0x276: {  	s0 =	stileid.u32;
	[bflag:$0x2] =	sbarrier.arrive $0xFFFF  }
0x277: {  	p0 =	sne.s32 s0, $0x0;
	s0 =	rddreg [dreg:$0x4]  }
0x278: {  	s0 =	sadd.s32 @!p0 $0x100000, s0  }
0x279: {  	[sflag:s0] =	ssyncadd.tile.s32 @!p0 $0x1;
	_ =	shalt  }
.Lfunc_end2:
_tile_overlayer_lowered:
.L_overlay_start_2:
0x27a: {  	(tag) =	ssettag $0x2  }
0x27b: {  	s0 =	rddreg [dreg:$0x0];
	s2 =	stileid.u32  }
0x27c: {  	s1 =	rddreg [dreg:$0x1];
	p0 =	sne.s32 s2, $0x0  }
0x27d: {  	s3 =	rddreg [dreg:$0x2];
	[bflag:$0x3] =	sbarrier.arrive $0xFFFF;
	s2 =	simm.s32 @!p0 $0x1C09  }
0x27e: {  	[timem:s3], [sflag:s2] =	dma.local @!p0 [hbm:s0], s1  }
0x27f: {  	s0 =	simm.s32 @!p0 $0x9  }
0x280: {  	_ =	swait.ge @!p0 [sflag:s0], s1  }
0x281: {  	s1 =	ssub.s32 @!p0 $0x0, s1;
	[sflag:s0] =	ssyncset.done @!p0 $0x0  }
0x282: {  	[sflag:s0] =	ssyncadd.s32 @!p0 s1  }
0x283: {  	[bflag:$0x3] =	sbarrier.arrive $0xFFFF  }
0x284: {  	_ =	shalt  }

// kernel: kernel.15.cloned.1.call-start
scs
__scs_entry_jumppad:
0x0: {  	(pc) =	sbr.rel $0x88, $3  }
0x1: {  	(tag) =	ssettag $0x0;
	lr =	simm.s32 $0x1  }
0x2: {  	[smem:$0x3F91] =	sst lr;
	_ =	strace $0xD0000000  }
0x3: {  	_ = 	snop  }
0x4: {  	_ = 	snop  }
0x5: {  	_ = 	snop  }
0x6: {  	_ = 	snop  }
0x7: {  	_ = 	snop  }
__scs_overlays_trampoline_lowered:
0x8: {  	[smem:$0x3FA0] =	sst s0  }
0x9: {  	[smem:$0x3FA1] =	sst s1  }
0xa: {  	[smem:$0x3FA2] =	sst s2  }
0xb: {  	[smem:$0x3FA3] =	sst s3  }
0xc: {  	[smem:$0x3FA4] =	sst s4  }
0xd: {  	[smem:$0x3FA5] =	sst s5  }
0xe: {  	[smem:$0x3FA6] =	sst s6  }
0xf: {  	[smem:$0x3FA7] =	sst s7  }
0x10: {  	[smem:$0x3FA8] =	sst s8  }
0x11: {  	[smem:$0x3FA9] =	sst s9;
	s0 =	simm.s32 @!p0 $0x0  }
0x12: {  	s1 =	sld [smem:$0x3F8F];
	s0 =	simm.s32 @p0 $0x1  }
0x13: {  	[smem:$0x3FAA] =	sst s0;
	s0 =	simm.s32 @!p1 $0x0  }
0x14: {  	s2 =	sld [smem:$0x3F8E];
	s0 =	simm.s32 @p1 $0x1  }
0x15: {  	[smem:$0x3FAB] =	sst s0;
	s0 =	simm.s32 @!p2 $0x0  }
0x16: {  	s3 =	sld [smem:$0x3FDB];
	s0 =	simm.s32 @p2 $0x1  }
0x17: {  	s4 =	simm.s32 $0x1BF5;
	[smem:$0x3FAD] =	sst s0  }
0x18: {  	s0 =	sld [smem:$0x3F90];
	_ =	swait.ge [sflag:s4], $0x0  }
0x19: {  	s7 =	sld [smem:$0x3F91]  }
0x1a: {  	s8 =	sadd.s32 $0xFFFFE003, lr  }
0x1b: {  	s9 =	sadd.s32 $0xFFFFFEF7, lr;
	s5 =	simm.s32 $0xFFFFFFFF;
	p2 =	slt.u32 s8, $0xFFFFF086  }
0x1c: {  	p1 =	slt.u32 s9, $0xF7A;
	s5 =	simm.s32 @!p2 $0x0  }
0x1d: {  	s5 =	simm.s32 @p1 $0x1;
	p0 =	seq.s32 s7, s2  }
0x1e: {  	s7 =	smul.u32 @!p0 $0xF7A, s2;
	p2 =	seq.s32 @!p0 s5, $0x0  }
0x1f: {  	s9 =	smul.u32 $0xF7A, s1;
	s8 =	simm.s32 @!p0 $0x1BF5;
	p2 =	por !p2, p0  }
0x20: {  	[sflag:s8] =	ssyncset.s32 @!p0 $0xFFFFF086;
	s6 =	sadd.s32 @!p0 s3, s7;
	s7 =	simm.s32 @!p0 $0x108  }
0x21: {  	s3 =	sadd.s32 s3, s9;
	s6 =	sadd.s32 @!p0 $0x88, s6;
	s7 =	simm.s32 @p2 $0x1082  }
0x22: {  	[simem:s7], [sflag:s8] =	dma.local @!p0 [hbm:s6], $0xF7A  }
0x23: {  	s9 =	sor.u32 $0xD0000000, s2;
	s6 =	simm.s32 $0x108;
	_ =	swait.ge @!p0 [sflag:s8], $0x0  }
0x24: {  	s3 =	sadd.s32 $0x88, s3;
	s6 =	simm.s32 @!p1 $0x1082;
	[sflag:s4] =	ssyncset.s32 $0xFFFFF086  }
0x25: {  	[simem:s6], [sflag:s4] =	dma.local [hbm:s3], $0xF7A  }
0x26: {  	[smem:$0x3F91] =	sst s1;
	(tag) =	ssettag s2;
	_ =	strace s9  }
0x27: {  	s1 =	sld [smem:$0x3FA1]  }
0x28: {  	s2 =	sld [smem:$0x3FA2]  }
0x29: {  	s4 =	sld [smem:$0x3FA4]  }
0x2a: {  	p0 =	seq.s32 s5, $0x0;
	s5 =	sld [smem:$0x3FA5]  }
0x2b: {  	s6 =	sld [smem:$0x3FA6]  }
0x2c: {  	s7 =	sld [smem:$0x3FA7]  }
0x2d: {  	s3 =	simm.s32 $0x108;
	s8 =	sld [smem:$0x3FA8]  }
0x2e: {  	s3 =	simm.s32 @!p0 $0x1082;
	s9 =	sld [smem:$0x3FA9]  }
0x2f: {  	lr =	sadd.s32 s0, s3;
	s0 =	sld [smem:$0x3FA0]  }
0x30: {  	s3 =	sld [smem:$0x3FA3]  }
0x31: {  	[smem:$0x3FAC] =	sst s10  }
0x32: {  	s10 =	sld [smem:$0x3FAA];
	_ =	sdelay $0x3  }
0x33: {  	p0 =	seq.s32 s10, $0x1;
	s10 =	sld [smem:$0x3FAC];
	_ =	sdelay $0x3  }
0x34: {  	[smem:$0x3FAC] =	sst s10  }
0x35: {  	s10 =	sld [smem:$0x3FAB];
	_ =	sdelay $0x3  }
0x36: {  	p1 =	seq.s32 s10, $0x1;
	s10 =	sld [smem:$0x3FAC];
	_ =	sdelay $0x3  }
0x37: {  	[smem:$0x3FAC] =	sst s10  }
0x38: {  	s10 =	sld [smem:$0x3FAD]  }
0x39: {  	_ = 	snop;
	(pc) =	sbr.ind lr, $3  }
0x3a: {  	_ = 	snop  }
0x3b: {  	_ = 	snop  }
0x3c: {  	p2 =	seq.s32 s10, $0x1;
	s10 =	sld [smem:$0x3FAC]  }
0x3d: {  	_ =	shalt  }
0x3e: {  	_ =	shalt  }
0x3f: {  	_ =	shalt  }
0x40: {  	_ =	shalt  }
0x41: {  	_ =	shalt  }
0x42: {  	_ =	shalt  }
0x43: {  	_ =	shalt  }
0x44: {  	_ =	shalt  }
0x45: {  	_ =	shalt  }
0x46: {  	_ =	shalt  }
0x47: {  	_ =	shalt  }
0x48: {  	_ =	shalt  }
0x49: {  	_ =	shalt  }
0x4a: {  	_ =	shalt  }
0x4b: {  	_ =	shalt  }
0x4c: {  	_ =	shalt  }
0x4d: {  	_ =	shalt  }
0x4e: {  	_ =	shalt  }
0x4f: {  	_ =	shalt  }
0x50: {  	_ =	shalt  }
0x51: {  	_ =	shalt  }
0x52: {  	_ =	shalt  }
0x53: {  	_ =	shalt  }
0x54: {  	_ =	shalt  }
0x55: {  	_ =	shalt  }
0x56: {  	_ =	shalt  }
0x57: {  	_ =	shalt  }
0x58: {  	_ =	shalt  }
0x59: {  	_ =	shalt  }
0x5a: {  	_ =	shalt  }
0x5b: {  	_ =	shalt  }
0x5c: {  	_ =	shalt  }
0x5d: {  	_ =	shalt  }
0x5e: {  	_ =	shalt  }
0x5f: {  	_ =	shalt  }
0x60: {  	_ =	shalt  }
0x61: {  	_ =	shalt  }
0x62: {  	_ =	shalt  }
0x63: {  	_ =	shalt  }
0x64: {  	_ =	shalt  }
0x65: {  	_ =	shalt  }
0x66: {  	_ =	shalt  }
0x67: {  	_ =	shalt  }
0x68: {  	_ =	shalt  }
0x69: {  	_ =	shalt  }
0x6a: {  	_ =	shalt  }
0x6b: {  	_ =	shalt  }
0x6c: {  	_ =	shalt  }
0x6d: {  	_ =	shalt  }
0x6e: {  	_ =	shalt  }
0x6f: {  	_ =	shalt  }
0x70: {  	_ =	shalt  }
0x71: {  	_ =	shalt  }
0x72: {  	_ =	shalt  }
0x73: {  	_ =	shalt  }
0x74: {  	_ =	shalt  }
0x75: {  	_ =	shalt  }
0x76: {  	_ =	shalt  }
0x77: {  	_ =	shalt  }
0x78: {  	_ =	shalt  }
0x79: {  	_ =	shalt  }
0x7a: {  	_ =	shalt  }
0x7b: {  	_ =	shalt  }
0x7c: {  	_ =	shalt  }
0x7d: {  	_ =	shalt  }
0x7e: {  	_ =	shalt  }
0x7f: {  	_ =	shalt  }
0x80: {  	_ =	shalt  }
0x81: {  	_ =	shalt  }
0x82: {  	_ =	shalt  }
0x83: {  	_ =	shalt  }
0x84: {  	_ =	shalt  }
0x85: {  	_ =	shalt  }
0x86: {  	_ =	shalt  }
0x87: {  	_ =	shalt  }
.Lfunc_end0:
.L_simem_size_0:
called_computation.1_lowered:
.L_overlay_start_0:
0x88: {  	s2 =	sld [smem:$0x3FD9]  }
0x89: {  	s3 =	sld [smem:$0x3FFE];
	_ =	sdelay $0x1  }
0x8a: {  	s1 =	srdreg.scid  }
0x8b: {  	s0 =	sand.u32 $0x1, s1  }
0x8c: {  	s14 =	sshll.u32 s0, $0xA;
	s2 =	sadd.s32 s3, s2  }
0x8d: {  	s2 =	sadd.s32 s2, s14  }
0x8e: {  	[smem:$0x3FB8] =	sst s2  }
0x8f: {  	_ = 	snop  }
0x90: {  	s2 =	sld [smem:$0x3FD0];
	_ =	sdelay $0x2  }
0x91: {  	s15 =	simm.s32 $0xA;
	s4 =	simm.s32 $0x10  }
0x92: {  	[smem:s4], [sflag:s15] =	dma.local [hbm:s2], $0x1  }
0x93: {  	_ =	swait.eq [sflag:s15], $0x1  }
0x94: {  	[sflag:s15] =	ssyncset.done $0x0  }
0x95: {  	s16 =	sld [smem:$0x10];
	[sflag:s15] =	ssyncadd.s32 $0xFFFFFFFF  }
0x96: {  	s17 =	sld [smem:$0x11];
	(tm) =	ssettm $0x1  }
0x97: {  	s18 =	sld [smem:$0x3FFB];
	_ =	sdelay $0x3  }
0x98: {  	_ =	strace s18  }
0x99: {  	s4 =	sld [smem:$0x3FFC];
	_ =	sdelay $0x3  }
0x9a: {  	_ =	strace s4  }
0x9b: {  	s4 =	sld [smem:$0x3FFD];
	_ =	sdelay $0x3  }
0x9c: {  	_ =	strace s4  }
0x9d: {  	_ =	strace $0x8FFFFFFF  }
0x9e: {  	s19 =	sld [smem:$0x3FDB];
	_ =	sdelay $0x1  }
0x9f: {  	s5 =	simm.s32 $_scs_section_size  }
0xa0: {  	s6 =	simm.s32 $_size__tile_overlayer_lowered;
	s7 =	simm.s32 $_tile_overlayer_lowered  }
0xa1: {  	s22 =	simm.s32 $0x1BFF;
	s21 =	sshll.u32 s7, $0x1;
	s4 =	sadd.s32 s5, s19  }
0xa2: {  	s8 =	simm.s32 $0x0;
	s20 =	sshll.u32 s6, $0x1;
	s6 =	sadd.s32 s21, s4  }
0xa3: {  	[timem:s8], [sflag:s22] =	dma.local [hbm:s6], s20  }
0xa4: {  	_ =	swait.ge [sflag:s22], s20  }
0xa5: {  	s5 =	ssub.s32 $0x0, s20;
	[sflag:s22] =	ssyncset.done $0x0  }
0xa6: {  	[sflag:s22] =	ssyncadd.s32 s5;
	_ =	sdelay $0x1  }
0xa7: {  	s23 =	simm.s32 $0x1B8B  }
0xa8: {  	_ =	swait.ge [sflag:s23], $0x1  }
0xa9: {  	[sflag:s23] =	ssyncset.done $0x0  }
0xaa: {  	s25 =	simm.s32 $0x1B8E;
	s24 =	sld [smem:$0x3FFE];
	[sflag:s23] =	ssyncadd.s32 $0xFFFFFFFF  }
0xab: {  	s26 =	simm.s32 $execute0_lowered;
	[smem:$0x3FD2] =	sst s25  }
0xac: {  	s6 =	sshll.u32 s26, $0x1;
	_ =	strace $0x80000049;
	[dreg:$0x1] =	wrdreg $0xFFFFFFFF  }
0xad: {  	s28 =	simm.s32 $_size_execute0_lowered;
	s4 =	sadd.s32 s4, s6;
	[dreg:$0x0] =	wrdreg $0x0  }
0xae: {  	s6 =	sshll.u32 s28, $0x1;
	[dreg:$0x2] =	wrdreg s4  }
0xaf: {  	[dreg:$0x3] =	wrdreg s6  }
0xb0: {  	[dreg:$0x4] =	wrdreg $0xC0  }
0xb1: {  	_ =	task [dreg:s8], $0x5FFFF  }
0xb2: {  	[dreg:$0x1] =	wrdreg $0xFFFFFFFF  }
0xb3: {  	[dreg:$0x0] =	wrdreg $0x60  }
0xb4: {  	[dreg:$0x2] =	wrdreg s24  }
0xb5: {  	[dreg:$0x3] =	wrdreg s17  }
0xb6: {  	[dreg:$0x4] =	wrdreg s16  }
0xb7: {  	[dreg:$0x5] =	wrdreg $0x0  }
0xb8: {  	[dreg:$0x6] =	wrdreg $0x9  }
0xb9: {  	_ =	task.clear_ibuf [dreg:s8], $0x7FFFF;
	_ =	strace $0x90000049  }
0xba: {  	s29 =	simm.s32 $0x9;
	_ =	strace $0x8000004B  }
0xbb: {  	_ =	swait.ge [sflag:s29], $0x1  }
0xbc: {  	[sflag:s29] =	ssyncadd.s32 $0xFFFFFFFF  }
0xbd: {  	_ =	strace $0x9000004B  }
0xbe: {  	_ =	sfence  }
0xbf: {  	s30 =	sld [smem:$0x0];
	_ =	sdelay $0x2  }
0xc0: {  	s31 =	sshll.u32 s1, $0xD;
	s1 =	sshrl.u32 s1, $0x2  }
0xc1: {  	s3 =	sand.u32 $0x4000, s31;
	s1 =	sadd.s32 s1, s30  }
0xc2: {  	s0 =	sor.u32 s3, s0;
	s1 =	sshll.u32 s1, $0x11  }
0xc3: {  	s0 =	sor.u32 s1, s0  }
0xc4: {  	s0 =	sadd.s32 $0x8F2B, s0  }
0xc5: {  	[sflag:s0] =	ssyncadd.remote.s32 $0x1  }
0xc6: {  	_ =	sfence.sel $0xFFFF  }
0xc7: {  	[dreg:$0x0] =	wrdreg $0xFFFFFFFF;
	(pc) =	sbr.abs _section_cstart, $3  }
0xc8: {  	[dreg:$0x1] =	wrdreg $0xFFFFFFFF  }
0xc9: {  	_ =	task.clear_ibuf [dreg:s8], $0x2FFFF;
	_ =	strace $0x9FFFFFFF  }
0xca: {  	(tm) =	ssettm $0x7FFFFFFF  }
0xcb: {  	_ =	shalt  }
tec
execute0_lowered:
.L_overlay_start_1:
0x0: {  	(tag) =	ssettag $0x1  }
0x1: {  	s0 =	rddreg [dreg:$0x0]  }
0x2: {  	s3 =	rddreg [dreg:$0x1]  }
0x3: {  	s6 =	rddreg [dreg:$0x2]  }
0x4: {  	s1 =	rddreg [dreg:$0x3];
	s2 =	simm.s32 $0x0  }
0x5: {  	s7 =	srdreg.scid;
	s13 =	stileid.u32;
	s28 =	simm.s32 $0x5  }
0x6: {  	[smem:$0x7FF] =	sst s2;
	s4 =	sadd.s32 $0x9A5600, s0;
	s5 =	sadd.s32 $0x6200, s0  }
0x7: {  	s7 =	sand.u32 $0x1, s7;
	s8 =	smul.u32 $0x18700, s13;
	s15 =	sadd.s32 $0x25E200, s0  }
0x8: {  	s16 =	sadd.s32 $0x132200, s0;
	s12 =	smul.u32 $0x25800, s13;
	s29 =	sadd.s32 $0xC9800, s0  }
0x9: {  	s13 =	sshll.u32 s13, $0x6;
	_ =	strace $0x8000004A;
	s10 =	smul.u32 $0x4B0000, s7  }
0xa: {  	s9 =	ssub.s32 $0x2, s7;
	s25 =	smul.u32 $0x30E000, s7;
	[dreg:$0x5] =	wrdreg s15  }
0xb: {  	s7 =	sshllo.u32 s7, $0x1;
	s23 =	sor.u32 $0x1C09, s13;
	[dreg:$0x6] =	wrdreg s16  }
0xc: {  	[dreg:$0x7] =	wrdreg s29;
	s11 =	sshrl.u32 s9, $0x1;
	s17 =	smul.u32 $0x258000, s7  }
0xd: {  	s26 =	sadd.s32 s8, s1;
	s7 =	smul.u32 $0x187000, s7;
	[dreg:$0x9] =	wrdreg s23  }
0xe: {  	s0 =	ssub.s32 s9, s11;
	s10 =	sadd.s32 s12, s10;
	s9 =	sadd.s32 s8, s25  }
0xf: {  	[dreg:$0x8] =	wrdreg s26;
	s14 =	sshrl.u32 s10, $0x3;
	s9 =	sshrl.u32 s9, $0x3  }
0x10: {  	s21 =	sadd.s32 s12, s17;
	s7 =	sadd.s32 s8, s7;
	s0 =	smax.u32 s0, $0x1  }
0x11: {  	s8 =	sor.u32 $0x600, s10;
	s18 =	sadd.s32 s15, s14;
	[dreg:$0x12] =	wrdreg s0  }
0x12: {  	s19 =	sadd.s32 s3, s9;
	s20 =	sadd.s32 s16, s14;
	[dreg:$0xa] =	wrdreg s18  }
0x13: {  	s22 =	sadd.s32 s6, s9;
	s24 =	sshrl.u32 s21, $0x3;
	[dreg:$0xb] =	wrdreg s19  }
0x14: {  	s7 =	sshrl.u32 s7, $0x3;
	s11 =	sshrl.u32 s8, $0x3;
	[dreg:$0xc] =	wrdreg s20  }
0x15: {  	s14 =	sor.u32 $0x300, s10;
	s21 =	sadd.s32 $0xC00, s10;
	[dreg:$0xd] =	wrdreg s22  }
0x16: {  	s8 =	simm.s32 $0x3;
	s25 =	sadd.s32 s15, s24;
	[dreg:$0x19] =	wrdreg s21  }
0x17: {  	s3 =	sadd.s32 s3, s7;
	s26 =	sadd.s32 s16, s24;
	[dreg:$0xe] =	wrdreg s25  }
0x18: {  	s6 =	sadd.s32 s6, s7;
	s7 =	sadd.s32 $0x900, s10;
	[dreg:$0xf] =	wrdreg s3  }
0x19: {  	s13 =	sadd.s32 s11, s15;
	s17 =	sadd.s32 s11, s16;
	[dreg:$0x10] =	wrdreg s26  }
0x1a: {  	s20 =	sadd.s32 $0x258C00, s10;
	s22 =	sadd.s32 $0x258900, s10;
	[dreg:$0x11] =	wrdreg s6  }
0x1b: {  	s24 =	sadd.s32 $0x258600, s10;
	s21 =	simm.s32 $0x18B80;
	[dreg:$0x14] =	wrdreg s13  }
0x1c: {  	s9 =	sshrl.u32 s7, $0x3;
	s6 =	sshrl.u32 s14, $0x3;
	[dreg:$0x16] =	wrdreg s17  }
0x1d: {  	s3 =	sshrl.u32 s22, $0x3;
	s25 =	sadd.s32 $0x258300, s10;
	s13 =	simm.s32 $0x18700  }
0x1e: {  	s14 =	simm.s32 $0x1;
	s17 =	simm.s32 $0x18A00;
	s10 =	simm.s32 $0x1C300  }
0x1f: {  	s12 =	sadd.s32 s9, s15;
	s0 =	sadd.s32 s9, s16;
	s18 =	sadd.s32 s6, s15  }
0x20: {  	s19 =	sadd.s32 s6, s16;
	s6 =	sshrl.u32 s24, $0x3;
	[dreg:$0x13] =	wrdreg s12  }
0x21: {  	s7 =	sshrl.u32 s25, $0x3;
	s30 =	sadd.s32 s3, s15;
	[dreg:$0x15] =	wrdreg s0  }
0x22: {  	s31 =	sadd.s32 s3, s16;
	s24 =	simm.s32 $0x9;
	[dreg:$0x17] =	wrdreg s18  }
0x23: {  	s25 =	simm.s32 $0x0;
	[dreg:$0x18] =	wrdreg s19;
	s0 =	sshrl.u32 s20, $0x3  }
0x24: {  	s3 =	sadd.s32 s6, s16;
	s9 =	sadd.s32 s7, s15;
	s11 =	sadd.s32 s7, s16  }
.Ltmp0:
0x25: {  	s18 =	simm.s32 $0x2;
	s19 =	simm.s32 $0x1AB00;
	(pc) =	sbr.rel .LBB2_1-.Ltmp0, $4  }
0x26: {  	s12 =	simm.s32 $0x18880;
	s7 =	simm.s32 $0x4;
	s26 =	sadd.s32 s0, s15  }
0x27: {  	s20 =	simm.s32 $0x1DB00;
	s0 =	sadd.s32 s0, s16;
	[dreg:$0x1a] =	wrdreg s26  }
0x28: {  	s16 =	simm.s32 $0x19300;
	[dreg:$0x1b] =	wrdreg s0;
	s0 =	sadd.s32 s6, s15  }
0x29: {  	s15 =	simm.s32 $0x180;
	s26 =	simm.s32 $0x18D00;
	s6 =	simm.s32 $0x19000  }
.LBB2_13:
0x2a: {  	_ =	swait.ge [sflag:s8], $0x1800  }
0x2b: {  	[sflag:s8] =	ssyncset.done $0x0  }
0x2c: {  	s22 =	simm.s32 $0x18E80;
	[sflag:s8] =	ssyncadd.s32 $0xFFFFE800  }
0x2d: {  	[spmem:s1] =	stream.indirect.scatter.add.f32 [tilespmem:s10], [sflag:$0x7], $0x10, s22, s15, $0xb8;
	[tilespmem:$0x1F300] =	vst v63  }
0x2e: {  	_ =	swait.ge [sflag:s7], $0x1800  }
0x2f: {  	[sflag:s7] =	ssyncset.done $0x0  }
0x30: {  	s24 =	simm.s32 $0x19180;
	s25 =	simm.s32 $0x6;
	[sflag:s7] =	ssyncadd.s32 $0xFFFFE800  }
0x31: {  	[spmem:s1] =	stream.indirect.scatter.add.f32 [tilespmem:s20], [sflag:$0x8], $0x10, s24, s15, $0xb8;
	[tilespmem:$0x1F300] =	vst v63  }
0x32: {  	_ =	swait.ge [sflag:s25], $0x1800  }
0x33: {  	[sflag:s25] =	ssyncset.done $0x0  }
0x34: {  	s23 =	simm.s32 $0x7;
	[sflag:s25] =	ssyncadd.s32 $0xFFFFE800  }
0x35: {  	_ =	swait.ge [sflag:s23], $0x1800  }
0x36: {  	[sflag:s23] =	ssyncset.done $0x0  }
0x37: {  	s24 =	simm.s32 $0x8;
	[sflag:s23] =	ssyncadd.s32 $0xFFFFE800  }
0x38: {  	_ =	swait.ge [sflag:s24], $0x1800  }
0x39: {  	[sflag:s24] =	ssyncset.done $0x0  }
0x3a: {  	[sflag:s24] =	ssyncadd.s32 $0xFFFFE800  }
0x3b: {  	[bflag:$0x0] =	sbarrier.arrive $0xFFFF  }
0x3c: {  	s23 =	rddreg [dreg:$0x9]  }
0x3d: {  	s25 =	rddreg [dreg:$0x11]  }
0x3e: {  	s24 =	rddreg [dreg:$0x1d]  }
0x3f: {  	[hbm:s25], [sflag:s23] =	dma.local [spmem:s24], $0x30E0  }
0x40: {  	s24 =	simm.s32 $0x9  }
0x41: {  	_ =	swait.ge [sflag:s24], $0x30E0  }
0x42: {  	s25 =	rddreg [dreg:$0x1c]  }
0x43: {  	s22 =	rddreg [dreg:$0x12];
	s25 =	sadd.s32 $0x1, s25  }
0x44: {  	p0 =	sne.s32 s25, s22  }
.Ltmp1:
0x45: {  	_ = 	snop;
	(pc) =	sbr.rel @!p0 .LBB2_14-.Ltmp1, $3  }
0x46: {  	_ =	sdelay $0x1  }
0x47: {  	[sflag:s24] =	ssyncset.done $0x0  }
0x48: {  	[sflag:s24] =	ssyncadd.s32 $0xFFFFCF20  }
.LBB2_1:
0x49: {  	s22 =	rddreg [dreg:$0x8]  }
0x4a: {  	[dreg:$0x1c] =	wrdreg s25;
	s22 =	sshrl.u32 s22, $0x3  }
0x4b: {  	[dreg:$0x1d] =	wrdreg s22  }
0x4c: {  	[spmem:s22], [sflag:s23] =	dma.local [hbm:s29], $0x30E0  }
0x4d: {  	_ =	swait.ge [sflag:s24], $0x30E0  }
0x4e: {  	[sflag:s24] =	ssyncset.done $0x0  }
0x4f: {  	[sflag:s24] =	ssyncadd.s32 $0xFFFFCF20  }
0x50: {  	[bflag:$0x0] =	sbarrier.arrive $0xFFFF  }
0x51: {  	s25 =	rddreg [dreg:$0xa]  }
0x52: {  	s29 =	simm.s32 $0x0;
	s22 =	rddreg [dreg:$0x19]  }
0x53: {  	[tilespmem:s13], [sflag:$0x1] =	stream.linear.gather [hbm4b:s25+s2], $0x300, $0x38;
	[tilespmem:$0x1F300] =	vst v63  }
.LBB2_2:
0x54: {  	_ =	swait.ge [sflag:s14], $0x300  }
0x55: {  	p0 =	seq.s32 s29, $0x0;
	[sflag:s14] =	ssyncset.done $0x0  }
0x56: {  	s23 =	simm.s32 @!p0 $0x3;
	[sflag:s14] =	ssyncadd.s32 $0xFFFFFD00  }
0x57: {  	[tilespmem:s16], [sflag:$0x1] =	stream.indirect.gather [hbm4b:s4+s15], $0x10, s13, s15, $0xb8;
	[tilespmem:$0x1F300] =	vst v63  }
0x58: {  	_ =	swait.ge @!p0 [sflag:s23], $0x1800  }
0x59: {  	s24 =	simm.s32 @!p0 $0x18E80;
	[sflag:s23] =	ssyncset.done @!p0 $0x0  }
0x5a: {  	s25 =	simm.s32 @!p0 $0x1C300;
	[sflag:s23] =	ssyncadd.s32 @!p0 $0xFFFFE800;
	s23 =	simm.s32 @!p0 $0x180  }
0x5b: {  	[spmem:s1] =	stream.indirect.scatter.add.f32 @!p0 [tilespmem:s25], [sflag:$0x7], $0x10, s24, s23, $0xb8;
	[tilespmem:$0x1F300] =	vst v63  }
0x5c: {  	s24 =	simm.s32 @!p0 $0x6  }
0x5d: {  	_ =	swait.ge @!p0 [sflag:s24], $0x1800  }
0x5e: {  	[sflag:s24] =	ssyncset.done @!p0 $0x0;
	s25 =	rddreg [dreg:$0x17]  }
0x5f: {  	[sflag:s24] =	ssyncadd.s32 @!p0 $0xFFFFE800;
	s24 =	sadd.s32 s29, s25  }
0x60: {  	[tilespmem:s17], [sflag:$0x2] =	stream.linear.gather [hbm4b:s24+s2], $0x300, $0x38;
	[tilespmem:$0x1F300] =	vst v63  }
0x61: {  	_ =	swait.ge [sflag:s18], $0x300  }
0x62: {  	[sflag:s18] =	ssyncset.done $0x0  }
0x63: {  	s24 =	simm.s32 @!p0 $0x4;
	[sflag:s18] =	ssyncadd.s32 $0xFFFFFD00  }
0x64: {  	[tilespmem:s19], [sflag:$0x2] =	stream.indirect.gather [hbm4b:s4+s15], $0x10, s17, s15, $0xb8;
	[tilespmem:$0x1F300] =	vst v63  }
0x65: {  	_ =	swait.ge @!p0 [sflag:s24], $0x1800  }
0x66: {  	[sflag:s24] =	ssyncset.done @!p0 $0x0  }
0x67: {  	s25 =	simm.s32 @!p0 $0x1DB00;
	[sflag:s24] =	ssyncadd.s32 @!p0 $0xFFFFE800;
	s24 =	simm.s32 @!p0 $0x19180  }
0x68: {  	[spmem:s1] =	stream.indirect.scatter.add.f32 @!p0 [tilespmem:s25], [sflag:$0x8], $0x10, s24, s23, $0xb8;
	[tilespmem:$0x1F300] =	vst v63  }
0x69: {  	s23 =	simm.s32 @!p0 $0x7  }
0x6a: {  	_ =	swait.ge @!p0 [sflag:s23], $0x1800  }
0x6b: {  	[sflag:s23] =	ssyncset.done @!p0 $0x0;
	s24 =	rddreg [dreg:$0x14]  }
0x6c: {  	[sflag:s23] =	ssyncadd.s32 @!p0 $0xFFFFE800;
	s23 =	sadd.s32 s29, s24  }
0x6d: {  	[tilespmem:s26], [sflag:$0x3] =	stream.linear.gather [hbm4b:s23+s2], $0x300, $0x38;
	[tilespmem:$0x1F300] =	vst v63  }
0x6e: {  	_ =	swait.ge [sflag:s8], $0x300  }
0x6f: {  	[sflag:s8] =	ssyncset.done $0x0  }
0x70: {  	[sflag:s8] =	ssyncadd.s32 $0xFFFFFD00  }
0x71: {  	[tilespmem:s10], [sflag:$0x3] =	stream.indirect.gather [hbm4b:s4+s15], $0x10, s26, s15, $0xb8;
	[tilespmem:$0x1F300] =	vst v63  }
0x72: {  	_ =	swait.ge [sflag:s14], $0x1800  }
0x73: {  	[sflag:s14] =	ssyncset.done $0x0  }
0x74: {  	s23 =	simm.s32 @!p0 $0x8;
	[sflag:s14] =	ssyncadd.s32 $0xFFFFE800  }
0x75: {  	[spmem:s1] =	stream.indirect.scatter.add.f32 [tilespmem:s16], [sflag:$0x5], $0x10, s12, s15, $0xb8;
	[tilespmem:$0x1F300] =	vst v63  }
0x76: {  	_ =	swait.ge @!p0 [sflag:s23], $0x1800  }
0x77: {  	[sflag:s23] =	ssyncset.done @!p0 $0x0;
	s25 =	rddreg [dreg:$0x13]  }
0x78: {  	[sflag:s23] =	ssyncadd.s32 @!p0 $0xFFFFE800;
	s23 =	sadd.s32 s29, s25  }
0x79: {  	[tilespmem:s6], [sflag:$0x4] =	stream.linear.gather [hbm4b:s23+s2], $0x300, $0x38;
	[tilespmem:$0x1F300] =	vst v63  }
0x7a: {  	_ =	swait.ge [sflag:s7], $0x300  }
0x7b: {  	[sflag:s7] =	ssyncset.done $0x0  }
0x7c: {  	[sflag:s7] =	ssyncadd.s32 $0xFFFFFD00  }
0x7d: {  	[tilespmem:s20], [sflag:$0x4] =	stream.indirect.gather [hbm4b:s4+s15], $0x10, s6, s15, $0xb8;
	[tilespmem:$0x1F300] =	vst v63  }
0x7e: {  	_ =	swait.ge [sflag:s18], $0x1800  }
0x7f: {  	p0 =	seq.s32 s29, $0x4980;
	[sflag:s18] =	ssyncset.done $0x0  }
.Ltmp2:
0x80: {  	[sflag:s18] =	ssyncadd.s32 $0xFFFFE800;
	(pc) =	sbr.rel @p0 .LBB2_4-.Ltmp2, $4  }
0x81: {  	[spmem:s1] =	stream.indirect.scatter.add.f32 [tilespmem:s19], [sflag:$0x6], $0x10, s21, s15, $0xb8;
	[tilespmem:$0x1F300] =	vst v63  }
0x82: {  	_ =	swait.ge [sflag:s28], $0x1800  }
0x83: {  	[sflag:s28] =	ssyncset.done $0x0  }
0x84: {  	[sflag:s28] =	ssyncadd.s32 $0xFFFFE800  }
.Ltmp3:
0x85: {  	(pc) =	sbr.rel .LBB2_2-.Ltmp3, $4  }
0x86: {  	_ = 	snop  }
0x87: {  	s23 =	sshrl.u32 s22, $0x3;
	s24 =	rddreg [dreg:$0x5]  }
0x88: {  	s22 =	sadd.s32 $0xC00, s22;
	s29 =	sadd.s32 $0x180, s29;
	s23 =	sadd.s32 s24, s23  }
0x89: {  	[tilespmem:s13], [sflag:$0x1] =	stream.linear.gather [hbm4b:s23+s2], $0x300, $0x38;
	[tilespmem:$0x1F300] =	vst v63  }
.LBB2_4:
0x8a: {  	_ =	swait.ge [sflag:s8], $0x1800  }
0x8b: {  	[sflag:s8] =	ssyncset.done $0x0  }
0x8c: {  	s22 =	simm.s32 $0x18E80;
	[sflag:s8] =	ssyncadd.s32 $0xFFFFE800  }
0x8d: {  	[spmem:s1] =	stream.indirect.scatter.add.f32 [tilespmem:s10], [sflag:$0x7], $0x10, s22, s15, $0xb8;
	[tilespmem:$0x1F300] =	vst v63  }
0x8e: {  	_ =	swait.ge [sflag:s7], $0x1800  }
0x8f: {  	[sflag:s7] =	ssyncset.done $0x0  }
0x90: {  	s23 =	simm.s32 $0x19180;
	s24 =	simm.s32 $0x6;
	[sflag:s7] =	ssyncadd.s32 $0xFFFFE800  }
0x91: {  	[spmem:s1] =	stream.indirect.scatter.add.f32 [tilespmem:s20], [sflag:$0x8], $0x10, s23, s15, $0xb8;
	[tilespmem:$0x1F300] =	vst v63  }
0x92: {  	_ =	swait.ge [sflag:s24], $0x1800  }
0x93: {  	[sflag:s24] =	ssyncset.done $0x0  }
0x94: {  	s25 =	simm.s32 $0x7;
	[sflag:s24] =	ssyncadd.s32 $0xFFFFE800  }
0x95: {  	_ =	swait.ge [sflag:s25], $0x1800  }
0x96: {  	[sflag:s25] =	ssyncset.done $0x0  }
0x97: {  	s23 =	simm.s32 $0x8;
	[sflag:s25] =	ssyncadd.s32 $0xFFFFE800  }
0x98: {  	_ =	swait.ge [sflag:s23], $0x1800  }
0x99: {  	[sflag:s23] =	ssyncset.done $0x0  }
0x9a: {  	[sflag:s23] =	ssyncadd.s32 $0xFFFFE800  }
0x9b: {  	[bflag:$0x0] =	sbarrier.arrive $0xFFFF  }
0x9c: {  	s23 =	rddreg [dreg:$0x9]  }
0x9d: {  	s24 =	rddreg [dreg:$0xb]  }
0x9e: {  	s25 =	rddreg [dreg:$0x1d]  }
0x9f: {  	[hbm:s24], [sflag:s23] =	dma.local [spmem:s25], $0x30E0  }
0xa0: {  	s24 =	simm.s32 $0x9  }
0xa1: {  	_ =	swait.ge [sflag:s24], $0x30E0  }
0xa2: {  	[sflag:s24] =	ssyncset.done $0x0  }
0xa3: {  	s22 =	rddreg [dreg:$0x7];
	[sflag:s24] =	ssyncadd.s32 $0xFFFFCF20  }
0xa4: {  	[spmem:s25], [sflag:s23] =	dma.local [hbm:s22], $0x30E0  }
0xa5: {  	_ =	swait.ge [sflag:s24], $0x30E0  }
0xa6: {  	[sflag:s24] =	ssyncset.done $0x0  }
0xa7: {  	[sflag:s24] =	ssyncadd.s32 $0xFFFFCF20  }
0xa8: {  	[bflag:$0x0] =	sbarrier.arrive $0xFFFF  }
0xa9: {  	s25 =	rddreg [dreg:$0xc]  }
0xaa: {  	s29 =	simm.s32 $0x0;
	s22 =	rddreg [dreg:$0x19]  }
0xab: {  	[tilespmem:s13], [sflag:$0x1] =	stream.linear.gather [hbm4b:s25+s29], $0x300, $0x38;
	[tilespmem:$0x1F300] =	vst v63  }
.LBB2_5:
0xac: {  	_ =	swait.ge [sflag:s14], $0x300  }
0xad: {  	p0 =	seq.s32 s29, $0x0;
	[sflag:s14] =	ssyncset.done $0x0  }
0xae: {  	s23 =	simm.s32 @!p0 $0x3;
	[sflag:s14] =	ssyncadd.s32 $0xFFFFFD00  }
0xaf: {  	[tilespmem:s16], [sflag:$0x1] =	stream.indirect.gather [hbm4b:s5+s15], $0x10, s13, s15, $0xb8;
	[tilespmem:$0x1F300] =	vst v63  }
0xb0: {  	_ =	swait.ge @!p0 [sflag:s23], $0x1800  }
0xb1: {  	s24 =	simm.s32 @!p0 $0x18E80;
	[sflag:s23] =	ssyncset.done @!p0 $0x0  }
0xb2: {  	s25 =	simm.s32 @!p0 $0x1C300;
	[sflag:s23] =	ssyncadd.s32 @!p0 $0xFFFFE800;
	s23 =	simm.s32 @!p0 $0x180  }
0xb3: {  	[spmem:s1] =	stream.indirect.scatter.add.f32 @!p0 [tilespmem:s25], [sflag:$0x7], $0x10, s24, s23, $0xb8;
	[tilespmem:$0x1F300] =	vst v63  }
0xb4: {  	s24 =	simm.s32 @!p0 $0x6  }
0xb5: {  	_ =	swait.ge @!p0 [sflag:s24], $0x1800  }
0xb6: {  	[sflag:s24] =	ssyncset.done @!p0 $0x0;
	s25 =	rddreg [dreg:$0x18]  }
0xb7: {  	[sflag:s24] =	ssyncadd.s32 @!p0 $0xFFFFE800;
	s24 =	sadd.s32 s29, s25  }
0xb8: {  	[tilespmem:s17], [sflag:$0x2] =	stream.linear.gather [hbm4b:s24+s2], $0x300, $0x38;
	[tilespmem:$0x1F300] =	vst v63  }
0xb9: {  	_ =	swait.ge [sflag:s18], $0x300  }
0xba: {  	[sflag:s18] =	ssyncset.done $0x0  }
0xbb: {  	s24 =	simm.s32 @!p0 $0x4;
	[sflag:s18] =	ssyncadd.s32 $0xFFFFFD00  }
0xbc: {  	[tilespmem:s19], [sflag:$0x2] =	stream.indirect.gather [hbm4b:s5+s15], $0x10, s17, s15, $0xb8;
	[tilespmem:$0x1F300] =	vst v63  }
0xbd: {  	_ =	swait.ge @!p0 [sflag:s24], $0x1800  }
0xbe: {  	[sflag:s24] =	ssyncset.done @!p0 $0x0  }
0xbf: {  	s25 =	simm.s32 @!p0 $0x1DB00;
	[sflag:s24] =	ssyncadd.s32 @!p0 $0xFFFFE800;
	s24 =	simm.s32 @!p0 $0x19180  }
0xc0: {  	[spmem:s1] =	stream.indirect.scatter.add.f32 @!p0 [tilespmem:s25], [sflag:$0x8], $0x10, s24, s23, $0xb8;
	[tilespmem:$0x1F300] =	vst v63  }
0xc1: {  	s23 =	simm.s32 @!p0 $0x7  }
0xc2: {  	_ =	swait.ge @!p0 [sflag:s23], $0x1800  }
0xc3: {  	[sflag:s23] =	ssyncset.done @!p0 $0x0;
	s24 =	rddreg [dreg:$0x16]  }
0xc4: {  	[sflag:s23] =	ssyncadd.s32 @!p0 $0xFFFFE800;
	s23 =	sadd.s32 s29, s24  }
0xc5: {  	[tilespmem:s26], [sflag:$0x3] =	stream.linear.gather [hbm4b:s23+s2], $0x300, $0x38;
	[tilespmem:$0x1F300] =	vst v63  }
0xc6: {  	_ =	swait.ge [sflag:s8], $0x300  }
0xc7: {  	[sflag:s8] =	ssyncset.done $0x0  }
0xc8: {  	[sflag:s8] =	ssyncadd.s32 $0xFFFFFD00  }
0xc9: {  	[tilespmem:s10], [sflag:$0x3] =	stream.indirect.gather [hbm4b:s5+s15], $0x10, s26, s15, $0xb8;
	[tilespmem:$0x1F300] =	vst v63  }
0xca: {  	_ =	swait.ge [sflag:s14], $0x1800  }
0xcb: {  	[sflag:s14] =	ssyncset.done $0x0  }
0xcc: {  	s23 =	simm.s32 @!p0 $0x8;
	[sflag:s14] =	ssyncadd.s32 $0xFFFFE800  }
0xcd: {  	[spmem:s1] =	stream.indirect.scatter.add.f32 [tilespmem:s16], [sflag:$0x5], $0x10, s12, s15, $0xb8;
	[tilespmem:$0x1F300] =	vst v63  }
0xce: {  	_ =	swait.ge @!p0 [sflag:s23], $0x1800  }
0xcf: {  	[sflag:s23] =	ssyncset.done @!p0 $0x0;
	s25 =	rddreg [dreg:$0x15]  }
0xd0: {  	[sflag:s23] =	ssyncadd.s32 @!p0 $0xFFFFE800;
	s23 =	sadd.s32 s29, s25  }
0xd1: {  	[tilespmem:s6], [sflag:$0x4] =	stream.linear.gather [hbm4b:s23+s2], $0x300, $0x38;
	[tilespmem:$0x1F300] =	vst v63  }
0xd2: {  	_ =	swait.ge [sflag:s7], $0x300  }
0xd3: {  	[sflag:s7] =	ssyncset.done $0x0  }
0xd4: {  	[sflag:s7] =	ssyncadd.s32 $0xFFFFFD00  }
0xd5: {  	[tilespmem:s20], [sflag:$0x4] =	stream.indirect.gather [hbm4b:s5+s15], $0x10, s6, s15, $0xb8;
	[tilespmem:$0x1F300] =	vst v63  }
0xd6: {  	_ =	swait.ge [sflag:s18], $0x1800  }
0xd7: {  	p0 =	seq.s32 s29, $0x4980;
	[sflag:s18] =	ssyncset.done $0x0  }
.Ltmp4:
0xd8: {  	[sflag:s18] =	ssyncadd.s32 $0xFFFFE800;
	(pc) =	sbr.rel @p0 .LBB2_7-.Ltmp4, $4  }
0xd9: {  	[spmem:s1] =	stream.indirect.scatter.add.f32 [tilespmem:s19], [sflag:$0x6], $0x10, s21, s15, $0xb8;
	[tilespmem:$0x1F300] =	vst v63  }
0xda: {  	_ =	swait.ge [sflag:s28], $0x1800  }
0xdb: {  	[sflag:s28] =	ssyncset.done $0x0  }
0xdc: {  	[sflag:s28] =	ssyncadd.s32 $0xFFFFE800  }
.Ltmp5:
0xdd: {  	(pc) =	sbr.rel .LBB2_5-.Ltmp5, $4  }
0xde: {  	_ = 	snop  }
0xdf: {  	s23 =	sshrl.u32 s22, $0x3;
	s24 =	rddreg [dreg:$0x6]  }
0xe0: {  	s22 =	sadd.s32 $0xC00, s22;
	s29 =	sadd.s32 $0x180, s29;
	s23 =	sadd.s32 s24, s23  }
0xe1: {  	[tilespmem:s13], [sflag:$0x1] =	stream.linear.gather [hbm4b:s23+s2], $0x300, $0x38;
	[tilespmem:$0x1F300] =	vst v63  }
.LBB2_7:
0xe2: {  	_ =	swait.ge [sflag:s8], $0x1800  }
0xe3: {  	[sflag:s8] =	ssyncset.done $0x0  }
0xe4: {  	s22 =	simm.s32 $0x18E80;
	[sflag:s8] =	ssyncadd.s32 $0xFFFFE800  }
0xe5: {  	[spmem:s1] =	stream.indirect.scatter.add.f32 [tilespmem:s10], [sflag:$0x7], $0x10, s22, s15, $0xb8;
	[tilespmem:$0x1F300] =	vst v63  }
0xe6: {  	_ =	swait.ge [sflag:s7], $0x1800  }
0xe7: {  	[sflag:s7] =	ssyncset.done $0x0  }
0xe8: {  	s24 =	simm.s32 $0x19180;
	s25 =	simm.s32 $0x6;
	[sflag:s7] =	ssyncadd.s32 $0xFFFFE800  }
0xe9: {  	[spmem:s1] =	stream.indirect.scatter.add.f32 [tilespmem:s20], [sflag:$0x8], $0x10, s24, s15, $0xb8;
	[tilespmem:$0x1F300] =	vst v63  }
0xea: {  	_ =	swait.ge [sflag:s25], $0x1800  }
0xeb: {  	[sflag:s25] =	ssyncset.done $0x0  }
0xec: {  	s23 =	simm.s32 $0x7;
	[sflag:s25] =	ssyncadd.s32 $0xFFFFE800  }
0xed: {  	_ =	swait.ge [sflag:s23], $0x1800  }
0xee: {  	[sflag:s23] =	ssyncset.done $0x0  }
0xef: {  	s24 =	simm.s32 $0x8;
	[sflag:s23] =	ssyncadd.s32 $0xFFFFE800  }
0xf0: {  	_ =	swait.ge [sflag:s24], $0x1800  }
0xf1: {  	[sflag:s24] =	ssyncset.done $0x0  }
0xf2: {  	[sflag:s24] =	ssyncadd.s32 $0xFFFFE800  }
0xf3: {  	[bflag:$0x0] =	sbarrier.arrive $0xFFFF  }
0xf4: {  	s22 =	rddreg [dreg:$0x9]  }
0xf5: {  	s23 =	rddreg [dreg:$0xd]  }
0xf6: {  	s25 =	simm.s32 $0x9;
	s24 =	rddreg [dreg:$0x1d]  }
0xf7: {  	[hbm:s23], [sflag:s22] =	dma.local [spmem:s24], $0x30E0  }
0xf8: {  	_ =	swait.ge [sflag:s25], $0x30E0  }
0xf9: {  	[sflag:s25] =	ssyncset.done $0x0  }
0xfa: {  	s29 =	rddreg [dreg:$0x7];
	[sflag:s25] =	ssyncadd.s32 $0xFFFFCF20  }
0xfb: {  	[spmem:s24], [sflag:s22] =	dma.local [hbm:s29], $0x30E0  }
0xfc: {  	_ =	swait.ge [sflag:s25], $0x30E0  }
0xfd: {  	[sflag:s25] =	ssyncset.done $0x0  }
0xfe: {  	[sflag:s25] =	ssyncadd.s32 $0xFFFFCF20  }
0xff: {  	[bflag:$0x0] =	sbarrier.arrive $0xFFFF  }
0x100: {  	s22 =	simm.s32 $0x0;
	s25 =	rddreg [dreg:$0xe]  }
0x101: {  	[tilespmem:s13], [sflag:$0x1] =	stream.linear.gather [hbm4b:s25+s22], $0x300, $0x38;
	[tilespmem:$0x1F300] =	vst v63  }
.LBB2_8:
0x102: {  	_ =	swait.ge [sflag:s14], $0x300  }
0x103: {  	p0 =	seq.s32 s22, $0x0;
	[sflag:s14] =	ssyncset.done $0x0  }
0x104: {  	s23 =	simm.s32 @!p0 $0x3;
	[sflag:s14] =	ssyncadd.s32 $0xFFFFFD00  }
0x105: {  	[tilespmem:s16], [sflag:$0x1] =	stream.indirect.gather [hbm4b:s4+s15], $0x10, s13, s15, $0xb8;
	[tilespmem:$0x1F300] =	vst v63  }
0x106: {  	_ =	swait.ge @!p0 [sflag:s23], $0x1800  }
0x107: {  	s24 =	simm.s32 @!p0 $0x18E80;
	[sflag:s23] =	ssyncset.done @!p0 $0x0  }
0x108: {  	s25 =	simm.s32 @!p0 $0x1C300;
	[sflag:s23] =	ssyncadd.s32 @!p0 $0xFFFFE800;
	s23 =	simm.s32 @!p0 $0x180  }
0x109: {  	[spmem:s1] =	stream.indirect.scatter.add.f32 @!p0 [tilespmem:s25], [sflag:$0x7], $0x10, s24, s23, $0xb8;
	[tilespmem:$0x1F300] =	vst v63  }
0x10a: {  	s24 =	simm.s32 @!p0 $0x6  }
0x10b: {  	_ =	swait.ge @!p0 [sflag:s24], $0x1800  }
0x10c: {  	[sflag:s24] =	ssyncset.done @!p0 $0x0  }
0x10d: {  	s25 =	sadd.s32 s22, s9;
	[sflag:s24] =	ssyncadd.s32 @!p0 $0xFFFFE800  }
0x10e: {  	[tilespmem:s17], [sflag:$0x2] =	stream.linear.gather [hbm4b:s25+s2], $0x300, $0x38;
	[tilespmem:$0x1F300] =	vst v63  }
0x10f: {  	_ =	swait.ge [sflag:s18], $0x300  }
0x110: {  	[sflag:s18] =	ssyncset.done $0x0  }
0x111: {  	s24 =	simm.s32 @!p0 $0x4;
	[sflag:s18] =	ssyncadd.s32 $0xFFFFFD00  }
0x112: {  	[tilespmem:s19], [sflag:$0x2] =	stream.indirect.gather [hbm4b:s4+s15], $0x10, s17, s15, $0xb8;
	[tilespmem:$0x1F300] =	vst v63  }
0x113: {  	_ =	swait.ge @!p0 [sflag:s24], $0x1800  }
0x114: {  	[sflag:s24] =	ssyncset.done @!p0 $0x0  }
0x115: {  	s25 =	simm.s32 @!p0 $0x1DB00;
	[sflag:s24] =	ssyncadd.s32 @!p0 $0xFFFFE800;
	s24 =	simm.s32 @!p0 $0x19180  }
0x116: {  	[spmem:s1] =	stream.indirect.scatter.add.f32 @!p0 [tilespmem:s25], [sflag:$0x8], $0x10, s24, s23, $0xb8;
	[tilespmem:$0x1F300] =	vst v63  }
0x117: {  	s23 =	simm.s32 @!p0 $0x7  }
0x118: {  	_ =	swait.ge @!p0 [sflag:s23], $0x1800  }
0x119: {  	[sflag:s23] =	ssyncset.done @!p0 $0x0  }
0x11a: {  	s24 =	sadd.s32 s22, s0;
	[sflag:s23] =	ssyncadd.s32 @!p0 $0xFFFFE800  }
0x11b: {  	[tilespmem:s26], [sflag:$0x3] =	stream.linear.gather [hbm4b:s24+s2], $0x300, $0x38;
	[tilespmem:$0x1F300] =	vst v63  }
0x11c: {  	_ =	swait.ge [sflag:s8], $0x300  }
0x11d: {  	[sflag:s8] =	ssyncset.done $0x0  }
0x11e: {  	[sflag:s8] =	ssyncadd.s32 $0xFFFFFD00  }
0x11f: {  	[tilespmem:s10], [sflag:$0x3] =	stream.indirect.gather [hbm4b:s4+s15], $0x10, s26, s15, $0xb8;
	[tilespmem:$0x1F300] =	vst v63  }
0x120: {  	_ =	swait.ge [sflag:s14], $0x1800  }
0x121: {  	[sflag:s14] =	ssyncset.done $0x0  }
0x122: {  	s23 =	simm.s32 @!p0 $0x8;
	[sflag:s14] =	ssyncadd.s32 $0xFFFFE800  }
0x123: {  	[spmem:s1] =	stream.indirect.scatter.add.f32 [tilespmem:s16], [sflag:$0x5], $0x10, s12, s15, $0xb8;
	[tilespmem:$0x1F300] =	vst v63  }
0x124: {  	_ =	swait.ge @!p0 [sflag:s23], $0x1800  }
0x125: {  	[sflag:s23] =	ssyncset.done @!p0 $0x0  }
0x126: {  	s25 =	sadd.s32 s22, s30;
	[sflag:s23] =	ssyncadd.s32 @!p0 $0xFFFFE800  }
0x127: {  	[tilespmem:s6], [sflag:$0x4] =	stream.linear.gather [hbm4b:s25+s2], $0x300, $0x38;
	[tilespmem:$0x1F300] =	vst v63  }
0x128: {  	_ =	swait.ge [sflag:s7], $0x300  }
0x129: {  	[sflag:s7] =	ssyncset.done $0x0  }
0x12a: {  	[sflag:s7] =	ssyncadd.s32 $0xFFFFFD00  }
0x12b: {  	[tilespmem:s20], [sflag:$0x4] =	stream.indirect.gather [hbm4b:s4+s15], $0x10, s6, s15, $0xb8;
	[tilespmem:$0x1F300] =	vst v63  }
0x12c: {  	_ =	swait.ge [sflag:s18], $0x1800  }
0x12d: {  	p0 =	seq.s32 s22, $0x4980;
	[sflag:s18] =	ssyncset.done $0x0  }
.Ltmp6:
0x12e: {  	[sflag:s18] =	ssyncadd.s32 $0xFFFFE800;
	(pc) =	sbr.rel @p0 .LBB2_10-.Ltmp6, $4  }
0x12f: {  	[spmem:s1] =	stream.indirect.scatter.add.f32 [tilespmem:s19], [sflag:$0x6], $0x10, s21, s15, $0xb8;
	[tilespmem:$0x1F300] =	vst v63  }
0x130: {  	_ =	swait.ge [sflag:s28], $0x1800  }
0x131: {  	[sflag:s28] =	ssyncset.done $0x0  }
0x132: {  	[sflag:s28] =	ssyncadd.s32 $0xFFFFE800  }
.Ltmp7:
0x133: {  	(pc) =	sbr.rel .LBB2_8-.Ltmp7, $4  }
0x134: {  	_ = 	snop  }
0x135: {  	s23 =	rddreg [dreg:$0x1a]  }
0x136: {  	s23 =	sadd.s32 s22, s23;
	s22 =	sadd.s32 $0x180, s22  }
0x137: {  	[tilespmem:s13], [sflag:$0x1] =	stream.linear.gather [hbm4b:s23+s2], $0x300, $0x38;
	[tilespmem:$0x1F300] =	vst v63  }
.LBB2_10:
0x138: {  	_ =	swait.ge [sflag:s8], $0x1800  }
0x139: {  	[sflag:s8] =	ssyncset.done $0x0  }
0x13a: {  	s22 =	simm.s32 $0x18E80;
	[sflag:s8] =	ssyncadd.s32 $0xFFFFE800  }
0x13b: {  	[spmem:s1] =	stream.indirect.scatter.add.f32 [tilespmem:s10], [sflag:$0x7], $0x10, s22, s15, $0xb8;
	[tilespmem:$0x1F300] =	vst v63  }
0x13c: {  	_ =	swait.ge [sflag:s7], $0x1800  }
0x13d: {  	[sflag:s7] =	ssyncset.done $0x0  }
0x13e: {  	s24 =	simm.s32 $0x19180;
	s25 =	simm.s32 $0x6;
	[sflag:s7] =	ssyncadd.s32 $0xFFFFE800  }
0x13f: {  	[spmem:s1] =	stream.indirect.scatter.add.f32 [tilespmem:s20], [sflag:$0x8], $0x10, s24, s15, $0xb8;
	[tilespmem:$0x1F300] =	vst v63  }
0x140: {  	_ =	swait.ge [sflag:s25], $0x1800  }
0x141: {  	[sflag:s25] =	ssyncset.done $0x0  }
0x142: {  	s23 =	simm.s32 $0x7;
	[sflag:s25] =	ssyncadd.s32 $0xFFFFE800  }
0x143: {  	_ =	swait.ge [sflag:s23], $0x1800  }
0x144: {  	[sflag:s23] =	ssyncset.done $0x0  }
0x145: {  	s24 =	simm.s32 $0x8;
	[sflag:s23] =	ssyncadd.s32 $0xFFFFE800  }
0x146: {  	_ =	swait.ge [sflag:s24], $0x1800  }
0x147: {  	[sflag:s24] =	ssyncset.done $0x0  }
0x148: {  	[sflag:s24] =	ssyncadd.s32 $0xFFFFE800  }
0x149: {  	[bflag:$0x0] =	sbarrier.arrive $0xFFFF  }
0x14a: {  	s22 =	rddreg [dreg:$0x9]  }
0x14b: {  	s23 =	rddreg [dreg:$0xf]  }
0x14c: {  	s25 =	simm.s32 $0x9;
	s24 =	rddreg [dreg:$0x1d]  }
0x14d: {  	[hbm:s23], [sflag:s22] =	dma.local [spmem:s24], $0x30E0  }
0x14e: {  	_ =	swait.ge [sflag:s25], $0x30E0  }
0x14f: {  	[sflag:s25] =	ssyncset.done $0x0  }
0x150: {  	[sflag:s25] =	ssyncadd.s32 $0xFFFFCF20  }
0x151: {  	[spmem:s24], [sflag:s22] =	dma.local [hbm:s29], $0x30E0  }
0x152: {  	_ =	swait.ge [sflag:s25], $0x30E0  }
0x153: {  	[sflag:s25] =	ssyncset.done $0x0  }
0x154: {  	[sflag:s25] =	ssyncadd.s32 $0xFFFFCF20  }
0x155: {  	[bflag:$0x0] =	sbarrier.arrive $0xFFFF  }
0x156: {  	s22 =	simm.s32 $0x0;
	s25 =	rddreg [dreg:$0x10]  }
0x157: {  	[tilespmem:s13], [sflag:$0x1] =	stream.linear.gather [hbm4b:s25+s22], $0x300, $0x38;
	[tilespmem:$0x1F300] =	vst v63  }
.LBB2_11:
0x158: {  	_ =	swait.ge [sflag:s14], $0x300  }
0x159: {  	p0 =	seq.s32 s22, $0x0;
	[sflag:s14] =	ssyncset.done $0x0  }
0x15a: {  	s23 =	simm.s32 @!p0 $0x3;
	[sflag:s14] =	ssyncadd.s32 $0xFFFFFD00  }
0x15b: {  	[tilespmem:s16], [sflag:$0x1] =	stream.indirect.gather [hbm4b:s5+s15], $0x10, s13, s15, $0xb8;
	[tilespmem:$0x1F300] =	vst v63  }
0x15c: {  	_ =	swait.ge @!p0 [sflag:s23], $0x1800  }
0x15d: {  	s24 =	simm.s32 @!p0 $0x18E80;
	[sflag:s23] =	ssyncset.done @!p0 $0x0  }
0x15e: {  	s25 =	simm.s32 @!p0 $0x1C300;
	[sflag:s23] =	ssyncadd.s32 @!p0 $0xFFFFE800;
	s23 =	simm.s32 @!p0 $0x180  }
0x15f: {  	[spmem:s1] =	stream.indirect.scatter.add.f32 @!p0 [tilespmem:s25], [sflag:$0x7], $0x10, s24, s23, $0xb8;
	[tilespmem:$0x1F300] =	vst v63  }
0x160: {  	s24 =	simm.s32 @!p0 $0x6  }
0x161: {  	_ =	swait.ge @!p0 [sflag:s24], $0x1800  }
0x162: {  	[sflag:s24] =	ssyncset.done @!p0 $0x0  }
0x163: {  	s25 =	sadd.s32 s22, s11;
	[sflag:s24] =	ssyncadd.s32 @!p0 $0xFFFFE800  }
0x164: {  	[tilespmem:s17], [sflag:$0x2] =	stream.linear.gather [hbm4b:s25+s2], $0x300, $0x38;
	[tilespmem:$0x1F300] =	vst v63  }
0x165: {  	_ =	swait.ge [sflag:s18], $0x300  }
0x166: {  	[sflag:s18] =	ssyncset.done $0x0  }
0x167: {  	s24 =	simm.s32 @!p0 $0x4;
	[sflag:s18] =	ssyncadd.s32 $0xFFFFFD00  }
0x168: {  	[tilespmem:s19], [sflag:$0x2] =	stream.indirect.gather [hbm4b:s5+s15], $0x10, s17, s15, $0xb8;
	[tilespmem:$0x1F300] =	vst v63  }
0x169: {  	_ =	swait.ge @!p0 [sflag:s24], $0x1800  }
0x16a: {  	[sflag:s24] =	ssyncset.done @!p0 $0x0  }
0x16b: {  	s25 =	simm.s32 @!p0 $0x1DB00;
	[sflag:s24] =	ssyncadd.s32 @!p0 $0xFFFFE800;
	s24 =	simm.s32 @!p0 $0x19180  }
0x16c: {  	[spmem:s1] =	stream.indirect.scatter.add.f32 @!p0 [tilespmem:s25], [sflag:$0x8], $0x10, s24, s23, $0xb8;
	[tilespmem:$0x1F300] =	vst v63  }
0x16d: {  	s23 =	simm.s32 @!p0 $0x7  }
0x16e: {  	_ =	swait.ge @!p0 [sflag:s23], $0x1800  }
0x16f: {  	[sflag:s23] =	ssyncset.done @!p0 $0x0  }
0x170: {  	s24 =	sadd.s32 s22, s3;
	[sflag:s23] =	ssyncadd.s32 @!p0 $0xFFFFE800  }
0x171: {  	[tilespmem:s26], [sflag:$0x3] =	stream.linear.gather [hbm4b:s24+s2], $0x300, $0x38;
	[tilespmem:$0x1F300] =	vst v63  }
0x172: {  	_ =	swait.ge [sflag:s8], $0x300  }
0x173: {  	[sflag:s8] =	ssyncset.done $0x0  }
0x174: {  	[sflag:s8] =	ssyncadd.s32 $0xFFFFFD00  }
0x175: {  	[tilespmem:s10], [sflag:$0x3] =	stream.indirect.gather [hbm4b:s5+s15], $0x10, s26, s15, $0xb8;
	[tilespmem:$0x1F300] =	vst v63  }
0x176: {  	_ =	swait.ge [sflag:s14], $0x1800  }
0x177: {  	[sflag:s14] =	ssyncset.done $0x0  }
0x178: {  	s23 =	simm.s32 @!p0 $0x8;
	[sflag:s14] =	ssyncadd.s32 $0xFFFFE800  }
0x179: {  	[spmem:s1] =	stream.indirect.scatter.add.f32 [tilespmem:s16], [sflag:$0x5], $0x10, s12, s15, $0xb8;
	[tilespmem:$0x1F300] =	vst v63  }
0x17a: {  	_ =	swait.ge @!p0 [sflag:s23], $0x1800  }
0x17b: {  	[sflag:s23] =	ssyncset.done @!p0 $0x0  }
0x17c: {  	s25 =	sadd.s32 s22, s31;
	[sflag:s23] =	ssyncadd.s32 @!p0 $0xFFFFE800  }
0x17d: {  	[tilespmem:s6], [sflag:$0x4] =	stream.linear.gather [hbm4b:s25+s2], $0x300, $0x38;
	[tilespmem:$0x1F300] =	vst v63  }
0x17e: {  	_ =	swait.ge [sflag:s7], $0x300  }
0x17f: {  	[sflag:s7] =	ssyncset.done $0x0  }
0x180: {  	[sflag:s7] =	ssyncadd.s32 $0xFFFFFD00  }
0x181: {  	[tilespmem:s20], [sflag:$0x4] =	stream.indirect.gather [hbm4b:s5+s15], $0x10, s6, s15, $0xb8;
	[tilespmem:$0x1F300] =	vst v63  }
0x182: {  	_ =	swait.ge [sflag:s18], $0x1800  }
0x183: {  	p0 =	seq.s32 s22, $0x4980;
	[sflag:s18] =	ssyncset.done $0x0  }
.Ltmp8:
0x184: {  	[sflag:s18] =	ssyncadd.s32 $0xFFFFE800;
	(pc) =	sbr.rel @p0 .LBB2_13-.Ltmp8, $4  }
0x185: {  	[spmem:s1] =	stream.indirect.scatter.add.f32 [tilespmem:s19], [sflag:$0x6], $0x10, s21, s15, $0xb8;
	[tilespmem:$0x1F300] =	vst v63  }
0x186: {  	_ =	swait.ge [sflag:s28], $0x1800  }
0x187: {  	[sflag:s28] =	ssyncset.done $0x0  }
0x188: {  	[sflag:s28] =	ssyncadd.s32 $0xFFFFE800  }
.Ltmp9:
0x189: {  	(pc) =	sbr.rel .LBB2_11-.Ltmp9, $4  }
0x18a: {  	_ = 	snop  }
0x18b: {  	s23 =	rddreg [dreg:$0x1b]  }
0x18c: {  	s23 =	sadd.s32 s22, s23;
	s22 =	sadd.s32 $0x180, s22  }
0x18d: {  	[tilespmem:s13], [sflag:$0x1] =	stream.linear.gather [hbm4b:s23+s2], $0x300, $0x38;
	[tilespmem:$0x1F300] =	vst v63  }
.LBB2_14:
0x18e: {  	_ =	sfence.sel $0x180000  }
0x18f: {  	[bflag:$0x0] =	sbarrier.arrive $0xFFFF  }
0x190: {  	_ =	strace $0x9000004A  }
0x191: {  	s0 =	stileid.u32;
	[bflag:$0x2] =	sbarrier.arrive $0xFFFF  }
0x192: {  	p0 =	sne.s32 s0, $0x0;
	s0 =	rddreg [dreg:$0x4]  }
0x193: {  	s0 =	sadd.s32 @!p0 $0x100000, s0  }
0x194: {  	[sflag:s0] =	ssyncadd.tile.s32 @!p0 $0x1;
	_ =	shalt  }
.Lfunc_end2:
_tile_overlayer_lowered:
.L_overlay_start_2:
0x195: {  	(tag) =	ssettag $0x2  }
0x196: {  	s0 =	rddreg [dreg:$0x0];
	s2 =	stileid.u32  }
0x197: {  	s1 =	rddreg [dreg:$0x1];
	p0 =	sne.s32 s2, $0x0  }
0x198: {  	s3 =	rddreg [dreg:$0x2];
	[bflag:$0x3] =	sbarrier.arrive $0xFFFF;
	s2 =	simm.s32 @!p0 $0x1C09  }
0x199: {  	[timem:s3], [sflag:s2] =	dma.local @!p0 [hbm:s0], s1  }
0x19a: {  	s0 =	simm.s32 @!p0 $0x9  }
0x19b: {  	_ =	swait.ge @!p0 [sflag:s0], s1  }
0x19c: {  	s1 =	ssub.s32 @!p0 $0x0, s1;
	[sflag:s0] =	ssyncset.done @!p0 $0x0  }
0x19d: {  	[sflag:s0] =	ssyncadd.s32 @!p0 s1  }
0x19e: {  	[bflag:$0x3] =	sbarrier.arrive $0xFFFF  }
0x19f: {  	_ =	shalt  }

</sc_bundles>
